<compile_context>
chip_gen: v7x
topology: tpu7x:2x2x1
jax: 0.10.2.dev20260603
libtpu: 0.0.44.dev20260713+nightly
codegen_flags: <defaults>
</compile_context>

<pallas_src>
import functools

import jax
import jax.numpy as jnp
from jax import lax
from jax.experimental import pallas as pl
from jax.experimental.pallas import tpu as pltpu
from jax.experimental.pallas import tpu_sc as plsc

_N = 10000
_E = 320000
_H = 128
_HW = 64
_G = 64

_NC = 2
_NS = 16
_EPT = _E // _NS
_CH = 100
_NCHUNK = _EPT // _CH
_NBUF = 4
_PD = 2
_RPT = 624
_RTL = _N - _NS * _RPT
_ZR = 104
_DW = 8


def _sc_agg_body(with_deg, xlo_hbm, xhi_hbm, src_hbm, dst_hbm, ones_hbm,
                 zrow_hbm, zdeg_hbm, alo_hbm, ahi_hbm, deg_hbm,
                 idx_s, idx_d, r0, r1, r2, r3, ones_v, zbuf, zdeg,
                 g0, g1, g2, g3, s0, s1, s2, s3, dsem,
                 shared_agg, shared_deg):
  c = lax.axis_index("c")
  s = lax.axis_index("s")
  rows = (r0, r1, r2, r3)
  gsem = (g0, g1, g2, g3)
  ssem = (s0, s1, s2, s3)

  pltpu.sync_copy(zrow_hbm, zbuf)
  for r in range(_RPT // _ZR):
    pltpu.sync_copy(zbuf, shared_agg.at[pl.ds(s * _RPT + r * _ZR, _ZR)])

  @pl.when(s == 0)
  def _():
    pltpu.sync_copy(zbuf.at[pl.ds(0, _RTL)],
                    shared_agg.at[pl.ds(_NS * _RPT, _RTL)])

  if with_deg:
    @pl.when(c == 0)
    def _():
      pltpu.sync_copy(zdeg_hbm, zdeg)
      pltpu.sync_copy(zdeg, shared_deg.at[pl.ds(s * _RPT, _RPT)])
      pltpu.sync_copy(ones_hbm, ones_v)

      @pl.when(s == 0)
      def _():
        pltpu.sync_copy(zdeg.at[pl.ds(0, _RTL)],
                        shared_deg.at[pl.ds(_NS * _RPT, _RTL)])

  pltpu.sync_copy(src_hbm.at[pl.ds(s * _NCHUNK, _NCHUNK)], idx_s)
  pltpu.sync_copy(dst_hbm.at[pl.ds(s * _NCHUNK, _NCHUNK)], idx_d)
  plsc.subcore_barrier()

  def start_gather(j, b):
    @pl.when(c == 0)
    def _():
      pltpu.async_copy(xlo_hbm.at[idx_s.at[j]], rows[b], gsem[b])

    @pl.when(c != 0)
    def _():
      pltpu.async_copy(xhi_hbm.at[idx_s.at[j]], rows[b], gsem[b])

  def wait_gather(j, b):
    @pl.when(c == 0)
    def _():
      pltpu.make_async_copy(xlo_hbm.at[idx_s.at[j]], rows[b], gsem[b]).wait()

    @pl.when(c != 0)
    def _():
      pltpu.make_async_copy(xhi_hbm.at[idx_s.at[j]], rows[b], gsem[b]).wait()

  def start_scatter(j, b):
    pltpu.async_copy(rows[b], shared_agg.at[idx_d.at[j]], ssem[b], add=True)
    if with_deg:
      @pl.when(c == 0)
      def _():
        pltpu.async_copy(ones_v, shared_deg.at[idx_d.at[j]], dsem, add=True)

  def wait_scatter(j, b):
    pltpu.make_async_copy(rows[b], shared_agg.at[idx_d.at[j]],
                          ssem[b]).wait()

  start_gather(0, 0)
  start_gather(1, 1)
  for b in range(_NBUF):
    i = b
    if i >= _PD:
      wait_scatter(i - _PD, (b + _PD) % _NBUF)
    wait_gather(i, b)
    start_scatter(i, b)
    start_gather(i + _PD, (b + _PD) % _NBUF)

  def group(g, carry):
    for b in range(_NBUF):
      i = g * _NBUF + b
      wait_scatter(i - _PD, (b + _PD) % _NBUF)
      wait_gather(i, b)
      start_scatter(i, b)
      start_gather(i + _PD, (b + _PD) % _NBUF)
    return carry

  lax.fori_loop(1, _NCHUNK // _NBUF - 1, group, 0)

  for b in range(_NBUF):
    i = _NCHUNK - _NBUF + b
    wait_scatter(i - _PD, (b + _PD) % _NBUF)
    wait_gather(i, b)
    start_scatter(i, b)
    if i + _PD < _NCHUNK:
      start_gather(i + _PD, (b + _PD) % _NBUF)
  wait_scatter(_NCHUNK - 2, (_NBUF - 2) % _NBUF)
  wait_scatter(_NCHUNK - 1, _NBUF - 1)

  if with_deg:
    @pl.when(c == 0)
    def _():
      def drain(i, carry):
        pltpu.make_async_copy(ones_v, shared_deg.at[idx_d.at[i]],
                              dsem).wait()
        return carry
      lax.fori_loop(0, _NCHUNK, drain, 0)

  plsc.subcore_barrier()

  out = [alo_hbm, ahi_hbm]
  for ci in range(_NC):
    @pl.when(c == ci)
    def _(ci=ci):
      for r in range(_RPT // _ZR):
        pltpu.sync_copy(shared_agg.at[pl.ds(s * _RPT + r * _ZR, _ZR)], zbuf)
        pltpu.sync_copy(zbuf, out[ci].at[pl.ds(s * _RPT + r * _ZR, _ZR)])

      @pl.when(s == 0)
      def _():
        pltpu.sync_copy(shared_agg.at[pl.ds(_NS * _RPT, _RTL)],
                        zbuf.at[pl.ds(0, _RTL)])
        pltpu.sync_copy(zbuf.at[pl.ds(0, _RTL)],
                        out[ci].at[pl.ds(_NS * _RPT, _RTL)])

  if with_deg:
    @pl.when(c == 0)
    def _():
      pltpu.sync_copy(shared_deg.at[pl.ds(s * _RPT, _RPT)], zdeg)
      pltpu.sync_copy(zdeg, deg_hbm.at[pl.ds(s * _RPT, _RPT)])

      @pl.when(s == 0)
      def _():
        pltpu.sync_copy(shared_deg.at[pl.ds(_NS * _RPT, _RTL)],
                        zdeg.at[pl.ds(0, _RTL)])
        pltpu.sync_copy(zdeg.at[pl.ds(0, _RTL)],
                        deg_hbm.at[pl.ds(_NS * _RPT, _RTL)])


def _sc_agg_deg_body(xlo_hbm, xhi_hbm, src_hbm, dst_hbm, ones_hbm, zrow_hbm,
                     zdeg_hbm, alo_hbm, ahi_hbm, deg_hbm, *rest):
  _sc_agg_body(True, xlo_hbm, xhi_hbm, src_hbm, dst_hbm, ones_hbm, zrow_hbm,
               zdeg_hbm, alo_hbm, ahi_hbm, deg_hbm, *rest)


def _sc_agg_nodeg_body(xlo_hbm, xhi_hbm, src_hbm, dst_hbm, ones_hbm, zrow_hbm,
                       zdeg_hbm, alo_hbm, ahi_hbm, *rest):
  _sc_agg_body(False, xlo_hbm, xhi_hbm, src_hbm, dst_hbm, ones_hbm, zrow_hbm,
               zdeg_hbm, alo_hbm, ahi_hbm, None, *rest)


def _sc_scratch():
  return ([
      pltpu.VMEM((_NCHUNK, _CH), jnp.int32),
      pltpu.VMEM((_NCHUNK, _CH), jnp.int32),
  ] + [pltpu.VMEM((_CH, _HW), jnp.float32) for _ in range(_NBUF)]
    + [
      pltpu.VMEM((_CH, _DW), jnp.float32),
      pltpu.VMEM((_ZR, _HW), jnp.float32),
      pltpu.VMEM((_RPT, _DW), jnp.float32),
  ] + [pltpu.SemaphoreType.DMA for _ in range(2 * _NBUF + 1)]
    + [
      pltpu.VMEM_SHARED((_N, _HW), jnp.float32),
      pltpu.VMEM_SHARED((_N, _DW), jnp.float32),
  ])


@functools.lru_cache(maxsize=None)
def _get_sc_kernels():
  mesh = plsc.VectorSubcoreMesh(core_axis_name="c", subcore_axis_name="s",
                                num_cores=_NC, num_subcores=_NS)
  agg_deg = pl.kernel(
      _sc_agg_deg_body,
      out_type=[jax.ShapeDtypeStruct((_N, _HW), jnp.float32),
                jax.ShapeDtypeStruct((_N, _HW), jnp.float32),
                jax.ShapeDtypeStruct((_N, _DW), jnp.float32)],
      mesh=mesh,
      scratch_types=_sc_scratch(),
      compiler_params=pltpu.CompilerParams(use_tc_tiling_on_sc=False),
      name="sc_edge_agg_deg",
  )
  agg = pl.kernel(
      _sc_agg_nodeg_body,
      out_type=[jax.ShapeDtypeStruct((_N, _HW), jnp.float32),
                jax.ShapeDtypeStruct((_N, _HW), jnp.float32)],
      mesh=mesh,
      scratch_types=_sc_scratch(),
      compiler_params=pltpu.CompilerParams(use_tc_tiling_on_sc=False),
      name="sc_edge_agg",
  )
  return agg_deg, agg

_R = 2000
_NBLK = _N // _R


def _tc_layer_body(xlo_ref, xhi_ref, alo_ref, ahi_ref, deg_ref, wr_ref,
                   wn_ref, b_ref, olo_ref, ohi_ref):
  x = jnp.concatenate([xlo_ref[...], xhi_ref[...]], axis=1)
  agg = jnp.concatenate([alo_ref[...], ahi_ref[...]], axis=1)
  deg = deg_ref[:, 0:1]
  mean = agg / jnp.maximum(deg, 1.0)
  h = jnp.dot(x, wr_ref[...], preferred_element_type=jnp.float32)
  h = h + jnp.dot(mean, wn_ref[...], preferred_element_type=jnp.float32)
  h = jnp.maximum(h + b_ref[...], 0.0)
  olo_ref[...] = h[:, :_HW]
  ohi_ref[...] = h[:, _HW:]


def _tc_layer(xlo, xhi, alo, ahi, degp, W_root, W_nei, b):
  return pl.pallas_call(
      _tc_layer_body,
      grid=(_NBLK,),
      in_specs=[
          pl.BlockSpec((_R, _HW), lambda i: (i, 0)),
          pl.BlockSpec((_R, _HW), lambda i: (i, 0)),
          pl.BlockSpec((_R, _HW), lambda i: (i, 0)),
          pl.BlockSpec((_R, _HW), lambda i: (i, 0)),
          pl.BlockSpec((_R, _DW), lambda i: (i, 0)),
          pl.BlockSpec((_H, _H), lambda i: (0, 0)),
          pl.BlockSpec((_H, _H), lambda i: (0, 0)),
          pl.BlockSpec((1, _H), lambda i: (0, 0)),
      ],
      out_specs=[pl.BlockSpec((_R, _HW), lambda i: (i, 0)),
                 pl.BlockSpec((_R, _HW), lambda i: (i, 0))],
      out_shape=[jax.ShapeDtypeStruct((_N, _HW), jnp.float32),
                 jax.ShapeDtypeStruct((_N, _HW), jnp.float32)],
  )(xlo, xhi, alo, ahi, degp, W_root, W_nei, b)


def _tc_final_body(hlo_ref, hhi_ref, alo_ref, ahi_ref, deg_ref, batch_ref,
                   wr_ref, wn_ref, b2_ref, wp1_ref, bp1_ref, wp2_ref, bp2_ref,
                   o_ref, sums, cnts):
  i = pl.program_id(0)

  @pl.when(i == 0)
  def _():
    sums[...] = jnp.zeros_like(sums)
    cnts[...] = jnp.zeros_like(cnts)

  h1 = jnp.concatenate([hlo_ref[...], hhi_ref[...]], axis=1)
  agg = jnp.concatenate([alo_ref[...], ahi_ref[...]], axis=1)
  deg = deg_ref[:, 0:1]
  mean = agg / jnp.maximum(deg, 1.0)
  h2 = jnp.dot(h1, wr_ref[...], preferred_element_type=jnp.float32)
  h2 = h2 + jnp.dot(mean, wn_ref[...], preferred_element_type=jnp.float32)
  h2 = jnp.maximum(h2 + b2_ref[...], 0.0)

  bt = batch_ref[0]
  gid = lax.broadcasted_iota(jnp.int32, (_G, _R), 0)
  oh = (bt == gid).astype(jnp.float32)
  sums[...] += jnp.dot(oh, h2, preferred_element_type=jnp.float32,
                       precision=lax.Precision.HIGHEST)
  cnts[...] += jnp.sum(oh, axis=1, keepdims=True)

  @pl.when(i == _NBLK - 1)
  def _():
    pooled = sums[...] / jnp.maximum(cnts[...], 1.0)
    hid = jnp.maximum(
        jnp.dot(pooled, wp1_ref[...], preferred_element_type=jnp.float32)
        + bp1_ref[...], 0.0)
    o_ref[...] = (jnp.dot(hid, wp2_ref[...], preferred_element_type=jnp.float32)
                  + bp2_ref[...])


def _tc_final(hlo, hhi, alo, ahi, degp, batch3, W_root2, W_nei2, b2,
              Wp1, bp1, Wp2, bp2):
  ph = Wp1.shape[1]
  return pl.pallas_call(
      _tc_final_body,
      grid=(_NBLK,),
      in_specs=[
          pl.BlockSpec((_R, _HW), lambda i: (i, 0)),
          pl.BlockSpec((_R, _HW), lambda i: (i, 0)),
          pl.BlockSpec((_R, _HW), lambda i: (i, 0)),
          pl.BlockSpec((_R, _HW), lambda i: (i, 0)),
          pl.BlockSpec((_R, _DW), lambda i: (i, 0)),
          pl.BlockSpec((1, 1, _R), lambda i: (i, 0, 0)),
          pl.BlockSpec((_H, _H), lambda i: (0, 0)),
          pl.BlockSpec((_H, _H), lambda i: (0, 0)),
          pl.BlockSpec((1, _H), lambda i: (0, 0)),
          pl.BlockSpec((_H, ph), lambda i: (0, 0)),
          pl.BlockSpec((1, ph), lambda i: (0, 0)),
          pl.BlockSpec((ph, 1), lambda i: (0, 0)),
          pl.BlockSpec((1, 1), lambda i: (0, 0)),
      ],
      out_specs=pl.BlockSpec((_G, 1), lambda i: (0, 0)),
      out_shape=jax.ShapeDtypeStruct((_G, 1), jnp.float32),
      scratch_shapes=[
          pltpu.VMEM((_G, _H), jnp.float32),
          pltpu.VMEM((_G, 1), jnp.float32),
      ],
  )(hlo, hhi, alo, ahi, degp, batch3, W_root2, W_nei2, b2,
    Wp1, bp1, Wp2, bp2)


@jax.jit
def kernel(x, edge_index, batch, W_root1, W_nei1, b1, W_root2, W_nei2, b2,
           Wp1, bp1, Wp2, bp2):
  src = edge_index[0].reshape(_E // _CH, _CH)
  dst = edge_index[1].reshape(_E // _CH, _CH)
  ones_hbm = jnp.ones((_CH, _DW), jnp.float32)
  zrow = jnp.zeros((_ZR, _HW), jnp.float32)
  zdeg = jnp.zeros((_RPT, _DW), jnp.float32)

  sc_agg_deg, sc_agg = _get_sc_kernels()
  xlo = x[:, :_HW] + 0.0
  xhi = x[:, _HW:] + 0.0
  alo1, ahi1, degp = sc_agg_deg(xlo, xhi, src, dst, ones_hbm, zrow, zdeg)
  hlo, hhi = _tc_layer(xlo, xhi, alo1, ahi1, degp, W_root1, W_nei1,
                       b1.reshape(1, _H))
  alo2, ahi2 = sc_agg(hlo, hhi, src, dst, ones_hbm, zrow, zdeg)
  batch3 = batch.reshape(_NBLK, 1, _R)
  out = _tc_final(hlo, hhi, alo2, ahi2, degp, batch3, W_root2, W_nei2,
                  b2.reshape(1, _H), Wp1, bp1.reshape(1, -1),
                  Wp2, bp2.reshape(1, 1))
  return out

# --- scband reference (transcript-rebuilt; emitter-appended) ---
"""Pipeline reference for scband-base-regression-14671608283588 (READ-ONLY COPY).

The authoritative reference and input builder live on the scoring server;
editing this copy changes nothing except your own understanding.
"""

import jax, jax.numpy as jnp
import numpy as np

N = 10000      # nodes
E = 320000     # edges
D = 128        # in_channels
H = 128        # hidden_channels
PH = 64        # pred_hidden_channels
G = 64         # graphs in batch


def setup_inputs(seed: int = 0) -> dict:
    key = jax.random.key(seed)
    ks = jax.random.split(key, 14)
    x = jax.random.normal(ks[0], (N, D), dtype=jnp.float32)
    edge_index = jax.random.randint(ks[1], (2, E), 0, N, dtype=jnp.int32)
    batch = jnp.sort(jax.random.randint(ks[2], (N,), 0, G, dtype=jnp.int32))
    s_d = 1.0 / np.sqrt(D)
    s_h = 1.0 / np.sqrt(H)
    s_p = 1.0 / np.sqrt(PH)
    W_root1 = jax.random.normal(ks[3], (D, H), dtype=jnp.float32) * s_d
    W_nei1 = jax.random.normal(ks[4], (D, H), dtype=jnp.float32) * s_d
    b1 = jnp.zeros((H,), dtype=jnp.float32)
    W_root2 = jax.random.normal(ks[5], (H, H), dtype=jnp.float32) * s_h
    W_nei2 = jax.random.normal(ks[6], (H, H), dtype=jnp.float32) * s_h
    b2 = jnp.zeros((H,), dtype=jnp.float32)
    Wp1 = jax.random.normal(ks[7], (H, PH), dtype=jnp.float32) * s_h
    bp1 = jnp.zeros((PH,), dtype=jnp.float32)
    Wp2 = jax.random.normal(ks[8], (PH, 1), dtype=jnp.float32) * s_p
    bp2 = jnp.zeros((1,), dtype=jnp.float32)
    return {
        'x': x, 'edge_index': edge_index, 'batch': batch,
        'W_root1': W_root1, 'W_nei1': W_nei1, 'b1': b1,
        'W_root2': W_root2, 'W_nei2': W_nei2, 'b2': b2,
        'Wp1': Wp1, 'bp1': bp1, 'Wp2': Wp2, 'bp2': bp2,
    }


def _graph_conv(x, edge_index, W_root, W_nei, b):
    # mean-aggregation GraphConv: h = relu(x @ W_root + mean_{j in N(i)} x_j @ W_nei + b)
    src = edge_index[0]
    dst = edge_index[1]
    msgs = x[src]                                     # gather  [E, d]
    agg = jax.ops.segment_sum(msgs, dst, num_segments=N)  # scatter-add
    deg = jax.ops.segment_sum(jnp.ones((edge_index.shape[1], 1), dtype=x.dtype), dst, num_segments=N)
    mean = agg / jnp.maximum(deg, 1.0)
    return jax.nn.relu(x @ W_root + mean @ W_nei + b)


def reference(x, edge_index, batch,
              W_root1, W_nei1, b1,
              W_root2, W_nei2, b2,
              Wp1, bp1, Wp2, bp2):
    # conv stack (num_layers=2), each followed by relu (relu fused in _graph_conv)
    h = _graph_conv(x, edge_index, W_root1, W_nei1, b1)
    h = _graph_conv(h, edge_index, W_root2, W_nei2, b2)
    # global_mean_pool over batch assignment
    sums = jax.ops.segment_sum(h, batch, num_segments=G)
    counts = jax.ops.segment_sum(jnp.ones((N, 1), dtype=h.dtype), batch, num_segments=G)
    pooled = sums / jnp.maximum(counts, 1.0)
    # dropout skipped (eval / deterministic reference)
    hid = jax.nn.relu(pooled @ Wp1 + bp1)
    out = hid @ Wp2 + bp2
    return out

if __name__ == "__main__":
    import jax
    _d = setup_inputs()
    print(jax.jit(kernel)(*tuple(_d.values())))

</pallas_src>

<mosaic_0001>
#map = affine_map<(d0, d1) -> (0, 0)>
module attributes {stable_mosaic.version = 14 : i64} {
  func.func @sc_edge_agg_deg(%arg0: i32, %arg1: i32, %arg2: memref<10000x64xf32, #tpu.memory_space<hbm>>, %arg3: memref<10000x64xf32, #tpu.memory_space<hbm>>, %arg4: memref<3200x100xi32, #tpu.memory_space<hbm>>, %arg5: memref<3200x100xi32, #tpu.memory_space<hbm>>, %arg6: memref<100x8xf32, #tpu.memory_space<hbm>>, %arg7: memref<104x64xf32, #tpu.memory_space<hbm>>, %arg8: memref<624x8xf32, #tpu.memory_space<hbm>>, %arg9: memref<10000x64xf32, #tpu.memory_space<hbm>>, %arg10: memref<10000x64xf32, #tpu.memory_space<hbm>>, %arg11: memref<10000x8xf32, #tpu.memory_space<hbm>>, %arg12: memref<200x100xi32, #tpu.memory_space<vmem>>, %arg13: memref<200x100xi32, #tpu.memory_space<vmem>>, %arg14: memref<100x64xf32, #tpu.memory_space<vmem>>, %arg15: memref<100x64xf32, #tpu.memory_space<vmem>>, %arg16: memref<100x64xf32, #tpu.memory_space<vmem>>, %arg17: memref<100x64xf32, #tpu.memory_space<vmem>>, %arg18: memref<100x8xf32, #tpu.memory_space<vmem>>, %arg19: memref<104x64xf32, #tpu.memory_space<vmem>>, %arg20: memref<624x8xf32, #tpu.memory_space<vmem>>, %arg21: memref<!tpu.dma_semaphore, #tpu.memory_space<semaphore_mem>>, %arg22: memref<!tpu.dma_semaphore, #tpu.memory_space<semaphore_mem>>, %arg23: memref<!tpu.dma_semaphore, #tpu.memory_space<semaphore_mem>>, %arg24: memref<!tpu.dma_semaphore, #tpu.memory_space<semaphore_mem>>, %arg25: memref<!tpu.dma_semaphore, #tpu.memory_space<semaphore_mem>>, %arg26: memref<!tpu.dma_semaphore, #tpu.memory_space<semaphore_mem>>, %arg27: memref<!tpu.dma_semaphore, #tpu.memory_space<semaphore_mem>>, %arg28: memref<!tpu.dma_semaphore, #tpu.memory_space<semaphore_mem>>, %arg29: memref<!tpu.dma_semaphore, #tpu.memory_space<semaphore_mem>>, %arg30: memref<10000x64xf32, #tpu.memory_space<vmem_shared>>, %arg31: memref<10000x8xf32, #tpu.memory_space<vmem_shared>>) attributes {dimension_semantics = [#tpu.dimension_semantics<core_parallel>, #tpu.dimension_semantics<subcore_parallel>], iteration_bounds = array<i64: 2, 16>, scalar_prefetch = 0 : i64, scratch_operands = 20 : i64, tpu.core_type = #tpu.core_type<sc_vector_subcore>, window_params = [{transform_indices = #map}, {transform_indices = #map}, {transform_indices = #map}, {transform_indices = #map}, {transform_indices = #map}, {transform_indices = #map}, {transform_indices = #map}, {transform_indices = #map}, {transform_indices = #map}, {transform_indices = #map}]} {
    "tpu.region"() ({
      %run_scoped3A = tpu.sem_alloc : memref<!tpu.dma_semaphore, #tpu.memory_space<semaphore_mem>>
      tpu.enqueue_dma source(%arg7 : memref<104x64xf32, #tpu.memory_space<hbm>>) target(%arg19 : memref<104x64xf32, #tpu.memory_space<vmem>>) target_semaphore(%run_scoped3A : memref<!tpu.dma_semaphore, #tpu.memory_space<semaphore_mem>>)
      tpu.wait_dma2 semaphore(%run_scoped3A : memref<!tpu.dma_semaphore, #tpu.memory_space<semaphore_mem>>) src(%arg7 : memref<104x64xf32, #tpu.memory_space<hbm>>) dst(%arg19 : memref<104x64xf32, #tpu.memory_space<vmem>>)
      tpu.yield
    }) : () -> ()
    %mul3A = arith.constant 624 : i32
    %mul3A_0 = arith.muli %arg1, %mul3A : i32
    %add3A = arith.constant 0 : i32
    %add3A_1 = arith.addi %mul3A_0, %add3A : i32
    "tpu.region"() ({
      %run_scoped3A = tpu.sem_alloc : memref<!tpu.dma_semaphore, #tpu.memory_space<semaphore_mem>>
      %dma_start3A_368 = arith.constant 0 : i32
      %dma_start3A_369 = tpu.memref_slice %arg30[%add3A_1, %dma_start3A_368] : memref<10000x64xf32, #tpu.memory_space<vmem_shared>> -> memref<104x64xf32, #tpu.memory_space<vmem_shared>>
      %dma_start3A_370 = arith.constant 0 : i32
      %dma_start3A_371 = tpu.memref_slice %arg30[%add3A_1, %dma_start3A_370] : memref<10000x64xf32, #tpu.memory_space<vmem_shared>> -> memref<104x64xf32, #tpu.memory_space<vmem_shared>>
      tpu.enqueue_dma source(%arg19 : memref<104x64xf32, #tpu.memory_space<vmem>>) target(%dma_start3A_371 : memref<104x64xf32, #tpu.memory_space<vmem_shared>>) target_semaphore(%run_scoped3A : memref<!tpu.dma_semaphore, #tpu.memory_space<semaphore_mem>>)
      %dma_wait3A_372 = arith.constant 0 : i32
      %dma_wait3A_373 = tpu.memref_slice %arg30[%add3A_1, %dma_wait3A_372] : memref<10000x64xf32, #tpu.memory_space<vmem_shared>> -> memref<104x64xf32, #tpu.memory_space<vmem_shared>>
      %dma_wait3A_374 = arith.constant 0 : i32
      %dma_wait3A_375 = tpu.memref_slice %arg30[%add3A_1, %dma_wait3A_374] : memref<10000x64xf32, #tpu.memory_space<vmem_shared>> -> memref<104x64xf32, #tpu.memory_space<vmem_shared>>
      tpu.wait_dma2 semaphore(%run_scoped3A : memref<!tpu.dma_semaphore, #tpu.memory_space<semaphore_mem>>) src(%arg19 : memref<104x64xf32, #tpu.memory_space<vmem>>) dst(%dma_wait3A_375 : memref<104x64xf32, #tpu.memory_space<vmem_shared>>)
      tpu.yield
    }) : () -> ()
    %mul3A_2 = arith.constant 624 : i32
    %mul3A_3 = arith.muli %arg1, %mul3A_2 : i32
    %add3A_4 = arith.constant 104 : i32
    %add3A_5 = arith.addi %mul3A_3, %add3A_4 : i32
    "tpu.region"() ({
      %run_scoped3A = tpu.sem_alloc : memref<!tpu.dma_semaphore, #tpu.memory_space<semaphore_mem>>
      %dma_start3A_368 = arith.constant 0 : i32
      %dma_start3A_369 = tpu.memref_slice %arg30[%add3A_5, %dma_start3A_368] : memref<10000x64xf32, #tpu.memory_space<vmem_shared>> -> memref<104x64xf32, #tpu.memory_space<vmem_shared>>
      %dma_start3A_370 = arith.constant 0 : i32
      %dma_start3A_371 = tpu.memref_slice %arg30[%add3A_5, %dma_start3A_370] : memref<10000x64xf32, #tpu.memory_space<vmem_shared>> -> memref<104x64xf32, #tpu.memory_space<vmem_shared>>
      tpu.enqueue_dma source(%arg19 : memref<104x64xf32, #tpu.memory_space<vmem>>) target(%dma_start3A_371 : memref<104x64xf32, #tpu.memory_space<vmem_shared>>) target_semaphore(%run_scoped3A : memref<!tpu.dma_semaphore, #tpu.memory_space<semaphore_mem>>)
      %dma_wait3A_372 = arith.constant 0 : i32
      %dma_wait3A_373 = tpu.memref_slice %arg30[%add3A_5, %dma_wait3A_372] : memref<10000x64xf32, #tpu.memory_space<vmem_shared>> -> memref<104x64xf32, #tpu.memory_space<vmem_shared>>
      %dma_wait3A_374 = arith.constant 0 : i32
      %dma_wait3A_375 = tpu.memref_slice %arg30[%add3A_5, %dma_wait3A_374] : memref<10000x64xf32, #tpu.memory_space<vmem_shared>> -> memref<104x64xf32, #tpu.memory_space<vmem_shared>>
      tpu.wait_dma2 semaphore(%run_scoped3A : memref<!tpu.dma_semaphore, #tpu.memory_space<semaphore_mem>>) src(%arg19 : memref<104x64xf32, #tpu.memory_space<vmem>>) dst(%dma_wait3A_375 : memref<104x64xf32, #tpu.memory_space<vmem_shared>>)
      tpu.yield
    }) : () -> ()
    %mul3A_6 = arith.constant 624 : i32
    %mul3A_7 = arith.muli %arg1, %mul3A_6 : i32
    %add3A_8 = arith.constant 208 : i32
    %add3A_9 = arith.addi %mul3A_7, %add3A_8 : i32
    "tpu.region"() ({
      %run_scoped3A = tpu.sem_alloc : memref<!tpu.dma_semaphore, #tpu.memory_space<semaphore_mem>>
      %dma_start3A_368 = arith.constant 0 : i32
      %dma_start3A_369 = tpu.memref_slice %arg30[%add3A_9, %dma_start3A_368] : memref<10000x64xf32, #tpu.memory_space<vmem_shared>> -> memref<104x64xf32, #tpu.memory_space<vmem_shared>>
      %dma_start3A_370 = arith.constant 0 : i32
      %dma_start3A_371 = tpu.memref_slice %arg30[%add3A_9, %dma_start3A_370] : memref<10000x64xf32, #tpu.memory_space<vmem_shared>> -> memref<104x64xf32, #tpu.memory_space<vmem_shared>>
      tpu.enqueue_dma source(%arg19 : memref<104x64xf32, #tpu.memory_space<vmem>>) target(%dma_start3A_371 : memref<104x64xf32, #tpu.memory_space<vmem_shared>>) target_semaphore(%run_scoped3A : memref<!tpu.dma_semaphore, #tpu.memory_space<semaphore_mem>>)
      %dma_wait3A_372 = arith.constant 0 : i32
      %dma_wait3A_373 = tpu.memref_slice %arg30[%add3A_9, %dma_wait3A_372] : memref<10000x64xf32, #tpu.memory_space<vmem_shared>> -> memref<104x64xf32, #tpu.memory_space<vmem_shared>>
      %dma_wait3A_374 = arith.constant 0 : i32
      %dma_wait3A_375 = tpu.memref_slice %arg30[%add3A_9, %dma_wait3A_374] : memref<10000x64xf32, #tpu.memory_space<vmem_shared>> -> memref<104x64xf32, #tpu.memory_space<vmem_shared>>
      tpu.wait_dma2 semaphore(%run_scoped3A : memref<!tpu.dma_semaphore, #tpu.memory_space<semaphore_mem>>) src(%arg19 : memref<104x64xf32, #tpu.memory_space<vmem>>) dst(%dma_wait3A_375 : memref<104x64xf32, #tpu.memory_space<vmem_shared>>)
      tpu.yield
    }) : () -> ()
    %mul3A_10 = arith.constant 624 : i32
    %mul3A_11 = arith.muli %arg1, %mul3A_10 : i32
    %add3A_12 = arith.constant 312 : i32
    %add3A_13 = arith.addi %mul3A_11, %add3A_12 : i32
    "tpu.region"() ({
      %run_scoped3A = tpu.sem_alloc : memref<!tpu.dma_semaphore, #tpu.memory_space<semaphore_mem>>
      %dma_start3A_368 = arith.constant 0 : i32
      %dma_start3A_369 = tpu.memref_slice %arg30[%add3A_13, %dma_start3A_368] : memref<10000x64xf32, #tpu.memory_space<vmem_shared>> -> memref<104x64xf32, #tpu.memory_space<vmem_shared>>
      %dma_start3A_370 = arith.constant 0 : i32
      %dma_start3A_371 = tpu.memref_slice %arg30[%add3A_13, %dma_start3A_370] : memref<10000x64xf32, #tpu.memory_space<vmem_shared>> -> memref<104x64xf32, #tpu.memory_space<vmem_shared>>
      tpu.enqueue_dma source(%arg19 : memref<104x64xf32, #tpu.memory_space<vmem>>) target(%dma_start3A_371 : memref<104x64xf32, #tpu.memory_space<vmem_shared>>) target_semaphore(%run_scoped3A : memref<!tpu.dma_semaphore, #tpu.memory_space<semaphore_mem>>)
      %dma_wait3A_372 = arith.constant 0 : i32
      %dma_wait3A_373 = tpu.memref_slice %arg30[%add3A_13, %dma_wait3A_372] : memref<10000x64xf32, #tpu.memory_space<vmem_shared>> -> memref<104x64xf32, #tpu.memory_space<vmem_shared>>
      %dma_wait3A_374 = arith.constant 0 : i32
      %dma_wait3A_375 = tpu.memref_slice %arg30[%add3A_13, %dma_wait3A_374] : memref<10000x64xf32, #tpu.memory_space<vmem_shared>> -> memref<104x64xf32, #tpu.memory_space<vmem_shared>>
      tpu.wait_dma2 semaphore(%run_scoped3A : memref<!tpu.dma_semaphore, #tpu.memory_space<semaphore_mem>>) src(%arg19 : memref<104x64xf32, #tpu.memory_space<vmem>>) dst(%dma_wait3A_375 : memref<104x64xf32, #tpu.memory_space<vmem_shared>>)
      tpu.yield
    }) : () -> ()
    %mul3A_14 = arith.constant 624 : i32
    %mul3A_15 = arith.muli %arg1, %mul3A_14 : i32
    %add3A_16 = arith.constant 416 : i32
    %add3A_17 = arith.addi %mul3A_15, %add3A_16 : i32
    "tpu.region"() ({
      %run_scoped3A = tpu.sem_alloc : memref<!tpu.dma_semaphore, #tpu.memory_space<semaphore_mem>>
      %dma_start3A_368 = arith.constant 0 : i32
      %dma_start3A_369 = tpu.memref_slice %arg30[%add3A_17, %dma_start3A_368] : memref<10000x64xf32, #tpu.memory_space<vmem_shared>> -> memref<104x64xf32, #tpu.memory_space<vmem_shared>>
      %dma_start3A_370 = arith.constant 0 : i32
      %dma_start3A_371 = tpu.memref_slice %arg30[%add3A_17, %dma_start3A_370] : memref<10000x64xf32, #tpu.memory_space<vmem_shared>> -> memref<104x64xf32, #tpu.memory_space<vmem_shared>>
      tpu.enqueue_dma source(%arg19 : memref<104x64xf32, #tpu.memory_space<vmem>>) target(%dma_start3A_371 : memref<104x64xf32, #tpu.memory_space<vmem_shared>>) target_semaphore(%run_scoped3A : memref<!tpu.dma_semaphore, #tpu.memory_space<semaphore_mem>>)
      %dma_wait3A_372 = arith.constant 0 : i32
      %dma_wait3A_373 = tpu.memref_slice %arg30[%add3A_17, %dma_wait3A_372] : memref<10000x64xf32, #tpu.memory_space<vmem_shared>> -> memref<104x64xf32, #tpu.memory_space<vmem_shared>>
      %dma_wait3A_374 = arith.constant 0 : i32
      %dma_wait3A_375 = tpu.memref_slice %arg30[%add3A_17, %dma_wait3A_374] : memref<10000x64xf32, #tpu.memory_space<vmem_shared>> -> memref<104x64xf32, #tpu.memory_space<vmem_shared>>
      tpu.wait_dma2 semaphore(%run_scoped3A : memref<!tpu.dma_semaphore, #tpu.memory_space<semaphore_mem>>) src(%arg19 : memref<104x64xf32, #tpu.memory_space<vmem>>) dst(%dma_wait3A_375 : memref<104x64xf32, #tpu.memory_space<vmem_shared>>)
      tpu.yield
    }) : () -> ()
    %mul3A_18 = arith.constant 624 : i32
    %mul3A_19 = arith.muli %arg1, %mul3A_18 : i32
    %add3A_20 = arith.constant 520 : i32
    %add3A_21 = arith.addi %mul3A_19, %add3A_20 : i32
    "tpu.region"() ({
      %run_scoped3A = tpu.sem_alloc : memref<!tpu.dma_semaphore, #tpu.memory_space<semaphore_mem>>
      %dma_start3A_368 = arith.constant 0 : i32
      %dma_start3A_369 = tpu.memref_slice %arg30[%add3A_21, %dma_start3A_368] : memref<10000x64xf32, #tpu.memory_space<vmem_shared>> -> memref<104x64xf32, #tpu.memory_space<vmem_shared>>
      %dma_start3A_370 = arith.constant 0 : i32
      %dma_start3A_371 = tpu.memref_slice %arg30[%add3A_21, %dma_start3A_370] : memref<10000x64xf32, #tpu.memory_space<vmem_shared>> -> memref<104x64xf32, #tpu.memory_space<vmem_shared>>
      tpu.enqueue_dma source(%arg19 : memref<104x64xf32, #tpu.memory_space<vmem>>) target(%dma_start3A_371 : memref<104x64xf32, #tpu.memory_space<vmem_shared>>) target_semaphore(%run_scoped3A : memref<!tpu.dma_semaphore, #tpu.memory_space<semaphore_mem>>)
      %dma_wait3A_372 = arith.constant 0 : i32
      %dma_wait3A_373 = tpu.memref_slice %arg30[%add3A_21, %dma_wait3A_372] : memref<10000x64xf32, #tpu.memory_space<vmem_shared>> -> memref<104x64xf32, #tpu.memory_space<vmem_shared>>
      %dma_wait3A_374 = arith.constant 0 : i32
      %dma_wait3A_375 = tpu.memref_slice %arg30[%add3A_21, %dma_wait3A_374] : memref<10000x64xf32, #tpu.memory_space<vmem_shared>> -> memref<104x64xf32, #tpu.memory_space<vmem_shared>>
      tpu.wait_dma2 semaphore(%run_scoped3A : memref<!tpu.dma_semaphore, #tpu.memory_space<semaphore_mem>>) src(%arg19 : memref<104x64xf32, #tpu.memory_space<vmem>>) dst(%dma_wait3A_375 : memref<104x64xf32, #tpu.memory_space<vmem_shared>>)
      tpu.yield
    }) : () -> ()
    %eq3A = arith.constant 0 : i32
    %eq3A_22 = arith.cmpi eq, %arg1, %eq3A : i32
    %convert_element_type3A = arith.extui %eq3A_22 : i1 to i32
    %cond3A = arith.constant 0 : i32
    %cond3A_23 = arith.cmpi ne, %convert_element_type3A, %cond3A : i32
    scf.if %cond3A_23 {
      "tpu.region"() ({
        %run_scoped3A = tpu.sem_alloc : memref<!tpu.dma_semaphore, #tpu.memory_space<semaphore_mem>>
        %dma_start3A_368 = arith.constant 0 : i32
        %dma_start3A_369 = arith.constant 0 : i32
        %dma_start3A_370 = tpu.memref_slice %arg19[%dma_start3A_368, %dma_start3A_369] : memref<104x64xf32, #tpu.memory_space<vmem>> -> memref<16x64xf32, #tpu.memory_space<vmem>>
        %dma_start3A_371 = arith.constant 9984 : i32
        %dma_start3A_372 = arith.constant 0 : i32
        %dma_start3A_373 = tpu.memref_slice %arg30[%dma_start3A_371, %dma_start3A_372] : memref<10000x64xf32, #tpu.memory_space<vmem_shared>> -> memref<16x64xf32, #tpu.memory_space<vmem_shared>>
        %dma_start3A_374 = arith.constant 9984 : i32
        %dma_start3A_375 = arith.constant 0 : i32
        %dma_start3A_376 = tpu.memref_slice %arg30[%dma_start3A_374, %dma_start3A_375] : memref<10000x64xf32, #tpu.memory_space<vmem_shared>> -> memref<16x64xf32, #tpu.memory_space<vmem_shared>>
        %dma_start3A_377 = arith.constant 0 : i32
        %dma_start3A_378 = arith.constant 0 : i32
        %dma_start3A_379 = tpu.memref_slice %arg19[%dma_start3A_377, %dma_start3A_378] : memref<104x64xf32, #tpu.memory_space<vmem>> -> memref<16x64xf32, #tpu.memory_space<vmem>>
        tpu.enqueue_dma source(%dma_start3A_379 : memref<16x64xf32, #tpu.memory_space<vmem>>) target(%dma_start3A_376 : memref<16x64xf32, #tpu.memory_space<vmem_shared>>) target_semaphore(%run_scoped3A : memref<!tpu.dma_semaphore, #tpu.memory_space<semaphore_mem>>)
        %dma_wait3A_380 = arith.constant 0 : i32
        %dma_wait3A_381 = arith.constant 0 : i32
        %dma_wait3A_382 = tpu.memref_slice %arg19[%dma_wait3A_380, %dma_wait3A_381] : memref<104x64xf32, #tpu.memory_space<vmem>> -> memref<16x64xf32, #tpu.memory_space<vmem>>
        %dma_wait3A_383 = arith.constant 9984 : i32
        %dma_wait3A_384 = arith.constant 0 : i32
        %dma_wait3A_385 = tpu.memref_slice %arg30[%dma_wait3A_383, %dma_wait3A_384] : memref<10000x64xf32, #tpu.memory_space<vmem_shared>> -> memref<16x64xf32, #tpu.memory_space<vmem_shared>>
        %dma_wait3A_386 = arith.constant 9984 : i32
        %dma_wait3A_387 = arith.constant 0 : i32
        %dma_wait3A_388 = tpu.memref_slice %arg30[%dma_wait3A_386, %dma_wait3A_387] : memref<10000x64xf32, #tpu.memory_space<vmem_shared>> -> memref<16x64xf32, #tpu.memory_space<vmem_shared>>
        %dma_wait3A_389 = arith.constant 0 : i32
        %dma_wait3A_390 = arith.constant 0 : i32
        %dma_wait3A_391 = tpu.memref_slice %arg19[%dma_wait3A_389, %dma_wait3A_390] : memref<104x64xf32, #tpu.memory_space<vmem>> -> memref<16x64xf32, #tpu.memory_space<vmem>>
        tpu.wait_dma2 semaphore(%run_scoped3A : memref<!tpu.dma_semaphore, #tpu.memory_space<semaphore_mem>>) src(%dma_wait3A_391 : memref<16x64xf32, #tpu.memory_space<vmem>>) dst(%dma_wait3A_388 : memref<16x64xf32, #tpu.memory_space<vmem_shared>>)
        tpu.yield
      }) : () -> ()
    } else {
    }
    %eq3A_24 = arith.constant 0 : i32
    %eq3A_25 = arith.cmpi eq, %arg0, %eq3A_24 : i32
    %convert_element_type3A_26 = arith.extui %eq3A_25 : i1 to i32
    %cond3A_27 = arith.constant 0 : i32
    %cond3A_28 = arith.cmpi ne, %convert_element_type3A_26, %cond3A_27 : i32
    scf.if %cond3A_28 {
      "tpu.region"() ({
        %run_scoped3A = tpu.sem_alloc : memref<!tpu.dma_semaphore, #tpu.memory_space<semaphore_mem>>
        tpu.enqueue_dma source(%arg8 : memref<624x8xf32, #tpu.memory_space<hbm>>) target(%arg20 : memref<624x8xf32, #tpu.memory_space<vmem>>) target_semaphore(%run_scoped3A : memref<!tpu.dma_semaphore, #tpu.memory_space<semaphore_mem>>)
        tpu.wait_dma2 semaphore(%run_scoped3A : memref<!tpu.dma_semaphore, #tpu.memory_space<semaphore_mem>>) src(%arg8 : memref<624x8xf32, #tpu.memory_space<hbm>>) dst(%arg20 : memref<624x8xf32, #tpu.memory_space<vmem>>)
        tpu.yield
      }) : () -> ()
      %mul3A_368 = arith.constant 624 : i32
      %mul3A_369 = arith.muli %arg1, %mul3A_368 : i32
      "tpu.region"() ({
        %run_scoped3A = tpu.sem_alloc : memref<!tpu.dma_semaphore, #tpu.memory_space<semaphore_mem>>
        %dma_start3A_375 = arith.constant 0 : i32
        %dma_start3A_376 = tpu.memref_slice %arg31[%mul3A_369, %dma_start3A_375] : memref<10000x8xf32, #tpu.memory_space<vmem_shared>> -> memref<624x8xf32, #tpu.memory_space<vmem_shared>>
        %dma_start3A_377 = arith.constant 0 : i32
        %dma_start3A_378 = tpu.memref_slice %arg31[%mul3A_369, %dma_start3A_377] : memref<10000x8xf32, #tpu.memory_space<vmem_shared>> -> memref<624x8xf32, #tpu.memory_space<vmem_shared>>
        tpu.enqueue_dma source(%arg20 : memref<624x8xf32, #tpu.memory_space<vmem>>) target(%dma_start3A_378 : memref<624x8xf32, #tpu.memory_space<vmem_shared>>) target_semaphore(%run_scoped3A : memref<!tpu.dma_semaphore, #tpu.memory_space<semaphore_mem>>)
        %dma_wait3A_379 = arith.constant 0 : i32
        %dma_wait3A_380 = tpu.memref_slice %arg31[%mul3A_369, %dma_wait3A_379] : memref<10000x8xf32, #tpu.memory_space<vmem_shared>> -> memref<624x8xf32, #tpu.memory_space<vmem_shared>>
        %dma_wait3A_381 = arith.constant 0 : i32
        %dma_wait3A_382 = tpu.memref_slice %arg31[%mul3A_369, %dma_wait3A_381] : memref<10000x8xf32, #tpu.memory_space<vmem_shared>> -> memref<624x8xf32, #tpu.memory_space<vmem_shared>>
        tpu.wait_dma2 semaphore(%run_scoped3A : memref<!tpu.dma_semaphore, #tpu.memory_space<semaphore_mem>>) src(%arg20 : memref<624x8xf32, #tpu.memory_space<vmem>>) dst(%dma_wait3A_382 : memref<624x8xf32, #tpu.memory_space<vmem_shared>>)
        tpu.yield
      }) : () -> ()
      "tpu.region"() ({
        %run_scoped3A = tpu.sem_alloc : memref<!tpu.dma_semaphore, #tpu.memory_space<semaphore_mem>>
        tpu.enqueue_dma source(%arg6 : memref<100x8xf32, #tpu.memory_space<hbm>>) target(%arg18 : memref<100x8xf32, #tpu.memory_space<vmem>>) target_semaphore(%run_scoped3A : memref<!tpu.dma_semaphore, #tpu.memory_space<semaphore_mem>>)
        tpu.wait_dma2 semaphore(%run_scoped3A : memref<!tpu.dma_semaphore, #tpu.memory_space<semaphore_mem>>) src(%arg6 : memref<100x8xf32, #tpu.memory_space<hbm>>) dst(%arg18 : memref<100x8xf32, #tpu.memory_space<vmem>>)
        tpu.yield
      }) : () -> ()
      %eq3A_370 = arith.constant 0 : i32
      %eq3A_371 = arith.cmpi eq, %arg1, %eq3A_370 : i32
      %convert_element_type3A_372 = arith.extui %eq3A_371 : i1 to i32
      %cond3A_373 = arith.constant 0 : i32
      %cond3A_374 = arith.cmpi ne, %convert_element_type3A_372, %cond3A_373 : i32
      scf.if %cond3A_374 {
        "tpu.region"() ({
          %run_scoped3A = tpu.sem_alloc : memref<!tpu.dma_semaphore, #tpu.memory_space<semaphore_mem>>
          %dma_start3A_375 = arith.constant 0 : i32
          %dma_start3A_376 = arith.constant 0 : i32
          %dma_start3A_377 = tpu.memref_slice %arg20[%dma_start3A_375, %dma_start3A_376] : memref<624x8xf32, #tpu.memory_space<vmem>> -> memref<16x8xf32, #tpu.memory_space<vmem>>
          %dma_start3A_378 = arith.constant 9984 : i32
          %dma_start3A_379 = arith.constant 0 : i32
          %dma_start3A_380 = tpu.memref_slice %arg31[%dma_start3A_378, %dma_start3A_379] : memref<10000x8xf32, #tpu.memory_space<vmem_shared>> -> memref<16x8xf32, #tpu.memory_space<vmem_shared>>
          %dma_start3A_381 = arith.constant 9984 : i32
          %dma_start3A_382 = arith.constant 0 : i32
          %dma_start3A_383 = tpu.memref_slice %arg31[%dma_start3A_381, %dma_start3A_382] : memref<10000x8xf32, #tpu.memory_space<vmem_shared>> -> memref<16x8xf32, #tpu.memory_space<vmem_shared>>
          %dma_start3A_384 = arith.constant 0 : i32
          %dma_start3A_385 = arith.constant 0 : i32
          %dma_start3A_386 = tpu.memref_slice %arg20[%dma_start3A_384, %dma_start3A_385] : memref<624x8xf32, #tpu.memory_space<vmem>> -> memref<16x8xf32, #tpu.memory_space<vmem>>
          tpu.enqueue_dma source(%dma_start3A_386 : memref<16x8xf32, #tpu.memory_space<vmem>>) target(%dma_start3A_383 : memref<16x8xf32, #tpu.memory_space<vmem_shared>>) target_semaphore(%run_scoped3A : memref<!tpu.dma_semaphore, #tpu.memory_space<semaphore_mem>>)
          %dma_wait3A_387 = arith.constant 0 : i32
          %dma_wait3A_388 = arith.constant 0 : i32
          %dma_wait3A_389 = tpu.memref_slice %arg20[%dma_wait3A_387, %dma_wait3A_388] : memref<624x8xf32, #tpu.memory_space<vmem>> -> memref<16x8xf32, #tpu.memory_space<vmem>>
          %dma_wait3A_390 = arith.constant 9984 : i32
          %dma_wait3A_391 = arith.constant 0 : i32
          %dma_wait3A_392 = tpu.memref_slice %arg31[%dma_wait3A_390, %dma_wait3A_391] : memref<10000x8xf32, #tpu.memory_space<vmem_shared>> -> memref<16x8xf32, #tpu.memory_space<vmem_shared>>
          %dma_wait3A_393 = arith.constant 9984 : i32
          %dma_wait3A_394 = arith.constant 0 : i32
          %dma_wait3A_395 = tpu.memref_slice %arg31[%dma_wait3A_393, %dma_wait3A_394] : memref<10000x8xf32, #tpu.memory_space<vmem_shared>> -> memref<16x8xf32, #tpu.memory_space<vmem_shared>>
          %dma_wait3A_396 = arith.constant 0 : i32
          %dma_wait3A_397 = arith.constant 0 : i32
          %dma_wait3A_398 = tpu.memref_slice %arg20[%dma_wait3A_396, %dma_wait3A_397] : memref<624x8xf32, #tpu.memory_space<vmem>> -> memref<16x8xf32, #tpu.memory_space<vmem>>
          tpu.wait_dma2 semaphore(%run_scoped3A : memref<!tpu.dma_semaphore, #tpu.memory_space<semaphore_mem>>) src(%dma_wait3A_398 : memref<16x8xf32, #tpu.memory_space<vmem>>) dst(%dma_wait3A_395 : memref<16x8xf32, #tpu.memory_space<vmem_shared>>)
          tpu.yield
        }) : () -> ()
      } else {
      }
    } else {
    }
    %mul3A_29 = arith.constant 200 : i32
    %mul3A_30 = arith.muli %arg1, %mul3A_29 : i32
    "tpu.region"() ({
      %run_scoped3A = tpu.sem_alloc : memref<!tpu.dma_semaphore, #tpu.memory_space<semaphore_mem>>
      %dma_start3A_368 = arith.constant 0 : i32
      %dma_start3A_369 = tpu.memref_slice %arg4[%mul3A_30, %dma_start3A_368] : memref<3200x100xi32, #tpu.memory_space<hbm>> -> memref<200x100xi32, #tpu.memory_space<hbm>>
      %dma_start3A_370 = arith.constant 0 : i32
      %dma_start3A_371 = tpu.memref_slice %arg4[%mul3A_30, %dma_start3A_370] : memref<3200x100xi32, #tpu.memory_space<hbm>> -> memref<200x100xi32, #tpu.memory_space<hbm>>
      tpu.enqueue_dma source(%dma_start3A_371 : memref<200x100xi32, #tpu.memory_space<hbm>>) target(%arg12 : memref<200x100xi32, #tpu.memory_space<vmem>>) target_semaphore(%run_scoped3A : memref<!tpu.dma_semaphore, #tpu.memory_space<semaphore_mem>>)
      %dma_wait3A_372 = arith.constant 0 : i32
      %dma_wait3A_373 = tpu.memref_slice %arg4[%mul3A_30, %dma_wait3A_372] : memref<3200x100xi32, #tpu.memory_space<hbm>> -> memref<200x100xi32, #tpu.memory_space<hbm>>
      %dma_wait3A_374 = arith.constant 0 : i32
      %dma_wait3A_375 = tpu.memref_slice %arg4[%mul3A_30, %dma_wait3A_374] : memref<3200x100xi32, #tpu.memory_space<hbm>> -> memref<200x100xi32, #tpu.memory_space<hbm>>
      tpu.wait_dma2 semaphore(%run_scoped3A : memref<!tpu.dma_semaphore, #tpu.memory_space<semaphore_mem>>) src(%dma_wait3A_375 : memref<200x100xi32, #tpu.memory_space<hbm>>) dst(%arg12 : memref<200x100xi32, #tpu.memory_space<vmem>>)
      tpu.yield
    }) : () -> ()
    %mul3A_31 = arith.constant 200 : i32
    %mul3A_32 = arith.muli %arg1, %mul3A_31 : i32
    "tpu.region"() ({
      %run_scoped3A = tpu.sem_alloc : memref<!tpu.dma_semaphore, #tpu.memory_space<semaphore_mem>>
      %dma_start3A_368 = arith.constant 0 : i32
      %dma_start3A_369 = tpu.memref_slice %arg5[%mul3A_32, %dma_start3A_368] : memref<3200x100xi32, #tpu.memory_space<hbm>> -> memref<200x100xi32, #tpu.memory_space<hbm>>
      %dma_start3A_370 = arith.constant 0 : i32
      %dma_start3A_371 = tpu.memref_slice %arg5[%mul3A_32, %dma_start3A_370] : memref<3200x100xi32, #tpu.memory_space<hbm>> -> memref<200x100xi32, #tpu.memory_space<hbm>>
      tpu.enqueue_dma source(%dma_start3A_371 : memref<200x100xi32, #tpu.memory_space<hbm>>) target(%arg13 : memref<200x100xi32, #tpu.memory_space<vmem>>) target_semaphore(%run_scoped3A : memref<!tpu.dma_semaphore, #tpu.memory_space<semaphore_mem>>)
      %dma_wait3A_372 = arith.constant 0 : i32
      %dma_wait3A_373 = tpu.memref_slice %arg5[%mul3A_32, %dma_wait3A_372] : memref<3200x100xi32, #tpu.memory_space<hbm>> -> memref<200x100xi32, #tpu.memory_space<hbm>>
      %dma_wait3A_374 = arith.constant 0 : i32
      %dma_wait3A_375 = tpu.memref_slice %arg5[%mul3A_32, %dma_wait3A_374] : memref<3200x100xi32, #tpu.memory_space<hbm>> -> memref<200x100xi32, #tpu.memory_space<hbm>>
      tpu.wait_dma2 semaphore(%run_scoped3A : memref<!tpu.dma_semaphore, #tpu.memory_space<semaphore_mem>>) src(%dma_wait3A_375 : memref<200x100xi32, #tpu.memory_space<hbm>>) dst(%arg13 : memref<200x100xi32, #tpu.memory_space<vmem>>)
      tpu.yield
    }) : () -> ()
    %barrier3A = arith.constant 0 : index
    tpu.barrier barrier_id(%barrier3A)
    %eq3A_33 = arith.constant 0 : i32
    %eq3A_34 = arith.cmpi eq, %arg0, %eq3A_33 : i32
    %convert_element_type3A_35 = arith.extui %eq3A_34 : i1 to i32
    %cond3A_36 = arith.constant 0 : i32
    %cond3A_37 = arith.cmpi ne, %convert_element_type3A_35, %cond3A_36 : i32
    scf.if %cond3A_37 {
      %dma_start3A_368 = arith.constant 0 : i32
      %dma_start3A_369 = arith.constant 0 : i32
      %dma_start3A_370 = tpu.memref_slice %arg12[%dma_start3A_368, %dma_start3A_369] : memref<200x100xi32, #tpu.memory_space<vmem>> -> memref<1x100xi32, #tpu.memory_space<vmem>>
      %dma_start3A_371 = tpu.memref_squeeze %dma_start3A_370 : memref<1x100xi32, #tpu.memory_space<vmem>> -> memref<100xi32, #tpu.memory_space<vmem>>
      %dma_start3A_372 = arith.constant 0 : i32
      %dma_start3A_373 = arith.constant 0 : i32
      %dma_start3A_374 = tpu.memref_slice %arg2[%dma_start3A_372, %dma_start3A_373] : memref<10000x64xf32, #tpu.memory_space<hbm>> -> memref<10000x64xf32, #tpu.memory_space<hbm>>
      tpu.enqueue_indirect_dma source(%dma_start3A_374 : memref<10000x64xf32, #tpu.memory_space<hbm>>) target(%arg14 : memref<100x64xf32, #tpu.memory_space<vmem>>) offsets(%dma_start3A_371 : memref<100xi32, #tpu.memory_space<vmem>>) semaphore(%arg21 : memref<!tpu.dma_semaphore, #tpu.memory_space<semaphore_mem>>)
    } else {
    }
    %ne3A = arith.constant 0 : i32
    %ne3A_38 = arith.cmpi ne, %arg0, %ne3A : i32
    %convert_element_type3A_39 = arith.extui %ne3A_38 : i1 to i32
    %cond3A_40 = arith.constant 0 : i32
    %cond3A_41 = arith.cmpi ne, %convert_element_type3A_39, %cond3A_40 : i32
    scf.if %cond3A_41 {
      %dma_start3A_368 = arith.constant 0 : i32
      %dma_start3A_369 = arith.constant 0 : i32
      %dma_start3A_370 = tpu.memref_slice %arg12[%dma_start3A_368, %dma_start3A_369] : memref<200x100xi32, #tpu.memory_space<vmem>> -> memref<1x100xi32, #tpu.memory_space<vmem>>
      %dma_start3A_371 = tpu.memref_squeeze %dma_start3A_370 : memref<1x100xi32, #tpu.memory_space<vmem>> -> memref<100xi32, #tpu.memory_space<vmem>>
      %dma_start3A_372 = arith.constant 0 : i32
      %dma_start3A_373 = arith.constant 0 : i32
      %dma_start3A_374 = tpu.memref_slice %arg3[%dma_start3A_372, %dma_start3A_373] : memref<10000x64xf32, #tpu.memory_space<hbm>> -> memref<10000x64xf32, #tpu.memory_space<hbm>>
      tpu.enqueue_indirect_dma source(%dma_start3A_374 : memref<10000x64xf32, #tpu.memory_space<hbm>>) target(%arg14 : memref<100x64xf32, #tpu.memory_space<vmem>>) offsets(%dma_start3A_371 : memref<100xi32, #tpu.memory_space<vmem>>) semaphore(%arg21 : memref<!tpu.dma_semaphore, #tpu.memory_space<semaphore_mem>>)
    } else {
    }
    %eq3A_42 = arith.constant 0 : i32
    %eq3A_43 = arith.cmpi eq, %arg0, %eq3A_42 : i32
    %convert_element_type3A_44 = arith.extui %eq3A_43 : i1 to i32
    %cond3A_45 = arith.constant 0 : i32
    %cond3A_46 = arith.cmpi ne, %convert_element_type3A_44, %cond3A_45 : i32
    scf.if %cond3A_46 {
      %dma_start3A_368 = arith.constant 1 : i32
      %dma_start3A_369 = arith.constant 0 : i32
      %dma_start3A_370 = tpu.memref_slice %arg12[%dma_start3A_368, %dma_start3A_369] : memref<200x100xi32, #tpu.memory_space<vmem>> -> memref<1x100xi32, #tpu.memory_space<vmem>>
      %dma_start3A_371 = tpu.memref_squeeze %dma_start3A_370 : memref<1x100xi32, #tpu.memory_space<vmem>> -> memref<100xi32, #tpu.memory_space<vmem>>
      %dma_start3A_372 = arith.constant 0 : i32
      %dma_start3A_373 = arith.constant 0 : i32
      %dma_start3A_374 = tpu.memref_slice %arg2[%dma_start3A_372, %dma_start3A_373] : memref<10000x64xf32, #tpu.memory_space<hbm>> -> memref<10000x64xf32, #tpu.memory_space<hbm>>
      tpu.enqueue_indirect_dma source(%dma_start3A_374 : memref<10000x64xf32, #tpu.memory_space<hbm>>) target(%arg15 : memref<100x64xf32, #tpu.memory_space<vmem>>) offsets(%dma_start3A_371 : memref<100xi32, #tpu.memory_space<vmem>>) semaphore(%arg22 : memref<!tpu.dma_semaphore, #tpu.memory_space<semaphore_mem>>)
    } else {
    }
    %ne3A_47 = arith.constant 0 : i32
    %ne3A_48 = arith.cmpi ne, %arg0, %ne3A_47 : i32
    %convert_element_type3A_49 = arith.extui %ne3A_48 : i1 to i32
    %cond3A_50 = arith.constant 0 : i32
    %cond3A_51 = arith.cmpi ne, %convert_element_type3A_49, %cond3A_50 : i32
    scf.if %cond3A_51 {
      %dma_start3A_368 = arith.constant 1 : i32
      %dma_start3A_369 = arith.constant 0 : i32
      %dma_start3A_370 = tpu.memref_slice %arg12[%dma_start3A_368, %dma_start3A_369] : memref<200x100xi32, #tpu.memory_space<vmem>> -> memref<1x100xi32, #tpu.memory_space<vmem>>
      %dma_start3A_371 = tpu.memref_squeeze %dma_start3A_370 : memref<1x100xi32, #tpu.memory_space<vmem>> -> memref<100xi32, #tpu.memory_space<vmem>>
      %dma_start3A_372 = arith.constant 0 : i32
      %dma_start3A_373 = arith.constant 0 : i32
      %dma_start3A_374 = tpu.memref_slice %arg3[%dma_start3A_372, %dma_start3A_373] : memref<10000x64xf32, #tpu.memory_space<hbm>> -> memref<10000x64xf32, #tpu.memory_space<hbm>>
      tpu.enqueue_indirect_dma source(%dma_start3A_374 : memref<10000x64xf32, #tpu.memory_space<hbm>>) target(%arg15 : memref<100x64xf32, #tpu.memory_space<vmem>>) offsets(%dma_start3A_371 : memref<100xi32, #tpu.memory_space<vmem>>) semaphore(%arg22 : memref<!tpu.dma_semaphore, #tpu.memory_space<semaphore_mem>>)
    } else {
    }
    %eq3A_52 = arith.constant 0 : i32
    %eq3A_53 = arith.cmpi eq, %arg0, %eq3A_52 : i32
    %convert_element_type3A_54 = arith.extui %eq3A_53 : i1 to i32
    %cond3A_55 = arith.constant 0 : i32
    %cond3A_56 = arith.cmpi ne, %convert_element_type3A_54, %cond3A_55 : i32
    scf.if %cond3A_56 {
      %dma_wait3A_368 = arith.constant 0 : i32
      %dma_wait3A_369 = arith.constant 0 : i32
      %dma_wait3A_370 = tpu.memref_slice %arg12[%dma_wait3A_368, %dma_wait3A_369] : memref<200x100xi32, #tpu.memory_space<vmem>> -> memref<1x100xi32, #tpu.memory_space<vmem>>
      %dma_wait3A_371 = tpu.memref_squeeze %dma_wait3A_370 : memref<1x100xi32, #tpu.memory_space<vmem>> -> memref<100xi32, #tpu.memory_space<vmem>>
      %dma_wait3A_372 = arith.constant 0 : i32
      %dma_wait3A_373 = arith.constant 0 : i32
      %dma_wait3A_374 = tpu.memref_slice %arg2[%dma_wait3A_372, %dma_wait3A_373] : memref<10000x64xf32, #tpu.memory_space<hbm>> -> memref<10000x64xf32, #tpu.memory_space<hbm>>
      tpu.wait_indirect_dma semaphore(%arg21 : memref<!tpu.dma_semaphore, #tpu.memory_space<semaphore_mem>>) src(%dma_wait3A_374 : memref<10000x64xf32, #tpu.memory_space<hbm>>) dst(%arg14 : memref<100x64xf32, #tpu.memory_space<vmem>>)
    } else {
    }
    %ne3A_57 = arith.constant 0 : i32
    %ne3A_58 = arith.cmpi ne, %arg0, %ne3A_57 : i32
    %convert_element_type3A_59 = arith.extui %ne3A_58 : i1 to i32
    %cond3A_60 = arith.constant 0 : i32
    %cond3A_61 = arith.cmpi ne, %convert_element_type3A_59, %cond3A_60 : i32
    scf.if %cond3A_61 {
      %dma_wait3A_368 = arith.constant 0 : i32
      %dma_wait3A_369 = arith.constant 0 : i32
      %dma_wait3A_370 = tpu.memref_slice %arg12[%dma_wait3A_368, %dma_wait3A_369] : memref<200x100xi32, #tpu.memory_space<vmem>> -> memref<1x100xi32, #tpu.memory_space<vmem>>
      %dma_wait3A_371 = tpu.memref_squeeze %dma_wait3A_370 : memref<1x100xi32, #tpu.memory_space<vmem>> -> memref<100xi32, #tpu.memory_space<vmem>>
      %dma_wait3A_372 = arith.constant 0 : i32
      %dma_wait3A_373 = arith.constant 0 : i32
      %dma_wait3A_374 = tpu.memref_slice %arg3[%dma_wait3A_372, %dma_wait3A_373] : memref<10000x64xf32, #tpu.memory_space<hbm>> -> memref<10000x64xf32, #tpu.memory_space<hbm>>
      tpu.wait_indirect_dma semaphore(%arg21 : memref<!tpu.dma_semaphore, #tpu.memory_space<semaphore_mem>>) src(%dma_wait3A_374 : memref<10000x64xf32, #tpu.memory_space<hbm>>) dst(%arg14 : memref<100x64xf32, #tpu.memory_space<vmem>>)
    } else {
    }
    %dma_start3A = arith.constant 0 : i32
    %dma_start3A_62 = arith.constant 0 : i32
    %dma_start3A_63 = tpu.memref_slice %arg13[%dma_start3A, %dma_start3A_62] : memref<200x100xi32, #tpu.memory_space<vmem>> -> memref<1x100xi32, #tpu.memory_space<vmem>>
    %dma_start3A_64 = tpu.memref_squeeze %dma_start3A_63 : memref<1x100xi32, #tpu.memory_space<vmem>> -> memref<100xi32, #tpu.memory_space<vmem>>
    %dma_start3A_65 = arith.constant 0 : i32
    %dma_start3A_66 = arith.constant 0 : i32
    %dma_start3A_67 = tpu.memref_slice %arg30[%dma_start3A_65, %dma_start3A_66] : memref<10000x64xf32, #tpu.memory_space<vmem_shared>> -> memref<10000x64xf32, #tpu.memory_space<vmem_shared>>
    tpu.enqueue_indirect_dma source(%arg14 : memref<100x64xf32, #tpu.memory_space<vmem>>) target(%dma_start3A_67 : memref<10000x64xf32, #tpu.memory_space<vmem_shared>>) offsets(%dma_start3A_64 : memref<100xi32, #tpu.memory_space<vmem>>) semaphore(%arg25 : memref<!tpu.dma_semaphore, #tpu.memory_space<semaphore_mem>>) {add = true}
    %eq3A_68 = arith.constant 0 : i32
    %eq3A_69 = arith.cmpi eq, %arg0, %eq3A_68 : i32
    %convert_element_type3A_70 = arith.extui %eq3A_69 : i1 to i32
    %cond3A_71 = arith.constant 0 : i32
    %cond3A_72 = arith.cmpi ne, %convert_element_type3A_70, %cond3A_71 : i32
    scf.if %cond3A_72 {
      %dma_start3A_368 = arith.constant 0 : i32
      %dma_start3A_369 = arith.constant 0 : i32
      %dma_start3A_370 = tpu.memref_slice %arg13[%dma_start3A_368, %dma_start3A_369] : memref<200x100xi32, #tpu.memory_space<vmem>> -> memref<1x100xi32, #tpu.memory_space<vmem>>
      %dma_start3A_371 = tpu.memref_squeeze %dma_start3A_370 : memref<1x100xi32, #tpu.memory_space<vmem>> -> memref<100xi32, #tpu.memory_space<vmem>>
      %dma_start3A_372 = arith.constant 0 : i32
      %dma_start3A_373 = arith.constant 0 : i32
      %dma_start3A_374 = tpu.memref_slice %arg31[%dma_start3A_372, %dma_start3A_373] : memref<10000x8xf32, #tpu.memory_space<vmem_shared>> -> memref<10000x8xf32, #tpu.memory_space<vmem_shared>>
      tpu.enqueue_indirect_dma source(%arg18 : memref<100x8xf32, #tpu.memory_space<vmem>>) target(%dma_start3A_374 : memref<10000x8xf32, #tpu.memory_space<vmem_shared>>) offsets(%dma_start3A_371 : memref<100xi32, #tpu.memory_space<vmem>>) semaphore(%arg29 : memref<!tpu.dma_semaphore, #tpu.memory_space<semaphore_mem>>) {add = true}
    } else {
    }
    %eq3A_73 = arith.constant 0 : i32
    %eq3A_74 = arith.cmpi eq, %arg0, %eq3A_73 : i32
    %convert_element_type3A_75 = arith.extui %eq3A_74 : i1 to i32
    %cond3A_76 = arith.constant 0 : i32
    %cond3A_77 = arith.cmpi ne, %convert_element_type3A_75, %cond3A_76 : i32
    scf.if %cond3A_77 {
      %dma_start3A_368 = arith.constant 2 : i32
      %dma_start3A_369 = arith.constant 0 : i32
      %dma_start3A_370 = tpu.memref_slice %arg12[%dma_start3A_368, %dma_start3A_369] : memref<200x100xi32, #tpu.memory_space<vmem>> -> memref<1x100xi32, #tpu.memory_space<vmem>>
      %dma_start3A_371 = tpu.memref_squeeze %dma_start3A_370 : memref<1x100xi32, #tpu.memory_space<vmem>> -> memref<100xi32, #tpu.memory_space<vmem>>
      %dma_start3A_372 = arith.constant 0 : i32
      %dma_start3A_373 = arith.constant 0 : i32
      %dma_start3A_374 = tpu.memref_slice %arg2[%dma_start3A_372, %dma_start3A_373] : memref<10000x64xf32, #tpu.memory_space<hbm>> -> memref<10000x64xf32, #tpu.memory_space<hbm>>
      tpu.enqueue_indirect_dma source(%dma_start3A_374 : memref<10000x64xf32, #tpu.memory_space<hbm>>) target(%arg16 : memref<100x64xf32, #tpu.memory_space<vmem>>) offsets(%dma_start3A_371 : memref<100xi32, #tpu.memory_space<vmem>>) semaphore(%arg23 : memref<!tpu.dma_semaphore, #tpu.memory_space<semaphore_mem>>)
    } else {
    }
    %ne3A_78 = arith.constant 0 : i32
    %ne3A_79 = arith.cmpi ne, %arg0, %ne3A_78 : i32
    %convert_element_type3A_80 = arith.extui %ne3A_79 : i1 to i32
    %cond3A_81 = arith.constant 0 : i32
    %cond3A_82 = arith.cmpi ne, %convert_element_type3A_80, %cond3A_81 : i32
    scf.if %cond3A_82 {
      %dma_start3A_368 = arith.constant 2 : i32
      %dma_start3A_369 = arith.constant 0 : i32
      %dma_start3A_370 = tpu.memref_slice %arg12[%dma_start3A_368, %dma_start3A_369] : memref<200x100xi32, #tpu.memory_space<vmem>> -> memref<1x100xi32, #tpu.memory_space<vmem>>
      %dma_start3A_371 = tpu.memref_squeeze %dma_start3A_370 : memref<1x100xi32, #tpu.memory_space<vmem>> -> memref<100xi32, #tpu.memory_space<vmem>>
      %dma_start3A_372 = arith.constant 0 : i32
      %dma_start3A_373 = arith.constant 0 : i32
      %dma_start3A_374 = tpu.memref_slice %arg3[%dma_start3A_372, %dma_start3A_373] : memref<10000x64xf32, #tpu.memory_space<hbm>> -> memref<10000x64xf32, #tpu.memory_space<hbm>>
      tpu.enqueue_indirect_dma source(%dma_start3A_374 : memref<10000x64xf32, #tpu.memory_space<hbm>>) target(%arg16 : memref<100x64xf32, #tpu.memory_space<vmem>>) offsets(%dma_start3A_371 : memref<100xi32, #tpu.memory_space<vmem>>) semaphore(%arg23 : memref<!tpu.dma_semaphore, #tpu.memory_space<semaphore_mem>>)
    } else {
    }
    %eq3A_83 = arith.constant 0 : i32
    %eq3A_84 = arith.cmpi eq, %arg0, %eq3A_83 : i32
    %convert_element_type3A_85 = arith.extui %eq3A_84 : i1 to i32
    %cond3A_86 = arith.constant 0 : i32
    %cond3A_87 = arith.cmpi ne, %convert_element_type3A_85, %cond3A_86 : i32
    scf.if %cond3A_87 {
      %dma_wait3A_368 = arith.constant 1 : i32
      %dma_wait3A_369 = arith.constant 0 : i32
      %dma_wait3A_370 = tpu.memref_slice %arg12[%dma_wait3A_368, %dma_wait3A_369] : memref<200x100xi32, #tpu.memory_space<vmem>> -> memref<1x100xi32, #tpu.memory_space<vmem>>
      %dma_wait3A_371 = tpu.memref_squeeze %dma_wait3A_370 : memref<1x100xi32, #tpu.memory_space<vmem>> -> memref<100xi32, #tpu.memory_space<vmem>>
      %dma_wait3A_372 = arith.constant 0 : i32
      %dma_wait3A_373 = arith.constant 0 : i32
      %dma_wait3A_374 = tpu.memref_slice %arg2[%dma_wait3A_372, %dma_wait3A_373] : memref<10000x64xf32, #tpu.memory_space<hbm>> -> memref<10000x64xf32, #tpu.memory_space<hbm>>
      tpu.wait_indirect_dma semaphore(%arg22 : memref<!tpu.dma_semaphore, #tpu.memory_space<semaphore_mem>>) src(%dma_wait3A_374 : memref<10000x64xf32, #tpu.memory_space<hbm>>) dst(%arg15 : memref<100x64xf32, #tpu.memory_space<vmem>>)
    } else {
    }
    %ne3A_88 = arith.constant 0 : i32
    %ne3A_89 = arith.cmpi ne, %arg0, %ne3A_88 : i32
    %convert_element_type3A_90 = arith.extui %ne3A_89 : i1 to i32
    %cond3A_91 = arith.constant 0 : i32
    %cond3A_92 = arith.cmpi ne, %convert_element_type3A_90, %cond3A_91 : i32
    scf.if %cond3A_92 {
      %dma_wait3A_368 = arith.constant 1 : i32
      %dma_wait3A_369 = arith.constant 0 : i32
      %dma_wait3A_370 = tpu.memref_slice %arg12[%dma_wait3A_368, %dma_wait3A_369] : memref<200x100xi32, #tpu.memory_space<vmem>> -> memref<1x100xi32, #tpu.memory_space<vmem>>
      %dma_wait3A_371 = tpu.memref_squeeze %dma_wait3A_370 : memref<1x100xi32, #tpu.memory_space<vmem>> -> memref<100xi32, #tpu.memory_space<vmem>>
      %dma_wait3A_372 = arith.constant 0 : i32
      %dma_wait3A_373 = arith.constant 0 : i32
      %dma_wait3A_374 = tpu.memref_slice %arg3[%dma_wait3A_372, %dma_wait3A_373] : memref<10000x64xf32, #tpu.memory_space<hbm>> -> memref<10000x64xf32, #tpu.memory_space<hbm>>
      tpu.wait_indirect_dma semaphore(%arg22 : memref<!tpu.dma_semaphore, #tpu.memory_space<semaphore_mem>>) src(%dma_wait3A_374 : memref<10000x64xf32, #tpu.memory_space<hbm>>) dst(%arg15 : memref<100x64xf32, #tpu.memory_space<vmem>>)
    } else {
    }
    %dma_start3A_93 = arith.constant 1 : i32
    %dma_start3A_94 = arith.constant 0 : i32
    %dma_start3A_95 = tpu.memref_slice %arg13[%dma_start3A_93, %dma_start3A_94] : memref<200x100xi32, #tpu.memory_space<vmem>> -> memref<1x100xi32, #tpu.memory_space<vmem>>
    %dma_start3A_96 = tpu.memref_squeeze %dma_start3A_95 : memref<1x100xi32, #tpu.memory_space<vmem>> -> memref<100xi32, #tpu.memory_space<vmem>>
    %dma_start3A_97 = arith.constant 0 : i32
    %dma_start3A_98 = arith.constant 0 : i32
    %dma_start3A_99 = tpu.memref_slice %arg30[%dma_start3A_97, %dma_start3A_98] : memref<10000x64xf32, #tpu.memory_space<vmem_shared>> -> memref<10000x64xf32, #tpu.memory_space<vmem_shared>>
    tpu.enqueue_indirect_dma source(%arg15 : memref<100x64xf32, #tpu.memory_space<vmem>>) target(%dma_start3A_99 : memref<10000x64xf32, #tpu.memory_space<vmem_shared>>) offsets(%dma_start3A_96 : memref<100xi32, #tpu.memory_space<vmem>>) semaphore(%arg26 : memref<!tpu.dma_semaphore, #tpu.memory_space<semaphore_mem>>) {add = true}
    %eq3A_100 = arith.constant 0 : i32
    %eq3A_101 = arith.cmpi eq, %arg0, %eq3A_100 : i32
    %convert_element_type3A_102 = arith.extui %eq3A_101 : i1 to i32
    %cond3A_103 = arith.constant 0 : i32
    %cond3A_104 = arith.cmpi ne, %convert_element_type3A_102, %cond3A_103 : i32
    scf.if %cond3A_104 {
      %dma_start3A_368 = arith.constant 1 : i32
      %dma_start3A_369 = arith.constant 0 : i32
      %dma_start3A_370 = tpu.memref_slice %arg13[%dma_start3A_368, %dma_start3A_369] : memref<200x100xi32, #tpu.memory_space<vmem>> -> memref<1x100xi32, #tpu.memory_space<vmem>>
      %dma_start3A_371 = tpu.memref_squeeze %dma_start3A_370 : memref<1x100xi32, #tpu.memory_space<vmem>> -> memref<100xi32, #tpu.memory_space<vmem>>
      %dma_start3A_372 = arith.constant 0 : i32
      %dma_start3A_373 = arith.constant 0 : i32
      %dma_start3A_374 = tpu.memref_slice %arg31[%dma_start3A_372, %dma_start3A_373] : memref<10000x8xf32, #tpu.memory_space<vmem_shared>> -> memref<10000x8xf32, #tpu.memory_space<vmem_shared>>
      tpu.enqueue_indirect_dma source(%arg18 : memref<100x8xf32, #tpu.memory_space<vmem>>) target(%dma_start3A_374 : memref<10000x8xf32, #tpu.memory_space<vmem_shared>>) offsets(%dma_start3A_371 : memref<100xi32, #tpu.memory_space<vmem>>) semaphore(%arg29 : memref<!tpu.dma_semaphore, #tpu.memory_space<semaphore_mem>>) {add = true}
    } else {
    }
    %eq3A_105 = arith.constant 0 : i32
    %eq3A_106 = arith.cmpi eq, %arg0, %eq3A_105 : i32
    %convert_element_type3A_107 = arith.extui %eq3A_106 : i1 to i32
    %cond3A_108 = arith.constant 0 : i32
    %cond3A_109 = arith.cmpi ne, %convert_element_type3A_107, %cond3A_108 : i32
    scf.if %cond3A_109 {
      %dma_start3A_368 = arith.constant 3 : i32
      %dma_start3A_369 = arith.constant 0 : i32
      %dma_start3A_370 = tpu.memref_slice %arg12[%dma_start3A_368, %dma_start3A_369] : memref<200x100xi32, #tpu.memory_space<vmem>> -> memref<1x100xi32, #tpu.memory_space<vmem>>
      %dma_start3A_371 = tpu.memref_squeeze %dma_start3A_370 : memref<1x100xi32, #tpu.memory_space<vmem>> -> memref<100xi32, #tpu.memory_space<vmem>>
      %dma_start3A_372 = arith.constant 0 : i32
      %dma_start3A_373 = arith.constant 0 : i32
      %dma_start3A_374 = tpu.memref_slice %arg2[%dma_start3A_372, %dma_start3A_373] : memref<10000x64xf32, #tpu.memory_space<hbm>> -> memref<10000x64xf32, #tpu.memory_space<hbm>>
      tpu.enqueue_indirect_dma source(%dma_start3A_374 : memref<10000x64xf32, #tpu.memory_space<hbm>>) target(%arg17 : memref<100x64xf32, #tpu.memory_space<vmem>>) offsets(%dma_start3A_371 : memref<100xi32, #tpu.memory_space<vmem>>) semaphore(%arg24 : memref<!tpu.dma_semaphore, #tpu.memory_space<semaphore_mem>>)
    } else {
    }
    %ne3A_110 = arith.constant 0 : i32
    %ne3A_111 = arith.cmpi ne, %arg0, %ne3A_110 : i32
    %convert_element_type3A_112 = arith.extui %ne3A_111 : i1 to i32
    %cond3A_113 = arith.constant 0 : i32
    %cond3A_114 = arith.cmpi ne, %convert_element_type3A_112, %cond3A_113 : i32
    scf.if %cond3A_114 {
      %dma_start3A_368 = arith.constant 3 : i32
      %dma_start3A_369 = arith.constant 0 : i32
      %dma_start3A_370 = tpu.memref_slice %arg12[%dma_start3A_368, %dma_start3A_369] : memref<200x100xi32, #tpu.memory_space<vmem>> -> memref<1x100xi32, #tpu.memory_space<vmem>>
      %dma_start3A_371 = tpu.memref_squeeze %dma_start3A_370 : memref<1x100xi32, #tpu.memory_space<vmem>> -> memref<100xi32, #tpu.memory_space<vmem>>
      %dma_start3A_372 = arith.constant 0 : i32
      %dma_start3A_373 = arith.constant 0 : i32
      %dma_start3A_374 = tpu.memref_slice %arg3[%dma_start3A_372, %dma_start3A_373] : memref<10000x64xf32, #tpu.memory_space<hbm>> -> memref<10000x64xf32, #tpu.memory_space<hbm>>
      tpu.enqueue_indirect_dma source(%dma_start3A_374 : memref<10000x64xf32, #tpu.memory_space<hbm>>) target(%arg17 : memref<100x64xf32, #tpu.memory_space<vmem>>) offsets(%dma_start3A_371 : memref<100xi32, #tpu.memory_space<vmem>>) semaphore(%arg24 : memref<!tpu.dma_semaphore, #tpu.memory_space<semaphore_mem>>)
    } else {
    }
    %dma_wait3A = arith.constant 0 : i32
    %dma_wait3A_115 = arith.constant 0 : i32
    %dma_wait3A_116 = tpu.memref_slice %arg13[%dma_wait3A, %dma_wait3A_115] : memref<200x100xi32, #tpu.memory_space<vmem>> -> memref<1x100xi32, #tpu.memory_space<vmem>>
    %dma_wait3A_117 = tpu.memref_squeeze %dma_wait3A_116 : memref<1x100xi32, #tpu.memory_space<vmem>> -> memref<100xi32, #tpu.memory_space<vmem>>
    %dma_wait3A_118 = arith.constant 0 : i32
    %dma_wait3A_119 = arith.constant 0 : i32
    %dma_wait3A_120 = tpu.memref_slice %arg30[%dma_wait3A_118, %dma_wait3A_119] : memref<10000x64xf32, #tpu.memory_space<vmem_shared>> -> memref<10000x64xf32, #tpu.memory_space<vmem_shared>>
    tpu.wait_indirect_dma semaphore(%arg25 : memref<!tpu.dma_semaphore, #tpu.memory_space<semaphore_mem>>) src(%arg14 : memref<100x64xf32, #tpu.memory_space<vmem>>) dst(%dma_wait3A_120 : memref<10000x64xf32, #tpu.memory_space<vmem_shared>>)
    %eq3A_121 = arith.constant 0 : i32
    %eq3A_122 = arith.cmpi eq, %arg0, %eq3A_121 : i32
    %convert_element_type3A_123 = arith.extui %eq3A_122 : i1 to i32
    %cond3A_124 = arith.constant 0 : i32
    %cond3A_125 = arith.cmpi ne, %convert_element_type3A_123, %cond3A_124 : i32
    scf.if %cond3A_125 {
      %dma_wait3A_368 = arith.constant 2 : i32
      %dma_wait3A_369 = arith.constant 0 : i32
      %dma_wait3A_370 = tpu.memref_slice %arg12[%dma_wait3A_368, %dma_wait3A_369] : memref<200x100xi32, #tpu.memory_space<vmem>> -> memref<1x100xi32, #tpu.memory_space<vmem>>
      %dma_wait3A_371 = tpu.memref_squeeze %dma_wait3A_370 : memref<1x100xi32, #tpu.memory_space<vmem>> -> memref<100xi32, #tpu.memory_space<vmem>>
      %dma_wait3A_372 = arith.constant 0 : i32
      %dma_wait3A_373 = arith.constant 0 : i32
      %dma_wait3A_374 = tpu.memref_slice %arg2[%dma_wait3A_372, %dma_wait3A_373] : memref<10000x64xf32, #tpu.memory_space<hbm>> -> memref<10000x64xf32, #tpu.memory_space<hbm>>
      tpu.wait_indirect_dma semaphore(%arg23 : memref<!tpu.dma_semaphore, #tpu.memory_space<semaphore_mem>>) src(%dma_wait3A_374 : memref<10000x64xf32, #tpu.memory_space<hbm>>) dst(%arg16 : memref<100x64xf32, #tpu.memory_space<vmem>>)
    } else {
    }
    %ne3A_126 = arith.constant 0 : i32
    %ne3A_127 = arith.cmpi ne, %arg0, %ne3A_126 : i32
    %convert_element_type3A_128 = arith.extui %ne3A_127 : i1 to i32
    %cond3A_129 = arith.constant 0 : i32
    %cond3A_130 = arith.cmpi ne, %convert_element_type3A_128, %cond3A_129 : i32
    scf.if %cond3A_130 {
      %dma_wait3A_368 = arith.constant 2 : i32
      %dma_wait3A_369 = arith.constant 0 : i32
      %dma_wait3A_370 = tpu.memref_slice %arg12[%dma_wait3A_368, %dma_wait3A_369] : memref<200x100xi32, #tpu.memory_space<vmem>> -> memref<1x100xi32, #tpu.memory_space<vmem>>
      %dma_wait3A_371 = tpu.memref_squeeze %dma_wait3A_370 : memref<1x100xi32, #tpu.memory_space<vmem>> -> memref<100xi32, #tpu.memory_space<vmem>>
      %dma_wait3A_372 = arith.constant 0 : i32
      %dma_wait3A_373 = arith.constant 0 : i32
      %dma_wait3A_374 = tpu.memref_slice %arg3[%dma_wait3A_372, %dma_wait3A_373] : memref<10000x64xf32, #tpu.memory_space<hbm>> -> memref<10000x64xf32, #tpu.memory_space<hbm>>
      tpu.wait_indirect_dma semaphore(%arg23 : memref<!tpu.dma_semaphore, #tpu.memory_space<semaphore_mem>>) src(%dma_wait3A_374 : memref<10000x64xf32, #tpu.memory_space<hbm>>) dst(%arg16 : memref<100x64xf32, #tpu.memory_space<vmem>>)
    } else {
    }
    %dma_start3A_131 = arith.constant 2 : i32
    %dma_start3A_132 = arith.constant 0 : i32
    %dma_start3A_133 = tpu.memref_slice %arg13[%dma_start3A_131, %dma_start3A_132] : memref<200x100xi32, #tpu.memory_space<vmem>> -> memref<1x100xi32, #tpu.memory_space<vmem>>
    %dma_start3A_134 = tpu.memref_squeeze %dma_start3A_133 : memref<1x100xi32, #tpu.memory_space<vmem>> -> memref<100xi32, #tpu.memory_space<vmem>>
    %dma_start3A_135 = arith.constant 0 : i32
    %dma_start3A_136 = arith.constant 0 : i32
    %dma_start3A_137 = tpu.memref_slice %arg30[%dma_start3A_135, %dma_start3A_136] : memref<10000x64xf32, #tpu.memory_space<vmem_shared>> -> memref<10000x64xf32, #tpu.memory_space<vmem_shared>>
    tpu.enqueue_indirect_dma source(%arg16 : memref<100x64xf32, #tpu.memory_space<vmem>>) target(%dma_start3A_137 : memref<10000x64xf32, #tpu.memory_space<vmem_shared>>) offsets(%dma_start3A_134 : memref<100xi32, #tpu.memory_space<vmem>>) semaphore(%arg27 : memref<!tpu.dma_semaphore, #tpu.memory_space<semaphore_mem>>) {add = true}
    %eq3A_138 = arith.constant 0 : i32
    %eq3A_139 = arith.cmpi eq, %arg0, %eq3A_138 : i32
    %convert_element_type3A_140 = arith.extui %eq3A_139 : i1 to i32
    %cond3A_141 = arith.constant 0 : i32
    %cond3A_142 = arith.cmpi ne, %convert_element_type3A_140, %cond3A_141 : i32
    scf.if %cond3A_142 {
      %dma_start3A_368 = arith.constant 2 : i32
      %dma_start3A_369 = arith.constant 0 : i32
      %dma_start3A_370 = tpu.memref_slice %arg13[%dma_start3A_368, %dma_start3A_369] : memref<200x100xi32, #tpu.memory_space<vmem>> -> memref<1x100xi32, #tpu.memory_space<vmem>>
      %dma_start3A_371 = tpu.memref_squeeze %dma_start3A_370 : memref<1x100xi32, #tpu.memory_space<vmem>> -> memref<100xi32, #tpu.memory_space<vmem>>
      %dma_start3A_372 = arith.constant 0 : i32
      %dma_start3A_373 = arith.constant 0 : i32
      %dma_start3A_374 = tpu.memref_slice %arg31[%dma_start3A_372, %dma_start3A_373] : memref<10000x8xf32, #tpu.memory_space<vmem_shared>> -> memref<10000x8xf32, #tpu.memory_space<vmem_shared>>
      tpu.enqueue_indirect_dma source(%arg18 : memref<100x8xf32, #tpu.memory_space<vmem>>) target(%dma_start3A_374 : memref<10000x8xf32, #tpu.memory_space<vmem_shared>>) offsets(%dma_start3A_371 : memref<100xi32, #tpu.memory_space<vmem>>) semaphore(%arg29 : memref<!tpu.dma_semaphore, #tpu.memory_space<semaphore_mem>>) {add = true}
    } else {
    }
    %eq3A_143 = arith.constant 0 : i32
    %eq3A_144 = arith.cmpi eq, %arg0, %eq3A_143 : i32
    %convert_element_type3A_145 = arith.extui %eq3A_144 : i1 to i32
    %cond3A_146 = arith.constant 0 : i32
    %cond3A_147 = arith.cmpi ne, %convert_element_type3A_145, %cond3A_146 : i32
    scf.if %cond3A_147 {
      %dma_start3A_368 = arith.constant 4 : i32
      %dma_start3A_369 = arith.constant 0 : i32
      %dma_start3A_370 = tpu.memref_slice %arg12[%dma_start3A_368, %dma_start3A_369] : memref<200x100xi32, #tpu.memory_space<vmem>> -> memref<1x100xi32, #tpu.memory_space<vmem>>
      %dma_start3A_371 = tpu.memref_squeeze %dma_start3A_370 : memref<1x100xi32, #tpu.memory_space<vmem>> -> memref<100xi32, #tpu.memory_space<vmem>>
      %dma_start3A_372 = arith.constant 0 : i32
      %dma_start3A_373 = arith.constant 0 : i32
      %dma_start3A_374 = tpu.memref_slice %arg2[%dma_start3A_372, %dma_start3A_373] : memref<10000x64xf32, #tpu.memory_space<hbm>> -> memref<10000x64xf32, #tpu.memory_space<hbm>>
      tpu.enqueue_indirect_dma source(%dma_start3A_374 : memref<10000x64xf32, #tpu.memory_space<hbm>>) target(%arg14 : memref<100x64xf32, #tpu.memory_space<vmem>>) offsets(%dma_start3A_371 : memref<100xi32, #tpu.memory_space<vmem>>) semaphore(%arg21 : memref<!tpu.dma_semaphore, #tpu.memory_space<semaphore_mem>>)
    } else {
    }
    %ne3A_148 = arith.constant 0 : i32
    %ne3A_149 = arith.cmpi ne, %arg0, %ne3A_148 : i32
    %convert_element_type3A_150 = arith.extui %ne3A_149 : i1 to i32
    %cond3A_151 = arith.constant 0 : i32
    %cond3A_152 = arith.cmpi ne, %convert_element_type3A_150, %cond3A_151 : i32
    scf.if %cond3A_152 {
      %dma_start3A_368 = arith.constant 4 : i32
      %dma_start3A_369 = arith.constant 0 : i32
      %dma_start3A_370 = tpu.memref_slice %arg12[%dma_start3A_368, %dma_start3A_369] : memref<200x100xi32, #tpu.memory_space<vmem>> -> memref<1x100xi32, #tpu.memory_space<vmem>>
      %dma_start3A_371 = tpu.memref_squeeze %dma_start3A_370 : memref<1x100xi32, #tpu.memory_space<vmem>> -> memref<100xi32, #tpu.memory_space<vmem>>
      %dma_start3A_372 = arith.constant 0 : i32
      %dma_start3A_373 = arith.constant 0 : i32
      %dma_start3A_374 = tpu.memref_slice %arg3[%dma_start3A_372, %dma_start3A_373] : memref<10000x64xf32, #tpu.memory_space<hbm>> -> memref<10000x64xf32, #tpu.memory_space<hbm>>
      tpu.enqueue_indirect_dma source(%dma_start3A_374 : memref<10000x64xf32, #tpu.memory_space<hbm>>) target(%arg14 : memref<100x64xf32, #tpu.memory_space<vmem>>) offsets(%dma_start3A_371 : memref<100xi32, #tpu.memory_space<vmem>>) semaphore(%arg21 : memref<!tpu.dma_semaphore, #tpu.memory_space<semaphore_mem>>)
    } else {
    }
    %dma_wait3A_153 = arith.constant 1 : i32
    %dma_wait3A_154 = arith.constant 0 : i32
    %dma_wait3A_155 = tpu.memref_slice %arg13[%dma_wait3A_153, %dma_wait3A_154] : memref<200x100xi32, #tpu.memory_space<vmem>> -> memref<1x100xi32, #tpu.memory_space<vmem>>
    %dma_wait3A_156 = tpu.memref_squeeze %dma_wait3A_155 : memref<1x100xi32, #tpu.memory_space<vmem>> -> memref<100xi32, #tpu.memory_space<vmem>>
    %dma_wait3A_157 = arith.constant 0 : i32
    %dma_wait3A_158 = arith.constant 0 : i32
    %dma_wait3A_159 = tpu.memref_slice %arg30[%dma_wait3A_157, %dma_wait3A_158] : memref<10000x64xf32, #tpu.memory_space<vmem_shared>> -> memref<10000x64xf32, #tpu.memory_space<vmem_shared>>
    tpu.wait_indirect_dma semaphore(%arg26 : memref<!tpu.dma_semaphore, #tpu.memory_space<semaphore_mem>>) src(%arg15 : memref<100x64xf32, #tpu.memory_space<vmem>>) dst(%dma_wait3A_159 : memref<10000x64xf32, #tpu.memory_space<vmem_shared>>)
    %eq3A_160 = arith.constant 0 : i32
    %eq3A_161 = arith.cmpi eq, %arg0, %eq3A_160 : i32
    %convert_element_type3A_162 = arith.extui %eq3A_161 : i1 to i32
    %cond3A_163 = arith.constant 0 : i32
    %cond3A_164 = arith.cmpi ne, %convert_element_type3A_162, %cond3A_163 : i32
    scf.if %cond3A_164 {
      %dma_wait3A_368 = arith.constant 3 : i32
      %dma_wait3A_369 = arith.constant 0 : i32
      %dma_wait3A_370 = tpu.memref_slice %arg12[%dma_wait3A_368, %dma_wait3A_369] : memref<200x100xi32, #tpu.memory_space<vmem>> -> memref<1x100xi32, #tpu.memory_space<vmem>>
      %dma_wait3A_371 = tpu.memref_squeeze %dma_wait3A_370 : memref<1x100xi32, #tpu.memory_space<vmem>> -> memref<100xi32, #tpu.memory_space<vmem>>
      %dma_wait3A_372 = arith.constant 0 : i32
      %dma_wait3A_373 = arith.constant 0 : i32
      %dma_wait3A_374 = tpu.memref_slice %arg2[%dma_wait3A_372, %dma_wait3A_373] : memref<10000x64xf32, #tpu.memory_space<hbm>> -> memref<10000x64xf32, #tpu.memory_space<hbm>>
      tpu.wait_indirect_dma semaphore(%arg24 : memref<!tpu.dma_semaphore, #tpu.memory_space<semaphore_mem>>) src(%dma_wait3A_374 : memref<10000x64xf32, #tpu.memory_space<hbm>>) dst(%arg17 : memref<100x64xf32, #tpu.memory_space<vmem>>)
    } else {
    }
    %ne3A_165 = arith.constant 0 : i32
    %ne3A_166 = arith.cmpi ne, %arg0, %ne3A_165 : i32
    %convert_element_type3A_167 = arith.extui %ne3A_166 : i1 to i32
    %cond3A_168 = arith.constant 0 : i32
    %cond3A_169 = arith.cmpi ne, %convert_element_type3A_167, %cond3A_168 : i32
    scf.if %cond3A_169 {
      %dma_wait3A_368 = arith.constant 3 : i32
      %dma_wait3A_369 = arith.constant 0 : i32
      %dma_wait3A_370 = tpu.memref_slice %arg12[%dma_wait3A_368, %dma_wait3A_369] : memref<200x100xi32, #tpu.memory_space<vmem>> -> memref<1x100xi32, #tpu.memory_space<vmem>>
      %dma_wait3A_371 = tpu.memref_squeeze %dma_wait3A_370 : memref<1x100xi32, #tpu.memory_space<vmem>> -> memref<100xi32, #tpu.memory_space<vmem>>
      %dma_wait3A_372 = arith.constant 0 : i32
      %dma_wait3A_373 = arith.constant 0 : i32
      %dma_wait3A_374 = tpu.memref_slice %arg3[%dma_wait3A_372, %dma_wait3A_373] : memref<10000x64xf32, #tpu.memory_space<hbm>> -> memref<10000x64xf32, #tpu.memory_space<hbm>>
      tpu.wait_indirect_dma semaphore(%arg24 : memref<!tpu.dma_semaphore, #tpu.memory_space<semaphore_mem>>) src(%dma_wait3A_374 : memref<10000x64xf32, #tpu.memory_space<hbm>>) dst(%arg17 : memref<100x64xf32, #tpu.memory_space<vmem>>)
    } else {
    }
    %dma_start3A_170 = arith.constant 3 : i32
    %dma_start3A_171 = arith.constant 0 : i32
    %dma_start3A_172 = tpu.memref_slice %arg13[%dma_start3A_170, %dma_start3A_171] : memref<200x100xi32, #tpu.memory_space<vmem>> -> memref<1x100xi32, #tpu.memory_space<vmem>>
    %dma_start3A_173 = tpu.memref_squeeze %dma_start3A_172 : memref<1x100xi32, #tpu.memory_space<vmem>> -> memref<100xi32, #tpu.memory_space<vmem>>
    %dma_start3A_174 = arith.constant 0 : i32
    %dma_start3A_175 = arith.constant 0 : i32
    %dma_start3A_176 = tpu.memref_slice %arg30[%dma_start3A_174, %dma_start3A_175] : memref<10000x64xf32, #tpu.memory_space<vmem_shared>> -> memref<10000x64xf32, #tpu.memory_space<vmem_shared>>
    tpu.enqueue_indirect_dma source(%arg17 : memref<100x64xf32, #tpu.memory_space<vmem>>) target(%dma_start3A_176 : memref<10000x64xf32, #tpu.memory_space<vmem_shared>>) offsets(%dma_start3A_173 : memref<100xi32, #tpu.memory_space<vmem>>) semaphore(%arg28 : memref<!tpu.dma_semaphore, #tpu.memory_space<semaphore_mem>>) {add = true}
    %eq3A_177 = arith.constant 0 : i32
    %eq3A_178 = arith.cmpi eq, %arg0, %eq3A_177 : i32
    %convert_element_type3A_179 = arith.extui %eq3A_178 : i1 to i32
    %cond3A_180 = arith.constant 0 : i32
    %cond3A_181 = arith.cmpi ne, %convert_element_type3A_179, %cond3A_180 : i32
    scf.if %cond3A_181 {
      %dma_start3A_368 = arith.constant 3 : i32
      %dma_start3A_369 = arith.constant 0 : i32
      %dma_start3A_370 = tpu.memref_slice %arg13[%dma_start3A_368, %dma_start3A_369] : memref<200x100xi32, #tpu.memory_space<vmem>> -> memref<1x100xi32, #tpu.memory_space<vmem>>
      %dma_start3A_371 = tpu.memref_squeeze %dma_start3A_370 : memref<1x100xi32, #tpu.memory_space<vmem>> -> memref<100xi32, #tpu.memory_space<vmem>>
      %dma_start3A_372 = arith.constant 0 : i32
      %dma_start3A_373 = arith.constant 0 : i32
      %dma_start3A_374 = tpu.memref_slice %arg31[%dma_start3A_372, %dma_start3A_373] : memref<10000x8xf32, #tpu.memory_space<vmem_shared>> -> memref<10000x8xf32, #tpu.memory_space<vmem_shared>>
      tpu.enqueue_indirect_dma source(%arg18 : memref<100x8xf32, #tpu.memory_space<vmem>>) target(%dma_start3A_374 : memref<10000x8xf32, #tpu.memory_space<vmem_shared>>) offsets(%dma_start3A_371 : memref<100xi32, #tpu.memory_space<vmem>>) semaphore(%arg29 : memref<!tpu.dma_semaphore, #tpu.memory_space<semaphore_mem>>) {add = true}
    } else {
    }
    %eq3A_182 = arith.constant 0 : i32
    %eq3A_183 = arith.cmpi eq, %arg0, %eq3A_182 : i32
    %convert_element_type3A_184 = arith.extui %eq3A_183 : i1 to i32
    %cond3A_185 = arith.constant 0 : i32
    %cond3A_186 = arith.cmpi ne, %convert_element_type3A_184, %cond3A_185 : i32
    scf.if %cond3A_186 {
      %dma_start3A_368 = arith.constant 5 : i32
      %dma_start3A_369 = arith.constant 0 : i32
      %dma_start3A_370 = tpu.memref_slice %arg12[%dma_start3A_368, %dma_start3A_369] : memref<200x100xi32, #tpu.memory_space<vmem>> -> memref<1x100xi32, #tpu.memory_space<vmem>>
      %dma_start3A_371 = tpu.memref_squeeze %dma_start3A_370 : memref<1x100xi32, #tpu.memory_space<vmem>> -> memref<100xi32, #tpu.memory_space<vmem>>
      %dma_start3A_372 = arith.constant 0 : i32
      %dma_start3A_373 = arith.constant 0 : i32
      %dma_start3A_374 = tpu.memref_slice %arg2[%dma_start3A_372, %dma_start3A_373] : memref<10000x64xf32, #tpu.memory_space<hbm>> -> memref<10000x64xf32, #tpu.memory_space<hbm>>
      tpu.enqueue_indirect_dma source(%dma_start3A_374 : memref<10000x64xf32, #tpu.memory_space<hbm>>) target(%arg15 : memref<100x64xf32, #tpu.memory_space<vmem>>) offsets(%dma_start3A_371 : memref<100xi32, #tpu.memory_space<vmem>>) semaphore(%arg22 : memref<!tpu.dma_semaphore, #tpu.memory_space<semaphore_mem>>)
    } else {
    }
    %ne3A_187 = arith.constant 0 : i32
    %ne3A_188 = arith.cmpi ne, %arg0, %ne3A_187 : i32
    %convert_element_type3A_189 = arith.extui %ne3A_188 : i1 to i32
    %cond3A_190 = arith.constant 0 : i32
    %cond3A_191 = arith.cmpi ne, %convert_element_type3A_189, %cond3A_190 : i32
    scf.if %cond3A_191 {
      %dma_start3A_368 = arith.constant 5 : i32
      %dma_start3A_369 = arith.constant 0 : i32
      %dma_start3A_370 = tpu.memref_slice %arg12[%dma_start3A_368, %dma_start3A_369] : memref<200x100xi32, #tpu.memory_space<vmem>> -> memref<1x100xi32, #tpu.memory_space<vmem>>
      %dma_start3A_371 = tpu.memref_squeeze %dma_start3A_370 : memref<1x100xi32, #tpu.memory_space<vmem>> -> memref<100xi32, #tpu.memory_space<vmem>>
      %dma_start3A_372 = arith.constant 0 : i32
      %dma_start3A_373 = arith.constant 0 : i32
      %dma_start3A_374 = tpu.memref_slice %arg3[%dma_start3A_372, %dma_start3A_373] : memref<10000x64xf32, #tpu.memory_space<hbm>> -> memref<10000x64xf32, #tpu.memory_space<hbm>>
      tpu.enqueue_indirect_dma source(%dma_start3A_374 : memref<10000x64xf32, #tpu.memory_space<hbm>>) target(%arg15 : memref<100x64xf32, #tpu.memory_space<vmem>>) offsets(%dma_start3A_371 : memref<100xi32, #tpu.memory_space<vmem>>) semaphore(%arg22 : memref<!tpu.dma_semaphore, #tpu.memory_space<semaphore_mem>>)
    } else {
    }
    %scan3A = arith.constant 0 : i32
    %scan3A_192 = arith.constant 1 : i32
    %scan3A_193 = arith.constant 48 : i32
    %scan3A_194 = arith.addi %scan3A_192, %scan3A_193 : i32
    %scan3A_195 = arith.constant 1 : i32
    scf.for %scan3A_368 = %scan3A_192 to %scan3A_194 step %scan3A_195  : i32 {
      %mul3A_369 = arith.constant 4 : i32
      %mul3A_370 = arith.muli %scan3A_368, %mul3A_369 : i32
      %add3A_371 = arith.constant 0 : i32
      %add3A_372 = arith.addi %mul3A_370, %add3A_371 : i32
      %sub3A = arith.constant 2 : i32
      %sub3A_373 = arith.subi %add3A_372, %sub3A : i32
      %dma_wait3A_374 = arith.constant 0 : i32
      %dma_wait3A_375 = tpu.memref_slice %arg13[%sub3A_373, %dma_wait3A_374] : memref<200x100xi32, #tpu.memory_space<vmem>> -> memref<1x100xi32, #tpu.memory_space<vmem>>
      %dma_wait3A_376 = tpu.memref_squeeze %dma_wait3A_375 : memref<1x100xi32, #tpu.memory_space<vmem>> -> memref<100xi32, #tpu.memory_space<vmem>>
      %dma_wait3A_377 = arith.constant 0 : i32
      %dma_wait3A_378 = arith.constant 0 : i32
      %dma_wait3A_379 = tpu.memref_slice %arg30[%dma_wait3A_377, %dma_wait3A_378] : memref<10000x64xf32, #tpu.memory_space<vmem_shared>> -> memref<10000x64xf32, #tpu.memory_space<vmem_shared>>
      tpu.wait_indirect_dma semaphore(%arg27 : memref<!tpu.dma_semaphore, #tpu.memory_space<semaphore_mem>>) src(%arg16 : memref<100x64xf32, #tpu.memory_space<vmem>>) dst(%dma_wait3A_379 : memref<10000x64xf32, #tpu.memory_space<vmem_shared>>)
      %eq3A_380 = arith.constant 0 : i32
      %eq3A_381 = arith.cmpi eq, %arg0, %eq3A_380 : i32
      %convert_element_type3A_382 = arith.extui %eq3A_381 : i1 to i32
      %cond3A_383 = arith.constant 0 : i32
      %cond3A_384 = arith.cmpi ne, %convert_element_type3A_382, %cond3A_383 : i32
      scf.if %cond3A_384 {
        %dma_wait3A_548 = arith.constant 0 : i32
        %dma_wait3A_549 = tpu.memref_slice %arg12[%add3A_372, %dma_wait3A_548] : memref<200x100xi32, #tpu.memory_space<vmem>> -> memref<1x100xi32, #tpu.memory_space<vmem>>
        %dma_wait3A_550 = tpu.memref_squeeze %dma_wait3A_549 : memref<1x100xi32, #tpu.memory_space<vmem>> -> memref<100xi32, #tpu.memory_space<vmem>>
        %dma_wait3A_551 = arith.constant 0 : i32
        %dma_wait3A_552 = arith.constant 0 : i32
        %dma_wait3A_553 = tpu.memref_slice %arg2[%dma_wait3A_551, %dma_wait3A_552] : memref<10000x64xf32, #tpu.memory_space<hbm>> -> memref<10000x64xf32, #tpu.memory_space<hbm>>
        tpu.wait_indirect_dma semaphore(%arg21 : memref<!tpu.dma_semaphore, #tpu.memory_space<semaphore_mem>>) src(%dma_wait3A_553 : memref<10000x64xf32, #tpu.memory_space<hbm>>) dst(%arg14 : memref<100x64xf32, #tpu.memory_space<vmem>>)
      } else {
      }
      %ne3A_385 = arith.constant 0 : i32
      %ne3A_386 = arith.cmpi ne, %arg0, %ne3A_385 : i32
      %convert_element_type3A_387 = arith.extui %ne3A_386 : i1 to i32
      %cond3A_388 = arith.constant 0 : i32
      %cond3A_389 = arith.cmpi ne, %convert_element_type3A_387, %cond3A_388 : i32
      scf.if %cond3A_389 {
        %dma_wait3A_548 = arith.constant 0 : i32
        %dma_wait3A_549 = tpu.memref_slice %arg12[%add3A_372, %dma_wait3A_548] : memref<200x100xi32, #tpu.memory_space<vmem>> -> memref<1x100xi32, #tpu.memory_space<vmem>>
        %dma_wait3A_550 = tpu.memref_squeeze %dma_wait3A_549 : memref<1x100xi32, #tpu.memory_space<vmem>> -> memref<100xi32, #tpu.memory_space<vmem>>
        %dma_wait3A_551 = arith.constant 0 : i32
        %dma_wait3A_552 = arith.constant 0 : i32
        %dma_wait3A_553 = tpu.memref_slice %arg3[%dma_wait3A_551, %dma_wait3A_552] : memref<10000x64xf32, #tpu.memory_space<hbm>> -> memref<10000x64xf32, #tpu.memory_space<hbm>>
        tpu.wait_indirect_dma semaphore(%arg21 : memref<!tpu.dma_semaphore, #tpu.memory_space<semaphore_mem>>) src(%dma_wait3A_553 : memref<10000x64xf32, #tpu.memory_space<hbm>>) dst(%arg14 : memref<100x64xf32, #tpu.memory_space<vmem>>)
      } else {
      }
      %dma_start3A_390 = arith.constant 0 : i32
      %dma_start3A_391 = tpu.memref_slice %arg13[%add3A_372, %dma_start3A_390] : memref<200x100xi32, #tpu.memory_space<vmem>> -> memref<1x100xi32, #tpu.memory_space<vmem>>
      %dma_start3A_392 = tpu.memref_squeeze %dma_start3A_391 : memref<1x100xi32, #tpu.memory_space<vmem>> -> memref<100xi32, #tpu.memory_space<vmem>>
      %dma_start3A_393 = arith.constant 0 : i32
      %dma_start3A_394 = arith.constant 0 : i32
      %dma_start3A_395 = tpu.memref_slice %arg30[%dma_start3A_393, %dma_start3A_394] : memref<10000x64xf32, #tpu.memory_space<vmem_shared>> -> memref<10000x64xf32, #tpu.memory_space<vmem_shared>>
      tpu.enqueue_indirect_dma source(%arg14 : memref<100x64xf32, #tpu.memory_space<vmem>>) target(%dma_start3A_395 : memref<10000x64xf32, #tpu.memory_space<vmem_shared>>) offsets(%dma_start3A_392 : memref<100xi32, #tpu.memory_space<vmem>>) semaphore(%arg25 : memref<!tpu.dma_semaphore, #tpu.memory_space<semaphore_mem>>) {add = true}
      %eq3A_396 = arith.constant 0 : i32
      %eq3A_397 = arith.cmpi eq, %arg0, %eq3A_396 : i32
      %convert_element_type3A_398 = arith.extui %eq3A_397 : i1 to i32
      %cond3A_399 = arith.constant 0 : i32
      %cond3A_400 = arith.cmpi ne, %convert_element_type3A_398, %cond3A_399 : i32
      scf.if %cond3A_400 {
        %dma_start3A_548 = arith.constant 0 : i32
        %dma_start3A_549 = tpu.memref_slice %arg13[%add3A_372, %dma_start3A_548] : memref<200x100xi32, #tpu.memory_space<vmem>> -> memref<1x100xi32, #tpu.memory_space<vmem>>
        %dma_start3A_550 = tpu.memref_squeeze %dma_start3A_549 : memref<1x100xi32, #tpu.memory_space<vmem>> -> memref<100xi32, #tpu.memory_space<vmem>>
        %dma_start3A_551 = arith.constant 0 : i32
        %dma_start3A_552 = arith.constant 0 : i32
        %dma_start3A_553 = tpu.memref_slice %arg31[%dma_start3A_551, %dma_start3A_552] : memref<10000x8xf32, #tpu.memory_space<vmem_shared>> -> memref<10000x8xf32, #tpu.memory_space<vmem_shared>>
        tpu.enqueue_indirect_dma source(%arg18 : memref<100x8xf32, #tpu.memory_space<vmem>>) target(%dma_start3A_553 : memref<10000x8xf32, #tpu.memory_space<vmem_shared>>) offsets(%dma_start3A_550 : memref<100xi32, #tpu.memory_space<vmem>>) semaphore(%arg29 : memref<!tpu.dma_semaphore, #tpu.memory_space<semaphore_mem>>) {add = true}
      } else {
      }
      %add3A_401 = arith.constant 2 : i32
      %add3A_402 = arith.addi %add3A_372, %add3A_401 : i32
      %eq3A_403 = arith.constant 0 : i32
      %eq3A_404 = arith.cmpi eq, %arg0, %eq3A_403 : i32
      %convert_element_type3A_405 = arith.extui %eq3A_404 : i1 to i32
      %cond3A_406 = arith.constant 0 : i32
      %cond3A_407 = arith.cmpi ne, %convert_element_type3A_405, %cond3A_406 : i32
      scf.if %cond3A_407 {
        %dma_start3A_548 = arith.constant 0 : i32
        %dma_start3A_549 = tpu.memref_slice %arg12[%add3A_402, %dma_start3A_548] : memref<200x100xi32, #tpu.memory_space<vmem>> -> memref<1x100xi32, #tpu.memory_space<vmem>>
        %dma_start3A_550 = tpu.memref_squeeze %dma_start3A_549 : memref<1x100xi32, #tpu.memory_space<vmem>> -> memref<100xi32, #tpu.memory_space<vmem>>
        %dma_start3A_551 = arith.constant 0 : i32
        %dma_start3A_552 = arith.constant 0 : i32
        %dma_start3A_553 = tpu.memref_slice %arg2[%dma_start3A_551, %dma_start3A_552] : memref<10000x64xf32, #tpu.memory_space<hbm>> -> memref<10000x64xf32, #tpu.memory_space<hbm>>
        tpu.enqueue_indirect_dma source(%dma_start3A_553 : memref<10000x64xf32, #tpu.memory_space<hbm>>) target(%arg16 : memref<100x64xf32, #tpu.memory_space<vmem>>) offsets(%dma_start3A_550 : memref<100xi32, #tpu.memory_space<vmem>>) semaphore(%arg23 : memref<!tpu.dma_semaphore, #tpu.memory_space<semaphore_mem>>)
      } else {
      }
      %ne3A_408 = arith.constant 0 : i32
      %ne3A_409 = arith.cmpi ne, %arg0, %ne3A_408 : i32
      %convert_element_type3A_410 = arith.extui %ne3A_409 : i1 to i32
      %cond3A_411 = arith.constant 0 : i32
      %cond3A_412 = arith.cmpi ne, %convert_element_type3A_410, %cond3A_411 : i32
      scf.if %cond3A_412 {
        %dma_start3A_548 = arith.constant 0 : i32
        %dma_start3A_549 = tpu.memref_slice %arg12[%add3A_402, %dma_start3A_548] : memref<200x100xi32, #tpu.memory_space<vmem>> -> memref<1x100xi32, #tpu.memory_space<vmem>>
        %dma_start3A_550 = tpu.memref_squeeze %dma_start3A_549 : memref<1x100xi32, #tpu.memory_space<vmem>> -> memref<100xi32, #tpu.memory_space<vmem>>
        %dma_start3A_551 = arith.constant 0 : i32
        %dma_start3A_552 = arith.constant 0 : i32
        %dma_start3A_553 = tpu.memref_slice %arg3[%dma_start3A_551, %dma_start3A_552] : memref<10000x64xf32, #tpu.memory_space<hbm>> -> memref<10000x64xf32, #tpu.memory_space<hbm>>
        tpu.enqueue_indirect_dma source(%dma_start3A_553 : memref<10000x64xf32, #tpu.memory_space<hbm>>) target(%arg16 : memref<100x64xf32, #tpu.memory_space<vmem>>) offsets(%dma_start3A_550 : memref<100xi32, #tpu.memory_space<vmem>>) semaphore(%arg23 : memref<!tpu.dma_semaphore, #tpu.memory_space<semaphore_mem>>)
      } else {
      }
      %mul3A_413 = arith.constant 4 : i32
      %mul3A_414 = arith.muli %scan3A_368, %mul3A_413 : i32
      %add3A_415 = arith.constant 1 : i32
      %add3A_416 = arith.addi %mul3A_414, %add3A_415 : i32
      %sub3A_417 = arith.constant 2 : i32
      %sub3A_418 = arith.subi %add3A_416, %sub3A_417 : i32
      %dma_wait3A_419 = arith.constant 0 : i32
      %dma_wait3A_420 = tpu.memref_slice %arg13[%sub3A_418, %dma_wait3A_419] : memref<200x100xi32, #tpu.memory_space<vmem>> -> memref<1x100xi32, #tpu.memory_space<vmem>>
      %dma_wait3A_421 = tpu.memref_squeeze %dma_wait3A_420 : memref<1x100xi32, #tpu.memory_space<vmem>> -> memref<100xi32, #tpu.memory_space<vmem>>
      %dma_wait3A_422 = arith.constant 0 : i32
      %dma_wait3A_423 = arith.constant 0 : i32
      %dma_wait3A_424 = tpu.memref_slice %arg30[%dma_wait3A_422, %dma_wait3A_423] : memref<10000x64xf32, #tpu.memory_space<vmem_shared>> -> memref<10000x64xf32, #tpu.memory_space<vmem_shared>>
      tpu.wait_indirect_dma semaphore(%arg28 : memref<!tpu.dma_semaphore, #tpu.memory_space<semaphore_mem>>) src(%arg17 : memref<100x64xf32, #tpu.memory_space<vmem>>) dst(%dma_wait3A_424 : memref<10000x64xf32, #tpu.memory_space<vmem_shared>>)
      %eq3A_425 = arith.constant 0 : i32
      %eq3A_426 = arith.cmpi eq, %arg0, %eq3A_425 : i32
      %convert_element_type3A_427 = arith.extui %eq3A_426 : i1 to i32
      %cond3A_428 = arith.constant 0 : i32
      %cond3A_429 = arith.cmpi ne, %convert_element_type3A_427, %cond3A_428 : i32
      scf.if %cond3A_429 {
        %dma_wait3A_548 = arith.constant 0 : i32
        %dma_wait3A_549 = tpu.memref_slice %arg12[%add3A_416, %dma_wait3A_548] : memref<200x100xi32, #tpu.memory_space<vmem>> -> memref<1x100xi32, #tpu.memory_space<vmem>>
        %dma_wait3A_550 = tpu.memref_squeeze %dma_wait3A_549 : memref<1x100xi32, #tpu.memory_space<vmem>> -> memref<100xi32, #tpu.memory_space<vmem>>
        %dma_wait3A_551 = arith.constant 0 : i32
        %dma_wait3A_552 = arith.constant 0 : i32
        %dma_wait3A_553 = tpu.memref_slice %arg2[%dma_wait3A_551, %dma_wait3A_552] : memref<10000x64xf32, #tpu.memory_space<hbm>> -> memref<10000x64xf32, #tpu.memory_space<hbm>>
        tpu.wait_indirect_dma semaphore(%arg22 : memref<!tpu.dma_semaphore, #tpu.memory_space<semaphore_mem>>) src(%dma_wait3A_553 : memref<10000x64xf32, #tpu.memory_space<hbm>>) dst(%arg15 : memref<100x64xf32, #tpu.memory_space<vmem>>)
      } else {
      }
      %ne3A_430 = arith.constant 0 : i32
      %ne3A_431 = arith.cmpi ne, %arg0, %ne3A_430 : i32
      %convert_element_type3A_432 = arith.extui %ne3A_431 : i1 to i32
      %cond3A_433 = arith.constant 0 : i32
      %cond3A_434 = arith.cmpi ne, %convert_element_type3A_432, %cond3A_433 : i32
      scf.if %cond3A_434 {
        %dma_wait3A_548 = arith.constant 0 : i32
        %dma_wait3A_549 = tpu.memref_slice %arg12[%add3A_416, %dma_wait3A_548] : memref<200x100xi32, #tpu.memory_space<vmem>> -> memref<1x100xi32, #tpu.memory_space<vmem>>
        %dma_wait3A_550 = tpu.memref_squeeze %dma_wait3A_549 : memref<1x100xi32, #tpu.memory_space<vmem>> -> memref<100xi32, #tpu.memory_space<vmem>>
        %dma_wait3A_551 = arith.constant 0 : i32
        %dma_wait3A_552 = arith.constant 0 : i32
        %dma_wait3A_553 = tpu.memref_slice %arg3[%dma_wait3A_551, %dma_wait3A_552] : memref<10000x64xf32, #tpu.memory_space<hbm>> -> memref<10000x64xf32, #tpu.memory_space<hbm>>
        tpu.wait_indirect_dma semaphore(%arg22 : memref<!tpu.dma_semaphore, #tpu.memory_space<semaphore_mem>>) src(%dma_wait3A_553 : memref<10000x64xf32, #tpu.memory_space<hbm>>) dst(%arg15 : memref<100x64xf32, #tpu.memory_space<vmem>>)
      } else {
      }
      %dma_start3A_435 = arith.constant 0 : i32
      %dma_start3A_436 = tpu.memref_slice %arg13[%add3A_416, %dma_start3A_435] : memref<200x100xi32, #tpu.memory_space<vmem>> -> memref<1x100xi32, #tpu.memory_space<vmem>>
      %dma_start3A_437 = tpu.memref_squeeze %dma_start3A_436 : memref<1x100xi32, #tpu.memory_space<vmem>> -> memref<100xi32, #tpu.memory_space<vmem>>
      %dma_start3A_438 = arith.constant 0 : i32
      %dma_start3A_439 = arith.constant 0 : i32
      %dma_start3A_440 = tpu.memref_slice %arg30[%dma_start3A_438, %dma_start3A_439] : memref<10000x64xf32, #tpu.memory_space<vmem_shared>> -> memref<10000x64xf32, #tpu.memory_space<vmem_shared>>
      tpu.enqueue_indirect_dma source(%arg15 : memref<100x64xf32, #tpu.memory_space<vmem>>) target(%dma_start3A_440 : memref<10000x64xf32, #tpu.memory_space<vmem_shared>>) offsets(%dma_start3A_437 : memref<100xi32, #tpu.memory_space<vmem>>) semaphore(%arg26 : memref<!tpu.dma_semaphore, #tpu.memory_space<semaphore_mem>>) {add = true}
      %eq3A_441 = arith.constant 0 : i32
      %eq3A_442 = arith.cmpi eq, %arg0, %eq3A_441 : i32
      %convert_element_type3A_443 = arith.extui %eq3A_442 : i1 to i32
      %cond3A_444 = arith.constant 0 : i32
      %cond3A_445 = arith.cmpi ne, %convert_element_type3A_443, %cond3A_444 : i32
      scf.if %cond3A_445 {
        %dma_start3A_548 = arith.constant 0 : i32
        %dma_start3A_549 = tpu.memref_slice %arg13[%add3A_416, %dma_start3A_548] : memref<200x100xi32, #tpu.memory_space<vmem>> -> memref<1x100xi32, #tpu.memory_space<vmem>>
        %dma_start3A_550 = tpu.memref_squeeze %dma_start3A_549 : memref<1x100xi32, #tpu.memory_space<vmem>> -> memref<100xi32, #tpu.memory_space<vmem>>
        %dma_start3A_551 = arith.constant 0 : i32
        %dma_start3A_552 = arith.constant 0 : i32
        %dma_start3A_553 = tpu.memref_slice %arg31[%dma_start3A_551, %dma_start3A_552] : memref<10000x8xf32, #tpu.memory_space<vmem_shared>> -> memref<10000x8xf32, #tpu.memory_space<vmem_shared>>
        tpu.enqueue_indirect_dma source(%arg18 : memref<100x8xf32, #tpu.memory_space<vmem>>) target(%dma_start3A_553 : memref<10000x8xf32, #tpu.memory_space<vmem_shared>>) offsets(%dma_start3A_550 : memref<100xi32, #tpu.memory_space<vmem>>) semaphore(%arg29 : memref<!tpu.dma_semaphore, #tpu.memory_space<semaphore_mem>>) {add = true}
      } else {
      }
      %add3A_446 = arith.constant 2 : i32
      %add3A_447 = arith.addi %add3A_416, %add3A_446 : i32
      %eq3A_448 = arith.constant 0 : i32
      %eq3A_449 = arith.cmpi eq, %arg0, %eq3A_448 : i32
      %convert_element_type3A_450 = arith.extui %eq3A_449 : i1 to i32
      %cond3A_451 = arith.constant 0 : i32
      %cond3A_452 = arith.cmpi ne, %convert_element_type3A_450, %cond3A_451 : i32
      scf.if %cond3A_452 {
        %dma_start3A_548 = arith.constant 0 : i32
        %dma_start3A_549 = tpu.memref_slice %arg12[%add3A_447, %dma_start3A_548] : memref<200x100xi32, #tpu.memory_space<vmem>> -> memref<1x100xi32, #tpu.memory_space<vmem>>
        %dma_start3A_550 = tpu.memref_squeeze %dma_start3A_549 : memref<1x100xi32, #tpu.memory_space<vmem>> -> memref<100xi32, #tpu.memory_space<vmem>>
        %dma_start3A_551 = arith.constant 0 : i32
        %dma_start3A_552 = arith.constant 0 : i32
        %dma_start3A_553 = tpu.memref_slice %arg2[%dma_start3A_551, %dma_start3A_552] : memref<10000x64xf32, #tpu.memory_space<hbm>> -> memref<10000x64xf32, #tpu.memory_space<hbm>>
        tpu.enqueue_indirect_dma source(%dma_start3A_553 : memref<10000x64xf32, #tpu.memory_space<hbm>>) target(%arg17 : memref<100x64xf32, #tpu.memory_space<vmem>>) offsets(%dma_start3A_550 : memref<100xi32, #tpu.memory_space<vmem>>) semaphore(%arg24 : memref<!tpu.dma_semaphore, #tpu.memory_space<semaphore_mem>>)
      } else {
      }
      %ne3A_453 = arith.constant 0 : i32
      %ne3A_454 = arith.cmpi ne, %arg0, %ne3A_453 : i32
      %convert_element_type3A_455 = arith.extui %ne3A_454 : i1 to i32
      %cond3A_456 = arith.constant 0 : i32
      %cond3A_457 = arith.cmpi ne, %convert_element_type3A_455, %cond3A_456 : i32
      scf.if %cond3A_457 {
        %dma_start3A_548 = arith.constant 0 : i32
        %dma_start3A_549 = tpu.memref_slice %arg12[%add3A_447, %dma_start3A_548] : memref<200x100xi32, #tpu.memory_space<vmem>> -> memref<1x100xi32, #tpu.memory_space<vmem>>
        %dma_start3A_550 = tpu.memref_squeeze %dma_start3A_549 : memref<1x100xi32, #tpu.memory_space<vmem>> -> memref<100xi32, #tpu.memory_space<vmem>>
        %dma_start3A_551 = arith.constant 0 : i32
        %dma_start3A_552 = arith.constant 0 : i32
        %dma_start3A_553 = tpu.memref_slice %arg3[%dma_start3A_551, %dma_start3A_552] : memref<10000x64xf32, #tpu.memory_space<hbm>> -> memref<10000x64xf32, #tpu.memory_space<hbm>>
        tpu.enqueue_indirect_dma source(%dma_start3A_553 : memref<10000x64xf32, #tpu.memory_space<hbm>>) target(%arg17 : memref<100x64xf32, #tpu.memory_space<vmem>>) offsets(%dma_start3A_550 : memref<100xi32, #tpu.memory_space<vmem>>) semaphore(%arg24 : memref<!tpu.dma_semaphore, #tpu.memory_space<semaphore_mem>>)
      } else {
      }
      %mul3A_458 = arith.constant 4 : i32
      %mul3A_459 = arith.muli %scan3A_368, %mul3A_458 : i32
      %add3A_460 = arith.constant 2 : i32
      %add3A_461 = arith.addi %mul3A_459, %add3A_460 : i32
      %sub3A_462 = arith.constant 2 : i32
      %sub3A_463 = arith.subi %add3A_461, %sub3A_462 : i32
      %dma_wait3A_464 = arith.constant 0 : i32
      %dma_wait3A_465 = tpu.memref_slice %arg13[%sub3A_463, %dma_wait3A_464] : memref<200x100xi32, #tpu.memory_space<vmem>> -> memref<1x100xi32, #tpu.memory_space<vmem>>
      %dma_wait3A_466 = tpu.memref_squeeze %dma_wait3A_465 : memref<1x100xi32, #tpu.memory_space<vmem>> -> memref<100xi32, #tpu.memory_space<vmem>>
      %dma_wait3A_467 = arith.constant 0 : i32
      %dma_wait3A_468 = arith.constant 0 : i32
      %dma_wait3A_469 = tpu.memref_slice %arg30[%dma_wait3A_467, %dma_wait3A_468] : memref<10000x64xf32, #tpu.memory_space<vmem_shared>> -> memref<10000x64xf32, #tpu.memory_space<vmem_shared>>
      tpu.wait_indirect_dma semaphore(%arg25 : memref<!tpu.dma_semaphore, #tpu.memory_space<semaphore_mem>>) src(%arg14 : memref<100x64xf32, #tpu.memory_space<vmem>>) dst(%dma_wait3A_469 : memref<10000x64xf32, #tpu.memory_space<vmem_shared>>)
      %eq3A_470 = arith.constant 0 : i32
      %eq3A_471 = arith.cmpi eq, %arg0, %eq3A_470 : i32
      %convert_element_type3A_472 = arith.extui %eq3A_471 : i1 to i32
      %cond3A_473 = arith.constant 0 : i32
      %cond3A_474 = arith.cmpi ne, %convert_element_type3A_472, %cond3A_473 : i32
      scf.if %cond3A_474 {
        %dma_wait3A_548 = arith.constant 0 : i32
        %dma_wait3A_549 = tpu.memref_slice %arg12[%add3A_461, %dma_wait3A_548] : memref<200x100xi32, #tpu.memory_space<vmem>> -> memref<1x100xi32, #tpu.memory_space<vmem>>
        %dma_wait3A_550 = tpu.memref_squeeze %dma_wait3A_549 : memref<1x100xi32, #tpu.memory_space<vmem>> -> memref<100xi32, #tpu.memory_space<vmem>>
        %dma_wait3A_551 = arith.constant 0 : i32
        %dma_wait3A_552 = arith.constant 0 : i32
        %dma_wait3A_553 = tpu.memref_slice %arg2[%dma_wait3A_551, %dma_wait3A_552] : memref<10000x64xf32, #tpu.memory_space<hbm>> -> memref<10000x64xf32, #tpu.memory_space<hbm>>
        tpu.wait_indirect_dma semaphore(%arg23 : memref<!tpu.dma_semaphore, #tpu.memory_space<semaphore_mem>>) src(%dma_wait3A_553 : memref<10000x64xf32, #tpu.memory_space<hbm>>) dst(%arg16 : memref<100x64xf32, #tpu.memory_space<vmem>>)
      } else {
      }
      %ne3A_475 = arith.constant 0 : i32
      %ne3A_476 = arith.cmpi ne, %arg0, %ne3A_475 : i32
      %convert_element_type3A_477 = arith.extui %ne3A_476 : i1 to i32
      %cond3A_478 = arith.constant 0 : i32
      %cond3A_479 = arith.cmpi ne, %convert_element_type3A_477, %cond3A_478 : i32
      scf.if %cond3A_479 {
        %dma_wait3A_548 = arith.constant 0 : i32
        %dma_wait3A_549 = tpu.memref_slice %arg12[%add3A_461, %dma_wait3A_548] : memref<200x100xi32, #tpu.memory_space<vmem>> -> memref<1x100xi32, #tpu.memory_space<vmem>>
        %dma_wait3A_550 = tpu.memref_squeeze %dma_wait3A_549 : memref<1x100xi32, #tpu.memory_space<vmem>> -> memref<100xi32, #tpu.memory_space<vmem>>
        %dma_wait3A_551 = arith.constant 0 : i32
        %dma_wait3A_552 = arith.constant 0 : i32
        %dma_wait3A_553 = tpu.memref_slice %arg3[%dma_wait3A_551, %dma_wait3A_552] : memref<10000x64xf32, #tpu.memory_space<hbm>> -> memref<10000x64xf32, #tpu.memory_space<hbm>>
        tpu.wait_indirect_dma semaphore(%arg23 : memref<!tpu.dma_semaphore, #tpu.memory_space<semaphore_mem>>) src(%dma_wait3A_553 : memref<10000x64xf32, #tpu.memory_space<hbm>>) dst(%arg16 : memref<100x64xf32, #tpu.memory_space<vmem>>)
      } else {
      }
      %dma_start3A_480 = arith.constant 0 : i32
      %dma_start3A_481 = tpu.memref_slice %arg13[%add3A_461, %dma_start3A_480] : memref<200x100xi32, #tpu.memory_space<vmem>> -> memref<1x100xi32, #tpu.memory_space<vmem>>
      %dma_start3A_482 = tpu.memref_squeeze %dma_start3A_481 : memref<1x100xi32, #tpu.memory_space<vmem>> -> memref<100xi32, #tpu.memory_space<vmem>>
      %dma_start3A_483 = arith.constant 0 : i32
      %dma_start3A_484 = arith.constant 0 : i32
      %dma_start3A_485 = tpu.memref_slice %arg30[%dma_start3A_483, %dma_start3A_484] : memref<10000x64xf32, #tpu.memory_space<vmem_shared>> -> memref<10000x64xf32, #tpu.memory_space<vmem_shared>>
      tpu.enqueue_indirect_dma source(%arg16 : memref<100x64xf32, #tpu.memory_space<vmem>>) target(%dma_start3A_485 : memref<10000x64xf32, #tpu.memory_space<vmem_shared>>) offsets(%dma_start3A_482 : memref<100xi32, #tpu.memory_space<vmem>>) semaphore(%arg27 : memref<!tpu.dma_semaphore, #tpu.memory_space<semaphore_mem>>) {add = true}
      %eq3A_486 = arith.constant 0 : i32
      %eq3A_487 = arith.cmpi eq, %arg0, %eq3A_486 : i32
      %convert_element_type3A_488 = arith.extui %eq3A_487 : i1 to i32
      %cond3A_489 = arith.constant 0 : i32
      %cond3A_490 = arith.cmpi ne, %convert_element_type3A_488, %cond3A_489 : i32
      scf.if %cond3A_490 {
        %dma_start3A_548 = arith.constant 0 : i32
        %dma_start3A_549 = tpu.memref_slice %arg13[%add3A_461, %dma_start3A_548] : memref<200x100xi32, #tpu.memory_space<vmem>> -> memref<1x100xi32, #tpu.memory_space<vmem>>
        %dma_start3A_550 = tpu.memref_squeeze %dma_start3A_549 : memref<1x100xi32, #tpu.memory_space<vmem>> -> memref<100xi32, #tpu.memory_space<vmem>>
        %dma_start3A_551 = arith.constant 0 : i32
        %dma_start3A_552 = arith.constant 0 : i32
        %dma_start3A_553 = tpu.memref_slice %arg31[%dma_start3A_551, %dma_start3A_552] : memref<10000x8xf32, #tpu.memory_space<vmem_shared>> -> memref<10000x8xf32, #tpu.memory_space<vmem_shared>>
        tpu.enqueue_indirect_dma source(%arg18 : memref<100x8xf32, #tpu.memory_space<vmem>>) target(%dma_start3A_553 : memref<10000x8xf32, #tpu.memory_space<vmem_shared>>) offsets(%dma_start3A_550 : memref<100xi32, #tpu.memory_space<vmem>>) semaphore(%arg29 : memref<!tpu.dma_semaphore, #tpu.memory_space<semaphore_mem>>) {add = true}
      } else {
      }
      %add3A_491 = arith.constant 2 : i32
      %add3A_492 = arith.addi %add3A_461, %add3A_491 : i32
      %eq3A_493 = arith.constant 0 : i32
      %eq3A_494 = arith.cmpi eq, %arg0, %eq3A_493 : i32
      %convert_element_type3A_495 = arith.extui %eq3A_494 : i1 to i32
      %cond3A_496 = arith.constant 0 : i32
      %cond3A_497 = arith.cmpi ne, %convert_element_type3A_495, %cond3A_496 : i32
      scf.if %cond3A_497 {
        %dma_start3A_548 = arith.constant 0 : i32
        %dma_start3A_549 = tpu.memref_slice %arg12[%add3A_492, %dma_start3A_548] : memref<200x100xi32, #tpu.memory_space<vmem>> -> memref<1x100xi32, #tpu.memory_space<vmem>>
        %dma_start3A_550 = tpu.memref_squeeze %dma_start3A_549 : memref<1x100xi32, #tpu.memory_space<vmem>> -> memref<100xi32, #tpu.memory_space<vmem>>
        %dma_start3A_551 = arith.constant 0 : i32
        %dma_start3A_552 = arith.constant 0 : i32
        %dma_start3A_553 = tpu.memref_slice %arg2[%dma_start3A_551, %dma_start3A_552] : memref<10000x64xf32, #tpu.memory_space<hbm>> -> memref<10000x64xf32, #tpu.memory_space<hbm>>
        tpu.enqueue_indirect_dma source(%dma_start3A_553 : memref<10000x64xf32, #tpu.memory_space<hbm>>) target(%arg14 : memref<100x64xf32, #tpu.memory_space<vmem>>) offsets(%dma_start3A_550 : memref<100xi32, #tpu.memory_space<vmem>>) semaphore(%arg21 : memref<!tpu.dma_semaphore, #tpu.memory_space<semaphore_mem>>)
      } else {
      }
      %ne3A_498 = arith.constant 0 : i32
      %ne3A_499 = arith.cmpi ne, %arg0, %ne3A_498 : i32
      %convert_element_type3A_500 = arith.extui %ne3A_499 : i1 to i32
      %cond3A_501 = arith.constant 0 : i32
      %cond3A_502 = arith.cmpi ne, %convert_element_type3A_500, %cond3A_501 : i32
      scf.if %cond3A_502 {
        %dma_start3A_548 = arith.constant 0 : i32
        %dma_start3A_549 = tpu.memref_slice %arg12[%add3A_492, %dma_start3A_548] : memref<200x100xi32, #tpu.memory_space<vmem>> -> memref<1x100xi32, #tpu.memory_space<vmem>>
        %dma_start3A_550 = tpu.memref_squeeze %dma_start3A_549 : memref<1x100xi32, #tpu.memory_space<vmem>> -> memref<100xi32, #tpu.memory_space<vmem>>
        %dma_start3A_551 = arith.constant 0 : i32
        %dma_start3A_552 = arith.constant 0 : i32
        %dma_start3A_553 = tpu.memref_slice %arg3[%dma_start3A_551, %dma_start3A_552] : memref<10000x64xf32, #tpu.memory_space<hbm>> -> memref<10000x64xf32, #tpu.memory_space<hbm>>
        tpu.enqueue_indirect_dma source(%dma_start3A_553 : memref<10000x64xf32, #tpu.memory_space<hbm>>) target(%arg14 : memref<100x64xf32, #tpu.memory_space<vmem>>) offsets(%dma_start3A_550 : memref<100xi32, #tpu.memory_space<vmem>>) semaphore(%arg21 : memref<!tpu.dma_semaphore, #tpu.memory_space<semaphore_mem>>)
      } else {
      }
      %mul3A_503 = arith.constant 4 : i32
      %mul3A_504 = arith.muli %scan3A_368, %mul3A_503 : i32
      %add3A_505 = arith.constant 3 : i32
      %add3A_506 = arith.addi %mul3A_504, %add3A_505 : i32
      %sub3A_507 = arith.constant 2 : i32
      %sub3A_508 = arith.subi %add3A_506, %sub3A_507 : i32
      %dma_wait3A_509 = arith.constant 0 : i32
      %dma_wait3A_510 = tpu.memref_slice %arg13[%sub3A_508, %dma_wait3A_509] : memref<200x100xi32, #tpu.memory_space<vmem>> -> memref<1x100xi32, #tpu.memory_space<vmem>>
      %dma_wait3A_511 = tpu.memref_squeeze %dma_wait3A_510 : memref<1x100xi32, #tpu.memory_space<vmem>> -> memref<100xi32, #tpu.memory_space<vmem>>
      %dma_wait3A_512 = arith.constant 0 : i32
      %dma_wait3A_513 = arith.constant 0 : i32
      %dma_wait3A_514 = tpu.memref_slice %arg30[%dma_wait3A_512, %dma_wait3A_513] : memref<10000x64xf32, #tpu.memory_space<vmem_shared>> -> memref<10000x64xf32, #tpu.memory_space<vmem_shared>>
      tpu.wait_indirect_dma semaphore(%arg26 : memref<!tpu.dma_semaphore, #tpu.memory_space<semaphore_mem>>) src(%arg15 : memref<100x64xf32, #tpu.memory_space<vmem>>) dst(%dma_wait3A_514 : memref<10000x64xf32, #tpu.memory_space<vmem_shared>>)
      %eq3A_515 = arith.constant 0 : i32
      %eq3A_516 = arith.cmpi eq, %arg0, %eq3A_515 : i32
      %convert_element_type3A_517 = arith.extui %eq3A_516 : i1 to i32
      %cond3A_518 = arith.constant 0 : i32
      %cond3A_519 = arith.cmpi ne, %convert_element_type3A_517, %cond3A_518 : i32
      scf.if %cond3A_519 {
        %dma_wait3A_548 = arith.constant 0 : i32
        %dma_wait3A_549 = tpu.memref_slice %arg12[%add3A_506, %dma_wait3A_548] : memref<200x100xi32, #tpu.memory_space<vmem>> -> memref<1x100xi32, #tpu.memory_space<vmem>>
        %dma_wait3A_550 = tpu.memref_squeeze %dma_wait3A_549 : memref<1x100xi32, #tpu.memory_space<vmem>> -> memref<100xi32, #tpu.memory_space<vmem>>
        %dma_wait3A_551 = arith.constant 0 : i32
        %dma_wait3A_552 = arith.constant 0 : i32
        %dma_wait3A_553 = tpu.memref_slice %arg2[%dma_wait3A_551, %dma_wait3A_552] : memref<10000x64xf32, #tpu.memory_space<hbm>> -> memref<10000x64xf32, #tpu.memory_space<hbm>>
        tpu.wait_indirect_dma semaphore(%arg24 : memref<!tpu.dma_semaphore, #tpu.memory_space<semaphore_mem>>) src(%dma_wait3A_553 : memref<10000x64xf32, #tpu.memory_space<hbm>>) dst(%arg17 : memref<100x64xf32, #tpu.memory_space<vmem>>)
      } else {
      }
      %ne3A_520 = arith.constant 0 : i32
      %ne3A_521 = arith.cmpi ne, %arg0, %ne3A_520 : i32
      %convert_element_type3A_522 = arith.extui %ne3A_521 : i1 to i32
      %cond3A_523 = arith.constant 0 : i32
      %cond3A_524 = arith.cmpi ne, %convert_element_type3A_522, %cond3A_523 : i32
      scf.if %cond3A_524 {
        %dma_wait3A_548 = arith.constant 0 : i32
        %dma_wait3A_549 = tpu.memref_slice %arg12[%add3A_506, %dma_wait3A_548] : memref<200x100xi32, #tpu.memory_space<vmem>> -> memref<1x100xi32, #tpu.memory_space<vmem>>
        %dma_wait3A_550 = tpu.memref_squeeze %dma_wait3A_549 : memref<1x100xi32, #tpu.memory_space<vmem>> -> memref<100xi32, #tpu.memory_space<vmem>>
        %dma_wait3A_551 = arith.constant 0 : i32
        %dma_wait3A_552 = arith.constant 0 : i32
        %dma_wait3A_553 = tpu.memref_slice %arg3[%dma_wait3A_551, %dma_wait3A_552] : memref<10000x64xf32, #tpu.memory_space<hbm>> -> memref<10000x64xf32, #tpu.memory_space<hbm>>
        tpu.wait_indirect_dma semaphore(%arg24 : memref<!tpu.dma_semaphore, #tpu.memory_space<semaphore_mem>>) src(%dma_wait3A_553 : memref<10000x64xf32, #tpu.memory_space<hbm>>) dst(%arg17 : memref<100x64xf32, #tpu.memory_space<vmem>>)
      } else {
      }
      %dma_start3A_525 = arith.constant 0 : i32
      %dma_start3A_526 = tpu.memref_slice %arg13[%add3A_506, %dma_start3A_525] : memref<200x100xi32, #tpu.memory_space<vmem>> -> memref<1x100xi32, #tpu.memory_space<vmem>>
      %dma_start3A_527 = tpu.memref_squeeze %dma_start3A_526 : memref<1x100xi32, #tpu.memory_space<vmem>> -> memref<100xi32, #tpu.memory_space<vmem>>
      %dma_start3A_528 = arith.constant 0 : i32
      %dma_start3A_529 = arith.constant 0 : i32
      %dma_start3A_530 = tpu.memref_slice %arg30[%dma_start3A_528, %dma_start3A_529] : memref<10000x64xf32, #tpu.memory_space<vmem_shared>> -> memref<10000x64xf32, #tpu.memory_space<vmem_shared>>
      tpu.enqueue_indirect_dma source(%arg17 : memref<100x64xf32, #tpu.memory_space<vmem>>) target(%dma_start3A_530 : memref<10000x64xf32, #tpu.memory_space<vmem_shared>>) offsets(%dma_start3A_527 : memref<100xi32, #tpu.memory_space<vmem>>) semaphore(%arg28 : memref<!tpu.dma_semaphore, #tpu.memory_space<semaphore_mem>>) {add = true}
      %eq3A_531 = arith.constant 0 : i32
      %eq3A_532 = arith.cmpi eq, %arg0, %eq3A_531 : i32
      %convert_element_type3A_533 = arith.extui %eq3A_532 : i1 to i32
      %cond3A_534 = arith.constant 0 : i32
      %cond3A_535 = arith.cmpi ne, %convert_element_type3A_533, %cond3A_534 : i32
      scf.if %cond3A_535 {
        %dma_start3A_548 = arith.constant 0 : i32
        %dma_start3A_549 = tpu.memref_slice %arg13[%add3A_506, %dma_start3A_548] : memref<200x100xi32, #tpu.memory_space<vmem>> -> memref<1x100xi32, #tpu.memory_space<vmem>>
        %dma_start3A_550 = tpu.memref_squeeze %dma_start3A_549 : memref<1x100xi32, #tpu.memory_space<vmem>> -> memref<100xi32, #tpu.memory_space<vmem>>
        %dma_start3A_551 = arith.constant 0 : i32
        %dma_start3A_552 = arith.constant 0 : i32
        %dma_start3A_553 = tpu.memref_slice %arg31[%dma_start3A_551, %dma_start3A_552] : memref<10000x8xf32, #tpu.memory_space<vmem_shared>> -> memref<10000x8xf32, #tpu.memory_space<vmem_shared>>
        tpu.enqueue_indirect_dma source(%arg18 : memref<100x8xf32, #tpu.memory_space<vmem>>) target(%dma_start3A_553 : memref<10000x8xf32, #tpu.memory_space<vmem_shared>>) offsets(%dma_start3A_550 : memref<100xi32, #tpu.memory_space<vmem>>) semaphore(%arg29 : memref<!tpu.dma_semaphore, #tpu.memory_space<semaphore_mem>>) {add = true}
      } else {
      }
      %add3A_536 = arith.constant 2 : i32
      %add3A_537 = arith.addi %add3A_506, %add3A_536 : i32
      %eq3A_538 = arith.constant 0 : i32
      %eq3A_539 = arith.cmpi eq, %arg0, %eq3A_538 : i32
      %convert_element_type3A_540 = arith.extui %eq3A_539 : i1 to i32
      %cond3A_541 = arith.constant 0 : i32
      %cond3A_542 = arith.cmpi ne, %convert_element_type3A_540, %cond3A_541 : i32
      scf.if %cond3A_542 {
        %dma_start3A_548 = arith.constant 0 : i32
        %dma_start3A_549 = tpu.memref_slice %arg12[%add3A_537, %dma_start3A_548] : memref<200x100xi32, #tpu.memory_space<vmem>> -> memref<1x100xi32, #tpu.memory_space<vmem>>
        %dma_start3A_550 = tpu.memref_squeeze %dma_start3A_549 : memref<1x100xi32, #tpu.memory_space<vmem>> -> memref<100xi32, #tpu.memory_space<vmem>>
        %dma_start3A_551 = arith.constant 0 : i32
        %dma_start3A_552 = arith.constant 0 : i32
        %dma_start3A_553 = tpu.memref_slice %arg2[%dma_start3A_551, %dma_start3A_552] : memref<10000x64xf32, #tpu.memory_space<hbm>> -> memref<10000x64xf32, #tpu.memory_space<hbm>>
        tpu.enqueue_indirect_dma source(%dma_start3A_553 : memref<10000x64xf32, #tpu.memory_space<hbm>>) target(%arg15 : memref<100x64xf32, #tpu.memory_space<vmem>>) offsets(%dma_start3A_550 : memref<100xi32, #tpu.memory_space<vmem>>) semaphore(%arg22 : memref<!tpu.dma_semaphore, #tpu.memory_space<semaphore_mem>>)
      } else {
      }
      %ne3A_543 = arith.constant 0 : i32
      %ne3A_544 = arith.cmpi ne, %arg0, %ne3A_543 : i32
      %convert_element_type3A_545 = arith.extui %ne3A_544 : i1 to i32
      %cond3A_546 = arith.constant 0 : i32
      %cond3A_547 = arith.cmpi ne, %convert_element_type3A_545, %cond3A_546 : i32
      scf.if %cond3A_547 {
        %dma_start3A_548 = arith.constant 0 : i32
        %dma_start3A_549 = tpu.memref_slice %arg12[%add3A_537, %dma_start3A_548] : memref<200x100xi32, #tpu.memory_space<vmem>> -> memref<1x100xi32, #tpu.memory_space<vmem>>
        %dma_start3A_550 = tpu.memref_squeeze %dma_start3A_549 : memref<1x100xi32, #tpu.memory_space<vmem>> -> memref<100xi32, #tpu.memory_space<vmem>>
        %dma_start3A_551 = arith.constant 0 : i32
        %dma_start3A_552 = arith.constant 0 : i32
        %dma_start3A_553 = tpu.memref_slice %arg3[%dma_start3A_551, %dma_start3A_552] : memref<10000x64xf32, #tpu.memory_space<hbm>> -> memref<10000x64xf32, #tpu.memory_space<hbm>>
        tpu.enqueue_indirect_dma source(%dma_start3A_553 : memref<10000x64xf32, #tpu.memory_space<hbm>>) target(%arg15 : memref<100x64xf32, #tpu.memory_space<vmem>>) offsets(%dma_start3A_550 : memref<100xi32, #tpu.memory_space<vmem>>) semaphore(%arg22 : memref<!tpu.dma_semaphore, #tpu.memory_space<semaphore_mem>>)
      } else {
      }
    }
    %scan3A_196 = arith.constant 48 : i32
    %dma_wait3A_197 = arith.constant 194 : i32
    %dma_wait3A_198 = arith.constant 0 : i32
    %dma_wait3A_199 = tpu.memref_slice %arg13[%dma_wait3A_197, %dma_wait3A_198] : memref<200x100xi32, #tpu.memory_space<vmem>> -> memref<1x100xi32, #tpu.memory_space<vmem>>
    %dma_wait3A_200 = tpu.memref_squeeze %dma_wait3A_199 : memref<1x100xi32, #tpu.memory_space<vmem>> -> memref<100xi32, #tpu.memory_space<vmem>>
    %dma_wait3A_201 = arith.constant 0 : i32
    %dma_wait3A_202 = arith.constant 0 : i32
    %dma_wait3A_203 = tpu.memref_slice %arg30[%dma_wait3A_201, %dma_wait3A_202] : memref<10000x64xf32, #tpu.memory_space<vmem_shared>> -> memref<10000x64xf32, #tpu.memory_space<vmem_shared>>
    tpu.wait_indirect_dma semaphore(%arg27 : memref<!tpu.dma_semaphore, #tpu.memory_space<semaphore_mem>>) src(%arg16 : memref<100x64xf32, #tpu.memory_space<vmem>>) dst(%dma_wait3A_203 : memref<10000x64xf32, #tpu.memory_space<vmem_shared>>)
    %eq3A_204 = arith.constant 0 : i32
    %eq3A_205 = arith.cmpi eq, %arg0, %eq3A_204 : i32
    %convert_element_type3A_206 = arith.extui %eq3A_205 : i1 to i32
    %cond3A_207 = arith.constant 0 : i32
    %cond3A_208 = arith.cmpi ne, %convert_element_type3A_206, %cond3A_207 : i32
    scf.if %cond3A_208 {
      %dma_wait3A_368 = arith.constant 196 : i32
      %dma_wait3A_369 = arith.constant 0 : i32
      %dma_wait3A_370 = tpu.memref_slice %arg12[%dma_wait3A_368, %dma_wait3A_369] : memref<200x100xi32, #tpu.memory_space<vmem>> -> memref<1x100xi32, #tpu.memory_space<vmem>>
      %dma_wait3A_371 = tpu.memref_squeeze %dma_wait3A_370 : memref<1x100xi32, #tpu.memory_space<vmem>> -> memref<100xi32, #tpu.memory_space<vmem>>
      %dma_wait3A_372 = arith.constant 0 : i32
      %dma_wait3A_373 = arith.constant 0 : i32
      %dma_wait3A_374 = tpu.memref_slice %arg2[%dma_wait3A_372, %dma_wait3A_373] : memref<10000x64xf32, #tpu.memory_space<hbm>> -> memref<10000x64xf32, #tpu.memory_space<hbm>>
      tpu.wait_indirect_dma semaphore(%arg21 : memref<!tpu.dma_semaphore, #tpu.memory_space<semaphore_mem>>) src(%dma_wait3A_374 : memref<10000x64xf32, #tpu.memory_space<hbm>>) dst(%arg14 : memref<100x64xf32, #tpu.memory_space<vmem>>)
    } else {
    }
    %ne3A_209 = arith.constant 0 : i32
    %ne3A_210 = arith.cmpi ne, %arg0, %ne3A_209 : i32
    %convert_element_type3A_211 = arith.extui %ne3A_210 : i1 to i32
    %cond3A_212 = arith.constant 0 : i32
    %cond3A_213 = arith.cmpi ne, %convert_element_type3A_211, %cond3A_212 : i32
    scf.if %cond3A_213 {
      %dma_wait3A_368 = arith.constant 196 : i32
      %dma_wait3A_369 = arith.constant 0 : i32
      %dma_wait3A_370 = tpu.memref_slice %arg12[%dma_wait3A_368, %dma_wait3A_369] : memref<200x100xi32, #tpu.memory_space<vmem>> -> memref<1x100xi32, #tpu.memory_space<vmem>>
      %dma_wait3A_371 = tpu.memref_squeeze %dma_wait3A_370 : memref<1x100xi32, #tpu.memory_space<vmem>> -> memref<100xi32, #tpu.memory_space<vmem>>
      %dma_wait3A_372 = arith.constant 0 : i32
      %dma_wait3A_373 = arith.constant 0 : i32
      %dma_wait3A_374 = tpu.memref_slice %arg3[%dma_wait3A_372, %dma_wait3A_373] : memref<10000x64xf32, #tpu.memory_space<hbm>> -> memref<10000x64xf32, #tpu.memory_space<hbm>>
      tpu.wait_indirect_dma semaphore(%arg21 : memref<!tpu.dma_semaphore, #tpu.memory_space<semaphore_mem>>) src(%dma_wait3A_374 : memref<10000x64xf32, #tpu.memory_space<hbm>>) dst(%arg14 : memref<100x64xf32, #tpu.memory_space<vmem>>)
    } else {
    }
    %dma_start3A_214 = arith.constant 196 : i32
    %dma_start3A_215 = arith.constant 0 : i32
    %dma_start3A_216 = tpu.memref_slice %arg13[%dma_start3A_214, %dma_start3A_215] : memref<200x100xi32, #tpu.memory_space<vmem>> -> memref<1x100xi32, #tpu.memory_space<vmem>>
    %dma_start3A_217 = tpu.memref_squeeze %dma_start3A_216 : memref<1x100xi32, #tpu.memory_space<vmem>> -> memref<100xi32, #tpu.memory_space<vmem>>
    %dma_start3A_218 = arith.constant 0 : i32
    %dma_start3A_219 = arith.constant 0 : i32
    %dma_start3A_220 = tpu.memref_slice %arg30[%dma_start3A_218, %dma_start3A_219] : memref<10000x64xf32, #tpu.memory_space<vmem_shared>> -> memref<10000x64xf32, #tpu.memory_space<vmem_shared>>
    tpu.enqueue_indirect_dma source(%arg14 : memref<100x64xf32, #tpu.memory_space<vmem>>) target(%dma_start3A_220 : memref<10000x64xf32, #tpu.memory_space<vmem_shared>>) offsets(%dma_start3A_217 : memref<100xi32, #tpu.memory_space<vmem>>) semaphore(%arg25 : memref<!tpu.dma_semaphore, #tpu.memory_space<semaphore_mem>>) {add = true}
    %eq3A_221 = arith.constant 0 : i32
    %eq3A_222 = arith.cmpi eq, %arg0, %eq3A_221 : i32
    %convert_element_type3A_223 = arith.extui %eq3A_222 : i1 to i32
    %cond3A_224 = arith.constant 0 : i32
    %cond3A_225 = arith.cmpi ne, %convert_element_type3A_223, %cond3A_224 : i32
    scf.if %cond3A_225 {
      %dma_start3A_368 = arith.constant 196 : i32
      %dma_start3A_369 = arith.constant 0 : i32
      %dma_start3A_370 = tpu.memref_slice %arg13[%dma_start3A_368, %dma_start3A_369] : memref<200x100xi32, #tpu.memory_space<vmem>> -> memref<1x100xi32, #tpu.memory_space<vmem>>
      %dma_start3A_371 = tpu.memref_squeeze %dma_start3A_370 : memref<1x100xi32, #tpu.memory_space<vmem>> -> memref<100xi32, #tpu.memory_space<vmem>>
      %dma_start3A_372 = arith.constant 0 : i32
      %dma_start3A_373 = arith.constant 0 : i32
      %dma_start3A_374 = tpu.memref_slice %arg31[%dma_start3A_372, %dma_start3A_373] : memref<10000x8xf32, #tpu.memory_space<vmem_shared>> -> memref<10000x8xf32, #tpu.memory_space<vmem_shared>>
      tpu.enqueue_indirect_dma source(%arg18 : memref<100x8xf32, #tpu.memory_space<vmem>>) target(%dma_start3A_374 : memref<10000x8xf32, #tpu.memory_space<vmem_shared>>) offsets(%dma_start3A_371 : memref<100xi32, #tpu.memory_space<vmem>>) semaphore(%arg29 : memref<!tpu.dma_semaphore, #tpu.memory_space<semaphore_mem>>) {add = true}
    } else {
    }
    %eq3A_226 = arith.constant 0 : i32
    %eq3A_227 = arith.cmpi eq, %arg0, %eq3A_226 : i32
    %convert_element_type3A_228 = arith.extui %eq3A_227 : i1 to i32
    %cond3A_229 = arith.constant 0 : i32
    %cond3A_230 = arith.cmpi ne, %convert_element_type3A_228, %cond3A_229 : i32
    scf.if %cond3A_230 {
      %dma_start3A_368 = arith.constant 198 : i32
      %dma_start3A_369 = arith.constant 0 : i32
      %dma_start3A_370 = tpu.memref_slice %arg12[%dma_start3A_368, %dma_start3A_369] : memref<200x100xi32, #tpu.memory_space<vmem>> -> memref<1x100xi32, #tpu.memory_space<vmem>>
      %dma_start3A_371 = tpu.memref_squeeze %dma_start3A_370 : memref<1x100xi32, #tpu.memory_space<vmem>> -> memref<100xi32, #tpu.memory_space<vmem>>
      %dma_start3A_372 = arith.constant 0 : i32
      %dma_start3A_373 = arith.constant 0 : i32
      %dma_start3A_374 = tpu.memref_slice %arg2[%dma_start3A_372, %dma_start3A_373] : memref<10000x64xf32, #tpu.memory_space<hbm>> -> memref<10000x64xf32, #tpu.memory_space<hbm>>
      tpu.enqueue_indirect_dma source(%dma_start3A_374 : memref<10000x64xf32, #tpu.memory_space<hbm>>) target(%arg16 : memref<100x64xf32, #tpu.memory_space<vmem>>) offsets(%dma_start3A_371 : memref<100xi32, #tpu.memory_space<vmem>>) semaphore(%arg23 : memref<!tpu.dma_semaphore, #tpu.memory_space<semaphore_mem>>)
    } else {
    }
    %ne3A_231 = arith.constant 0 : i32
    %ne3A_232 = arith.cmpi ne, %arg0, %ne3A_231 : i32
    %convert_element_type3A_233 = arith.extui %ne3A_232 : i1 to i32
    %cond3A_234 = arith.constant 0 : i32
    %cond3A_235 = arith.cmpi ne, %convert_element_type3A_233, %cond3A_234 : i32
    scf.if %cond3A_235 {
      %dma_start3A_368 = arith.constant 198 : i32
      %dma_start3A_369 = arith.constant 0 : i32
      %dma_start3A_370 = tpu.memref_slice %arg12[%dma_start3A_368, %dma_start3A_369] : memref<200x100xi32, #tpu.memory_space<vmem>> -> memref<1x100xi32, #tpu.memory_space<vmem>>
      %dma_start3A_371 = tpu.memref_squeeze %dma_start3A_370 : memref<1x100xi32, #tpu.memory_space<vmem>> -> memref<100xi32, #tpu.memory_space<vmem>>
      %dma_start3A_372 = arith.constant 0 : i32
      %dma_start3A_373 = arith.constant 0 : i32
      %dma_start3A_374 = tpu.memref_slice %arg3[%dma_start3A_372, %dma_start3A_373] : memref<10000x64xf32, #tpu.memory_space<hbm>> -> memref<10000x64xf32, #tpu.memory_space<hbm>>
      tpu.enqueue_indirect_dma source(%dma_start3A_374 : memref<10000x64xf32, #tpu.memory_space<hbm>>) target(%arg16 : memref<100x64xf32, #tpu.memory_space<vmem>>) offsets(%dma_start3A_371 : memref<100xi32, #tpu.memory_space<vmem>>) semaphore(%arg23 : memref<!tpu.dma_semaphore, #tpu.memory_space<semaphore_mem>>)
    } else {
    }
    %dma_wait3A_236 = arith.constant 195 : i32
    %dma_wait3A_237 = arith.constant 0 : i32
    %dma_wait3A_238 = tpu.memref_slice %arg13[%dma_wait3A_236, %dma_wait3A_237] : memref<200x100xi32, #tpu.memory_space<vmem>> -> memref<1x100xi32, #tpu.memory_space<vmem>>
    %dma_wait3A_239 = tpu.memref_squeeze %dma_wait3A_238 : memref<1x100xi32, #tpu.memory_space<vmem>> -> memref<100xi32, #tpu.memory_space<vmem>>
    %dma_wait3A_240 = arith.constant 0 : i32
    %dma_wait3A_241 = arith.constant 0 : i32
    %dma_wait3A_242 = tpu.memref_slice %arg30[%dma_wait3A_240, %dma_wait3A_241] : memref<10000x64xf32, #tpu.memory_space<vmem_shared>> -> memref<10000x64xf32, #tpu.memory_space<vmem_shared>>
    tpu.wait_indirect_dma semaphore(%arg28 : memref<!tpu.dma_semaphore, #tpu.memory_space<semaphore_mem>>) src(%arg17 : memref<100x64xf32, #tpu.memory_space<vmem>>) dst(%dma_wait3A_242 : memref<10000x64xf32, #tpu.memory_space<vmem_shared>>)
    %eq3A_243 = arith.constant 0 : i32
    %eq3A_244 = arith.cmpi eq, %arg0, %eq3A_243 : i32
    %convert_element_type3A_245 = arith.extui %eq3A_244 : i1 to i32
    %cond3A_246 = arith.constant 0 : i32
    %cond3A_247 = arith.cmpi ne, %convert_element_type3A_245, %cond3A_246 : i32
    scf.if %cond3A_247 {
      %dma_wait3A_368 = arith.constant 197 : i32
      %dma_wait3A_369 = arith.constant 0 : i32
      %dma_wait3A_370 = tpu.memref_slice %arg12[%dma_wait3A_368, %dma_wait3A_369] : memref<200x100xi32, #tpu.memory_space<vmem>> -> memref<1x100xi32, #tpu.memory_space<vmem>>
      %dma_wait3A_371 = tpu.memref_squeeze %dma_wait3A_370 : memref<1x100xi32, #tpu.memory_space<vmem>> -> memref<100xi32, #tpu.memory_space<vmem>>
      %dma_wait3A_372 = arith.constant 0 : i32
      %dma_wait3A_373 = arith.constant 0 : i32
      %dma_wait3A_374 = tpu.memref_slice %arg2[%dma_wait3A_372, %dma_wait3A_373] : memref<10000x64xf32, #tpu.memory_space<hbm>> -> memref<10000x64xf32, #tpu.memory_space<hbm>>
      tpu.wait_indirect_dma semaphore(%arg22 : memref<!tpu.dma_semaphore, #tpu.memory_space<semaphore_mem>>) src(%dma_wait3A_374 : memref<10000x64xf32, #tpu.memory_space<hbm>>) dst(%arg15 : memref<100x64xf32, #tpu.memory_space<vmem>>)
    } else {
    }
    %ne3A_248 = arith.constant 0 : i32
    %ne3A_249 = arith.cmpi ne, %arg0, %ne3A_248 : i32
    %convert_element_type3A_250 = arith.extui %ne3A_249 : i1 to i32
    %cond3A_251 = arith.constant 0 : i32
    %cond3A_252 = arith.cmpi ne, %convert_element_type3A_250, %cond3A_251 : i32
    scf.if %cond3A_252 {
      %dma_wait3A_368 = arith.constant 197 : i32
      %dma_wait3A_369 = arith.constant 0 : i32
      %dma_wait3A_370 = tpu.memref_slice %arg12[%dma_wait3A_368, %dma_wait3A_369] : memref<200x100xi32, #tpu.memory_space<vmem>> -> memref<1x100xi32, #tpu.memory_space<vmem>>
      %dma_wait3A_371 = tpu.memref_squeeze %dma_wait3A_370 : memref<1x100xi32, #tpu.memory_space<vmem>> -> memref<100xi32, #tpu.memory_space<vmem>>
      %dma_wait3A_372 = arith.constant 0 : i32
      %dma_wait3A_373 = arith.constant 0 : i32
      %dma_wait3A_374 = tpu.memref_slice %arg3[%dma_wait3A_372, %dma_wait3A_373] : memref<10000x64xf32, #tpu.memory_space<hbm>> -> memref<10000x64xf32, #tpu.memory_space<hbm>>
      tpu.wait_indirect_dma semaphore(%arg22 : memref<!tpu.dma_semaphore, #tpu.memory_space<semaphore_mem>>) src(%dma_wait3A_374 : memref<10000x64xf32, #tpu.memory_space<hbm>>) dst(%arg15 : memref<100x64xf32, #tpu.memory_space<vmem>>)
    } else {
    }
    %dma_start3A_253 = arith.constant 197 : i32
    %dma_start3A_254 = arith.constant 0 : i32
    %dma_start3A_255 = tpu.memref_slice %arg13[%dma_start3A_253, %dma_start3A_254] : memref<200x100xi32, #tpu.memory_space<vmem>> -> memref<1x100xi32, #tpu.memory_space<vmem>>
    %dma_start3A_256 = tpu.memref_squeeze %dma_start3A_255 : memref<1x100xi32, #tpu.memory_space<vmem>> -> memref<100xi32, #tpu.memory_space<vmem>>
    %dma_start3A_257 = arith.constant 0 : i32
    %dma_start3A_258 = arith.constant 0 : i32
    %dma_start3A_259 = tpu.memref_slice %arg30[%dma_start3A_257, %dma_start3A_258] : memref<10000x64xf32, #tpu.memory_space<vmem_shared>> -> memref<10000x64xf32, #tpu.memory_space<vmem_shared>>
    tpu.enqueue_indirect_dma source(%arg15 : memref<100x64xf32, #tpu.memory_space<vmem>>) target(%dma_start3A_259 : memref<10000x64xf32, #tpu.memory_space<vmem_shared>>) offsets(%dma_start3A_256 : memref<100xi32, #tpu.memory_space<vmem>>) semaphore(%arg26 : memref<!tpu.dma_semaphore, #tpu.memory_space<semaphore_mem>>) {add = true}
    %eq3A_260 = arith.constant 0 : i32
    %eq3A_261 = arith.cmpi eq, %arg0, %eq3A_260 : i32
    %convert_element_type3A_262 = arith.extui %eq3A_261 : i1 to i32
    %cond3A_263 = arith.constant 0 : i32
    %cond3A_264 = arith.cmpi ne, %convert_element_type3A_262, %cond3A_263 : i32
    scf.if %cond3A_264 {
      %dma_start3A_368 = arith.constant 197 : i32
      %dma_start3A_369 = arith.constant 0 : i32
      %dma_start3A_370 = tpu.memref_slice %arg13[%dma_start3A_368, %dma_start3A_369] : memref<200x100xi32, #tpu.memory_space<vmem>> -> memref<1x100xi32, #tpu.memory_space<vmem>>
      %dma_start3A_371 = tpu.memref_squeeze %dma_start3A_370 : memref<1x100xi32, #tpu.memory_space<vmem>> -> memref<100xi32, #tpu.memory_space<vmem>>
      %dma_start3A_372 = arith.constant 0 : i32
      %dma_start3A_373 = arith.constant 0 : i32
      %dma_start3A_374 = tpu.memref_slice %arg31[%dma_start3A_372, %dma_start3A_373] : memref<10000x8xf32, #tpu.memory_space<vmem_shared>> -> memref<10000x8xf32, #tpu.memory_space<vmem_shared>>
      tpu.enqueue_indirect_dma source(%arg18 : memref<100x8xf32, #tpu.memory_space<vmem>>) target(%dma_start3A_374 : memref<10000x8xf32, #tpu.memory_space<vmem_shared>>) offsets(%dma_start3A_371 : memref<100xi32, #tpu.memory_space<vmem>>) semaphore(%arg29 : memref<!tpu.dma_semaphore, #tpu.memory_space<semaphore_mem>>) {add = true}
    } else {
    }
    %eq3A_265 = arith.constant 0 : i32
    %eq3A_266 = arith.cmpi eq, %arg0, %eq3A_265 : i32
    %convert_element_type3A_267 = arith.extui %eq3A_266 : i1 to i32
    %cond3A_268 = arith.constant 0 : i32
    %cond3A_269 = arith.cmpi ne, %convert_element_type3A_267, %cond3A_268 : i32
    scf.if %cond3A_269 {
      %dma_start3A_368 = arith.constant 199 : i32
      %dma_start3A_369 = arith.constant 0 : i32
      %dma_start3A_370 = tpu.memref_slice %arg12[%dma_start3A_368, %dma_start3A_369] : memref<200x100xi32, #tpu.memory_space<vmem>> -> memref<1x100xi32, #tpu.memory_space<vmem>>
      %dma_start3A_371 = tpu.memref_squeeze %dma_start3A_370 : memref<1x100xi32, #tpu.memory_space<vmem>> -> memref<100xi32, #tpu.memory_space<vmem>>
      %dma_start3A_372 = arith.constant 0 : i32
      %dma_start3A_373 = arith.constant 0 : i32
      %dma_start3A_374 = tpu.memref_slice %arg2[%dma_start3A_372, %dma_start3A_373] : memref<10000x64xf32, #tpu.memory_space<hbm>> -> memref<10000x64xf32, #tpu.memory_space<hbm>>
      tpu.enqueue_indirect_dma source(%dma_start3A_374 : memref<10000x64xf32, #tpu.memory_space<hbm>>) target(%arg17 : memref<100x64xf32, #tpu.memory_space<vmem>>) offsets(%dma_start3A_371 : memref<100xi32, #tpu.memory_space<vmem>>) semaphore(%arg24 : memref<!tpu.dma_semaphore, #tpu.memory_space<semaphore_mem>>)
    } else {
    }
    %ne3A_270 = arith.constant 0 : i32
    %ne3A_271 = arith.cmpi ne, %arg0, %ne3A_270 : i32
    %convert_element_type3A_272 = arith.extui %ne3A_271 : i1 to i32
    %cond3A_273 = arith.constant 0 : i32
    %cond3A_274 = arith.cmpi ne, %convert_element_type3A_272, %cond3A_273 : i32
    scf.if %cond3A_274 {
      %dma_start3A_368 = arith.constant 199 : i32
      %dma_start3A_369 = arith.constant 0 : i32
      %dma_start3A_370 = tpu.memref_slice %arg12[%dma_start3A_368, %dma_start3A_369] : memref<200x100xi32, #tpu.memory_space<vmem>> -> memref<1x100xi32, #tpu.memory_space<vmem>>
      %dma_start3A_371 = tpu.memref_squeeze %dma_start3A_370 : memref<1x100xi32, #tpu.memory_space<vmem>> -> memref<100xi32, #tpu.memory_space<vmem>>
      %dma_start3A_372 = arith.constant 0 : i32
      %dma_start3A_373 = arith.constant 0 : i32
      %dma_start3A_374 = tpu.memref_slice %arg3[%dma_start3A_372, %dma_start3A_373] : memref<10000x64xf32, #tpu.memory_space<hbm>> -> memref<10000x64xf32, #tpu.memory_space<hbm>>
      tpu.enqueue_indirect_dma source(%dma_start3A_374 : memref<10000x64xf32, #tpu.memory_space<hbm>>) target(%arg17 : memref<100x64xf32, #tpu.memory_space<vmem>>) offsets(%dma_start3A_371 : memref<100xi32, #tpu.memory_space<vmem>>) semaphore(%arg24 : memref<!tpu.dma_semaphore, #tpu.memory_space<semaphore_mem>>)
    } else {
    }
    %dma_wait3A_275 = arith.constant 196 : i32
    %dma_wait3A_276 = arith.constant 0 : i32
    %dma_wait3A_277 = tpu.memref_slice %arg13[%dma_wait3A_275, %dma_wait3A_276] : memref<200x100xi32, #tpu.memory_space<vmem>> -> memref<1x100xi32, #tpu.memory_space<vmem>>
    %dma_wait3A_278 = tpu.memref_squeeze %dma_wait3A_277 : memref<1x100xi32, #tpu.memory_space<vmem>> -> memref<100xi32, #tpu.memory_space<vmem>>
    %dma_wait3A_279 = arith.constant 0 : i32
    %dma_wait3A_280 = arith.constant 0 : i32
    %dma_wait3A_281 = tpu.memref_slice %arg30[%dma_wait3A_279, %dma_wait3A_280] : memref<10000x64xf32, #tpu.memory_space<vmem_shared>> -> memref<10000x64xf32, #tpu.memory_space<vmem_shared>>
    tpu.wait_indirect_dma semaphore(%arg25 : memref<!tpu.dma_semaphore, #tpu.memory_space<semaphore_mem>>) src(%arg14 : memref<100x64xf32, #tpu.memory_space<vmem>>) dst(%dma_wait3A_281 : memref<10000x64xf32, #tpu.memory_space<vmem_shared>>)
    %eq3A_282 = arith.constant 0 : i32
    %eq3A_283 = arith.cmpi eq, %arg0, %eq3A_282 : i32
    %convert_element_type3A_284 = arith.extui %eq3A_283 : i1 to i32
    %cond3A_285 = arith.constant 0 : i32
    %cond3A_286 = arith.cmpi ne, %convert_element_type3A_284, %cond3A_285 : i32
    scf.if %cond3A_286 {
      %dma_wait3A_368 = arith.constant 198 : i32
      %dma_wait3A_369 = arith.constant 0 : i32
      %dma_wait3A_370 = tpu.memref_slice %arg12[%dma_wait3A_368, %dma_wait3A_369] : memref<200x100xi32, #tpu.memory_space<vmem>> -> memref<1x100xi32, #tpu.memory_space<vmem>>
      %dma_wait3A_371 = tpu.memref_squeeze %dma_wait3A_370 : memref<1x100xi32, #tpu.memory_space<vmem>> -> memref<100xi32, #tpu.memory_space<vmem>>
      %dma_wait3A_372 = arith.constant 0 : i32
      %dma_wait3A_373 = arith.constant 0 : i32
      %dma_wait3A_374 = tpu.memref_slice %arg2[%dma_wait3A_372, %dma_wait3A_373] : memref<10000x64xf32, #tpu.memory_space<hbm>> -> memref<10000x64xf32, #tpu.memory_space<hbm>>
      tpu.wait_indirect_dma semaphore(%arg23 : memref<!tpu.dma_semaphore, #tpu.memory_space<semaphore_mem>>) src(%dma_wait3A_374 : memref<10000x64xf32, #tpu.memory_space<hbm>>) dst(%arg16 : memref<100x64xf32, #tpu.memory_space<vmem>>)
    } else {
    }
    %ne3A_287 = arith.constant 0 : i32
    %ne3A_288 = arith.cmpi ne, %arg0, %ne3A_287 : i32
    %convert_element_type3A_289 = arith.extui %ne3A_288 : i1 to i32
    %cond3A_290 = arith.constant 0 : i32
    %cond3A_291 = arith.cmpi ne, %convert_element_type3A_289, %cond3A_290 : i32
    scf.if %cond3A_291 {
      %dma_wait3A_368 = arith.constant 198 : i32
      %dma_wait3A_369 = arith.constant 0 : i32
      %dma_wait3A_370 = tpu.memref_slice %arg12[%dma_wait3A_368, %dma_wait3A_369] : memref<200x100xi32, #tpu.memory_space<vmem>> -> memref<1x100xi32, #tpu.memory_space<vmem>>
      %dma_wait3A_371 = tpu.memref_squeeze %dma_wait3A_370 : memref<1x100xi32, #tpu.memory_space<vmem>> -> memref<100xi32, #tpu.memory_space<vmem>>
      %dma_wait3A_372 = arith.constant 0 : i32
      %dma_wait3A_373 = arith.constant 0 : i32
      %dma_wait3A_374 = tpu.memref_slice %arg3[%dma_wait3A_372, %dma_wait3A_373] : memref<10000x64xf32, #tpu.memory_space<hbm>> -> memref<10000x64xf32, #tpu.memory_space<hbm>>
      tpu.wait_indirect_dma semaphore(%arg23 : memref<!tpu.dma_semaphore, #tpu.memory_space<semaphore_mem>>) src(%dma_wait3A_374 : memref<10000x64xf32, #tpu.memory_space<hbm>>) dst(%arg16 : memref<100x64xf32, #tpu.memory_space<vmem>>)
    } else {
    }
    %dma_start3A_292 = arith.constant 198 : i32
    %dma_start3A_293 = arith.constant 0 : i32
    %dma_start3A_294 = tpu.memref_slice %arg13[%dma_start3A_292, %dma_start3A_293] : memref<200x100xi32, #tpu.memory_space<vmem>> -> memref<1x100xi32, #tpu.memory_space<vmem>>
    %dma_start3A_295 = tpu.memref_squeeze %dma_start3A_294 : memref<1x100xi32, #tpu.memory_space<vmem>> -> memref<100xi32, #tpu.memory_space<vmem>>
    %dma_start3A_296 = arith.constant 0 : i32
    %dma_start3A_297 = arith.constant 0 : i32
    %dma_start3A_298 = tpu.memref_slice %arg30[%dma_start3A_296, %dma_start3A_297] : memref<10000x64xf32, #tpu.memory_space<vmem_shared>> -> memref<10000x64xf32, #tpu.memory_space<vmem_shared>>
    tpu.enqueue_indirect_dma source(%arg16 : memref<100x64xf32, #tpu.memory_space<vmem>>) target(%dma_start3A_298 : memref<10000x64xf32, #tpu.memory_space<vmem_shared>>) offsets(%dma_start3A_295 : memref<100xi32, #tpu.memory_space<vmem>>) semaphore(%arg27 : memref<!tpu.dma_semaphore, #tpu.memory_space<semaphore_mem>>) {add = true}
    %eq3A_299 = arith.constant 0 : i32
    %eq3A_300 = arith.cmpi eq, %arg0, %eq3A_299 : i32
    %convert_element_type3A_301 = arith.extui %eq3A_300 : i1 to i32
    %cond3A_302 = arith.constant 0 : i32
    %cond3A_303 = arith.cmpi ne, %convert_element_type3A_301, %cond3A_302 : i32
    scf.if %cond3A_303 {
      %dma_start3A_368 = arith.constant 198 : i32
      %dma_start3A_369 = arith.constant 0 : i32
      %dma_start3A_370 = tpu.memref_slice %arg13[%dma_start3A_368, %dma_start3A_369] : memref<200x100xi32, #tpu.memory_space<vmem>> -> memref<1x100xi32, #tpu.memory_space<vmem>>
      %dma_start3A_371 = tpu.memref_squeeze %dma_start3A_370 : memref<1x100xi32, #tpu.memory_space<vmem>> -> memref<100xi32, #tpu.memory_space<vmem>>
      %dma_start3A_372 = arith.constant 0 : i32
      %dma_start3A_373 = arith.constant 0 : i32
      %dma_start3A_374 = tpu.memref_slice %arg31[%dma_start3A_372, %dma_start3A_373] : memref<10000x8xf32, #tpu.memory_space<vmem_shared>> -> memref<10000x8xf32, #tpu.memory_space<vmem_shared>>
      tpu.enqueue_indirect_dma source(%arg18 : memref<100x8xf32, #tpu.memory_space<vmem>>) target(%dma_start3A_374 : memref<10000x8xf32, #tpu.memory_space<vmem_shared>>) offsets(%dma_start3A_371 : memref<100xi32, #tpu.memory_space<vmem>>) semaphore(%arg29 : memref<!tpu.dma_semaphore, #tpu.memory_space<semaphore_mem>>) {add = true}
    } else {
    }
    %dma_wait3A_304 = arith.constant 197 : i32
    %dma_wait3A_305 = arith.constant 0 : i32
    %dma_wait3A_306 = tpu.memref_slice %arg13[%dma_wait3A_304, %dma_wait3A_305] : memref<200x100xi32, #tpu.memory_space<vmem>> -> memref<1x100xi32, #tpu.memory_space<vmem>>
    %dma_wait3A_307 = tpu.memref_squeeze %dma_wait3A_306 : memref<1x100xi32, #tpu.memory_space<vmem>> -> memref<100xi32, #tpu.memory_space<vmem>>
    %dma_wait3A_308 = arith.constant 0 : i32
    %dma_wait3A_309 = arith.constant 0 : i32
    %dma_wait3A_310 = tpu.memref_slice %arg30[%dma_wait3A_308, %dma_wait3A_309] : memref<10000x64xf32, #tpu.memory_space<vmem_shared>> -> memref<10000x64xf32, #tpu.memory_space<vmem_shared>>
    tpu.wait_indirect_dma semaphore(%arg26 : memref<!tpu.dma_semaphore, #tpu.memory_space<semaphore_mem>>) src(%arg15 : memref<100x64xf32, #tpu.memory_space<vmem>>) dst(%dma_wait3A_310 : memref<10000x64xf32, #tpu.memory_space<vmem_shared>>)
    %eq3A_311 = arith.constant 0 : i32
    %eq3A_312 = arith.cmpi eq, %arg0, %eq3A_311 : i32
    %convert_element_type3A_313 = arith.extui %eq3A_312 : i1 to i32
    %cond3A_314 = arith.constant 0 : i32
    %cond3A_315 = arith.cmpi ne, %convert_element_type3A_313, %cond3A_314 : i32
    scf.if %cond3A_315 {
      %dma_wait3A_368 = arith.constant 199 : i32
      %dma_wait3A_369 = arith.constant 0 : i32
      %dma_wait3A_370 = tpu.memref_slice %arg12[%dma_wait3A_368, %dma_wait3A_369] : memref<200x100xi32, #tpu.memory_space<vmem>> -> memref<1x100xi32, #tpu.memory_space<vmem>>
      %dma_wait3A_371 = tpu.memref_squeeze %dma_wait3A_370 : memref<1x100xi32, #tpu.memory_space<vmem>> -> memref<100xi32, #tpu.memory_space<vmem>>
      %dma_wait3A_372 = arith.constant 0 : i32
      %dma_wait3A_373 = arith.constant 0 : i32
      %dma_wait3A_374 = tpu.memref_slice %arg2[%dma_wait3A_372, %dma_wait3A_373] : memref<10000x64xf32, #tpu.memory_space<hbm>> -> memref<10000x64xf32, #tpu.memory_space<hbm>>
      tpu.wait_indirect_dma semaphore(%arg24 : memref<!tpu.dma_semaphore, #tpu.memory_space<semaphore_mem>>) src(%dma_wait3A_374 : memref<10000x64xf32, #tpu.memory_space<hbm>>) dst(%arg17 : memref<100x64xf32, #tpu.memory_space<vmem>>)
    } else {
    }
    %ne3A_316 = arith.constant 0 : i32
    %ne3A_317 = arith.cmpi ne, %arg0, %ne3A_316 : i32
    %convert_element_type3A_318 = arith.extui %ne3A_317 : i1 to i32
    %cond3A_319 = arith.constant 0 : i32
    %cond3A_320 = arith.cmpi ne, %convert_element_type3A_318, %cond3A_319 : i32
    scf.if %cond3A_320 {
      %dma_wait3A_368 = arith.constant 199 : i32
      %dma_wait3A_369 = arith.constant 0 : i32
      %dma_wait3A_370 = tpu.memref_slice %arg12[%dma_wait3A_368, %dma_wait3A_369] : memref<200x100xi32, #tpu.memory_space<vmem>> -> memref<1x100xi32, #tpu.memory_space<vmem>>
      %dma_wait3A_371 = tpu.memref_squeeze %dma_wait3A_370 : memref<1x100xi32, #tpu.memory_space<vmem>> -> memref<100xi32, #tpu.memory_space<vmem>>
      %dma_wait3A_372 = arith.constant 0 : i32
      %dma_wait3A_373 = arith.constant 0 : i32
      %dma_wait3A_374 = tpu.memref_slice %arg3[%dma_wait3A_372, %dma_wait3A_373] : memref<10000x64xf32, #tpu.memory_space<hbm>> -> memref<10000x64xf32, #tpu.memory_space<hbm>>
      tpu.wait_indirect_dma semaphore(%arg24 : memref<!tpu.dma_semaphore, #tpu.memory_space<semaphore_mem>>) src(%dma_wait3A_374 : memref<10000x64xf32, #tpu.memory_space<hbm>>) dst(%arg17 : memref<100x64xf32, #tpu.memory_space<vmem>>)
    } else {
    }
    %dma_start3A_321 = arith.constant 199 : i32
    %dma_start3A_322 = arith.constant 0 : i32
    %dma_start3A_323 = tpu.memref_slice %arg13[%dma_start3A_321, %dma_start3A_322] : memref<200x100xi32, #tpu.memory_space<vmem>> -> memref<1x100xi32, #tpu.memory_space<vmem>>
    %dma_start3A_324 = tpu.memref_squeeze %dma_start3A_323 : memref<1x100xi32, #tpu.memory_space<vmem>> -> memref<100xi32, #tpu.memory_space<vmem>>
    %dma_start3A_325 = arith.constant 0 : i32
    %dma_start3A_326 = arith.constant 0 : i32
    %dma_start3A_327 = tpu.memref_slice %arg30[%dma_start3A_325, %dma_start3A_326] : memref<10000x64xf32, #tpu.memory_space<vmem_shared>> -> memref<10000x64xf32, #tpu.memory_space<vmem_shared>>
    tpu.enqueue_indirect_dma source(%arg17 : memref<100x64xf32, #tpu.memory_space<vmem>>) target(%dma_start3A_327 : memref<10000x64xf32, #tpu.memory_space<vmem_shared>>) offsets(%dma_start3A_324 : memref<100xi32, #tpu.memory_space<vmem>>) semaphore(%arg28 : memref<!tpu.dma_semaphore, #tpu.memory_space<semaphore_mem>>) {add = true}
    %eq3A_328 = arith.constant 0 : i32
    %eq3A_329 = arith.cmpi eq, %arg0, %eq3A_328 : i32
    %convert_element_type3A_330 = arith.extui %eq3A_329 : i1 to i32
    %cond3A_331 = arith.constant 0 : i32
    %cond3A_332 = arith.cmpi ne, %convert_element_type3A_330, %cond3A_331 : i32
    scf.if %cond3A_332 {
      %dma_start3A_368 = arith.constant 199 : i32
      %dma_start3A_369 = arith.constant 0 : i32
      %dma_start3A_370 = tpu.memref_slice %arg13[%dma_start3A_368, %dma_start3A_369] : memref<200x100xi32, #tpu.memory_space<vmem>> -> memref<1x100xi32, #tpu.memory_space<vmem>>
      %dma_start3A_371 = tpu.memref_squeeze %dma_start3A_370 : memref<1x100xi32, #tpu.memory_space<vmem>> -> memref<100xi32, #tpu.memory_space<vmem>>
      %dma_start3A_372 = arith.constant 0 : i32
      %dma_start3A_373 = arith.constant 0 : i32
      %dma_start3A_374 = tpu.memref_slice %arg31[%dma_start3A_372, %dma_start3A_373] : memref<10000x8xf32, #tpu.memory_space<vmem_shared>> -> memref<10000x8xf32, #tpu.memory_space<vmem_shared>>
      tpu.enqueue_indirect_dma source(%arg18 : memref<100x8xf32, #tpu.memory_space<vmem>>) target(%dma_start3A_374 : memref<10000x8xf32, #tpu.memory_space<vmem_shared>>) offsets(%dma_start3A_371 : memref<100xi32, #tpu.memory_space<vmem>>) semaphore(%arg29 : memref<!tpu.dma_semaphore, #tpu.memory_space<semaphore_mem>>) {add = true}
    } else {
    }
    %dma_wait3A_333 = arith.constant 198 : i32
    %dma_wait3A_334 = arith.constant 0 : i32
    %dma_wait3A_335 = tpu.memref_slice %arg13[%dma_wait3A_333, %dma_wait3A_334] : memref<200x100xi32, #tpu.memory_space<vmem>> -> memref<1x100xi32, #tpu.memory_space<vmem>>
    %dma_wait3A_336 = tpu.memref_squeeze %dma_wait3A_335 : memref<1x100xi32, #tpu.memory_space<vmem>> -> memref<100xi32, #tpu.memory_space<vmem>>
    %dma_wait3A_337 = arith.constant 0 : i32
    %dma_wait3A_338 = arith.constant 0 : i32
    %dma_wait3A_339 = tpu.memref_slice %arg30[%dma_wait3A_337, %dma_wait3A_338] : memref<10000x64xf32, #tpu.memory_space<vmem_shared>> -> memref<10000x64xf32, #tpu.memory_space<vmem_shared>>
    tpu.wait_indirect_dma semaphore(%arg27 : memref<!tpu.dma_semaphore, #tpu.memory_space<semaphore_mem>>) src(%arg16 : memref<100x64xf32, #tpu.memory_space<vmem>>) dst(%dma_wait3A_339 : memref<10000x64xf32, #tpu.memory_space<vmem_shared>>)
    %dma_wait3A_340 = arith.constant 199 : i32
    %dma_wait3A_341 = arith.constant 0 : i32
    %dma_wait3A_342 = tpu.memref_slice %arg13[%dma_wait3A_340, %dma_wait3A_341] : memref<200x100xi32, #tpu.memory_space<vmem>> -> memref<1x100xi32, #tpu.memory_space<vmem>>
    %dma_wait3A_343 = tpu.memref_squeeze %dma_wait3A_342 : memref<1x100xi32, #tpu.memory_space<vmem>> -> memref<100xi32, #tpu.memory_space<vmem>>
    %dma_wait3A_344 = arith.constant 0 : i32
    %dma_wait3A_345 = arith.constant 0 : i32
    %dma_wait3A_346 = tpu.memref_slice %arg30[%dma_wait3A_344, %dma_wait3A_345] : memref<10000x64xf32, #tpu.memory_space<vmem_shared>> -> memref<10000x64xf32, #tpu.memory_space<vmem_shared>>
    tpu.wait_indirect_dma semaphore(%arg28 : memref<!tpu.dma_semaphore, #tpu.memory_space<semaphore_mem>>) src(%arg17 : memref<100x64xf32, #tpu.memory_space<vmem>>) dst(%dma_wait3A_346 : memref<10000x64xf32, #tpu.memory_space<vmem_shared>>)
    %eq3A_347 = arith.constant 0 : i32
    %eq3A_348 = arith.cmpi eq, %arg0, %eq3A_347 : i32
    %convert_element_type3A_349 = arith.extui %eq3A_348 : i1 to i32
    %cond3A_350 = arith.constant 0 : i32
    %cond3A_351 = arith.cmpi ne, %convert_element_type3A_349, %cond3A_350 : i32
    scf.if %cond3A_351 {
      %scan3A_368 = arith.constant 0 : i32
      %scan3A_369 = arith.constant 0 : i32
      %scan3A_370 = arith.constant 200 : i32
      %scan3A_371 = arith.addi %scan3A_369, %scan3A_370 : i32
      %scan3A_372 = arith.constant 1 : i32
      scf.for %scan3A_374 = %scan3A_369 to %scan3A_371 step %scan3A_372  : i32 {
        %dma_wait3A_375 = arith.constant 0 : i32
        %dma_wait3A_376 = tpu.memref_slice %arg13[%scan3A_374, %dma_wait3A_375] : memref<200x100xi32, #tpu.memory_space<vmem>> -> memref<1x100xi32, #tpu.memory_space<vmem>>
        %dma_wait3A_377 = tpu.memref_squeeze %dma_wait3A_376 : memref<1x100xi32, #tpu.memory_space<vmem>> -> memref<100xi32, #tpu.memory_space<vmem>>
        %dma_wait3A_378 = arith.constant 0 : i32
        %dma_wait3A_379 = arith.constant 0 : i32
        %dma_wait3A_380 = tpu.memref_slice %arg31[%dma_wait3A_378, %dma_wait3A_379] : memref<10000x8xf32, #tpu.memory_space<vmem_shared>> -> memref<10000x8xf32, #tpu.memory_space<vmem_shared>>
        tpu.wait_indirect_dma semaphore(%arg29 : memref<!tpu.dma_semaphore, #tpu.memory_space<semaphore_mem>>) src(%arg18 : memref<100x8xf32, #tpu.memory_space<vmem>>) dst(%dma_wait3A_380 : memref<10000x8xf32, #tpu.memory_space<vmem_shared>>)
      }
      %scan3A_373 = arith.constant 200 : i32
    } else {
    }
    %barrier3A_352 = arith.constant 0 : index
    tpu.barrier barrier_id(%barrier3A_352)
    %eq3A_353 = arith.constant 0 : i32
    %eq3A_354 = arith.cmpi eq, %arg0, %eq3A_353 : i32
    %convert_element_type3A_355 = arith.extui %eq3A_354 : i1 to i32
    %cond3A_356 = arith.constant 0 : i32
    %cond3A_357 = arith.cmpi ne, %convert_element_type3A_355, %cond3A_356 : i32
    scf.if %cond3A_357 {
      %mul3A_368 = arith.constant 624 : i32
      %mul3A_369 = arith.muli %arg1, %mul3A_368 : i32
      %add3A_370 = arith.constant 0 : i32
      %add3A_371 = arith.addi %mul3A_369, %add3A_370 : i32
      "tpu.region"() ({
        %run_scoped3A = tpu.sem_alloc : memref<!tpu.dma_semaphore, #tpu.memory_space<semaphore_mem>>
        %dma_start3A_421 = arith.constant 0 : i32
        %dma_start3A_422 = tpu.memref_slice %arg30[%add3A_371, %dma_start3A_421] : memref<10000x64xf32, #tpu.memory_space<vmem_shared>> -> memref<104x64xf32, #tpu.memory_space<vmem_shared>>
        %dma_start3A_423 = arith.constant 0 : i32
        %dma_start3A_424 = tpu.memref_slice %arg30[%add3A_371, %dma_start3A_423] : memref<10000x64xf32, #tpu.memory_space<vmem_shared>> -> memref<104x64xf32, #tpu.memory_space<vmem_shared>>
        tpu.enqueue_dma source(%dma_start3A_424 : memref<104x64xf32, #tpu.memory_space<vmem_shared>>) target(%arg19 : memref<104x64xf32, #tpu.memory_space<vmem>>) target_semaphore(%run_scoped3A : memref<!tpu.dma_semaphore, #tpu.memory_space<semaphore_mem>>)
        %dma_wait3A_425 = arith.constant 0 : i32
        %dma_wait3A_426 = tpu.memref_slice %arg30[%add3A_371, %dma_wait3A_425] : memref<10000x64xf32, #tpu.memory_space<vmem_shared>> -> memref<104x64xf32, #tpu.memory_space<vmem_shared>>
        %dma_wait3A_427 = arith.constant 0 : i32
        %dma_wait3A_428 = tpu.memref_slice %arg30[%add3A_371, %dma_wait3A_427] : memref<10000x64xf32, #tpu.memory_space<vmem_shared>> -> memref<104x64xf32, #tpu.memory_space<vmem_shared>>
        tpu.wait_dma2 semaphore(%run_scoped3A : memref<!tpu.dma_semaphore, #tpu.memory_space<semaphore_mem>>) src(%dma_wait3A_428 : memref<104x64xf32, #tpu.memory_space<vmem_shared>>) dst(%arg19 : memref<104x64xf32, #tpu.memory_space<vmem>>)
        tpu.yield
      }) : () -> ()
      %mul3A_372 = arith.constant 624 : i32
      %mul3A_373 = arith.muli %arg1, %mul3A_372 : i32
      %add3A_374 = arith.constant 0 : i32
      %add3A_375 = arith.addi %mul3A_373, %add3A_374 : i32
      "tpu.region"() ({
        %run_scoped3A = tpu.sem_alloc : memref<!tpu.dma_semaphore, #tpu.memory_space<semaphore_mem>>
        %dma_start3A_421 = arith.constant 0 : i32
        %dma_start3A_422 = tpu.memref_slice %arg9[%add3A_375, %dma_start3A_421] : memref<10000x64xf32, #tpu.memory_space<hbm>> -> memref<104x64xf32, #tpu.memory_space<hbm>>
        %dma_start3A_423 = arith.constant 0 : i32
        %dma_start3A_424 = tpu.memref_slice %arg9[%add3A_375, %dma_start3A_423] : memref<10000x64xf32, #tpu.memory_space<hbm>> -> memref<104x64xf32, #tpu.memory_space<hbm>>
        tpu.enqueue_dma source(%arg19 : memref<104x64xf32, #tpu.memory_space<vmem>>) target(%dma_start3A_424 : memref<104x64xf32, #tpu.memory_space<hbm>>) target_semaphore(%run_scoped3A : memref<!tpu.dma_semaphore, #tpu.memory_space<semaphore_mem>>)
        %dma_wait3A_425 = arith.constant 0 : i32
        %dma_wait3A_426 = tpu.memref_slice %arg9[%add3A_375, %dma_wait3A_425] : memref<10000x64xf32, #tpu.memory_space<hbm>> -> memref<104x64xf32, #tpu.memory_space<hbm>>
        %dma_wait3A_427 = arith.constant 0 : i32
        %dma_wait3A_428 = tpu.memref_slice %arg9[%add3A_375, %dma_wait3A_427] : memref<10000x64xf32, #tpu.memory_space<hbm>> -> memref<104x64xf32, #tpu.memory_space<hbm>>
        tpu.wait_dma2 semaphore(%run_scoped3A : memref<!tpu.dma_semaphore, #tpu.memory_space<semaphore_mem>>) src(%arg19 : memref<104x64xf32, #tpu.memory_space<vmem>>) dst(%dma_wait3A_428 : memref<104x64xf32, #tpu.memory_space<hbm>>)
        tpu.yield
      }) : () -> ()
      %mul3A_376 = arith.constant 624 : i32
      %mul3A_377 = arith.muli %arg1, %mul3A_376 : i32
      %add3A_378 = arith.constant 104 : i32
      %add3A_379 = arith.addi %mul3A_377, %add3A_378 : i32
      "tpu.region"() ({
        %run_scoped3A = tpu.sem_alloc : memref<!tpu.dma_semaphore, #tpu.memory_space<semaphore_mem>>
        %dma_start3A_421 = arith.constant 0 : i32
        %dma_start3A_422 = tpu.memref_slice %arg30[%add3A_379, %dma_start3A_421] : memref<10000x64xf32, #tpu.memory_space<vmem_shared>> -> memref<104x64xf32, #tpu.memory_space<vmem_shared>>
        %dma_start3A_423 = arith.constant 0 : i32
        %dma_start3A_424 = tpu.memref_slice %arg30[%add3A_379, %dma_start3A_423] : memref<10000x64xf32, #tpu.memory_space<vmem_shared>> -> memref<104x64xf32, #tpu.memory_space<vmem_shared>>
        tpu.enqueue_dma source(%dma_start3A_424 : memref<104x64xf32, #tpu.memory_space<vmem_shared>>) target(%arg19 : memref<104x64xf32, #tpu.memory_space<vmem>>) target_semaphore(%run_scoped3A : memref<!tpu.dma_semaphore, #tpu.memory_space<semaphore_mem>>)
        %dma_wait3A_425 = arith.constant 0 : i32
        %dma_wait3A_426 = tpu.memref_slice %arg30[%add3A_379, %dma_wait3A_425] : memref<10000x64xf32, #tpu.memory_space<vmem_shared>> -> memref<104x64xf32, #tpu.memory_space<vmem_shared>>
        %dma_wait3A_427 = arith.constant 0 : i32
        %dma_wait3A_428 = tpu.memref_slice %arg30[%add3A_379, %dma_wait3A_427] : memref<10000x64xf32, #tpu.memory_space<vmem_shared>> -> memref<104x64xf32, #tpu.memory_space<vmem_shared>>
        tpu.wait_dma2 semaphore(%run_scoped3A : memref<!tpu.dma_semaphore, #tpu.memory_space<semaphore_mem>>) src(%dma_wait3A_428 : memref<104x64xf32, #tpu.memory_space<vmem_shared>>) dst(%arg19 : memref<104x64xf32, #tpu.memory_space<vmem>>)
        tpu.yield
      }) : () -> ()
      %mul3A_380 = arith.constant 624 : i32
      %mul3A_381 = arith.muli %arg1, %mul3A_380 : i32
      %add3A_382 = arith.constant 104 : i32
      %add3A_383 = arith.addi %mul3A_381, %add3A_382 : i32
      "tpu.region"() ({
        %run_scoped3A = tpu.sem_alloc : memref<!tpu.dma_semaphore, #tpu.memory_space<semaphore_mem>>
        %dma_start3A_421 = arith.constant 0 : i32
        %dma_start3A_422 = tpu.memref_slice %arg9[%add3A_383, %dma_start3A_421] : memref<10000x64xf32, #tpu.memory_space<hbm>> -> memref<104x64xf32, #tpu.memory_space<hbm>>
        %dma_start3A_423 = arith.constant 0 : i32
        %dma_start3A_424 = tpu.memref_slice %arg9[%add3A_383, %dma_start3A_423] : memref<10000x64xf32, #tpu.memory_space<hbm>> -> memref<104x64xf32, #tpu.memory_space<hbm>>
        tpu.enqueue_dma source(%arg19 : memref<104x64xf32, #tpu.memory_space<vmem>>) target(%dma_start3A_424 : memref<104x64xf32, #tpu.memory_space<hbm>>) target_semaphore(%run_scoped3A : memref<!tpu.dma_semaphore, #tpu.memory_space<semaphore_mem>>)
        %dma_wait3A_425 = arith.constant 0 : i32
        %dma_wait3A_426 = tpu.memref_slice %arg9[%add3A_383, %dma_wait3A_425] : memref<10000x64xf32, #tpu.memory_space<hbm>> -> memref<104x64xf32, #tpu.memory_space<hbm>>
        %dma_wait3A_427 = arith.constant 0 : i32
        %dma_wait3A_428 = tpu.memref_slice %arg9[%add3A_383, %dma_wait3A_427] : memref<10000x64xf32, #tpu.memory_space<hbm>> -> memref<104x64xf32, #tpu.memory_space<hbm>>
        tpu.wait_dma2 semaphore(%run_scoped3A : memref<!tpu.dma_semaphore, #tpu.memory_space<semaphore_mem>>) src(%arg19 : memref<104x64xf32, #tpu.memory_space<vmem>>) dst(%dma_wait3A_428 : memref<104x64xf32, #tpu.memory_space<hbm>>)
        tpu.yield
      }) : () -> ()
      %mul3A_384 = arith.constant 624 : i32
      %mul3A_385 = arith.muli %arg1, %mul3A_384 : i32
      %add3A_386 = arith.constant 208 : i32
      %add3A_387 = arith.addi %mul3A_385, %add3A_386 : i32
      "tpu.region"() ({
        %run_scoped3A = tpu.sem_alloc : memref<!tpu.dma_semaphore, #tpu.memory_space<semaphore_mem>>
        %dma_start3A_421 = arith.constant 0 : i32
        %dma_start3A_422 = tpu.memref_slice %arg30[%add3A_387, %dma_start3A_421] : memref<10000x64xf32, #tpu.memory_space<vmem_shared>> -> memref<104x64xf32, #tpu.memory_space<vmem_shared>>
        %dma_start3A_423 = arith.constant 0 : i32
        %dma_start3A_424 = tpu.memref_slice %arg30[%add3A_387, %dma_start3A_423] : memref<10000x64xf32, #tpu.memory_space<vmem_shared>> -> memref<104x64xf32, #tpu.memory_space<vmem_shared>>
        tpu.enqueue_dma source(%dma_start3A_424 : memref<104x64xf32, #tpu.memory_space<vmem_shared>>) target(%arg19 : memref<104x64xf32, #tpu.memory_space<vmem>>) target_semaphore(%run_scoped3A : memref<!tpu.dma_semaphore, #tpu.memory_space<semaphore_mem>>)
        %dma_wait3A_425 = arith.constant 0 : i32
        %dma_wait3A_426 = tpu.memref_slice %arg30[%add3A_387, %dma_wait3A_425] : memref<10000x64xf32, #tpu.memory_space<vmem_shared>> -> memref<104x64xf32, #tpu.memory_space<vmem_shared>>
        %dma_wait3A_427 = arith.constant 0 : i32
        %dma_wait3A_428 = tpu.memref_slice %arg30[%add3A_387, %dma_wait3A_427] : memref<10000x64xf32, #tpu.memory_space<vmem_shared>> -> memref<104x64xf32, #tpu.memory_space<vmem_shared>>
        tpu.wait_dma2 semaphore(%run_scoped3A : memref<!tpu.dma_semaphore, #tpu.memory_space<semaphore_mem>>) src(%dma_wait3A_428 : memref<104x64xf32, #tpu.memory_space<vmem_shared>>) dst(%arg19 : memref<104x64xf32, #tpu.memory_space<vmem>>)
        tpu.yield
      }) : () -> ()
      %mul3A_388 = arith.constant 624 : i32
      %mul3A_389 = arith.muli %arg1, %mul3A_388 : i32
      %add3A_390 = arith.constant 208 : i32
      %add3A_391 = arith.addi %mul3A_389, %add3A_390 : i32
      "tpu.region"() ({
        %run_scoped3A = tpu.sem_alloc : memref<!tpu.dma_semaphore, #tpu.memory_space<semaphore_mem>>
        %dma_start3A_421 = arith.constant 0 : i32
        %dma_start3A_422 = tpu.memref_slice %arg9[%add3A_391, %dma_start3A_421] : memref<10000x64xf32, #tpu.memory_space<hbm>> -> memref<104x64xf32, #tpu.memory_space<hbm>>
        %dma_start3A_423 = arith.constant 0 : i32
        %dma_start3A_424 = tpu.memref_slice %arg9[%add3A_391, %dma_start3A_423] : memref<10000x64xf32, #tpu.memory_space<hbm>> -> memref<104x64xf32, #tpu.memory_space<hbm>>
        tpu.enqueue_dma source(%arg19 : memref<104x64xf32, #tpu.memory_space<vmem>>) target(%dma_start3A_424 : memref<104x64xf32, #tpu.memory_space<hbm>>) target_semaphore(%run_scoped3A : memref<!tpu.dma_semaphore, #tpu.memory_space<semaphore_mem>>)
        %dma_wait3A_425 = arith.constant 0 : i32
        %dma_wait3A_426 = tpu.memref_slice %arg9[%add3A_391, %dma_wait3A_425] : memref<10000x64xf32, #tpu.memory_space<hbm>> -> memref<104x64xf32, #tpu.memory_space<hbm>>
        %dma_wait3A_427 = arith.constant 0 : i32
        %dma_wait3A_428 = tpu.memref_slice %arg9[%add3A_391, %dma_wait3A_427] : memref<10000x64xf32, #tpu.memory_space<hbm>> -> memref<104x64xf32, #tpu.memory_space<hbm>>
        tpu.wait_dma2 semaphore(%run_scoped3A : memref<!tpu.dma_semaphore, #tpu.memory_space<semaphore_mem>>) src(%arg19 : memref<104x64xf32, #tpu.memory_space<vmem>>) dst(%dma_wait3A_428 : memref<104x64xf32, #tpu.memory_space<hbm>>)
        tpu.yield
      }) : () -> ()
      %mul3A_392 = arith.constant 624 : i32
      %mul3A_393 = arith.muli %arg1, %mul3A_392 : i32
      %add3A_394 = arith.constant 312 : i32
      %add3A_395 = arith.addi %mul3A_393, %add3A_394 : i32
      "tpu.region"() ({
        %run_scoped3A = tpu.sem_alloc : memref<!tpu.dma_semaphore, #tpu.memory_space<semaphore_mem>>
        %dma_start3A_421 = arith.constant 0 : i32
        %dma_start3A_422 = tpu.memref_slice %arg30[%add3A_395, %dma_start3A_421] : memref<10000x64xf32, #tpu.memory_space<vmem_shared>> -> memref<104x64xf32, #tpu.memory_space<vmem_shared>>
        %dma_start3A_423 = arith.constant 0 : i32
        %dma_start3A_424 = tpu.memref_slice %arg30[%add3A_395, %dma_start3A_423] : memref<10000x64xf32, #tpu.memory_space<vmem_shared>> -> memref<104x64xf32, #tpu.memory_space<vmem_shared>>
        tpu.enqueue_dma source(%dma_start3A_424 : memref<104x64xf32, #tpu.memory_space<vmem_shared>>) target(%arg19 : memref<104x64xf32, #tpu.memory_space<vmem>>) target_semaphore(%run_scoped3A : memref<!tpu.dma_semaphore, #tpu.memory_space<semaphore_mem>>)
        %dma_wait3A_425 = arith.constant 0 : i32
        %dma_wait3A_426 = tpu.memref_slice %arg30[%add3A_395, %dma_wait3A_425] : memref<10000x64xf32, #tpu.memory_space<vmem_shared>> -> memref<104x64xf32, #tpu.memory_space<vmem_shared>>
        %dma_wait3A_427 = arith.constant 0 : i32
        %dma_wait3A_428 = tpu.memref_slice %arg30[%add3A_395, %dma_wait3A_427] : memref<10000x64xf32, #tpu.memory_space<vmem_shared>> -> memref<104x64xf32, #tpu.memory_space<vmem_shared>>
        tpu.wait_dma2 semaphore(%run_scoped3A : memref<!tpu.dma_semaphore, #tpu.memory_space<semaphore_mem>>) src(%dma_wait3A_428 : memref<104x64xf32, #tpu.memory_space<vmem_shared>>) dst(%arg19 : memref<104x64xf32, #tpu.memory_space<vmem>>)
        tpu.yield
      }) : () -> ()
      %mul3A_396 = arith.constant 624 : i32
      %mul3A_397 = arith.muli %arg1, %mul3A_396 : i32
      %add3A_398 = arith.constant 312 : i32
      %add3A_399 = arith.addi %mul3A_397, %add3A_398 : i32
      "tpu.region"() ({
        %run_scoped3A = tpu.sem_alloc : memref<!tpu.dma_semaphore, #tpu.memory_space<semaphore_mem>>
        %dma_start3A_421 = arith.constant 0 : i32
        %dma_start3A_422 = tpu.memref_slice %arg9[%add3A_399, %dma_start3A_421] : memref<10000x64xf32, #tpu.memory_space<hbm>> -> memref<104x64xf32, #tpu.memory_space<hbm>>
        %dma_start3A_423 = arith.constant 0 : i32
        %dma_start3A_424 = tpu.memref_slice %arg9[%add3A_399, %dma_start3A_423] : memref<10000x64xf32, #tpu.memory_space<hbm>> -> memref<104x64xf32, #tpu.memory_space<hbm>>
        tpu.enqueue_dma source(%arg19 : memref<104x64xf32, #tpu.memory_space<vmem>>) target(%dma_start3A_424 : memref<104x64xf32, #tpu.memory_space<hbm>>) target_semaphore(%run_scoped3A : memref<!tpu.dma_semaphore, #tpu.memory_space<semaphore_mem>>)
        %dma_wait3A_425 = arith.constant 0 : i32
        %dma_wait3A_426 = tpu.memref_slice %arg9[%add3A_399, %dma_wait3A_425] : memref<10000x64xf32, #tpu.memory_space<hbm>> -> memref<104x64xf32, #tpu.memory_space<hbm>>
        %dma_wait3A_427 = arith.constant 0 : i32
        %dma_wait3A_428 = tpu.memref_slice %arg9[%add3A_399, %dma_wait3A_427] : memref<10000x64xf32, #tpu.memory_space<hbm>> -> memref<104x64xf32, #tpu.memory_space<hbm>>
        tpu.wait_dma2 semaphore(%run_scoped3A : memref<!tpu.dma_semaphore, #tpu.memory_space<semaphore_mem>>) src(%arg19 : memref<104x64xf32, #tpu.memory_space<vmem>>) dst(%dma_wait3A_428 : memref<104x64xf32, #tpu.memory_space<hbm>>)
        tpu.yield
      }) : () -> ()
      %mul3A_400 = arith.constant 624 : i32
      %mul3A_401 = arith.muli %arg1, %mul3A_400 : i32
      %add3A_402 = arith.constant 416 : i32
      %add3A_403 = arith.addi %mul3A_401, %add3A_402 : i32
      "tpu.region"() ({
        %run_scoped3A = tpu.sem_alloc : memref<!tpu.dma_semaphore, #tpu.memory_space<semaphore_mem>>
        %dma_start3A_421 = arith.constant 0 : i32
        %dma_start3A_422 = tpu.memref_slice %arg30[%add3A_403, %dma_start3A_421] : memref<10000x64xf32, #tpu.memory_space<vmem_shared>> -> memref<104x64xf32, #tpu.memory_space<vmem_shared>>
        %dma_start3A_423 = arith.constant 0 : i32
        %dma_start3A_424 = tpu.memref_slice %arg30[%add3A_403, %dma_start3A_423] : memref<10000x64xf32, #tpu.memory_space<vmem_shared>> -> memref<104x64xf32, #tpu.memory_space<vmem_shared>>
        tpu.enqueue_dma source(%dma_start3A_424 : memref<104x64xf32, #tpu.memory_space<vmem_shared>>) target(%arg19 : memref<104x64xf32, #tpu.memory_space<vmem>>) target_semaphore(%run_scoped3A : memref<!tpu.dma_semaphore, #tpu.memory_space<semaphore_mem>>)
        %dma_wait3A_425 = arith.constant 0 : i32
        %dma_wait3A_426 = tpu.memref_slice %arg30[%add3A_403, %dma_wait3A_425] : memref<10000x64xf32, #tpu.memory_space<vmem_shared>> -> memref<104x64xf32, #tpu.memory_space<vmem_shared>>
        %dma_wait3A_427 = arith.constant 0 : i32
        %dma_wait3A_428 = tpu.memref_slice %arg30[%add3A_403, %dma_wait3A_427] : memref<10000x64xf32, #tpu.memory_space<vmem_shared>> -> memref<104x64xf32, #tpu.memory_space<vmem_shared>>
        tpu.wait_dma2 semaphore(%run_scoped3A : memref<!tpu.dma_semaphore, #tpu.memory_space<semaphore_mem>>) src(%dma_wait3A_428 : memref<104x64xf32, #tpu.memory_space<vmem_shared>>) dst(%arg19 : memref<104x64xf32, #tpu.memory_space<vmem>>)
        tpu.yield
      }) : () -> ()
      %mul3A_404 = arith.constant 624 : i32
      %mul3A_405 = arith.muli %arg1, %mul3A_404 : i32
      %add3A_406 = arith.constant 416 : i32
      %add3A_407 = arith.addi %mul3A_405, %add3A_406 : i32
      "tpu.region"() ({
        %run_scoped3A = tpu.sem_alloc : memref<!tpu.dma_semaphore, #tpu.memory_space<semaphore_mem>>
        %dma_start3A_421 = arith.constant 0 : i32
        %dma_start3A_422 = tpu.memref_slice %arg9[%add3A_407, %dma_start3A_421] : memref<10000x64xf32, #tpu.memory_space<hbm>> -> memref<104x64xf32, #tpu.memory_space<hbm>>
        %dma_start3A_423 = arith.constant 0 : i32
        %dma_start3A_424 = tpu.memref_slice %arg9[%add3A_407, %dma_start3A_423] : memref<10000x64xf32, #tpu.memory_space<hbm>> -> memref<104x64xf32, #tpu.memory_space<hbm>>
        tpu.enqueue_dma source(%arg19 : memref<104x64xf32, #tpu.memory_space<vmem>>) target(%dma_start3A_424 : memref<104x64xf32, #tpu.memory_space<hbm>>) target_semaphore(%run_scoped3A : memref<!tpu.dma_semaphore, #tpu.memory_space<semaphore_mem>>)
        %dma_wait3A_425 = arith.constant 0 : i32
        %dma_wait3A_426 = tpu.memref_slice %arg9[%add3A_407, %dma_wait3A_425] : memref<10000x64xf32, #tpu.memory_space<hbm>> -> memref<104x64xf32, #tpu.memory_space<hbm>>
        %dma_wait3A_427 = arith.constant 0 : i32
        %dma_wait3A_428 = tpu.memref_slice %arg9[%add3A_407, %dma_wait3A_427] : memref<10000x64xf32, #tpu.memory_space<hbm>> -> memref<104x64xf32, #tpu.memory_space<hbm>>
        tpu.wait_dma2 semaphore(%run_scoped3A : memref<!tpu.dma_semaphore, #tpu.memory_space<semaphore_mem>>) src(%arg19 : memref<104x64xf32, #tpu.memory_space<vmem>>) dst(%dma_wait3A_428 : memref<104x64xf32, #tpu.memory_space<hbm>>)
        tpu.yield
      }) : () -> ()
      %mul3A_408 = arith.constant 624 : i32
      %mul3A_409 = arith.muli %arg1, %mul3A_408 : i32
      %add3A_410 = arith.constant 520 : i32
      %add3A_411 = arith.addi %mul3A_409, %add3A_410 : i32
      "tpu.region"() ({
        %run_scoped3A = tpu.sem_alloc : memref<!tpu.dma_semaphore, #tpu.memory_space<semaphore_mem>>
        %dma_start3A_421 = arith.constant 0 : i32
        %dma_start3A_422 = tpu.memref_slice %arg30[%add3A_411, %dma_start3A_421] : memref<10000x64xf32, #tpu.memory_space<vmem_shared>> -> memref<104x64xf32, #tpu.memory_space<vmem_shared>>
        %dma_start3A_423 = arith.constant 0 : i32
        %dma_start3A_424 = tpu.memref_slice %arg30[%add3A_411, %dma_start3A_423] : memref<10000x64xf32, #tpu.memory_space<vmem_shared>> -> memref<104x64xf32, #tpu.memory_space<vmem_shared>>
        tpu.enqueue_dma source(%dma_start3A_424 : memref<104x64xf32, #tpu.memory_space<vmem_shared>>) target(%arg19 : memref<104x64xf32, #tpu.memory_space<vmem>>) target_semaphore(%run_scoped3A : memref<!tpu.dma_semaphore, #tpu.memory_space<semaphore_mem>>)
        %dma_wait3A_425 = arith.constant 0 : i32
        %dma_wait3A_426 = tpu.memref_slice %arg30[%add3A_411, %dma_wait3A_425] : memref<10000x64xf32, #tpu.memory_space<vmem_shared>> -> memref<104x64xf32, #tpu.memory_space<vmem_shared>>
        %dma_wait3A_427 = arith.constant 0 : i32
        %dma_wait3A_428 = tpu.memref_slice %arg30[%add3A_411, %dma_wait3A_427] : memref<10000x64xf32, #tpu.memory_space<vmem_shared>> -> memref<104x64xf32, #tpu.memory_space<vmem_shared>>
        tpu.wait_dma2 semaphore(%run_scoped3A : memref<!tpu.dma_semaphore, #tpu.memory_space<semaphore_mem>>) src(%dma_wait3A_428 : memref<104x64xf32, #tpu.memory_space<vmem_shared>>) dst(%arg19 : memref<104x64xf32, #tpu.memory_space<vmem>>)
        tpu.yield
      }) : () -> ()
      %mul3A_412 = arith.constant 624 : i32
      %mul3A_413 = arith.muli %arg1, %mul3A_412 : i32
      %add3A_414 = arith.constant 520 : i32
      %add3A_415 = arith.addi %mul3A_413, %add3A_414 : i32
      "tpu.region"() ({
        %run_scoped3A = tpu.sem_alloc : memref<!tpu.dma_semaphore, #tpu.memory_space<semaphore_mem>>
        %dma_start3A_421 = arith.constant 0 : i32
        %dma_start3A_422 = tpu.memref_slice %arg9[%add3A_415, %dma_start3A_421] : memref<10000x64xf32, #tpu.memory_space<hbm>> -> memref<104x64xf32, #tpu.memory_space<hbm>>
        %dma_start3A_423 = arith.constant 0 : i32
        %dma_start3A_424 = tpu.memref_slice %arg9[%add3A_415, %dma_start3A_423] : memref<10000x64xf32, #tpu.memory_space<hbm>> -> memref<104x64xf32, #tpu.memory_space<hbm>>
        tpu.enqueue_dma source(%arg19 : memref<104x64xf32, #tpu.memory_space<vmem>>) target(%dma_start3A_424 : memref<104x64xf32, #tpu.memory_space<hbm>>) target_semaphore(%run_scoped3A : memref<!tpu.dma_semaphore, #tpu.memory_space<semaphore_mem>>)
        %dma_wait3A_425 = arith.constant 0 : i32
        %dma_wait3A_426 = tpu.memref_slice %arg9[%add3A_415, %dma_wait3A_425] : memref<10000x64xf32, #tpu.memory_space<hbm>> -> memref<104x64xf32, #tpu.memory_space<hbm>>
        %dma_wait3A_427 = arith.constant 0 : i32
        %dma_wait3A_428 = tpu.memref_slice %arg9[%add3A_415, %dma_wait3A_427] : memref<10000x64xf32, #tpu.memory_space<hbm>> -> memref<104x64xf32, #tpu.memory_space<hbm>>
        tpu.wait_dma2 semaphore(%run_scoped3A : memref<!tpu.dma_semaphore, #tpu.memory_space<semaphore_mem>>) src(%arg19 : memref<104x64xf32, #tpu.memory_space<vmem>>) dst(%dma_wait3A_428 : memref<104x64xf32, #tpu.memory_space<hbm>>)
        tpu.yield
      }) : () -> ()
      %eq3A_416 = arith.constant 0 : i32
      %eq3A_417 = arith.cmpi eq, %arg1, %eq3A_416 : i32
      %convert_element_type3A_418 = arith.extui %eq3A_417 : i1 to i32
      %cond3A_419 = arith.constant 0 : i32
      %cond3A_420 = arith.cmpi ne, %convert_element_type3A_418, %cond3A_419 : i32
      scf.if %cond3A_420 {
        "tpu.region"() ({
          %run_scoped3A = tpu.sem_alloc : memref<!tpu.dma_semaphore, #tpu.memory_space<semaphore_mem>>
          %dma_start3A_421 = arith.constant 0 : i32
          %dma_start3A_422 = arith.constant 0 : i32
          %dma_start3A_423 = tpu.memref_slice %arg19[%dma_start3A_421, %dma_start3A_422] : memref<104x64xf32, #tpu.memory_space<vmem>> -> memref<16x64xf32, #tpu.memory_space<vmem>>
          %dma_start3A_424 = arith.constant 9984 : i32
          %dma_start3A_425 = arith.constant 0 : i32
          %dma_start3A_426 = tpu.memref_slice %arg30[%dma_start3A_424, %dma_start3A_425] : memref<10000x64xf32, #tpu.memory_space<vmem_shared>> -> memref<16x64xf32, #tpu.memory_space<vmem_shared>>
          %dma_start3A_427 = arith.constant 0 : i32
          %dma_start3A_428 = arith.constant 0 : i32
          %dma_start3A_429 = tpu.memref_slice %arg19[%dma_start3A_427, %dma_start3A_428] : memref<104x64xf32, #tpu.memory_space<vmem>> -> memref<16x64xf32, #tpu.memory_space<vmem>>
          %dma_start3A_430 = arith.constant 9984 : i32
          %dma_start3A_431 = arith.constant 0 : i32
          %dma_start3A_432 = tpu.memref_slice %arg30[%dma_start3A_430, %dma_start3A_431] : memref<10000x64xf32, #tpu.memory_space<vmem_shared>> -> memref<16x64xf32, #tpu.memory_space<vmem_shared>>
          tpu.enqueue_dma source(%dma_start3A_432 : memref<16x64xf32, #tpu.memory_space<vmem_shared>>) target(%dma_start3A_429 : memref<16x64xf32, #tpu.memory_space<vmem>>) target_semaphore(%run_scoped3A : memref<!tpu.dma_semaphore, #tpu.memory_space<semaphore_mem>>)
          %dma_wait3A_433 = arith.constant 0 : i32
          %dma_wait3A_434 = arith.constant 0 : i32
          %dma_wait3A_435 = tpu.memref_slice %arg19[%dma_wait3A_433, %dma_wait3A_434] : memref<104x64xf32, #tpu.memory_space<vmem>> -> memref<16x64xf32, #tpu.memory_space<vmem>>
          %dma_wait3A_436 = arith.constant 9984 : i32
          %dma_wait3A_437 = arith.constant 0 : i32
          %dma_wait3A_438 = tpu.memref_slice %arg30[%dma_wait3A_436, %dma_wait3A_437] : memref<10000x64xf32, #tpu.memory_space<vmem_shared>> -> memref<16x64xf32, #tpu.memory_space<vmem_shared>>
          %dma_wait3A_439 = arith.constant 0 : i32
          %dma_wait3A_440 = arith.constant 0 : i32
          %dma_wait3A_441 = tpu.memref_slice %arg19[%dma_wait3A_439, %dma_wait3A_440] : memref<104x64xf32, #tpu.memory_space<vmem>> -> memref<16x64xf32, #tpu.memory_space<vmem>>
          %dma_wait3A_442 = arith.constant 9984 : i32
          %dma_wait3A_443 = arith.constant 0 : i32
          %dma_wait3A_444 = tpu.memref_slice %arg30[%dma_wait3A_442, %dma_wait3A_443] : memref<10000x64xf32, #tpu.memory_space<vmem_shared>> -> memref<16x64xf32, #tpu.memory_space<vmem_shared>>
          tpu.wait_dma2 semaphore(%run_scoped3A : memref<!tpu.dma_semaphore, #tpu.memory_space<semaphore_mem>>) src(%dma_wait3A_444 : memref<16x64xf32, #tpu.memory_space<vmem_shared>>) dst(%dma_wait3A_441 : memref<16x64xf32, #tpu.memory_space<vmem>>)
          tpu.yield
        }) : () -> ()
        "tpu.region"() ({
          %run_scoped3A = tpu.sem_alloc : memref<!tpu.dma_semaphore, #tpu.memory_space<semaphore_mem>>
          %dma_start3A_421 = arith.constant 0 : i32
          %dma_start3A_422 = arith.constant 0 : i32
          %dma_start3A_423 = tpu.memref_slice %arg19[%dma_start3A_421, %dma_start3A_422] : memref<104x64xf32, #tpu.memory_space<vmem>> -> memref<16x64xf32, #tpu.memory_space<vmem>>
          %dma_start3A_424 = arith.constant 9984 : i32
          %dma_start3A_425 = arith.constant 0 : i32
          %dma_start3A_426 = tpu.memref_slice %arg9[%dma_start3A_424, %dma_start3A_425] : memref<10000x64xf32, #tpu.memory_space<hbm>> -> memref<16x64xf32, #tpu.memory_space<hbm>>
          %dma_start3A_427 = arith.constant 9984 : i32
          %dma_start3A_428 = arith.constant 0 : i32
          %dma_start3A_429 = tpu.memref_slice %arg9[%dma_start3A_427, %dma_start3A_428] : memref<10000x64xf32, #tpu.memory_space<hbm>> -> memref<16x64xf32, #tpu.memory_space<hbm>>
          %dma_start3A_430 = arith.constant 0 : i32
          %dma_start3A_431 = arith.constant 0 : i32
          %dma_start3A_432 = tpu.memref_slice %arg19[%dma_start3A_430, %dma_start3A_431] : memref<104x64xf32, #tpu.memory_space<vmem>> -> memref<16x64xf32, #tpu.memory_space<vmem>>
          tpu.enqueue_dma source(%dma_start3A_432 : memref<16x64xf32, #tpu.memory_space<vmem>>) target(%dma_start3A_429 : memref<16x64xf32, #tpu.memory_space<hbm>>) target_semaphore(%run_scoped3A : memref<!tpu.dma_semaphore, #tpu.memory_space<semaphore_mem>>)
          %dma_wait3A_433 = arith.constant 0 : i32
          %dma_wait3A_434 = arith.constant 0 : i32
          %dma_wait3A_435 = tpu.memref_slice %arg19[%dma_wait3A_433, %dma_wait3A_434] : memref<104x64xf32, #tpu.memory_space<vmem>> -> memref<16x64xf32, #tpu.memory_space<vmem>>
          %dma_wait3A_436 = arith.constant 9984 : i32
          %dma_wait3A_437 = arith.constant 0 : i32
          %dma_wait3A_438 = tpu.memref_slice %arg9[%dma_wait3A_436, %dma_wait3A_437] : memref<10000x64xf32, #tpu.memory_space<hbm>> -> memref<16x64xf32, #tpu.memory_space<hbm>>
          %dma_wait3A_439 = arith.constant 9984 : i32
          %dma_wait3A_440 = arith.constant 0 : i32
          %dma_wait3A_441 = tpu.memref_slice %arg9[%dma_wait3A_439, %dma_wait3A_440] : memref<10000x64xf32, #tpu.memory_space<hbm>> -> memref<16x64xf32, #tpu.memory_space<hbm>>
          %dma_wait3A_442 = arith.constant 0 : i32
          %dma_wait3A_443 = arith.constant 0 : i32
          %dma_wait3A_444 = tpu.memref_slice %arg19[%dma_wait3A_442, %dma_wait3A_443] : memref<104x64xf32, #tpu.memory_space<vmem>> -> memref<16x64xf32, #tpu.memory_space<vmem>>
          tpu.wait_dma2 semaphore(%run_scoped3A : memref<!tpu.dma_semaphore, #tpu.memory_space<semaphore_mem>>) src(%dma_wait3A_444 : memref<16x64xf32, #tpu.memory_space<vmem>>) dst(%dma_wait3A_441 : memref<16x64xf32, #tpu.memory_space<hbm>>)
          tpu.yield
        }) : () -> ()
      } else {
      }
    } else {
    }
    %eq3A_358 = arith.constant 1 : i32
    %eq3A_359 = arith.cmpi eq, %arg0, %eq3A_358 : i32
    %convert_element_type3A_360 = arith.extui %eq3A_359 : i1 to i32
    %cond3A_361 = arith.constant 0 : i32
    %cond3A_362 = arith.cmpi ne, %convert_element_type3A_360, %cond3A_361 : i32
    scf.if %cond3A_362 {
      %mul3A_368 = arith.constant 624 : i32
      %mul3A_369 = arith.muli %arg1, %mul3A_368 : i32
      %add3A_370 = arith.constant 0 : i32
      %add3A_371 = arith.addi %mul3A_369, %add3A_370 : i32
      "tpu.region"() ({
        %run_scoped3A = tpu.sem_alloc : memref<!tpu.dma_semaphore, #tpu.memory_space<semaphore_mem>>
        %dma_start3A_421 = arith.constant 0 : i32
        %dma_start3A_422 = tpu.memref_slice %arg30[%add3A_371, %dma_start3A_421] : memref<10000x64xf32, #tpu.memory_space<vmem_shared>> -> memref<104x64xf32, #tpu.memory_space<vmem_shared>>
        %dma_start3A_423 = arith.constant 0 : i32
        %dma_start3A_424 = tpu.memref_slice %arg30[%add3A_371, %dma_start3A_423] : memref<10000x64xf32, #tpu.memory_space<vmem_shared>> -> memref<104x64xf32, #tpu.memory_space<vmem_shared>>
        tpu.enqueue_dma source(%dma_start3A_424 : memref<104x64xf32, #tpu.memory_space<vmem_shared>>) target(%arg19 : memref<104x64xf32, #tpu.memory_space<vmem>>) target_semaphore(%run_scoped3A : memref<!tpu.dma_semaphore, #tpu.memory_space<semaphore_mem>>)
        %dma_wait3A_425 = arith.constant 0 : i32
        %dma_wait3A_426 = tpu.memref_slice %arg30[%add3A_371, %dma_wait3A_425] : memref<10000x64xf32, #tpu.memory_space<vmem_shared>> -> memref<104x64xf32, #tpu.memory_space<vmem_shared>>
        %dma_wait3A_427 = arith.constant 0 : i32
        %dma_wait3A_428 = tpu.memref_slice %arg30[%add3A_371, %dma_wait3A_427] : memref<10000x64xf32, #tpu.memory_space<vmem_shared>> -> memref<104x64xf32, #tpu.memory_space<vmem_shared>>
        tpu.wait_dma2 semaphore(%run_scoped3A : memref<!tpu.dma_semaphore, #tpu.memory_space<semaphore_mem>>) src(%dma_wait3A_428 : memref<104x64xf32, #tpu.memory_space<vmem_shared>>) dst(%arg19 : memref<104x64xf32, #tpu.memory_space<vmem>>)
        tpu.yield
      }) : () -> ()
      %mul3A_372 = arith.constant 624 : i32
      %mul3A_373 = arith.muli %arg1, %mul3A_372 : i32
      %add3A_374 = arith.constant 0 : i32
      %add3A_375 = arith.addi %mul3A_373, %add3A_374 : i32
      "tpu.region"() ({
        %run_scoped3A = tpu.sem_alloc : memref<!tpu.dma_semaphore, #tpu.memory_space<semaphore_mem>>
        %dma_start3A_421 = arith.constant 0 : i32
        %dma_start3A_422 = tpu.memref_slice %arg10[%add3A_375, %dma_start3A_421] : memref<10000x64xf32, #tpu.memory_space<hbm>> -> memref<104x64xf32, #tpu.memory_space<hbm>>
        %dma_start3A_423 = arith.constant 0 : i32
        %dma_start3A_424 = tpu.memref_slice %arg10[%add3A_375, %dma_start3A_423] : memref<10000x64xf32, #tpu.memory_space<hbm>> -> memref<104x64xf32, #tpu.memory_space<hbm>>
        tpu.enqueue_dma source(%arg19 : memref<104x64xf32, #tpu.memory_space<vmem>>) target(%dma_start3A_424 : memref<104x64xf32, #tpu.memory_space<hbm>>) target_semaphore(%run_scoped3A : memref<!tpu.dma_semaphore, #tpu.memory_space<semaphore_mem>>)
        %dma_wait3A_425 = arith.constant 0 : i32
        %dma_wait3A_426 = tpu.memref_slice %arg10[%add3A_375, %dma_wait3A_425] : memref<10000x64xf32, #tpu.memory_space<hbm>> -> memref<104x64xf32, #tpu.memory_space<hbm>>
        %dma_wait3A_427 = arith.constant 0 : i32
        %dma_wait3A_428 = tpu.memref_slice %arg10[%add3A_375, %dma_wait3A_427] : memref<10000x64xf32, #tpu.memory_space<hbm>> -> memref<104x64xf32, #tpu.memory_space<hbm>>
        tpu.wait_dma2 semaphore(%run_scoped3A : memref<!tpu.dma_semaphore, #tpu.memory_space<semaphore_mem>>) src(%arg19 : memref<104x64xf32, #tpu.memory_space<vmem>>) dst(%dma_wait3A_428 : memref<104x64xf32, #tpu.memory_space<hbm>>)
        tpu.yield
      }) : () -> ()
      %mul3A_376 = arith.constant 624 : i32
      %mul3A_377 = arith.muli %arg1, %mul3A_376 : i32
      %add3A_378 = arith.constant 104 : i32
      %add3A_379 = arith.addi %mul3A_377, %add3A_378 : i32
      "tpu.region"() ({
        %run_scoped3A = tpu.sem_alloc : memref<!tpu.dma_semaphore, #tpu.memory_space<semaphore_mem>>
        %dma_start3A_421 = arith.constant 0 : i32
        %dma_start3A_422 = tpu.memref_slice %arg30[%add3A_379, %dma_start3A_421] : memref<10000x64xf32, #tpu.memory_space<vmem_shared>> -> memref<104x64xf32, #tpu.memory_space<vmem_shared>>
        %dma_start3A_423 = arith.constant 0 : i32
        %dma_start3A_424 = tpu.memref_slice %arg30[%add3A_379, %dma_start3A_423] : memref<10000x64xf32, #tpu.memory_space<vmem_shared>> -> memref<104x64xf32, #tpu.memory_space<vmem_shared>>
        tpu.enqueue_dma source(%dma_start3A_424 : memref<104x64xf32, #tpu.memory_space<vmem_shared>>) target(%arg19 : memref<104x64xf32, #tpu.memory_space<vmem>>) target_semaphore(%run_scoped3A : memref<!tpu.dma_semaphore, #tpu.memory_space<semaphore_mem>>)
        %dma_wait3A_425 = arith.constant 0 : i32
        %dma_wait3A_426 = tpu.memref_slice %arg30[%add3A_379, %dma_wait3A_425] : memref<10000x64xf32, #tpu.memory_space<vmem_shared>> -> memref<104x64xf32, #tpu.memory_space<vmem_shared>>
        %dma_wait3A_427 = arith.constant 0 : i32
        %dma_wait3A_428 = tpu.memref_slice %arg30[%add3A_379, %dma_wait3A_427] : memref<10000x64xf32, #tpu.memory_space<vmem_shared>> -> memref<104x64xf32, #tpu.memory_space<vmem_shared>>
        tpu.wait_dma2 semaphore(%run_scoped3A : memref<!tpu.dma_semaphore, #tpu.memory_space<semaphore_mem>>) src(%dma_wait3A_428 : memref<104x64xf32, #tpu.memory_space<vmem_shared>>) dst(%arg19 : memref<104x64xf32, #tpu.memory_space<vmem>>)
        tpu.yield
      }) : () -> ()
      %mul3A_380 = arith.constant 624 : i32
      %mul3A_381 = arith.muli %arg1, %mul3A_380 : i32
      %add3A_382 = arith.constant 104 : i32
      %add3A_383 = arith.addi %mul3A_381, %add3A_382 : i32
      "tpu.region"() ({
        %run_scoped3A = tpu.sem_alloc : memref<!tpu.dma_semaphore, #tpu.memory_space<semaphore_mem>>
        %dma_start3A_421 = arith.constant 0 : i32
        %dma_start3A_422 = tpu.memref_slice %arg10[%add3A_383, %dma_start3A_421] : memref<10000x64xf32, #tpu.memory_space<hbm>> -> memref<104x64xf32, #tpu.memory_space<hbm>>
        %dma_start3A_423 = arith.constant 0 : i32
        %dma_start3A_424 = tpu.memref_slice %arg10[%add3A_383, %dma_start3A_423] : memref<10000x64xf32, #tpu.memory_space<hbm>> -> memref<104x64xf32, #tpu.memory_space<hbm>>
        tpu.enqueue_dma source(%arg19 : memref<104x64xf32, #tpu.memory_space<vmem>>) target(%dma_start3A_424 : memref<104x64xf32, #tpu.memory_space<hbm>>) target_semaphore(%run_scoped3A : memref<!tpu.dma_semaphore, #tpu.memory_space<semaphore_mem>>)
        %dma_wait3A_425 = arith.constant 0 : i32
        %dma_wait3A_426 = tpu.memref_slice %arg10[%add3A_383, %dma_wait3A_425] : memref<10000x64xf32, #tpu.memory_space<hbm>> -> memref<104x64xf32, #tpu.memory_space<hbm>>
        %dma_wait3A_427 = arith.constant 0 : i32
        %dma_wait3A_428 = tpu.memref_slice %arg10[%add3A_383, %dma_wait3A_427] : memref<10000x64xf32, #tpu.memory_space<hbm>> -> memref<104x64xf32, #tpu.memory_space<hbm>>
        tpu.wait_dma2 semaphore(%run_scoped3A : memref<!tpu.dma_semaphore, #tpu.memory_space<semaphore_mem>>) src(%arg19 : memref<104x64xf32, #tpu.memory_space<vmem>>) dst(%dma_wait3A_428 : memref<104x64xf32, #tpu.memory_space<hbm>>)
        tpu.yield
      }) : () -> ()
      %mul3A_384 = arith.constant 624 : i32
      %mul3A_385 = arith.muli %arg1, %mul3A_384 : i32
      %add3A_386 = arith.constant 208 : i32
      %add3A_387 = arith.addi %mul3A_385, %add3A_386 : i32
      "tpu.region"() ({
        %run_scoped3A = tpu.sem_alloc : memref<!tpu.dma_semaphore, #tpu.memory_space<semaphore_mem>>
        %dma_start3A_421 = arith.constant 0 : i32
        %dma_start3A_422 = tpu.memref_slice %arg30[%add3A_387, %dma_start3A_421] : memref<10000x64xf32, #tpu.memory_space<vmem_shared>> -> memref<104x64xf32, #tpu.memory_space<vmem_shared>>
        %dma_start3A_423 = arith.constant 0 : i32
        %dma_start3A_424 = tpu.memref_slice %arg30[%add3A_387, %dma_start3A_423] : memref<10000x64xf32, #tpu.memory_space<vmem_shared>> -> memref<104x64xf32, #tpu.memory_space<vmem_shared>>
        tpu.enqueue_dma source(%dma_start3A_424 : memref<104x64xf32, #tpu.memory_space<vmem_shared>>) target(%arg19 : memref<104x64xf32, #tpu.memory_space<vmem>>) target_semaphore(%run_scoped3A : memref<!tpu.dma_semaphore, #tpu.memory_space<semaphore_mem>>)
        %dma_wait3A_425 = arith.constant 0 : i32
        %dma_wait3A_426 = tpu.memref_slice %arg30[%add3A_387, %dma_wait3A_425] : memref<10000x64xf32, #tpu.memory_space<vmem_shared>> -> memref<104x64xf32, #tpu.memory_space<vmem_shared>>
        %dma_wait3A_427 = arith.constant 0 : i32
        %dma_wait3A_428 = tpu.memref_slice %arg30[%add3A_387, %dma_wait3A_427] : memref<10000x64xf32, #tpu.memory_space<vmem_shared>> -> memref<104x64xf32, #tpu.memory_space<vmem_shared>>
        tpu.wait_dma2 semaphore(%run_scoped3A : memref<!tpu.dma_semaphore, #tpu.memory_space<semaphore_mem>>) src(%dma_wait3A_428 : memref<104x64xf32, #tpu.memory_space<vmem_shared>>) dst(%arg19 : memref<104x64xf32, #tpu.memory_space<vmem>>)
        tpu.yield
      }) : () -> ()
      %mul3A_388 = arith.constant 624 : i32
      %mul3A_389 = arith.muli %arg1, %mul3A_388 : i32
      %add3A_390 = arith.constant 208 : i32
      %add3A_391 = arith.addi %mul3A_389, %add3A_390 : i32
      "tpu.region"() ({
        %run_scoped3A = tpu.sem_alloc : memref<!tpu.dma_semaphore, #tpu.memory_space<semaphore_mem>>
        %dma_start3A_421 = arith.constant 0 : i32
        %dma_start3A_422 = tpu.memref_slice %arg10[%add3A_391, %dma_start3A_421] : memref<10000x64xf32, #tpu.memory_space<hbm>> -> memref<104x64xf32, #tpu.memory_space<hbm>>
        %dma_start3A_423 = arith.constant 0 : i32
        %dma_start3A_424 = tpu.memref_slice %arg10[%add3A_391, %dma_start3A_423] : memref<10000x64xf32, #tpu.memory_space<hbm>> -> memref<104x64xf32, #tpu.memory_space<hbm>>
        tpu.enqueue_dma source(%arg19 : memref<104x64xf32, #tpu.memory_space<vmem>>) target(%dma_start3A_424 : memref<104x64xf32, #tpu.memory_space<hbm>>) target_semaphore(%run_scoped3A : memref<!tpu.dma_semaphore, #tpu.memory_space<semaphore_mem>>)
        %dma_wait3A_425 = arith.constant 0 : i32
        %dma_wait3A_426 = tpu.memref_slice %arg10[%add3A_391, %dma_wait3A_425] : memref<10000x64xf32, #tpu.memory_space<hbm>> -> memref<104x64xf32, #tpu.memory_space<hbm>>
        %dma_wait3A_427 = arith.constant 0 : i32
        %dma_wait3A_428 = tpu.memref_slice %arg10[%add3A_391, %dma_wait3A_427] : memref<10000x64xf32, #tpu.memory_space<hbm>> -> memref<104x64xf32, #tpu.memory_space<hbm>>
        tpu.wait_dma2 semaphore(%run_scoped3A : memref<!tpu.dma_semaphore, #tpu.memory_space<semaphore_mem>>) src(%arg19 : memref<104x64xf32, #tpu.memory_space<vmem>>) dst(%dma_wait3A_428 : memref<104x64xf32, #tpu.memory_space<hbm>>)
        tpu.yield
      }) : () -> ()
      %mul3A_392 = arith.constant 624 : i32
      %mul3A_393 = arith.muli %arg1, %mul3A_392 : i32
      %add3A_394 = arith.constant 312 : i32
      %add3A_395 = arith.addi %mul3A_393, %add3A_394 : i32
      "tpu.region"() ({
        %run_scoped3A = tpu.sem_alloc : memref<!tpu.dma_semaphore, #tpu.memory_space<semaphore_mem>>
        %dma_start3A_421 = arith.constant 0 : i32
        %dma_start3A_422 = tpu.memref_slice %arg30[%add3A_395, %dma_start3A_421] : memref<10000x64xf32, #tpu.memory_space<vmem_shared>> -> memref<104x64xf32, #tpu.memory_space<vmem_shared>>
        %dma_start3A_423 = arith.constant 0 : i32
        %dma_start3A_424 = tpu.memref_slice %arg30[%add3A_395, %dma_start3A_423] : memref<10000x64xf32, #tpu.memory_space<vmem_shared>> -> memref<104x64xf32, #tpu.memory_space<vmem_shared>>
        tpu.enqueue_dma source(%dma_start3A_424 : memref<104x64xf32, #tpu.memory_space<vmem_shared>>) target(%arg19 : memref<104x64xf32, #tpu.memory_space<vmem>>) target_semaphore(%run_scoped3A : memref<!tpu.dma_semaphore, #tpu.memory_space<semaphore_mem>>)
        %dma_wait3A_425 = arith.constant 0 : i32
        %dma_wait3A_426 = tpu.memref_slice %arg30[%add3A_395, %dma_wait3A_425] : memref<10000x64xf32, #tpu.memory_space<vmem_shared>> -> memref<104x64xf32, #tpu.memory_space<vmem_shared>>
        %dma_wait3A_427 = arith.constant 0 : i32
        %dma_wait3A_428 = tpu.memref_slice %arg30[%add3A_395, %dma_wait3A_427] : memref<10000x64xf32, #tpu.memory_space<vmem_shared>> -> memref<104x64xf32, #tpu.memory_space<vmem_shared>>
        tpu.wait_dma2 semaphore(%run_scoped3A : memref<!tpu.dma_semaphore, #tpu.memory_space<semaphore_mem>>) src(%dma_wait3A_428 : memref<104x64xf32, #tpu.memory_space<vmem_shared>>) dst(%arg19 : memref<104x64xf32, #tpu.memory_space<vmem>>)
        tpu.yield
      }) : () -> ()
      %mul3A_396 = arith.constant 624 : i32
      %mul3A_397 = arith.muli %arg1, %mul3A_396 : i32
      %add3A_398 = arith.constant 312 : i32
      %add3A_399 = arith.addi %mul3A_397, %add3A_398 : i32
      "tpu.region"() ({
        %run_scoped3A = tpu.sem_alloc : memref<!tpu.dma_semaphore, #tpu.memory_space<semaphore_mem>>
        %dma_start3A_421 = arith.constant 0 : i32
        %dma_start3A_422 = tpu.memref_slice %arg10[%add3A_399, %dma_start3A_421] : memref<10000x64xf32, #tpu.memory_space<hbm>> -> memref<104x64xf32, #tpu.memory_space<hbm>>
        %dma_start3A_423 = arith.constant 0 : i32
        %dma_start3A_424 = tpu.memref_slice %arg10[%add3A_399, %dma_start3A_423] : memref<10000x64xf32, #tpu.memory_space<hbm>> -> memref<104x64xf32, #tpu.memory_space<hbm>>
        tpu.enqueue_dma source(%arg19 : memref<104x64xf32, #tpu.memory_space<vmem>>) target(%dma_start3A_424 : memref<104x64xf32, #tpu.memory_space<hbm>>) target_semaphore(%run_scoped3A : memref<!tpu.dma_semaphore, #tpu.memory_space<semaphore_mem>>)
        %dma_wait3A_425 = arith.constant 0 : i32
        %dma_wait3A_426 = tpu.memref_slice %arg10[%add3A_399, %dma_wait3A_425] : memref<10000x64xf32, #tpu.memory_space<hbm>> -> memref<104x64xf32, #tpu.memory_space<hbm>>
        %dma_wait3A_427 = arith.constant 0 : i32
        %dma_wait3A_428 = tpu.memref_slice %arg10[%add3A_399, %dma_wait3A_427] : memref<10000x64xf32, #tpu.memory_space<hbm>> -> memref<104x64xf32, #tpu.memory_space<hbm>>
        tpu.wait_dma2 semaphore(%run_scoped3A : memref<!tpu.dma_semaphore, #tpu.memory_space<semaphore_mem>>) src(%arg19 : memref<104x64xf32, #tpu.memory_space<vmem>>) dst(%dma_wait3A_428 : memref<104x64xf32, #tpu.memory_space<hbm>>)
        tpu.yield
      }) : () -> ()
      %mul3A_400 = arith.constant 624 : i32
      %mul3A_401 = arith.muli %arg1, %mul3A_400 : i32
      %add3A_402 = arith.constant 416 : i32
      %add3A_403 = arith.addi %mul3A_401, %add3A_402 : i32
      "tpu.region"() ({
        %run_scoped3A = tpu.sem_alloc : memref<!tpu.dma_semaphore, #tpu.memory_space<semaphore_mem>>
        %dma_start3A_421 = arith.constant 0 : i32
        %dma_start3A_422 = tpu.memref_slice %arg30[%add3A_403, %dma_start3A_421] : memref<10000x64xf32, #tpu.memory_space<vmem_shared>> -> memref<104x64xf32, #tpu.memory_space<vmem_shared>>
        %dma_start3A_423 = arith.constant 0 : i32
        %dma_start3A_424 = tpu.memref_slice %arg30[%add3A_403, %dma_start3A_423] : memref<10000x64xf32, #tpu.memory_space<vmem_shared>> -> memref<104x64xf32, #tpu.memory_space<vmem_shared>>
        tpu.enqueue_dma source(%dma_start3A_424 : memref<104x64xf32, #tpu.memory_space<vmem_shared>>) target(%arg19 : memref<104x64xf32, #tpu.memory_space<vmem>>) target_semaphore(%run_scoped3A : memref<!tpu.dma_semaphore, #tpu.memory_space<semaphore_mem>>)
        %dma_wait3A_425 = arith.constant 0 : i32
        %dma_wait3A_426 = tpu.memref_slice %arg30[%add3A_403, %dma_wait3A_425] : memref<10000x64xf32, #tpu.memory_space<vmem_shared>> -> memref<104x64xf32, #tpu.memory_space<vmem_shared>>
        %dma_wait3A_427 = arith.constant 0 : i32
        %dma_wait3A_428 = tpu.memref_slice %arg30[%add3A_403, %dma_wait3A_427] : memref<10000x64xf32, #tpu.memory_space<vmem_shared>> -> memref<104x64xf32, #tpu.memory_space<vmem_shared>>
        tpu.wait_dma2 semaphore(%run_scoped3A : memref<!tpu.dma_semaphore, #tpu.memory_space<semaphore_mem>>) src(%dma_wait3A_428 : memref<104x64xf32, #tpu.memory_space<vmem_shared>>) dst(%arg19 : memref<104x64xf32, #tpu.memory_space<vmem>>)
        tpu.yield
      }) : () -> ()
      %mul3A_404 = arith.constant 624 : i32
      %mul3A_405 = arith.muli %arg1, %mul3A_404 : i32
      %add3A_406 = arith.constant 416 : i32
      %add3A_407 = arith.addi %mul3A_405, %add3A_406 : i32
      "tpu.region"() ({
        %run_scoped3A = tpu.sem_alloc : memref<!tpu.dma_semaphore, #tpu.memory_space<semaphore_mem>>
        %dma_start3A_421 = arith.constant 0 : i32
        %dma_start3A_422 = tpu.memref_slice %arg10[%add3A_407, %dma_start3A_421] : memref<10000x64xf32, #tpu.memory_space<hbm>> -> memref<104x64xf32, #tpu.memory_space<hbm>>
        %dma_start3A_423 = arith.constant 0 : i32
        %dma_start3A_424 = tpu.memref_slice %arg10[%add3A_407, %dma_start3A_423] : memref<10000x64xf32, #tpu.memory_space<hbm>> -> memref<104x64xf32, #tpu.memory_space<hbm>>
        tpu.enqueue_dma source(%arg19 : memref<104x64xf32, #tpu.memory_space<vmem>>) target(%dma_start3A_424 : memref<104x64xf32, #tpu.memory_space<hbm>>) target_semaphore(%run_scoped3A : memref<!tpu.dma_semaphore, #tpu.memory_space<semaphore_mem>>)
        %dma_wait3A_425 = arith.constant 0 : i32
        %dma_wait3A_426 = tpu.memref_slice %arg10[%add3A_407, %dma_wait3A_425] : memref<10000x64xf32, #tpu.memory_space<hbm>> -> memref<104x64xf32, #tpu.memory_space<hbm>>
        %dma_wait3A_427 = arith.constant 0 : i32
        %dma_wait3A_428 = tpu.memref_slice %arg10[%add3A_407, %dma_wait3A_427] : memref<10000x64xf32, #tpu.memory_space<hbm>> -> memref<104x64xf32, #tpu.memory_space<hbm>>
        tpu.wait_dma2 semaphore(%run_scoped3A : memref<!tpu.dma_semaphore, #tpu.memory_space<semaphore_mem>>) src(%arg19 : memref<104x64xf32, #tpu.memory_space<vmem>>) dst(%dma_wait3A_428 : memref<104x64xf32, #tpu.memory_space<hbm>>)
        tpu.yield
      }) : () -> ()
      %mul3A_408 = arith.constant 624 : i32
      %mul3A_409 = arith.muli %arg1, %mul3A_408 : i32
      %add3A_410 = arith.constant 520 : i32
      %add3A_411 = arith.addi %mul3A_409, %add3A_410 : i32
      "tpu.region"() ({
        %run_scoped3A = tpu.sem_alloc : memref<!tpu.dma_semaphore, #tpu.memory_space<semaphore_mem>>
        %dma_start3A_421 = arith.constant 0 : i32
        %dma_start3A_422 = tpu.memref_slice %arg30[%add3A_411, %dma_start3A_421] : memref<10000x64xf32, #tpu.memory_space<vmem_shared>> -> memref<104x64xf32, #tpu.memory_space<vmem_shared>>
        %dma_start3A_423 = arith.constant 0 : i32
        %dma_start3A_424 = tpu.memref_slice %arg30[%add3A_411, %dma_start3A_423] : memref<10000x64xf32, #tpu.memory_space<vmem_shared>> -> memref<104x64xf32, #tpu.memory_space<vmem_shared>>
        tpu.enqueue_dma source(%dma_start3A_424 : memref<104x64xf32, #tpu.memory_space<vmem_shared>>) target(%arg19 : memref<104x64xf32, #tpu.memory_space<vmem>>) target_semaphore(%run_scoped3A : memref<!tpu.dma_semaphore, #tpu.memory_space<semaphore_mem>>)
        %dma_wait3A_425 = arith.constant 0 : i32
        %dma_wait3A_426 = tpu.memref_slice %arg30[%add3A_411, %dma_wait3A_425] : memref<10000x64xf32, #tpu.memory_space<vmem_shared>> -> memref<104x64xf32, #tpu.memory_space<vmem_shared>>
        %dma_wait3A_427 = arith.constant 0 : i32
        %dma_wait3A_428 = tpu.memref_slice %arg30[%add3A_411, %dma_wait3A_427] : memref<10000x64xf32, #tpu.memory_space<vmem_shared>> -> memref<104x64xf32, #tpu.memory_space<vmem_shared>>
        tpu.wait_dma2 semaphore(%run_scoped3A : memref<!tpu.dma_semaphore, #tpu.memory_space<semaphore_mem>>) src(%dma_wait3A_428 : memref<104x64xf32, #tpu.memory_space<vmem_shared>>) dst(%arg19 : memref<104x64xf32, #tpu.memory_space<vmem>>)
        tpu.yield
      }) : () -> ()
      %mul3A_412 = arith.constant 624 : i32
      %mul3A_413 = arith.muli %arg1, %mul3A_412 : i32
      %add3A_414 = arith.constant 520 : i32
      %add3A_415 = arith.addi %mul3A_413, %add3A_414 : i32
      "tpu.region"() ({
        %run_scoped3A = tpu.sem_alloc : memref<!tpu.dma_semaphore, #tpu.memory_space<semaphore_mem>>
        %dma_start3A_421 = arith.constant 0 : i32
        %dma_start3A_422 = tpu.memref_slice %arg10[%add3A_415, %dma_start3A_421] : memref<10000x64xf32, #tpu.memory_space<hbm>> -> memref<104x64xf32, #tpu.memory_space<hbm>>
        %dma_start3A_423 = arith.constant 0 : i32
        %dma_start3A_424 = tpu.memref_slice %arg10[%add3A_415, %dma_start3A_423] : memref<10000x64xf32, #tpu.memory_space<hbm>> -> memref<104x64xf32, #tpu.memory_space<hbm>>
        tpu.enqueue_dma source(%arg19 : memref<104x64xf32, #tpu.memory_space<vmem>>) target(%dma_start3A_424 : memref<104x64xf32, #tpu.memory_space<hbm>>) target_semaphore(%run_scoped3A : memref<!tpu.dma_semaphore, #tpu.memory_space<semaphore_mem>>)
        %dma_wait3A_425 = arith.constant 0 : i32
        %dma_wait3A_426 = tpu.memref_slice %arg10[%add3A_415, %dma_wait3A_425] : memref<10000x64xf32, #tpu.memory_space<hbm>> -> memref<104x64xf32, #tpu.memory_space<hbm>>
        %dma_wait3A_427 = arith.constant 0 : i32
        %dma_wait3A_428 = tpu.memref_slice %arg10[%add3A_415, %dma_wait3A_427] : memref<10000x64xf32, #tpu.memory_space<hbm>> -> memref<104x64xf32, #tpu.memory_space<hbm>>
        tpu.wait_dma2 semaphore(%run_scoped3A : memref<!tpu.dma_semaphore, #tpu.memory_space<semaphore_mem>>) src(%arg19 : memref<104x64xf32, #tpu.memory_space<vmem>>) dst(%dma_wait3A_428 : memref<104x64xf32, #tpu.memory_space<hbm>>)
        tpu.yield
      }) : () -> ()
      %eq3A_416 = arith.constant 0 : i32
      %eq3A_417 = arith.cmpi eq, %arg1, %eq3A_416 : i32
      %convert_element_type3A_418 = arith.extui %eq3A_417 : i1 to i32
      %cond3A_419 = arith.constant 0 : i32
      %cond3A_420 = arith.cmpi ne, %convert_element_type3A_418, %cond3A_419 : i32
      scf.if %cond3A_420 {
        "tpu.region"() ({
          %run_scoped3A = tpu.sem_alloc : memref<!tpu.dma_semaphore, #tpu.memory_space<semaphore_mem>>
          %dma_start3A_421 = arith.constant 0 : i32
          %dma_start3A_422 = arith.constant 0 : i32
          %dma_start3A_423 = tpu.memref_slice %arg19[%dma_start3A_421, %dma_start3A_422] : memref<104x64xf32, #tpu.memory_space<vmem>> -> memref<16x64xf32, #tpu.memory_space<vmem>>
          %dma_start3A_424 = arith.constant 9984 : i32
          %dma_start3A_425 = arith.constant 0 : i32
          %dma_start3A_426 = tpu.memref_slice %arg30[%dma_start3A_424, %dma_start3A_425] : memref<10000x64xf32, #tpu.memory_space<vmem_shared>> -> memref<16x64xf32, #tpu.memory_space<vmem_shared>>
          %dma_start3A_427 = arith.constant 0 : i32
          %dma_start3A_428 = arith.constant 0 : i32
          %dma_start3A_429 = tpu.memref_slice %arg19[%dma_start3A_427, %dma_start3A_428] : memref<104x64xf32, #tpu.memory_space<vmem>> -> memref<16x64xf32, #tpu.memory_space<vmem>>
          %dma_start3A_430 = arith.constant 9984 : i32
          %dma_start3A_431 = arith.constant 0 : i32
          %dma_start3A_432 = tpu.memref_slice %arg30[%dma_start3A_430, %dma_start3A_431] : memref<10000x64xf32, #tpu.memory_space<vmem_shared>> -> memref<16x64xf32, #tpu.memory_space<vmem_shared>>
          tpu.enqueue_dma source(%dma_start3A_432 : memref<16x64xf32, #tpu.memory_space<vmem_shared>>) target(%dma_start3A_429 : memref<16x64xf32, #tpu.memory_space<vmem>>) target_semaphore(%run_scoped3A : memref<!tpu.dma_semaphore, #tpu.memory_space<semaphore_mem>>)
          %dma_wait3A_433 = arith.constant 0 : i32
          %dma_wait3A_434 = arith.constant 0 : i32
          %dma_wait3A_435 = tpu.memref_slice %arg19[%dma_wait3A_433, %dma_wait3A_434] : memref<104x64xf32, #tpu.memory_space<vmem>> -> memref<16x64xf32, #tpu.memory_space<vmem>>
          %dma_wait3A_436 = arith.constant 9984 : i32
          %dma_wait3A_437 = arith.constant 0 : i32
          %dma_wait3A_438 = tpu.memref_slice %arg30[%dma_wait3A_436, %dma_wait3A_437] : memref<10000x64xf32, #tpu.memory_space<vmem_shared>> -> memref<16x64xf32, #tpu.memory_space<vmem_shared>>
          %dma_wait3A_439 = arith.constant 0 : i32
          %dma_wait3A_440 = arith.constant 0 : i32
          %dma_wait3A_441 = tpu.memref_slice %arg19[%dma_wait3A_439, %dma_wait3A_440] : memref<104x64xf32, #tpu.memory_space<vmem>> -> memref<16x64xf32, #tpu.memory_space<vmem>>
          %dma_wait3A_442 = arith.constant 9984 : i32
          %dma_wait3A_443 = arith.constant 0 : i32
          %dma_wait3A_444 = tpu.memref_slice %arg30[%dma_wait3A_442, %dma_wait3A_443] : memref<10000x64xf32, #tpu.memory_space<vmem_shared>> -> memref<16x64xf32, #tpu.memory_space<vmem_shared>>
          tpu.wait_dma2 semaphore(%run_scoped3A : memref<!tpu.dma_semaphore, #tpu.memory_space<semaphore_mem>>) src(%dma_wait3A_444 : memref<16x64xf32, #tpu.memory_space<vmem_shared>>) dst(%dma_wait3A_441 : memref<16x64xf32, #tpu.memory_space<vmem>>)
          tpu.yield
        }) : () -> ()
        "tpu.region"() ({
          %run_scoped3A = tpu.sem_alloc : memref<!tpu.dma_semaphore, #tpu.memory_space<semaphore_mem>>
          %dma_start3A_421 = arith.constant 0 : i32
          %dma_start3A_422 = arith.constant 0 : i32
          %dma_start3A_423 = tpu.memref_slice %arg19[%dma_start3A_421, %dma_start3A_422] : memref<104x64xf32, #tpu.memory_space<vmem>> -> memref<16x64xf32, #tpu.memory_space<vmem>>
          %dma_start3A_424 = arith.constant 9984 : i32
          %dma_start3A_425 = arith.constant 0 : i32
          %dma_start3A_426 = tpu.memref_slice %arg10[%dma_start3A_424, %dma_start3A_425] : memref<10000x64xf32, #tpu.memory_space<hbm>> -> memref<16x64xf32, #tpu.memory_space<hbm>>
          %dma_start3A_427 = arith.constant 9984 : i32
          %dma_start3A_428 = arith.constant 0 : i32
          %dma_start3A_429 = tpu.memref_slice %arg10[%dma_start3A_427, %dma_start3A_428] : memref<10000x64xf32, #tpu.memory_space<hbm>> -> memref<16x64xf32, #tpu.memory_space<hbm>>
          %dma_start3A_430 = arith.constant 0 : i32
          %dma_start3A_431 = arith.constant 0 : i32
          %dma_start3A_432 = tpu.memref_slice %arg19[%dma_start3A_430, %dma_start3A_431] : memref<104x64xf32, #tpu.memory_space<vmem>> -> memref<16x64xf32, #tpu.memory_space<vmem>>
          tpu.enqueue_dma source(%dma_start3A_432 : memref<16x64xf32, #tpu.memory_space<vmem>>) target(%dma_start3A_429 : memref<16x64xf32, #tpu.memory_space<hbm>>) target_semaphore(%run_scoped3A : memref<!tpu.dma_semaphore, #tpu.memory_space<semaphore_mem>>)
          %dma_wait3A_433 = arith.constant 0 : i32
          %dma_wait3A_434 = arith.constant 0 : i32
          %dma_wait3A_435 = tpu.memref_slice %arg19[%dma_wait3A_433, %dma_wait3A_434] : memref<104x64xf32, #tpu.memory_space<vmem>> -> memref<16x64xf32, #tpu.memory_space<vmem>>
          %dma_wait3A_436 = arith.constant 9984 : i32
          %dma_wait3A_437 = arith.constant 0 : i32
          %dma_wait3A_438 = tpu.memref_slice %arg10[%dma_wait3A_436, %dma_wait3A_437] : memref<10000x64xf32, #tpu.memory_space<hbm>> -> memref<16x64xf32, #tpu.memory_space<hbm>>
          %dma_wait3A_439 = arith.constant 9984 : i32
          %dma_wait3A_440 = arith.constant 0 : i32
          %dma_wait3A_441 = tpu.memref_slice %arg10[%dma_wait3A_439, %dma_wait3A_440] : memref<10000x64xf32, #tpu.memory_space<hbm>> -> memref<16x64xf32, #tpu.memory_space<hbm>>
          %dma_wait3A_442 = arith.constant 0 : i32
          %dma_wait3A_443 = arith.constant 0 : i32
          %dma_wait3A_444 = tpu.memref_slice %arg19[%dma_wait3A_442, %dma_wait3A_443] : memref<104x64xf32, #tpu.memory_space<vmem>> -> memref<16x64xf32, #tpu.memory_space<vmem>>
          tpu.wait_dma2 semaphore(%run_scoped3A : memref<!tpu.dma_semaphore, #tpu.memory_space<semaphore_mem>>) src(%dma_wait3A_444 : memref<16x64xf32, #tpu.memory_space<vmem>>) dst(%dma_wait3A_441 : memref<16x64xf32, #tpu.memory_space<hbm>>)
          tpu.yield
        }) : () -> ()
      } else {
      }
    } else {
    }
    %eq3A_363 = arith.constant 0 : i32
    %eq3A_364 = arith.cmpi eq, %arg0, %eq3A_363 : i32
    %convert_element_type3A_365 = arith.extui %eq3A_364 : i1 to i32
    %cond3A_366 = arith.constant 0 : i32
    %cond3A_367 = arith.cmpi ne, %convert_element_type3A_365, %cond3A_366 : i32
    scf.if %cond3A_367 {
      %mul3A_368 = arith.constant 624 : i32
      %mul3A_369 = arith.muli %arg1, %mul3A_368 : i32
      "tpu.region"() ({
        %run_scoped3A = tpu.sem_alloc : memref<!tpu.dma_semaphore, #tpu.memory_space<semaphore_mem>>
        %dma_start3A_377 = arith.constant 0 : i32
        %dma_start3A_378 = tpu.memref_slice %arg31[%mul3A_369, %dma_start3A_377] : memref<10000x8xf32, #tpu.memory_space<vmem_shared>> -> memref<624x8xf32, #tpu.memory_space<vmem_shared>>
        %dma_start3A_379 = arith.constant 0 : i32
        %dma_start3A_380 = tpu.memref_slice %arg31[%mul3A_369, %dma_start3A_379] : memref<10000x8xf32, #tpu.memory_space<vmem_shared>> -> memref<624x8xf32, #tpu.memory_space<vmem_shared>>
        tpu.enqueue_dma source(%dma_start3A_380 : memref<624x8xf32, #tpu.memory_space<vmem_shared>>) target(%arg20 : memref<624x8xf32, #tpu.memory_space<vmem>>) target_semaphore(%run_scoped3A : memref<!tpu.dma_semaphore, #tpu.memory_space<semaphore_mem>>)
        %dma_wait3A_381 = arith.constant 0 : i32
        %dma_wait3A_382 = tpu.memref_slice %arg31[%mul3A_369, %dma_wait3A_381] : memref<10000x8xf32, #tpu.memory_space<vmem_shared>> -> memref<624x8xf32, #tpu.memory_space<vmem_shared>>
        %dma_wait3A_383 = arith.constant 0 : i32
        %dma_wait3A_384 = tpu.memref_slice %arg31[%mul3A_369, %dma_wait3A_383] : memref<10000x8xf32, #tpu.memory_space<vmem_shared>> -> memref<624x8xf32, #tpu.memory_space<vmem_shared>>
        tpu.wait_dma2 semaphore(%run_scoped3A : memref<!tpu.dma_semaphore, #tpu.memory_space<semaphore_mem>>) src(%dma_wait3A_384 : memref<624x8xf32, #tpu.memory_space<vmem_shared>>) dst(%arg20 : memref<624x8xf32, #tpu.memory_space<vmem>>)
        tpu.yield
      }) : () -> ()
      %mul3A_370 = arith.constant 624 : i32
      %mul3A_371 = arith.muli %arg1, %mul3A_370 : i32
      "tpu.region"() ({
        %run_scoped3A = tpu.sem_alloc : memref<!tpu.dma_semaphore, #tpu.memory_space<semaphore_mem>>
        %dma_start3A_377 = arith.constant 0 : i32
        %dma_start3A_378 = tpu.memref_slice %arg11[%mul3A_371, %dma_start3A_377] : memref<10000x8xf32, #tpu.memory_space<hbm>> -> memref<624x8xf32, #tpu.memory_space<hbm>>
        %dma_start3A_379 = arith.constant 0 : i32
        %dma_start3A_380 = tpu.memref_slice %arg11[%mul3A_371, %dma_start3A_379] : memref<10000x8xf32, #tpu.memory_space<hbm>> -> memref<624x8xf32, #tpu.memory_space<hbm>>
        tpu.enqueue_dma source(%arg20 : memref<624x8xf32, #tpu.memory_space<vmem>>) target(%dma_start3A_380 : memref<624x8xf32, #tpu.memory_space<hbm>>) target_semaphore(%run_scoped3A : memref<!tpu.dma_semaphore, #tpu.memory_space<semaphore_mem>>)
        %dma_wait3A_381 = arith.constant 0 : i32
        %dma_wait3A_382 = tpu.memref_slice %arg11[%mul3A_371, %dma_wait3A_381] : memref<10000x8xf32, #tpu.memory_space<hbm>> -> memref<624x8xf32, #tpu.memory_space<hbm>>
        %dma_wait3A_383 = arith.constant 0 : i32
        %dma_wait3A_384 = tpu.memref_slice %arg11[%mul3A_371, %dma_wait3A_383] : memref<10000x8xf32, #tpu.memory_space<hbm>> -> memref<624x8xf32, #tpu.memory_space<hbm>>
        tpu.wait_dma2 semaphore(%run_scoped3A : memref<!tpu.dma_semaphore, #tpu.memory_space<semaphore_mem>>) src(%arg20 : memref<624x8xf32, #tpu.memory_space<vmem>>) dst(%dma_wait3A_384 : memref<624x8xf32, #tpu.memory_space<hbm>>)
        tpu.yield
      }) : () -> ()
      %eq3A_372 = arith.constant 0 : i32
      %eq3A_373 = arith.cmpi eq, %arg1, %eq3A_372 : i32
      %convert_element_type3A_374 = arith.extui %eq3A_373 : i1 to i32
      %cond3A_375 = arith.constant 0 : i32
      %cond3A_376 = arith.cmpi ne, %convert_element_type3A_374, %cond3A_375 : i32
      scf.if %cond3A_376 {
        "tpu.region"() ({
          %run_scoped3A = tpu.sem_alloc : memref<!tpu.dma_semaphore, #tpu.memory_space<semaphore_mem>>
          %dma_start3A_377 = arith.constant 0 : i32
          %dma_start3A_378 = arith.constant 0 : i32
          %dma_start3A_379 = tpu.memref_slice %arg20[%dma_start3A_377, %dma_start3A_378] : memref<624x8xf32, #tpu.memory_space<vmem>> -> memref<16x8xf32, #tpu.memory_space<vmem>>
          %dma_start3A_380 = arith.constant 9984 : i32
          %dma_start3A_381 = arith.constant 0 : i32
          %dma_start3A_382 = tpu.memref_slice %arg31[%dma_start3A_380, %dma_start3A_381] : memref<10000x8xf32, #tpu.memory_space<vmem_shared>> -> memref<16x8xf32, #tpu.memory_space<vmem_shared>>
          %dma_start3A_383 = arith.constant 0 : i32
          %dma_start3A_384 = arith.constant 0 : i32
          %dma_start3A_385 = tpu.memref_slice %arg20[%dma_start3A_383, %dma_start3A_384] : memref<624x8xf32, #tpu.memory_space<vmem>> -> memref<16x8xf32, #tpu.memory_space<vmem>>
          %dma_start3A_386 = arith.constant 9984 : i32
          %dma_start3A_387 = arith.constant 0 : i32
          %dma_start3A_388 = tpu.memref_slice %arg31[%dma_start3A_386, %dma_start3A_387] : memref<10000x8xf32, #tpu.memory_space<vmem_shared>> -> memref<16x8xf32, #tpu.memory_space<vmem_shared>>
          tpu.enqueue_dma source(%dma_start3A_388 : memref<16x8xf32, #tpu.memory_space<vmem_shared>>) target(%dma_start3A_385 : memref<16x8xf32, #tpu.memory_space<vmem>>) target_semaphore(%run_scoped3A : memref<!tpu.dma_semaphore, #tpu.memory_space<semaphore_mem>>)
          %dma_wait3A_389 = arith.constant 0 : i32
          %dma_wait3A_390 = arith.constant 0 : i32
          %dma_wait3A_391 = tpu.memref_slice %arg20[%dma_wait3A_389, %dma_wait3A_390] : memref<624x8xf32, #tpu.memory_space<vmem>> -> memref<16x8xf32, #tpu.memory_space<vmem>>
          %dma_wait3A_392 = arith.constant 9984 : i32
          %dma_wait3A_393 = arith.constant 0 : i32
          %dma_wait3A_394 = tpu.memref_slice %arg31[%dma_wait3A_392, %dma_wait3A_393] : memref<10000x8xf32, #tpu.memory_space<vmem_shared>> -> memref<16x8xf32, #tpu.memory_space<vmem_shared>>
          %dma_wait3A_395 = arith.constant 0 : i32
          %dma_wait3A_396 = arith.constant 0 : i32
          %dma_wait3A_397 = tpu.memref_slice %arg20[%dma_wait3A_395, %dma_wait3A_396] : memref<624x8xf32, #tpu.memory_space<vmem>> -> memref<16x8xf32, #tpu.memory_space<vmem>>
          %dma_wait3A_398 = arith.constant 9984 : i32
          %dma_wait3A_399 = arith.constant 0 : i32
          %dma_wait3A_400 = tpu.memref_slice %arg31[%dma_wait3A_398, %dma_wait3A_399] : memref<10000x8xf32, #tpu.memory_space<vmem_shared>> -> memref<16x8xf32, #tpu.memory_space<vmem_shared>>
          tpu.wait_dma2 semaphore(%run_scoped3A : memref<!tpu.dma_semaphore, #tpu.memory_space<semaphore_mem>>) src(%dma_wait3A_400 : memref<16x8xf32, #tpu.memory_space<vmem_shared>>) dst(%dma_wait3A_397 : memref<16x8xf32, #tpu.memory_space<vmem>>)
          tpu.yield
        }) : () -> ()
        "tpu.region"() ({
          %run_scoped3A = tpu.sem_alloc : memref<!tpu.dma_semaphore, #tpu.memory_space<semaphore_mem>>
          %dma_start3A_377 = arith.constant 0 : i32
          %dma_start3A_378 = arith.constant 0 : i32
          %dma_start3A_379 = tpu.memref_slice %arg20[%dma_start3A_377, %dma_start3A_378] : memref<624x8xf32, #tpu.memory_space<vmem>> -> memref<16x8xf32, #tpu.memory_space<vmem>>
          %dma_start3A_380 = arith.constant 9984 : i32
          %dma_start3A_381 = arith.constant 0 : i32
          %dma_start3A_382 = tpu.memref_slice %arg11[%dma_start3A_380, %dma_start3A_381] : memref<10000x8xf32, #tpu.memory_space<hbm>> -> memref<16x8xf32, #tpu.memory_space<hbm>>
          %dma_start3A_383 = arith.constant 9984 : i32
          %dma_start3A_384 = arith.constant 0 : i32
          %dma_start3A_385 = tpu.memref_slice %arg11[%dma_start3A_383, %dma_start3A_384] : memref<10000x8xf32, #tpu.memory_space<hbm>> -> memref<16x8xf32, #tpu.memory_space<hbm>>
          %dma_start3A_386 = arith.constant 0 : i32
          %dma_start3A_387 = arith.constant 0 : i32
          %dma_start3A_388 = tpu.memref_slice %arg20[%dma_start3A_386, %dma_start3A_387] : memref<624x8xf32, #tpu.memory_space<vmem>> -> memref<16x8xf32, #tpu.memory_space<vmem>>
          tpu.enqueue_dma source(%dma_start3A_388 : memref<16x8xf32, #tpu.memory_space<vmem>>) target(%dma_start3A_385 : memref<16x8xf32, #tpu.memory_space<hbm>>) target_semaphore(%run_scoped3A : memref<!tpu.dma_semaphore, #tpu.memory_space<semaphore_mem>>)
          %dma_wait3A_389 = arith.constant 0 : i32
          %dma_wait3A_390 = arith.constant 0 : i32
          %dma_wait3A_391 = tpu.memref_slice %arg20[%dma_wait3A_389, %dma_wait3A_390] : memref<624x8xf32, #tpu.memory_space<vmem>> -> memref<16x8xf32, #tpu.memory_space<vmem>>
          %dma_wait3A_392 = arith.constant 9984 : i32
          %dma_wait3A_393 = arith.constant 0 : i32
          %dma_wait3A_394 = tpu.memref_slice %arg11[%dma_wait3A_392, %dma_wait3A_393] : memref<10000x8xf32, #tpu.memory_space<hbm>> -> memref<16x8xf32, #tpu.memory_space<hbm>>
          %dma_wait3A_395 = arith.constant 9984 : i32
          %dma_wait3A_396 = arith.constant 0 : i32
          %dma_wait3A_397 = tpu.memref_slice %arg11[%dma_wait3A_395, %dma_wait3A_396] : memref<10000x8xf32, #tpu.memory_space<hbm>> -> memref<16x8xf32, #tpu.memory_space<hbm>>
          %dma_wait3A_398 = arith.constant 0 : i32
          %dma_wait3A_399 = arith.constant 0 : i32
          %dma_wait3A_400 = tpu.memref_slice %arg20[%dma_wait3A_398, %dma_wait3A_399] : memref<624x8xf32, #tpu.memory_space<vmem>> -> memref<16x8xf32, #tpu.memory_space<vmem>>
          tpu.wait_dma2 semaphore(%run_scoped3A : memref<!tpu.dma_semaphore, #tpu.memory_space<semaphore_mem>>) src(%dma_wait3A_400 : memref<16x8xf32, #tpu.memory_space<vmem>>) dst(%dma_wait3A_397 : memref<16x8xf32, #tpu.memory_space<hbm>>)
          tpu.yield
        }) : () -> ()
      } else {
      }
    } else {
    }
    return
  }
}

#map = affine_map<(d0, d1) -> (0, 0)>
module attributes {stable_mosaic.version = 14 : i64} {
  func.func @sc_edge_agg(%arg0: i32, %arg1: i32, %arg2: memref<10000x64xf32, #tpu.memory_space<hbm>>, %arg3: memref<10000x64xf32, #tpu.memory_space<hbm>>, %arg4: memref<3200x100xi32, #tpu.memory_space<hbm>>, %arg5: memref<3200x100xi32, #tpu.memory_space<hbm>>, %arg6: memref<100x8xf32, #tpu.memory_space<hbm>>, %arg7: memref<104x64xf32, #tpu.memory_space<hbm>>, %arg8: memref<624x8xf32, #tpu.memory_space<hbm>>, %arg9: memref<10000x64xf32, #tpu.memory_space<hbm>>, %arg10: memref<10000x64xf32, #tpu.memory_space<hbm>>, %arg11: memref<200x100xi32, #tpu.memory_space<vmem>>, %arg12: memref<200x100xi32, #tpu.memory_space<vmem>>, %arg13: memref<100x64xf32, #tpu.memory_space<vmem>>, %arg14: memref<100x64xf32, #tpu.memory_space<vmem>>, %arg15: memref<100x64xf32, #tpu.memory_space<vmem>>, %arg16: memref<100x64xf32, #tpu.memory_space<vmem>>, %arg17: memref<100x8xf32, #tpu.memory_space<vmem>>, %arg18: memref<104x64xf32, #tpu.memory_space<vmem>>, %arg19: memref<624x8xf32, #tpu.memory_space<vmem>>, %arg20: memref<!tpu.dma_semaphore, #tpu.memory_space<semaphore_mem>>, %arg21: memref<!tpu.dma_semaphore, #tpu.memory_space<semaphore_mem>>, %arg22: memref<!tpu.dma_semaphore, #tpu.memory_space<semaphore_mem>>, %arg23: memref<!tpu.dma_semaphore, #tpu.memory_space<semaphore_mem>>, %arg24: memref<!tpu.dma_semaphore, #tpu.memory_space<semaphore_mem>>, %arg25: memref<!tpu.dma_semaphore, #tpu.memory_space<semaphore_mem>>, %arg26: memref<!tpu.dma_semaphore, #tpu.memory_space<semaphore_mem>>, %arg27: memref<!tpu.dma_semaphore, #tpu.memory_space<semaphore_mem>>, %arg28: memref<!tpu.dma_semaphore, #tpu.memory_space<semaphore_mem>>, %arg29: memref<10000x64xf32, #tpu.memory_space<vmem_shared>>, %arg30: memref<10000x8xf32, #tpu.memory_space<vmem_shared>>) attributes {dimension_semantics = [#tpu.dimension_semantics<core_parallel>, #tpu.dimension_semantics<subcore_parallel>], iteration_bounds = array<i64: 2, 16>, scalar_prefetch = 0 : i64, scratch_operands = 20 : i64, tpu.core_type = #tpu.core_type<sc_vector_subcore>, window_params = [{transform_indices = #map}, {transform_indices = #map}, {transform_indices = #map}, {transform_indices = #map}, {transform_indices = #map}, {transform_indices = #map}, {transform_indices = #map}, {transform_indices = #map}, {transform_indices = #map}]} {
    "tpu.region"() ({
      %run_scoped3A = tpu.sem_alloc : memref<!tpu.dma_semaphore, #tpu.memory_space<semaphore_mem>>
      tpu.enqueue_dma source(%arg7 : memref<104x64xf32, #tpu.memory_space<hbm>>) target(%arg18 : memref<104x64xf32, #tpu.memory_space<vmem>>) target_semaphore(%run_scoped3A : memref<!tpu.dma_semaphore, #tpu.memory_space<semaphore_mem>>)
      tpu.wait_dma2 semaphore(%run_scoped3A : memref<!tpu.dma_semaphore, #tpu.memory_space<semaphore_mem>>) src(%arg7 : memref<104x64xf32, #tpu.memory_space<hbm>>) dst(%arg18 : memref<104x64xf32, #tpu.memory_space<vmem>>)
      tpu.yield
    }) : () -> ()
    %mul3A = arith.constant 624 : i32
    %mul3A_0 = arith.muli %arg1, %mul3A : i32
    %add3A = arith.constant 0 : i32
    %add3A_1 = arith.addi %mul3A_0, %add3A : i32
    "tpu.region"() ({
      %run_scoped3A = tpu.sem_alloc : memref<!tpu.dma_semaphore, #tpu.memory_space<semaphore_mem>>
      %dma_start3A_313 = arith.constant 0 : i32
      %dma_start3A_314 = tpu.memref_slice %arg29[%add3A_1, %dma_start3A_313] : memref<10000x64xf32, #tpu.memory_space<vmem_shared>> -> memref<104x64xf32, #tpu.memory_space<vmem_shared>>
      %dma_start3A_315 = arith.constant 0 : i32
      %dma_start3A_316 = tpu.memref_slice %arg29[%add3A_1, %dma_start3A_315] : memref<10000x64xf32, #tpu.memory_space<vmem_shared>> -> memref<104x64xf32, #tpu.memory_space<vmem_shared>>
      tpu.enqueue_dma source(%arg18 : memref<104x64xf32, #tpu.memory_space<vmem>>) target(%dma_start3A_316 : memref<104x64xf32, #tpu.memory_space<vmem_shared>>) target_semaphore(%run_scoped3A : memref<!tpu.dma_semaphore, #tpu.memory_space<semaphore_mem>>)
      %dma_wait3A_317 = arith.constant 0 : i32
      %dma_wait3A_318 = tpu.memref_slice %arg29[%add3A_1, %dma_wait3A_317] : memref<10000x64xf32, #tpu.memory_space<vmem_shared>> -> memref<104x64xf32, #tpu.memory_space<vmem_shared>>
      %dma_wait3A_319 = arith.constant 0 : i32
      %dma_wait3A_320 = tpu.memref_slice %arg29[%add3A_1, %dma_wait3A_319] : memref<10000x64xf32, #tpu.memory_space<vmem_shared>> -> memref<104x64xf32, #tpu.memory_space<vmem_shared>>
      tpu.wait_dma2 semaphore(%run_scoped3A : memref<!tpu.dma_semaphore, #tpu.memory_space<semaphore_mem>>) src(%arg18 : memref<104x64xf32, #tpu.memory_space<vmem>>) dst(%dma_wait3A_320 : memref<104x64xf32, #tpu.memory_space<vmem_shared>>)
      tpu.yield
    }) : () -> ()
    %mul3A_2 = arith.constant 624 : i32
    %mul3A_3 = arith.muli %arg1, %mul3A_2 : i32
    %add3A_4 = arith.constant 104 : i32
    %add3A_5 = arith.addi %mul3A_3, %add3A_4 : i32
    "tpu.region"() ({
      %run_scoped3A = tpu.sem_alloc : memref<!tpu.dma_semaphore, #tpu.memory_space<semaphore_mem>>
      %dma_start3A_313 = arith.constant 0 : i32
      %dma_start3A_314 = tpu.memref_slice %arg29[%add3A_5, %dma_start3A_313] : memref<10000x64xf32, #tpu.memory_space<vmem_shared>> -> memref<104x64xf32, #tpu.memory_space<vmem_shared>>
      %dma_start3A_315 = arith.constant 0 : i32
      %dma_start3A_316 = tpu.memref_slice %arg29[%add3A_5, %dma_start3A_315] : memref<10000x64xf32, #tpu.memory_space<vmem_shared>> -> memref<104x64xf32, #tpu.memory_space<vmem_shared>>
      tpu.enqueue_dma source(%arg18 : memref<104x64xf32, #tpu.memory_space<vmem>>) target(%dma_start3A_316 : memref<104x64xf32, #tpu.memory_space<vmem_shared>>) target_semaphore(%run_scoped3A : memref<!tpu.dma_semaphore, #tpu.memory_space<semaphore_mem>>)
      %dma_wait3A_317 = arith.constant 0 : i32
      %dma_wait3A_318 = tpu.memref_slice %arg29[%add3A_5, %dma_wait3A_317] : memref<10000x64xf32, #tpu.memory_space<vmem_shared>> -> memref<104x64xf32, #tpu.memory_space<vmem_shared>>
      %dma_wait3A_319 = arith.constant 0 : i32
      %dma_wait3A_320 = tpu.memref_slice %arg29[%add3A_5, %dma_wait3A_319] : memref<10000x64xf32, #tpu.memory_space<vmem_shared>> -> memref<104x64xf32, #tpu.memory_space<vmem_shared>>
      tpu.wait_dma2 semaphore(%run_scoped3A : memref<!tpu.dma_semaphore, #tpu.memory_space<semaphore_mem>>) src(%arg18 : memref<104x64xf32, #tpu.memory_space<vmem>>) dst(%dma_wait3A_320 : memref<104x64xf32, #tpu.memory_space<vmem_shared>>)
      tpu.yield
    }) : () -> ()
    %mul3A_6 = arith.constant 624 : i32
    %mul3A_7 = arith.muli %arg1, %mul3A_6 : i32
    %add3A_8 = arith.constant 208 : i32
    %add3A_9 = arith.addi %mul3A_7, %add3A_8 : i32
    "tpu.region"() ({
      %run_scoped3A = tpu.sem_alloc : memref<!tpu.dma_semaphore, #tpu.memory_space<semaphore_mem>>
      %dma_start3A_313 = arith.constant 0 : i32
      %dma_start3A_314 = tpu.memref_slice %arg29[%add3A_9, %dma_start3A_313] : memref<10000x64xf32, #tpu.memory_space<vmem_shared>> -> memref<104x64xf32, #tpu.memory_space<vmem_shared>>
      %dma_start3A_315 = arith.constant 0 : i32
      %dma_start3A_316 = tpu.memref_slice %arg29[%add3A_9, %dma_start3A_315] : memref<10000x64xf32, #tpu.memory_space<vmem_shared>> -> memref<104x64xf32, #tpu.memory_space<vmem_shared>>
      tpu.enqueue_dma source(%arg18 : memref<104x64xf32, #tpu.memory_space<vmem>>) target(%dma_start3A_316 : memref<104x64xf32, #tpu.memory_space<vmem_shared>>) target_semaphore(%run_scoped3A : memref<!tpu.dma_semaphore, #tpu.memory_space<semaphore_mem>>)
      %dma_wait3A_317 = arith.constant 0 : i32
      %dma_wait3A_318 = tpu.memref_slice %arg29[%add3A_9, %dma_wait3A_317] : memref<10000x64xf32, #tpu.memory_space<vmem_shared>> -> memref<104x64xf32, #tpu.memory_space<vmem_shared>>
      %dma_wait3A_319 = arith.constant 0 : i32
      %dma_wait3A_320 = tpu.memref_slice %arg29[%add3A_9, %dma_wait3A_319] : memref<10000x64xf32, #tpu.memory_space<vmem_shared>> -> memref<104x64xf32, #tpu.memory_space<vmem_shared>>
      tpu.wait_dma2 semaphore(%run_scoped3A : memref<!tpu.dma_semaphore, #tpu.memory_space<semaphore_mem>>) src(%arg18 : memref<104x64xf32, #tpu.memory_space<vmem>>) dst(%dma_wait3A_320 : memref<104x64xf32, #tpu.memory_space<vmem_shared>>)
      tpu.yield
    }) : () -> ()
    %mul3A_10 = arith.constant 624 : i32
    %mul3A_11 = arith.muli %arg1, %mul3A_10 : i32
    %add3A_12 = arith.constant 312 : i32
    %add3A_13 = arith.addi %mul3A_11, %add3A_12 : i32
    "tpu.region"() ({
      %run_scoped3A = tpu.sem_alloc : memref<!tpu.dma_semaphore, #tpu.memory_space<semaphore_mem>>
      %dma_start3A_313 = arith.constant 0 : i32
      %dma_start3A_314 = tpu.memref_slice %arg29[%add3A_13, %dma_start3A_313] : memref<10000x64xf32, #tpu.memory_space<vmem_shared>> -> memref<104x64xf32, #tpu.memory_space<vmem_shared>>
      %dma_start3A_315 = arith.constant 0 : i32
      %dma_start3A_316 = tpu.memref_slice %arg29[%add3A_13, %dma_start3A_315] : memref<10000x64xf32, #tpu.memory_space<vmem_shared>> -> memref<104x64xf32, #tpu.memory_space<vmem_shared>>
      tpu.enqueue_dma source(%arg18 : memref<104x64xf32, #tpu.memory_space<vmem>>) target(%dma_start3A_316 : memref<104x64xf32, #tpu.memory_space<vmem_shared>>) target_semaphore(%run_scoped3A : memref<!tpu.dma_semaphore, #tpu.memory_space<semaphore_mem>>)
      %dma_wait3A_317 = arith.constant 0 : i32
      %dma_wait3A_318 = tpu.memref_slice %arg29[%add3A_13, %dma_wait3A_317] : memref<10000x64xf32, #tpu.memory_space<vmem_shared>> -> memref<104x64xf32, #tpu.memory_space<vmem_shared>>
      %dma_wait3A_319 = arith.constant 0 : i32
      %dma_wait3A_320 = tpu.memref_slice %arg29[%add3A_13, %dma_wait3A_319] : memref<10000x64xf32, #tpu.memory_space<vmem_shared>> -> memref<104x64xf32, #tpu.memory_space<vmem_shared>>
      tpu.wait_dma2 semaphore(%run_scoped3A : memref<!tpu.dma_semaphore, #tpu.memory_space<semaphore_mem>>) src(%arg18 : memref<104x64xf32, #tpu.memory_space<vmem>>) dst(%dma_wait3A_320 : memref<104x64xf32, #tpu.memory_space<vmem_shared>>)
      tpu.yield
    }) : () -> ()
    %mul3A_14 = arith.constant 624 : i32
    %mul3A_15 = arith.muli %arg1, %mul3A_14 : i32
    %add3A_16 = arith.constant 416 : i32
    %add3A_17 = arith.addi %mul3A_15, %add3A_16 : i32
    "tpu.region"() ({
      %run_scoped3A = tpu.sem_alloc : memref<!tpu.dma_semaphore, #tpu.memory_space<semaphore_mem>>
      %dma_start3A_313 = arith.constant 0 : i32
      %dma_start3A_314 = tpu.memref_slice %arg29[%add3A_17, %dma_start3A_313] : memref<10000x64xf32, #tpu.memory_space<vmem_shared>> -> memref<104x64xf32, #tpu.memory_space<vmem_shared>>
      %dma_start3A_315 = arith.constant 0 : i32
      %dma_start3A_316 = tpu.memref_slice %arg29[%add3A_17, %dma_start3A_315] : memref<10000x64xf32, #tpu.memory_space<vmem_shared>> -> memref<104x64xf32, #tpu.memory_space<vmem_shared>>
      tpu.enqueue_dma source(%arg18 : memref<104x64xf32, #tpu.memory_space<vmem>>) target(%dma_start3A_316 : memref<104x64xf32, #tpu.memory_space<vmem_shared>>) target_semaphore(%run_scoped3A : memref<!tpu.dma_semaphore, #tpu.memory_space<semaphore_mem>>)
      %dma_wait3A_317 = arith.constant 0 : i32
      %dma_wait3A_318 = tpu.memref_slice %arg29[%add3A_17, %dma_wait3A_317] : memref<10000x64xf32, #tpu.memory_space<vmem_shared>> -> memref<104x64xf32, #tpu.memory_space<vmem_shared>>
      %dma_wait3A_319 = arith.constant 0 : i32
      %dma_wait3A_320 = tpu.memref_slice %arg29[%add3A_17, %dma_wait3A_319] : memref<10000x64xf32, #tpu.memory_space<vmem_shared>> -> memref<104x64xf32, #tpu.memory_space<vmem_shared>>
      tpu.wait_dma2 semaphore(%run_scoped3A : memref<!tpu.dma_semaphore, #tpu.memory_space<semaphore_mem>>) src(%arg18 : memref<104x64xf32, #tpu.memory_space<vmem>>) dst(%dma_wait3A_320 : memref<104x64xf32, #tpu.memory_space<vmem_shared>>)
      tpu.yield
    }) : () -> ()
    %mul3A_18 = arith.constant 624 : i32
    %mul3A_19 = arith.muli %arg1, %mul3A_18 : i32
    %add3A_20 = arith.constant 520 : i32
    %add3A_21 = arith.addi %mul3A_19, %add3A_20 : i32
    "tpu.region"() ({
      %run_scoped3A = tpu.sem_alloc : memref<!tpu.dma_semaphore, #tpu.memory_space<semaphore_mem>>
      %dma_start3A_313 = arith.constant 0 : i32
      %dma_start3A_314 = tpu.memref_slice %arg29[%add3A_21, %dma_start3A_313] : memref<10000x64xf32, #tpu.memory_space<vmem_shared>> -> memref<104x64xf32, #tpu.memory_space<vmem_shared>>
      %dma_start3A_315 = arith.constant 0 : i32
      %dma_start3A_316 = tpu.memref_slice %arg29[%add3A_21, %dma_start3A_315] : memref<10000x64xf32, #tpu.memory_space<vmem_shared>> -> memref<104x64xf32, #tpu.memory_space<vmem_shared>>
      tpu.enqueue_dma source(%arg18 : memref<104x64xf32, #tpu.memory_space<vmem>>) target(%dma_start3A_316 : memref<104x64xf32, #tpu.memory_space<vmem_shared>>) target_semaphore(%run_scoped3A : memref<!tpu.dma_semaphore, #tpu.memory_space<semaphore_mem>>)
      %dma_wait3A_317 = arith.constant 0 : i32
      %dma_wait3A_318 = tpu.memref_slice %arg29[%add3A_21, %dma_wait3A_317] : memref<10000x64xf32, #tpu.memory_space<vmem_shared>> -> memref<104x64xf32, #tpu.memory_space<vmem_shared>>
      %dma_wait3A_319 = arith.constant 0 : i32
      %dma_wait3A_320 = tpu.memref_slice %arg29[%add3A_21, %dma_wait3A_319] : memref<10000x64xf32, #tpu.memory_space<vmem_shared>> -> memref<104x64xf32, #tpu.memory_space<vmem_shared>>
      tpu.wait_dma2 semaphore(%run_scoped3A : memref<!tpu.dma_semaphore, #tpu.memory_space<semaphore_mem>>) src(%arg18 : memref<104x64xf32, #tpu.memory_space<vmem>>) dst(%dma_wait3A_320 : memref<104x64xf32, #tpu.memory_space<vmem_shared>>)
      tpu.yield
    }) : () -> ()
    %eq3A = arith.constant 0 : i32
    %eq3A_22 = arith.cmpi eq, %arg1, %eq3A : i32
    %convert_element_type3A = arith.extui %eq3A_22 : i1 to i32
    %cond3A = arith.constant 0 : i32
    %cond3A_23 = arith.cmpi ne, %convert_element_type3A, %cond3A : i32
    scf.if %cond3A_23 {
      "tpu.region"() ({
        %run_scoped3A = tpu.sem_alloc : memref<!tpu.dma_semaphore, #tpu.memory_space<semaphore_mem>>
        %dma_start3A_313 = arith.constant 0 : i32
        %dma_start3A_314 = arith.constant 0 : i32
        %dma_start3A_315 = tpu.memref_slice %arg18[%dma_start3A_313, %dma_start3A_314] : memref<104x64xf32, #tpu.memory_space<vmem>> -> memref<16x64xf32, #tpu.memory_space<vmem>>
        %dma_start3A_316 = arith.constant 9984 : i32
        %dma_start3A_317 = arith.constant 0 : i32
        %dma_start3A_318 = tpu.memref_slice %arg29[%dma_start3A_316, %dma_start3A_317] : memref<10000x64xf32, #tpu.memory_space<vmem_shared>> -> memref<16x64xf32, #tpu.memory_space<vmem_shared>>
        %dma_start3A_319 = arith.constant 9984 : i32
        %dma_start3A_320 = arith.constant 0 : i32
        %dma_start3A_321 = tpu.memref_slice %arg29[%dma_start3A_319, %dma_start3A_320] : memref<10000x64xf32, #tpu.memory_space<vmem_shared>> -> memref<16x64xf32, #tpu.memory_space<vmem_shared>>
        %dma_start3A_322 = arith.constant 0 : i32
        %dma_start3A_323 = arith.constant 0 : i32
        %dma_start3A_324 = tpu.memref_slice %arg18[%dma_start3A_322, %dma_start3A_323] : memref<104x64xf32, #tpu.memory_space<vmem>> -> memref<16x64xf32, #tpu.memory_space<vmem>>
        tpu.enqueue_dma source(%dma_start3A_324 : memref<16x64xf32, #tpu.memory_space<vmem>>) target(%dma_start3A_321 : memref<16x64xf32, #tpu.memory_space<vmem_shared>>) target_semaphore(%run_scoped3A : memref<!tpu.dma_semaphore, #tpu.memory_space<semaphore_mem>>)
        %dma_wait3A_325 = arith.constant 0 : i32
        %dma_wait3A_326 = arith.constant 0 : i32
        %dma_wait3A_327 = tpu.memref_slice %arg18[%dma_wait3A_325, %dma_wait3A_326] : memref<104x64xf32, #tpu.memory_space<vmem>> -> memref<16x64xf32, #tpu.memory_space<vmem>>
        %dma_wait3A_328 = arith.constant 9984 : i32
        %dma_wait3A_329 = arith.constant 0 : i32
        %dma_wait3A_330 = tpu.memref_slice %arg29[%dma_wait3A_328, %dma_wait3A_329] : memref<10000x64xf32, #tpu.memory_space<vmem_shared>> -> memref<16x64xf32, #tpu.memory_space<vmem_shared>>
        %dma_wait3A_331 = arith.constant 9984 : i32
        %dma_wait3A_332 = arith.constant 0 : i32
        %dma_wait3A_333 = tpu.memref_slice %arg29[%dma_wait3A_331, %dma_wait3A_332] : memref<10000x64xf32, #tpu.memory_space<vmem_shared>> -> memref<16x64xf32, #tpu.memory_space<vmem_shared>>
        %dma_wait3A_334 = arith.constant 0 : i32
        %dma_wait3A_335 = arith.constant 0 : i32
        %dma_wait3A_336 = tpu.memref_slice %arg18[%dma_wait3A_334, %dma_wait3A_335] : memref<104x64xf32, #tpu.memory_space<vmem>> -> memref<16x64xf32, #tpu.memory_space<vmem>>
        tpu.wait_dma2 semaphore(%run_scoped3A : memref<!tpu.dma_semaphore, #tpu.memory_space<semaphore_mem>>) src(%dma_wait3A_336 : memref<16x64xf32, #tpu.memory_space<vmem>>) dst(%dma_wait3A_333 : memref<16x64xf32, #tpu.memory_space<vmem_shared>>)
        tpu.yield
      }) : () -> ()
    } else {
    }
    %mul3A_24 = arith.constant 200 : i32
    %mul3A_25 = arith.muli %arg1, %mul3A_24 : i32
    "tpu.region"() ({
      %run_scoped3A = tpu.sem_alloc : memref<!tpu.dma_semaphore, #tpu.memory_space<semaphore_mem>>
      %dma_start3A_313 = arith.constant 0 : i32
      %dma_start3A_314 = tpu.memref_slice %arg4[%mul3A_25, %dma_start3A_313] : memref<3200x100xi32, #tpu.memory_space<hbm>> -> memref<200x100xi32, #tpu.memory_space<hbm>>
      %dma_start3A_315 = arith.constant 0 : i32
      %dma_start3A_316 = tpu.memref_slice %arg4[%mul3A_25, %dma_start3A_315] : memref<3200x100xi32, #tpu.memory_space<hbm>> -> memref<200x100xi32, #tpu.memory_space<hbm>>
      tpu.enqueue_dma source(%dma_start3A_316 : memref<200x100xi32, #tpu.memory_space<hbm>>) target(%arg11 : memref<200x100xi32, #tpu.memory_space<vmem>>) target_semaphore(%run_scoped3A : memref<!tpu.dma_semaphore, #tpu.memory_space<semaphore_mem>>)
      %dma_wait3A_317 = arith.constant 0 : i32
      %dma_wait3A_318 = tpu.memref_slice %arg4[%mul3A_25, %dma_wait3A_317] : memref<3200x100xi32, #tpu.memory_space<hbm>> -> memref<200x100xi32, #tpu.memory_space<hbm>>
      %dma_wait3A_319 = arith.constant 0 : i32
      %dma_wait3A_320 = tpu.memref_slice %arg4[%mul3A_25, %dma_wait3A_319] : memref<3200x100xi32, #tpu.memory_space<hbm>> -> memref<200x100xi32, #tpu.memory_space<hbm>>
      tpu.wait_dma2 semaphore(%run_scoped3A : memref<!tpu.dma_semaphore, #tpu.memory_space<semaphore_mem>>) src(%dma_wait3A_320 : memref<200x100xi32, #tpu.memory_space<hbm>>) dst(%arg11 : memref<200x100xi32, #tpu.memory_space<vmem>>)
      tpu.yield
    }) : () -> ()
    %mul3A_26 = arith.constant 200 : i32
    %mul3A_27 = arith.muli %arg1, %mul3A_26 : i32
    "tpu.region"() ({
      %run_scoped3A = tpu.sem_alloc : memref<!tpu.dma_semaphore, #tpu.memory_space<semaphore_mem>>
      %dma_start3A_313 = arith.constant 0 : i32
      %dma_start3A_314 = tpu.memref_slice %arg5[%mul3A_27, %dma_start3A_313] : memref<3200x100xi32, #tpu.memory_space<hbm>> -> memref<200x100xi32, #tpu.memory_space<hbm>>
      %dma_start3A_315 = arith.constant 0 : i32
      %dma_start3A_316 = tpu.memref_slice %arg5[%mul3A_27, %dma_start3A_315] : memref<3200x100xi32, #tpu.memory_space<hbm>> -> memref<200x100xi32, #tpu.memory_space<hbm>>
      tpu.enqueue_dma source(%dma_start3A_316 : memref<200x100xi32, #tpu.memory_space<hbm>>) target(%arg12 : memref<200x100xi32, #tpu.memory_space<vmem>>) target_semaphore(%run_scoped3A : memref<!tpu.dma_semaphore, #tpu.memory_space<semaphore_mem>>)
      %dma_wait3A_317 = arith.constant 0 : i32
      %dma_wait3A_318 = tpu.memref_slice %arg5[%mul3A_27, %dma_wait3A_317] : memref<3200x100xi32, #tpu.memory_space<hbm>> -> memref<200x100xi32, #tpu.memory_space<hbm>>
      %dma_wait3A_319 = arith.constant 0 : i32
      %dma_wait3A_320 = tpu.memref_slice %arg5[%mul3A_27, %dma_wait3A_319] : memref<3200x100xi32, #tpu.memory_space<hbm>> -> memref<200x100xi32, #tpu.memory_space<hbm>>
      tpu.wait_dma2 semaphore(%run_scoped3A : memref<!tpu.dma_semaphore, #tpu.memory_space<semaphore_mem>>) src(%dma_wait3A_320 : memref<200x100xi32, #tpu.memory_space<hbm>>) dst(%arg12 : memref<200x100xi32, #tpu.memory_space<vmem>>)
      tpu.yield
    }) : () -> ()
    %barrier3A = arith.constant 0 : index
    tpu.barrier barrier_id(%barrier3A)
    %eq3A_28 = arith.constant 0 : i32
    %eq3A_29 = arith.cmpi eq, %arg0, %eq3A_28 : i32
    %convert_element_type3A_30 = arith.extui %eq3A_29 : i1 to i32
    %cond3A_31 = arith.constant 0 : i32
    %cond3A_32 = arith.cmpi ne, %convert_element_type3A_30, %cond3A_31 : i32
    scf.if %cond3A_32 {
      %dma_start3A_313 = arith.constant 0 : i32
      %dma_start3A_314 = arith.constant 0 : i32
      %dma_start3A_315 = tpu.memref_slice %arg11[%dma_start3A_313, %dma_start3A_314] : memref<200x100xi32, #tpu.memory_space<vmem>> -> memref<1x100xi32, #tpu.memory_space<vmem>>
      %dma_start3A_316 = tpu.memref_squeeze %dma_start3A_315 : memref<1x100xi32, #tpu.memory_space<vmem>> -> memref<100xi32, #tpu.memory_space<vmem>>
      %dma_start3A_317 = arith.constant 0 : i32
      %dma_start3A_318 = arith.constant 0 : i32
      %dma_start3A_319 = tpu.memref_slice %arg2[%dma_start3A_317, %dma_start3A_318] : memref<10000x64xf32, #tpu.memory_space<hbm>> -> memref<10000x64xf32, #tpu.memory_space<hbm>>
      tpu.enqueue_indirect_dma source(%dma_start3A_319 : memref<10000x64xf32, #tpu.memory_space<hbm>>) target(%arg13 : memref<100x64xf32, #tpu.memory_space<vmem>>) offsets(%dma_start3A_316 : memref<100xi32, #tpu.memory_space<vmem>>) semaphore(%arg20 : memref<!tpu.dma_semaphore, #tpu.memory_space<semaphore_mem>>)
    } else {
    }
    %ne3A = arith.constant 0 : i32
    %ne3A_33 = arith.cmpi ne, %arg0, %ne3A : i32
    %convert_element_type3A_34 = arith.extui %ne3A_33 : i1 to i32
    %cond3A_35 = arith.constant 0 : i32
    %cond3A_36 = arith.cmpi ne, %convert_element_type3A_34, %cond3A_35 : i32
    scf.if %cond3A_36 {
      %dma_start3A_313 = arith.constant 0 : i32
      %dma_start3A_314 = arith.constant 0 : i32
      %dma_start3A_315 = tpu.memref_slice %arg11[%dma_start3A_313, %dma_start3A_314] : memref<200x100xi32, #tpu.memory_space<vmem>> -> memref<1x100xi32, #tpu.memory_space<vmem>>
      %dma_start3A_316 = tpu.memref_squeeze %dma_start3A_315 : memref<1x100xi32, #tpu.memory_space<vmem>> -> memref<100xi32, #tpu.memory_space<vmem>>
      %dma_start3A_317 = arith.constant 0 : i32
      %dma_start3A_318 = arith.constant 0 : i32
      %dma_start3A_319 = tpu.memref_slice %arg3[%dma_start3A_317, %dma_start3A_318] : memref<10000x64xf32, #tpu.memory_space<hbm>> -> memref<10000x64xf32, #tpu.memory_space<hbm>>
      tpu.enqueue_indirect_dma source(%dma_start3A_319 : memref<10000x64xf32, #tpu.memory_space<hbm>>) target(%arg13 : memref<100x64xf32, #tpu.memory_space<vmem>>) offsets(%dma_start3A_316 : memref<100xi32, #tpu.memory_space<vmem>>) semaphore(%arg20 : memref<!tpu.dma_semaphore, #tpu.memory_space<semaphore_mem>>)
    } else {
    }
    %eq3A_37 = arith.constant 0 : i32
    %eq3A_38 = arith.cmpi eq, %arg0, %eq3A_37 : i32
    %convert_element_type3A_39 = arith.extui %eq3A_38 : i1 to i32
    %cond3A_40 = arith.constant 0 : i32
    %cond3A_41 = arith.cmpi ne, %convert_element_type3A_39, %cond3A_40 : i32
    scf.if %cond3A_41 {
      %dma_start3A_313 = arith.constant 1 : i32
      %dma_start3A_314 = arith.constant 0 : i32
      %dma_start3A_315 = tpu.memref_slice %arg11[%dma_start3A_313, %dma_start3A_314] : memref<200x100xi32, #tpu.memory_space<vmem>> -> memref<1x100xi32, #tpu.memory_space<vmem>>
      %dma_start3A_316 = tpu.memref_squeeze %dma_start3A_315 : memref<1x100xi32, #tpu.memory_space<vmem>> -> memref<100xi32, #tpu.memory_space<vmem>>
      %dma_start3A_317 = arith.constant 0 : i32
      %dma_start3A_318 = arith.constant 0 : i32
      %dma_start3A_319 = tpu.memref_slice %arg2[%dma_start3A_317, %dma_start3A_318] : memref<10000x64xf32, #tpu.memory_space<hbm>> -> memref<10000x64xf32, #tpu.memory_space<hbm>>
      tpu.enqueue_indirect_dma source(%dma_start3A_319 : memref<10000x64xf32, #tpu.memory_space<hbm>>) target(%arg14 : memref<100x64xf32, #tpu.memory_space<vmem>>) offsets(%dma_start3A_316 : memref<100xi32, #tpu.memory_space<vmem>>) semaphore(%arg21 : memref<!tpu.dma_semaphore, #tpu.memory_space<semaphore_mem>>)
    } else {
    }
    %ne3A_42 = arith.constant 0 : i32
    %ne3A_43 = arith.cmpi ne, %arg0, %ne3A_42 : i32
    %convert_element_type3A_44 = arith.extui %ne3A_43 : i1 to i32
    %cond3A_45 = arith.constant 0 : i32
    %cond3A_46 = arith.cmpi ne, %convert_element_type3A_44, %cond3A_45 : i32
    scf.if %cond3A_46 {
      %dma_start3A_313 = arith.constant 1 : i32
      %dma_start3A_314 = arith.constant 0 : i32
      %dma_start3A_315 = tpu.memref_slice %arg11[%dma_start3A_313, %dma_start3A_314] : memref<200x100xi32, #tpu.memory_space<vmem>> -> memref<1x100xi32, #tpu.memory_space<vmem>>
      %dma_start3A_316 = tpu.memref_squeeze %dma_start3A_315 : memref<1x100xi32, #tpu.memory_space<vmem>> -> memref<100xi32, #tpu.memory_space<vmem>>
      %dma_start3A_317 = arith.constant 0 : i32
      %dma_start3A_318 = arith.constant 0 : i32
      %dma_start3A_319 = tpu.memref_slice %arg3[%dma_start3A_317, %dma_start3A_318] : memref<10000x64xf32, #tpu.memory_space<hbm>> -> memref<10000x64xf32, #tpu.memory_space<hbm>>
      tpu.enqueue_indirect_dma source(%dma_start3A_319 : memref<10000x64xf32, #tpu.memory_space<hbm>>) target(%arg14 : memref<100x64xf32, #tpu.memory_space<vmem>>) offsets(%dma_start3A_316 : memref<100xi32, #tpu.memory_space<vmem>>) semaphore(%arg21 : memref<!tpu.dma_semaphore, #tpu.memory_space<semaphore_mem>>)
    } else {
    }
    %eq3A_47 = arith.constant 0 : i32
    %eq3A_48 = arith.cmpi eq, %arg0, %eq3A_47 : i32
    %convert_element_type3A_49 = arith.extui %eq3A_48 : i1 to i32
    %cond3A_50 = arith.constant 0 : i32
    %cond3A_51 = arith.cmpi ne, %convert_element_type3A_49, %cond3A_50 : i32
    scf.if %cond3A_51 {
      %dma_wait3A_313 = arith.constant 0 : i32
      %dma_wait3A_314 = arith.constant 0 : i32
      %dma_wait3A_315 = tpu.memref_slice %arg11[%dma_wait3A_313, %dma_wait3A_314] : memref<200x100xi32, #tpu.memory_space<vmem>> -> memref<1x100xi32, #tpu.memory_space<vmem>>
      %dma_wait3A_316 = tpu.memref_squeeze %dma_wait3A_315 : memref<1x100xi32, #tpu.memory_space<vmem>> -> memref<100xi32, #tpu.memory_space<vmem>>
      %dma_wait3A_317 = arith.constant 0 : i32
      %dma_wait3A_318 = arith.constant 0 : i32
      %dma_wait3A_319 = tpu.memref_slice %arg2[%dma_wait3A_317, %dma_wait3A_318] : memref<10000x64xf32, #tpu.memory_space<hbm>> -> memref<10000x64xf32, #tpu.memory_space<hbm>>
      tpu.wait_indirect_dma semaphore(%arg20 : memref<!tpu.dma_semaphore, #tpu.memory_space<semaphore_mem>>) src(%dma_wait3A_319 : memref<10000x64xf32, #tpu.memory_space<hbm>>) dst(%arg13 : memref<100x64xf32, #tpu.memory_space<vmem>>)
    } else {
    }
    %ne3A_52 = arith.constant 0 : i32
    %ne3A_53 = arith.cmpi ne, %arg0, %ne3A_52 : i32
    %convert_element_type3A_54 = arith.extui %ne3A_53 : i1 to i32
    %cond3A_55 = arith.constant 0 : i32
    %cond3A_56 = arith.cmpi ne, %convert_element_type3A_54, %cond3A_55 : i32
    scf.if %cond3A_56 {
      %dma_wait3A_313 = arith.constant 0 : i32
      %dma_wait3A_314 = arith.constant 0 : i32
      %dma_wait3A_315 = tpu.memref_slice %arg11[%dma_wait3A_313, %dma_wait3A_314] : memref<200x100xi32, #tpu.memory_space<vmem>> -> memref<1x100xi32, #tpu.memory_space<vmem>>
      %dma_wait3A_316 = tpu.memref_squeeze %dma_wait3A_315 : memref<1x100xi32, #tpu.memory_space<vmem>> -> memref<100xi32, #tpu.memory_space<vmem>>
      %dma_wait3A_317 = arith.constant 0 : i32
      %dma_wait3A_318 = arith.constant 0 : i32
      %dma_wait3A_319 = tpu.memref_slice %arg3[%dma_wait3A_317, %dma_wait3A_318] : memref<10000x64xf32, #tpu.memory_space<hbm>> -> memref<10000x64xf32, #tpu.memory_space<hbm>>
      tpu.wait_indirect_dma semaphore(%arg20 : memref<!tpu.dma_semaphore, #tpu.memory_space<semaphore_mem>>) src(%dma_wait3A_319 : memref<10000x64xf32, #tpu.memory_space<hbm>>) dst(%arg13 : memref<100x64xf32, #tpu.memory_space<vmem>>)
    } else {
    }
    %dma_start3A = arith.constant 0 : i32
    %dma_start3A_57 = arith.constant 0 : i32
    %dma_start3A_58 = tpu.memref_slice %arg12[%dma_start3A, %dma_start3A_57] : memref<200x100xi32, #tpu.memory_space<vmem>> -> memref<1x100xi32, #tpu.memory_space<vmem>>
    %dma_start3A_59 = tpu.memref_squeeze %dma_start3A_58 : memref<1x100xi32, #tpu.memory_space<vmem>> -> memref<100xi32, #tpu.memory_space<vmem>>
    %dma_start3A_60 = arith.constant 0 : i32
    %dma_start3A_61 = arith.constant 0 : i32
    %dma_start3A_62 = tpu.memref_slice %arg29[%dma_start3A_60, %dma_start3A_61] : memref<10000x64xf32, #tpu.memory_space<vmem_shared>> -> memref<10000x64xf32, #tpu.memory_space<vmem_shared>>
    tpu.enqueue_indirect_dma source(%arg13 : memref<100x64xf32, #tpu.memory_space<vmem>>) target(%dma_start3A_62 : memref<10000x64xf32, #tpu.memory_space<vmem_shared>>) offsets(%dma_start3A_59 : memref<100xi32, #tpu.memory_space<vmem>>) semaphore(%arg24 : memref<!tpu.dma_semaphore, #tpu.memory_space<semaphore_mem>>) {add = true}
    %eq3A_63 = arith.constant 0 : i32
    %eq3A_64 = arith.cmpi eq, %arg0, %eq3A_63 : i32
    %convert_element_type3A_65 = arith.extui %eq3A_64 : i1 to i32
    %cond3A_66 = arith.constant 0 : i32
    %cond3A_67 = arith.cmpi ne, %convert_element_type3A_65, %cond3A_66 : i32
    scf.if %cond3A_67 {
      %dma_start3A_313 = arith.constant 2 : i32
      %dma_start3A_314 = arith.constant 0 : i32
      %dma_start3A_315 = tpu.memref_slice %arg11[%dma_start3A_313, %dma_start3A_314] : memref<200x100xi32, #tpu.memory_space<vmem>> -> memref<1x100xi32, #tpu.memory_space<vmem>>
      %dma_start3A_316 = tpu.memref_squeeze %dma_start3A_315 : memref<1x100xi32, #tpu.memory_space<vmem>> -> memref<100xi32, #tpu.memory_space<vmem>>
      %dma_start3A_317 = arith.constant 0 : i32
      %dma_start3A_318 = arith.constant 0 : i32
      %dma_start3A_319 = tpu.memref_slice %arg2[%dma_start3A_317, %dma_start3A_318] : memref<10000x64xf32, #tpu.memory_space<hbm>> -> memref<10000x64xf32, #tpu.memory_space<hbm>>
      tpu.enqueue_indirect_dma source(%dma_start3A_319 : memref<10000x64xf32, #tpu.memory_space<hbm>>) target(%arg15 : memref<100x64xf32, #tpu.memory_space<vmem>>) offsets(%dma_start3A_316 : memref<100xi32, #tpu.memory_space<vmem>>) semaphore(%arg22 : memref<!tpu.dma_semaphore, #tpu.memory_space<semaphore_mem>>)
    } else {
    }
    %ne3A_68 = arith.constant 0 : i32
    %ne3A_69 = arith.cmpi ne, %arg0, %ne3A_68 : i32
    %convert_element_type3A_70 = arith.extui %ne3A_69 : i1 to i32
    %cond3A_71 = arith.constant 0 : i32
    %cond3A_72 = arith.cmpi ne, %convert_element_type3A_70, %cond3A_71 : i32
    scf.if %cond3A_72 {
      %dma_start3A_313 = arith.constant 2 : i32
      %dma_start3A_314 = arith.constant 0 : i32
      %dma_start3A_315 = tpu.memref_slice %arg11[%dma_start3A_313, %dma_start3A_314] : memref<200x100xi32, #tpu.memory_space<vmem>> -> memref<1x100xi32, #tpu.memory_space<vmem>>
      %dma_start3A_316 = tpu.memref_squeeze %dma_start3A_315 : memref<1x100xi32, #tpu.memory_space<vmem>> -> memref<100xi32, #tpu.memory_space<vmem>>
      %dma_start3A_317 = arith.constant 0 : i32
      %dma_start3A_318 = arith.constant 0 : i32
      %dma_start3A_319 = tpu.memref_slice %arg3[%dma_start3A_317, %dma_start3A_318] : memref<10000x64xf32, #tpu.memory_space<hbm>> -> memref<10000x64xf32, #tpu.memory_space<hbm>>
      tpu.enqueue_indirect_dma source(%dma_start3A_319 : memref<10000x64xf32, #tpu.memory_space<hbm>>) target(%arg15 : memref<100x64xf32, #tpu.memory_space<vmem>>) offsets(%dma_start3A_316 : memref<100xi32, #tpu.memory_space<vmem>>) semaphore(%arg22 : memref<!tpu.dma_semaphore, #tpu.memory_space<semaphore_mem>>)
    } else {
    }
    %eq3A_73 = arith.constant 0 : i32
    %eq3A_74 = arith.cmpi eq, %arg0, %eq3A_73 : i32
    %convert_element_type3A_75 = arith.extui %eq3A_74 : i1 to i32
    %cond3A_76 = arith.constant 0 : i32
    %cond3A_77 = arith.cmpi ne, %convert_element_type3A_75, %cond3A_76 : i32
    scf.if %cond3A_77 {
      %dma_wait3A_313 = arith.constant 1 : i32
      %dma_wait3A_314 = arith.constant 0 : i32
      %dma_wait3A_315 = tpu.memref_slice %arg11[%dma_wait3A_313, %dma_wait3A_314] : memref<200x100xi32, #tpu.memory_space<vmem>> -> memref<1x100xi32, #tpu.memory_space<vmem>>
      %dma_wait3A_316 = tpu.memref_squeeze %dma_wait3A_315 : memref<1x100xi32, #tpu.memory_space<vmem>> -> memref<100xi32, #tpu.memory_space<vmem>>
      %dma_wait3A_317 = arith.constant 0 : i32
      %dma_wait3A_318 = arith.constant 0 : i32
      %dma_wait3A_319 = tpu.memref_slice %arg2[%dma_wait3A_317, %dma_wait3A_318] : memref<10000x64xf32, #tpu.memory_space<hbm>> -> memref<10000x64xf32, #tpu.memory_space<hbm>>
      tpu.wait_indirect_dma semaphore(%arg21 : memref<!tpu.dma_semaphore, #tpu.memory_space<semaphore_mem>>) src(%dma_wait3A_319 : memref<10000x64xf32, #tpu.memory_space<hbm>>) dst(%arg14 : memref<100x64xf32, #tpu.memory_space<vmem>>)
    } else {
    }
    %ne3A_78 = arith.constant 0 : i32
    %ne3A_79 = arith.cmpi ne, %arg0, %ne3A_78 : i32
    %convert_element_type3A_80 = arith.extui %ne3A_79 : i1 to i32
    %cond3A_81 = arith.constant 0 : i32
    %cond3A_82 = arith.cmpi ne, %convert_element_type3A_80, %cond3A_81 : i32
    scf.if %cond3A_82 {
      %dma_wait3A_313 = arith.constant 1 : i32
      %dma_wait3A_314 = arith.constant 0 : i32
      %dma_wait3A_315 = tpu.memref_slice %arg11[%dma_wait3A_313, %dma_wait3A_314] : memref<200x100xi32, #tpu.memory_space<vmem>> -> memref<1x100xi32, #tpu.memory_space<vmem>>
      %dma_wait3A_316 = tpu.memref_squeeze %dma_wait3A_315 : memref<1x100xi32, #tpu.memory_space<vmem>> -> memref<100xi32, #tpu.memory_space<vmem>>
      %dma_wait3A_317 = arith.constant 0 : i32
      %dma_wait3A_318 = arith.constant 0 : i32
      %dma_wait3A_319 = tpu.memref_slice %arg3[%dma_wait3A_317, %dma_wait3A_318] : memref<10000x64xf32, #tpu.memory_space<hbm>> -> memref<10000x64xf32, #tpu.memory_space<hbm>>
      tpu.wait_indirect_dma semaphore(%arg21 : memref<!tpu.dma_semaphore, #tpu.memory_space<semaphore_mem>>) src(%dma_wait3A_319 : memref<10000x64xf32, #tpu.memory_space<hbm>>) dst(%arg14 : memref<100x64xf32, #tpu.memory_space<vmem>>)
    } else {
    }
    %dma_start3A_83 = arith.constant 1 : i32
    %dma_start3A_84 = arith.constant 0 : i32
    %dma_start3A_85 = tpu.memref_slice %arg12[%dma_start3A_83, %dma_start3A_84] : memref<200x100xi32, #tpu.memory_space<vmem>> -> memref<1x100xi32, #tpu.memory_space<vmem>>
    %dma_start3A_86 = tpu.memref_squeeze %dma_start3A_85 : memref<1x100xi32, #tpu.memory_space<vmem>> -> memref<100xi32, #tpu.memory_space<vmem>>
    %dma_start3A_87 = arith.constant 0 : i32
    %dma_start3A_88 = arith.constant 0 : i32
    %dma_start3A_89 = tpu.memref_slice %arg29[%dma_start3A_87, %dma_start3A_88] : memref<10000x64xf32, #tpu.memory_space<vmem_shared>> -> memref<10000x64xf32, #tpu.memory_space<vmem_shared>>
    tpu.enqueue_indirect_dma source(%arg14 : memref<100x64xf32, #tpu.memory_space<vmem>>) target(%dma_start3A_89 : memref<10000x64xf32, #tpu.memory_space<vmem_shared>>) offsets(%dma_start3A_86 : memref<100xi32, #tpu.memory_space<vmem>>) semaphore(%arg25 : memref<!tpu.dma_semaphore, #tpu.memory_space<semaphore_mem>>) {add = true}
    %eq3A_90 = arith.constant 0 : i32
    %eq3A_91 = arith.cmpi eq, %arg0, %eq3A_90 : i32
    %convert_element_type3A_92 = arith.extui %eq3A_91 : i1 to i32
    %cond3A_93 = arith.constant 0 : i32
    %cond3A_94 = arith.cmpi ne, %convert_element_type3A_92, %cond3A_93 : i32
    scf.if %cond3A_94 {
      %dma_start3A_313 = arith.constant 3 : i32
      %dma_start3A_314 = arith.constant 0 : i32
      %dma_start3A_315 = tpu.memref_slice %arg11[%dma_start3A_313, %dma_start3A_314] : memref<200x100xi32, #tpu.memory_space<vmem>> -> memref<1x100xi32, #tpu.memory_space<vmem>>
      %dma_start3A_316 = tpu.memref_squeeze %dma_start3A_315 : memref<1x100xi32, #tpu.memory_space<vmem>> -> memref<100xi32, #tpu.memory_space<vmem>>
      %dma_start3A_317 = arith.constant 0 : i32
      %dma_start3A_318 = arith.constant 0 : i32
      %dma_start3A_319 = tpu.memref_slice %arg2[%dma_start3A_317, %dma_start3A_318] : memref<10000x64xf32, #tpu.memory_space<hbm>> -> memref<10000x64xf32, #tpu.memory_space<hbm>>
      tpu.enqueue_indirect_dma source(%dma_start3A_319 : memref<10000x64xf32, #tpu.memory_space<hbm>>) target(%arg16 : memref<100x64xf32, #tpu.memory_space<vmem>>) offsets(%dma_start3A_316 : memref<100xi32, #tpu.memory_space<vmem>>) semaphore(%arg23 : memref<!tpu.dma_semaphore, #tpu.memory_space<semaphore_mem>>)
    } else {
    }
    %ne3A_95 = arith.constant 0 : i32
    %ne3A_96 = arith.cmpi ne, %arg0, %ne3A_95 : i32
    %convert_element_type3A_97 = arith.extui %ne3A_96 : i1 to i32
    %cond3A_98 = arith.constant 0 : i32
    %cond3A_99 = arith.cmpi ne, %convert_element_type3A_97, %cond3A_98 : i32
    scf.if %cond3A_99 {
      %dma_start3A_313 = arith.constant 3 : i32
      %dma_start3A_314 = arith.constant 0 : i32
      %dma_start3A_315 = tpu.memref_slice %arg11[%dma_start3A_313, %dma_start3A_314] : memref<200x100xi32, #tpu.memory_space<vmem>> -> memref<1x100xi32, #tpu.memory_space<vmem>>
      %dma_start3A_316 = tpu.memref_squeeze %dma_start3A_315 : memref<1x100xi32, #tpu.memory_space<vmem>> -> memref<100xi32, #tpu.memory_space<vmem>>
      %dma_start3A_317 = arith.constant 0 : i32
      %dma_start3A_318 = arith.constant 0 : i32
      %dma_start3A_319 = tpu.memref_slice %arg3[%dma_start3A_317, %dma_start3A_318] : memref<10000x64xf32, #tpu.memory_space<hbm>> -> memref<10000x64xf32, #tpu.memory_space<hbm>>
      tpu.enqueue_indirect_dma source(%dma_start3A_319 : memref<10000x64xf32, #tpu.memory_space<hbm>>) target(%arg16 : memref<100x64xf32, #tpu.memory_space<vmem>>) offsets(%dma_start3A_316 : memref<100xi32, #tpu.memory_space<vmem>>) semaphore(%arg23 : memref<!tpu.dma_semaphore, #tpu.memory_space<semaphore_mem>>)
    } else {
    }
    %dma_wait3A = arith.constant 0 : i32
    %dma_wait3A_100 = arith.constant 0 : i32
    %dma_wait3A_101 = tpu.memref_slice %arg12[%dma_wait3A, %dma_wait3A_100] : memref<200x100xi32, #tpu.memory_space<vmem>> -> memref<1x100xi32, #tpu.memory_space<vmem>>
    %dma_wait3A_102 = tpu.memref_squeeze %dma_wait3A_101 : memref<1x100xi32, #tpu.memory_space<vmem>> -> memref<100xi32, #tpu.memory_space<vmem>>
    %dma_wait3A_103 = arith.constant 0 : i32
    %dma_wait3A_104 = arith.constant 0 : i32
    %dma_wait3A_105 = tpu.memref_slice %arg29[%dma_wait3A_103, %dma_wait3A_104] : memref<10000x64xf32, #tpu.memory_space<vmem_shared>> -> memref<10000x64xf32, #tpu.memory_space<vmem_shared>>
    tpu.wait_indirect_dma semaphore(%arg24 : memref<!tpu.dma_semaphore, #tpu.memory_space<semaphore_mem>>) src(%arg13 : memref<100x64xf32, #tpu.memory_space<vmem>>) dst(%dma_wait3A_105 : memref<10000x64xf32, #tpu.memory_space<vmem_shared>>)
    %eq3A_106 = arith.constant 0 : i32
    %eq3A_107 = arith.cmpi eq, %arg0, %eq3A_106 : i32
    %convert_element_type3A_108 = arith.extui %eq3A_107 : i1 to i32
    %cond3A_109 = arith.constant 0 : i32
    %cond3A_110 = arith.cmpi ne, %convert_element_type3A_108, %cond3A_109 : i32
    scf.if %cond3A_110 {
      %dma_wait3A_313 = arith.constant 2 : i32
      %dma_wait3A_314 = arith.constant 0 : i32
      %dma_wait3A_315 = tpu.memref_slice %arg11[%dma_wait3A_313, %dma_wait3A_314] : memref<200x100xi32, #tpu.memory_space<vmem>> -> memref<1x100xi32, #tpu.memory_space<vmem>>
      %dma_wait3A_316 = tpu.memref_squeeze %dma_wait3A_315 : memref<1x100xi32, #tpu.memory_space<vmem>> -> memref<100xi32, #tpu.memory_space<vmem>>
      %dma_wait3A_317 = arith.constant 0 : i32
      %dma_wait3A_318 = arith.constant 0 : i32
      %dma_wait3A_319 = tpu.memref_slice %arg2[%dma_wait3A_317, %dma_wait3A_318] : memref<10000x64xf32, #tpu.memory_space<hbm>> -> memref<10000x64xf32, #tpu.memory_space<hbm>>
      tpu.wait_indirect_dma semaphore(%arg22 : memref<!tpu.dma_semaphore, #tpu.memory_space<semaphore_mem>>) src(%dma_wait3A_319 : memref<10000x64xf32, #tpu.memory_space<hbm>>) dst(%arg15 : memref<100x64xf32, #tpu.memory_space<vmem>>)
    } else {
    }
    %ne3A_111 = arith.constant 0 : i32
    %ne3A_112 = arith.cmpi ne, %arg0, %ne3A_111 : i32
    %convert_element_type3A_113 = arith.extui %ne3A_112 : i1 to i32
    %cond3A_114 = arith.constant 0 : i32
    %cond3A_115 = arith.cmpi ne, %convert_element_type3A_113, %cond3A_114 : i32
    scf.if %cond3A_115 {
      %dma_wait3A_313 = arith.constant 2 : i32
      %dma_wait3A_314 = arith.constant 0 : i32
      %dma_wait3A_315 = tpu.memref_slice %arg11[%dma_wait3A_313, %dma_wait3A_314] : memref<200x100xi32, #tpu.memory_space<vmem>> -> memref<1x100xi32, #tpu.memory_space<vmem>>
      %dma_wait3A_316 = tpu.memref_squeeze %dma_wait3A_315 : memref<1x100xi32, #tpu.memory_space<vmem>> -> memref<100xi32, #tpu.memory_space<vmem>>
      %dma_wait3A_317 = arith.constant 0 : i32
      %dma_wait3A_318 = arith.constant 0 : i32
      %dma_wait3A_319 = tpu.memref_slice %arg3[%dma_wait3A_317, %dma_wait3A_318] : memref<10000x64xf32, #tpu.memory_space<hbm>> -> memref<10000x64xf32, #tpu.memory_space<hbm>>
      tpu.wait_indirect_dma semaphore(%arg22 : memref<!tpu.dma_semaphore, #tpu.memory_space<semaphore_mem>>) src(%dma_wait3A_319 : memref<10000x64xf32, #tpu.memory_space<hbm>>) dst(%arg15 : memref<100x64xf32, #tpu.memory_space<vmem>>)
    } else {
    }
    %dma_start3A_116 = arith.constant 2 : i32
    %dma_start3A_117 = arith.constant 0 : i32
    %dma_start3A_118 = tpu.memref_slice %arg12[%dma_start3A_116, %dma_start3A_117] : memref<200x100xi32, #tpu.memory_space<vmem>> -> memref<1x100xi32, #tpu.memory_space<vmem>>
    %dma_start3A_119 = tpu.memref_squeeze %dma_start3A_118 : memref<1x100xi32, #tpu.memory_space<vmem>> -> memref<100xi32, #tpu.memory_space<vmem>>
    %dma_start3A_120 = arith.constant 0 : i32
    %dma_start3A_121 = arith.constant 0 : i32
    %dma_start3A_122 = tpu.memref_slice %arg29[%dma_start3A_120, %dma_start3A_121] : memref<10000x64xf32, #tpu.memory_space<vmem_shared>> -> memref<10000x64xf32, #tpu.memory_space<vmem_shared>>
    tpu.enqueue_indirect_dma source(%arg15 : memref<100x64xf32, #tpu.memory_space<vmem>>) target(%dma_start3A_122 : memref<10000x64xf32, #tpu.memory_space<vmem_shared>>) offsets(%dma_start3A_119 : memref<100xi32, #tpu.memory_space<vmem>>) semaphore(%arg26 : memref<!tpu.dma_semaphore, #tpu.memory_space<semaphore_mem>>) {add = true}
    %eq3A_123 = arith.constant 0 : i32
    %eq3A_124 = arith.cmpi eq, %arg0, %eq3A_123 : i32
    %convert_element_type3A_125 = arith.extui %eq3A_124 : i1 to i32
    %cond3A_126 = arith.constant 0 : i32
    %cond3A_127 = arith.cmpi ne, %convert_element_type3A_125, %cond3A_126 : i32
    scf.if %cond3A_127 {
      %dma_start3A_313 = arith.constant 4 : i32
      %dma_start3A_314 = arith.constant 0 : i32
      %dma_start3A_315 = tpu.memref_slice %arg11[%dma_start3A_313, %dma_start3A_314] : memref<200x100xi32, #tpu.memory_space<vmem>> -> memref<1x100xi32, #tpu.memory_space<vmem>>
      %dma_start3A_316 = tpu.memref_squeeze %dma_start3A_315 : memref<1x100xi32, #tpu.memory_space<vmem>> -> memref<100xi32, #tpu.memory_space<vmem>>
      %dma_start3A_317 = arith.constant 0 : i32
      %dma_start3A_318 = arith.constant 0 : i32
      %dma_start3A_319 = tpu.memref_slice %arg2[%dma_start3A_317, %dma_start3A_318] : memref<10000x64xf32, #tpu.memory_space<hbm>> -> memref<10000x64xf32, #tpu.memory_space<hbm>>
      tpu.enqueue_indirect_dma source(%dma_start3A_319 : memref<10000x64xf32, #tpu.memory_space<hbm>>) target(%arg13 : memref<100x64xf32, #tpu.memory_space<vmem>>) offsets(%dma_start3A_316 : memref<100xi32, #tpu.memory_space<vmem>>) semaphore(%arg20 : memref<!tpu.dma_semaphore, #tpu.memory_space<semaphore_mem>>)
    } else {
    }
    %ne3A_128 = arith.constant 0 : i32
    %ne3A_129 = arith.cmpi ne, %arg0, %ne3A_128 : i32
    %convert_element_type3A_130 = arith.extui %ne3A_129 : i1 to i32
    %cond3A_131 = arith.constant 0 : i32
    %cond3A_132 = arith.cmpi ne, %convert_element_type3A_130, %cond3A_131 : i32
    scf.if %cond3A_132 {
      %dma_start3A_313 = arith.constant 4 : i32
      %dma_start3A_314 = arith.constant 0 : i32
      %dma_start3A_315 = tpu.memref_slice %arg11[%dma_start3A_313, %dma_start3A_314] : memref<200x100xi32, #tpu.memory_space<vmem>> -> memref<1x100xi32, #tpu.memory_space<vmem>>
      %dma_start3A_316 = tpu.memref_squeeze %dma_start3A_315 : memref<1x100xi32, #tpu.memory_space<vmem>> -> memref<100xi32, #tpu.memory_space<vmem>>
      %dma_start3A_317 = arith.constant 0 : i32
      %dma_start3A_318 = arith.constant 0 : i32
      %dma_start3A_319 = tpu.memref_slice %arg3[%dma_start3A_317, %dma_start3A_318] : memref<10000x64xf32, #tpu.memory_space<hbm>> -> memref<10000x64xf32, #tpu.memory_space<hbm>>
      tpu.enqueue_indirect_dma source(%dma_start3A_319 : memref<10000x64xf32, #tpu.memory_space<hbm>>) target(%arg13 : memref<100x64xf32, #tpu.memory_space<vmem>>) offsets(%dma_start3A_316 : memref<100xi32, #tpu.memory_space<vmem>>) semaphore(%arg20 : memref<!tpu.dma_semaphore, #tpu.memory_space<semaphore_mem>>)
    } else {
    }
    %dma_wait3A_133 = arith.constant 1 : i32
    %dma_wait3A_134 = arith.constant 0 : i32
    %dma_wait3A_135 = tpu.memref_slice %arg12[%dma_wait3A_133, %dma_wait3A_134] : memref<200x100xi32, #tpu.memory_space<vmem>> -> memref<1x100xi32, #tpu.memory_space<vmem>>
    %dma_wait3A_136 = tpu.memref_squeeze %dma_wait3A_135 : memref<1x100xi32, #tpu.memory_space<vmem>> -> memref<100xi32, #tpu.memory_space<vmem>>
    %dma_wait3A_137 = arith.constant 0 : i32
    %dma_wait3A_138 = arith.constant 0 : i32
    %dma_wait3A_139 = tpu.memref_slice %arg29[%dma_wait3A_137, %dma_wait3A_138] : memref<10000x64xf32, #tpu.memory_space<vmem_shared>> -> memref<10000x64xf32, #tpu.memory_space<vmem_shared>>
    tpu.wait_indirect_dma semaphore(%arg25 : memref<!tpu.dma_semaphore, #tpu.memory_space<semaphore_mem>>) src(%arg14 : memref<100x64xf32, #tpu.memory_space<vmem>>) dst(%dma_wait3A_139 : memref<10000x64xf32, #tpu.memory_space<vmem_shared>>)
    %eq3A_140 = arith.constant 0 : i32
    %eq3A_141 = arith.cmpi eq, %arg0, %eq3A_140 : i32
    %convert_element_type3A_142 = arith.extui %eq3A_141 : i1 to i32
    %cond3A_143 = arith.constant 0 : i32
    %cond3A_144 = arith.cmpi ne, %convert_element_type3A_142, %cond3A_143 : i32
    scf.if %cond3A_144 {
      %dma_wait3A_313 = arith.constant 3 : i32
      %dma_wait3A_314 = arith.constant 0 : i32
      %dma_wait3A_315 = tpu.memref_slice %arg11[%dma_wait3A_313, %dma_wait3A_314] : memref<200x100xi32, #tpu.memory_space<vmem>> -> memref<1x100xi32, #tpu.memory_space<vmem>>
      %dma_wait3A_316 = tpu.memref_squeeze %dma_wait3A_315 : memref<1x100xi32, #tpu.memory_space<vmem>> -> memref<100xi32, #tpu.memory_space<vmem>>
      %dma_wait3A_317 = arith.constant 0 : i32
      %dma_wait3A_318 = arith.constant 0 : i32
      %dma_wait3A_319 = tpu.memref_slice %arg2[%dma_wait3A_317, %dma_wait3A_318] : memref<10000x64xf32, #tpu.memory_space<hbm>> -> memref<10000x64xf32, #tpu.memory_space<hbm>>
      tpu.wait_indirect_dma semaphore(%arg23 : memref<!tpu.dma_semaphore, #tpu.memory_space<semaphore_mem>>) src(%dma_wait3A_319 : memref<10000x64xf32, #tpu.memory_space<hbm>>) dst(%arg16 : memref<100x64xf32, #tpu.memory_space<vmem>>)
    } else {
    }
    %ne3A_145 = arith.constant 0 : i32
    %ne3A_146 = arith.cmpi ne, %arg0, %ne3A_145 : i32
    %convert_element_type3A_147 = arith.extui %ne3A_146 : i1 to i32
    %cond3A_148 = arith.constant 0 : i32
    %cond3A_149 = arith.cmpi ne, %convert_element_type3A_147, %cond3A_148 : i32
    scf.if %cond3A_149 {
      %dma_wait3A_313 = arith.constant 3 : i32
      %dma_wait3A_314 = arith.constant 0 : i32
      %dma_wait3A_315 = tpu.memref_slice %arg11[%dma_wait3A_313, %dma_wait3A_314] : memref<200x100xi32, #tpu.memory_space<vmem>> -> memref<1x100xi32, #tpu.memory_space<vmem>>
      %dma_wait3A_316 = tpu.memref_squeeze %dma_wait3A_315 : memref<1x100xi32, #tpu.memory_space<vmem>> -> memref<100xi32, #tpu.memory_space<vmem>>
      %dma_wait3A_317 = arith.constant 0 : i32
      %dma_wait3A_318 = arith.constant 0 : i32
      %dma_wait3A_319 = tpu.memref_slice %arg3[%dma_wait3A_317, %dma_wait3A_318] : memref<10000x64xf32, #tpu.memory_space<hbm>> -> memref<10000x64xf32, #tpu.memory_space<hbm>>
      tpu.wait_indirect_dma semaphore(%arg23 : memref<!tpu.dma_semaphore, #tpu.memory_space<semaphore_mem>>) src(%dma_wait3A_319 : memref<10000x64xf32, #tpu.memory_space<hbm>>) dst(%arg16 : memref<100x64xf32, #tpu.memory_space<vmem>>)
    } else {
    }
    %dma_start3A_150 = arith.constant 3 : i32
    %dma_start3A_151 = arith.constant 0 : i32
    %dma_start3A_152 = tpu.memref_slice %arg12[%dma_start3A_150, %dma_start3A_151] : memref<200x100xi32, #tpu.memory_space<vmem>> -> memref<1x100xi32, #tpu.memory_space<vmem>>
    %dma_start3A_153 = tpu.memref_squeeze %dma_start3A_152 : memref<1x100xi32, #tpu.memory_space<vmem>> -> memref<100xi32, #tpu.memory_space<vmem>>
    %dma_start3A_154 = arith.constant 0 : i32
    %dma_start3A_155 = arith.constant 0 : i32
    %dma_start3A_156 = tpu.memref_slice %arg29[%dma_start3A_154, %dma_start3A_155] : memref<10000x64xf32, #tpu.memory_space<vmem_shared>> -> memref<10000x64xf32, #tpu.memory_space<vmem_shared>>
    tpu.enqueue_indirect_dma source(%arg16 : memref<100x64xf32, #tpu.memory_space<vmem>>) target(%dma_start3A_156 : memref<10000x64xf32, #tpu.memory_space<vmem_shared>>) offsets(%dma_start3A_153 : memref<100xi32, #tpu.memory_space<vmem>>) semaphore(%arg27 : memref<!tpu.dma_semaphore, #tpu.memory_space<semaphore_mem>>) {add = true}
    %eq3A_157 = arith.constant 0 : i32
    %eq3A_158 = arith.cmpi eq, %arg0, %eq3A_157 : i32
    %convert_element_type3A_159 = arith.extui %eq3A_158 : i1 to i32
    %cond3A_160 = arith.constant 0 : i32
    %cond3A_161 = arith.cmpi ne, %convert_element_type3A_159, %cond3A_160 : i32
    scf.if %cond3A_161 {
      %dma_start3A_313 = arith.constant 5 : i32
      %dma_start3A_314 = arith.constant 0 : i32
      %dma_start3A_315 = tpu.memref_slice %arg11[%dma_start3A_313, %dma_start3A_314] : memref<200x100xi32, #tpu.memory_space<vmem>> -> memref<1x100xi32, #tpu.memory_space<vmem>>
      %dma_start3A_316 = tpu.memref_squeeze %dma_start3A_315 : memref<1x100xi32, #tpu.memory_space<vmem>> -> memref<100xi32, #tpu.memory_space<vmem>>
      %dma_start3A_317 = arith.constant 0 : i32
      %dma_start3A_318 = arith.constant 0 : i32
      %dma_start3A_319 = tpu.memref_slice %arg2[%dma_start3A_317, %dma_start3A_318] : memref<10000x64xf32, #tpu.memory_space<hbm>> -> memref<10000x64xf32, #tpu.memory_space<hbm>>
      tpu.enqueue_indirect_dma source(%dma_start3A_319 : memref<10000x64xf32, #tpu.memory_space<hbm>>) target(%arg14 : memref<100x64xf32, #tpu.memory_space<vmem>>) offsets(%dma_start3A_316 : memref<100xi32, #tpu.memory_space<vmem>>) semaphore(%arg21 : memref<!tpu.dma_semaphore, #tpu.memory_space<semaphore_mem>>)
    } else {
    }
    %ne3A_162 = arith.constant 0 : i32
    %ne3A_163 = arith.cmpi ne, %arg0, %ne3A_162 : i32
    %convert_element_type3A_164 = arith.extui %ne3A_163 : i1 to i32
    %cond3A_165 = arith.constant 0 : i32
    %cond3A_166 = arith.cmpi ne, %convert_element_type3A_164, %cond3A_165 : i32
    scf.if %cond3A_166 {
      %dma_start3A_313 = arith.constant 5 : i32
      %dma_start3A_314 = arith.constant 0 : i32
      %dma_start3A_315 = tpu.memref_slice %arg11[%dma_start3A_313, %dma_start3A_314] : memref<200x100xi32, #tpu.memory_space<vmem>> -> memref<1x100xi32, #tpu.memory_space<vmem>>
      %dma_start3A_316 = tpu.memref_squeeze %dma_start3A_315 : memref<1x100xi32, #tpu.memory_space<vmem>> -> memref<100xi32, #tpu.memory_space<vmem>>
      %dma_start3A_317 = arith.constant 0 : i32
      %dma_start3A_318 = arith.constant 0 : i32
      %dma_start3A_319 = tpu.memref_slice %arg3[%dma_start3A_317, %dma_start3A_318] : memref<10000x64xf32, #tpu.memory_space<hbm>> -> memref<10000x64xf32, #tpu.memory_space<hbm>>
      tpu.enqueue_indirect_dma source(%dma_start3A_319 : memref<10000x64xf32, #tpu.memory_space<hbm>>) target(%arg14 : memref<100x64xf32, #tpu.memory_space<vmem>>) offsets(%dma_start3A_316 : memref<100xi32, #tpu.memory_space<vmem>>) semaphore(%arg21 : memref<!tpu.dma_semaphore, #tpu.memory_space<semaphore_mem>>)
    } else {
    }
    %scan3A = arith.constant 0 : i32
    %scan3A_167 = arith.constant 1 : i32
    %scan3A_168 = arith.constant 48 : i32
    %scan3A_169 = arith.addi %scan3A_167, %scan3A_168 : i32
    %scan3A_170 = arith.constant 1 : i32
    scf.for %scan3A_313 = %scan3A_167 to %scan3A_169 step %scan3A_170  : i32 {
      %mul3A_314 = arith.constant 4 : i32
      %mul3A_315 = arith.muli %scan3A_313, %mul3A_314 : i32
      %add3A_316 = arith.constant 0 : i32
      %add3A_317 = arith.addi %mul3A_315, %add3A_316 : i32
      %sub3A = arith.constant 2 : i32
      %sub3A_318 = arith.subi %add3A_317, %sub3A : i32
      %dma_wait3A_319 = arith.constant 0 : i32
      %dma_wait3A_320 = tpu.memref_slice %arg12[%sub3A_318, %dma_wait3A_319] : memref<200x100xi32, #tpu.memory_space<vmem>> -> memref<1x100xi32, #tpu.memory_space<vmem>>
      %dma_wait3A_321 = tpu.memref_squeeze %dma_wait3A_320 : memref<1x100xi32, #tpu.memory_space<vmem>> -> memref<100xi32, #tpu.memory_space<vmem>>
      %dma_wait3A_322 = arith.constant 0 : i32
      %dma_wait3A_323 = arith.constant 0 : i32
      %dma_wait3A_324 = tpu.memref_slice %arg29[%dma_wait3A_322, %dma_wait3A_323] : memref<10000x64xf32, #tpu.memory_space<vmem_shared>> -> memref<10000x64xf32, #tpu.memory_space<vmem_shared>>
      tpu.wait_indirect_dma semaphore(%arg26 : memref<!tpu.dma_semaphore, #tpu.memory_space<semaphore_mem>>) src(%arg15 : memref<100x64xf32, #tpu.memory_space<vmem>>) dst(%dma_wait3A_324 : memref<10000x64xf32, #tpu.memory_space<vmem_shared>>)
      %eq3A_325 = arith.constant 0 : i32
      %eq3A_326 = arith.cmpi eq, %arg0, %eq3A_325 : i32
      %convert_element_type3A_327 = arith.extui %eq3A_326 : i1 to i32
      %cond3A_328 = arith.constant 0 : i32
      %cond3A_329 = arith.cmpi ne, %convert_element_type3A_327, %cond3A_328 : i32
      scf.if %cond3A_329 {
        %dma_wait3A_473 = arith.constant 0 : i32
        %dma_wait3A_474 = tpu.memref_slice %arg11[%add3A_317, %dma_wait3A_473] : memref<200x100xi32, #tpu.memory_space<vmem>> -> memref<1x100xi32, #tpu.memory_space<vmem>>
        %dma_wait3A_475 = tpu.memref_squeeze %dma_wait3A_474 : memref<1x100xi32, #tpu.memory_space<vmem>> -> memref<100xi32, #tpu.memory_space<vmem>>
        %dma_wait3A_476 = arith.constant 0 : i32
        %dma_wait3A_477 = arith.constant 0 : i32
        %dma_wait3A_478 = tpu.memref_slice %arg2[%dma_wait3A_476, %dma_wait3A_477] : memref<10000x64xf32, #tpu.memory_space<hbm>> -> memref<10000x64xf32, #tpu.memory_space<hbm>>
        tpu.wait_indirect_dma semaphore(%arg20 : memref<!tpu.dma_semaphore, #tpu.memory_space<semaphore_mem>>) src(%dma_wait3A_478 : memref<10000x64xf32, #tpu.memory_space<hbm>>) dst(%arg13 : memref<100x64xf32, #tpu.memory_space<vmem>>)
      } else {
      }
      %ne3A_330 = arith.constant 0 : i32
      %ne3A_331 = arith.cmpi ne, %arg0, %ne3A_330 : i32
      %convert_element_type3A_332 = arith.extui %ne3A_331 : i1 to i32
      %cond3A_333 = arith.constant 0 : i32
      %cond3A_334 = arith.cmpi ne, %convert_element_type3A_332, %cond3A_333 : i32
      scf.if %cond3A_334 {
        %dma_wait3A_473 = arith.constant 0 : i32
        %dma_wait3A_474 = tpu.memref_slice %arg11[%add3A_317, %dma_wait3A_473] : memref<200x100xi32, #tpu.memory_space<vmem>> -> memref<1x100xi32, #tpu.memory_space<vmem>>
        %dma_wait3A_475 = tpu.memref_squeeze %dma_wait3A_474 : memref<1x100xi32, #tpu.memory_space<vmem>> -> memref<100xi32, #tpu.memory_space<vmem>>
        %dma_wait3A_476 = arith.constant 0 : i32
        %dma_wait3A_477 = arith.constant 0 : i32
        %dma_wait3A_478 = tpu.memref_slice %arg3[%dma_wait3A_476, %dma_wait3A_477] : memref<10000x64xf32, #tpu.memory_space<hbm>> -> memref<10000x64xf32, #tpu.memory_space<hbm>>
        tpu.wait_indirect_dma semaphore(%arg20 : memref<!tpu.dma_semaphore, #tpu.memory_space<semaphore_mem>>) src(%dma_wait3A_478 : memref<10000x64xf32, #tpu.memory_space<hbm>>) dst(%arg13 : memref<100x64xf32, #tpu.memory_space<vmem>>)
      } else {
      }
      %dma_start3A_335 = arith.constant 0 : i32
      %dma_start3A_336 = tpu.memref_slice %arg12[%add3A_317, %dma_start3A_335] : memref<200x100xi32, #tpu.memory_space<vmem>> -> memref<1x100xi32, #tpu.memory_space<vmem>>
      %dma_start3A_337 = tpu.memref_squeeze %dma_start3A_336 : memref<1x100xi32, #tpu.memory_space<vmem>> -> memref<100xi32, #tpu.memory_space<vmem>>
      %dma_start3A_338 = arith.constant 0 : i32
      %dma_start3A_339 = arith.constant 0 : i32
      %dma_start3A_340 = tpu.memref_slice %arg29[%dma_start3A_338, %dma_start3A_339] : memref<10000x64xf32, #tpu.memory_space<vmem_shared>> -> memref<10000x64xf32, #tpu.memory_space<vmem_shared>>
      tpu.enqueue_indirect_dma source(%arg13 : memref<100x64xf32, #tpu.memory_space<vmem>>) target(%dma_start3A_340 : memref<10000x64xf32, #tpu.memory_space<vmem_shared>>) offsets(%dma_start3A_337 : memref<100xi32, #tpu.memory_space<vmem>>) semaphore(%arg24 : memref<!tpu.dma_semaphore, #tpu.memory_space<semaphore_mem>>) {add = true}
      %add3A_341 = arith.constant 2 : i32
      %add3A_342 = arith.addi %add3A_317, %add3A_341 : i32
      %eq3A_343 = arith.constant 0 : i32
      %eq3A_344 = arith.cmpi eq, %arg0, %eq3A_343 : i32
      %convert_element_type3A_345 = arith.extui %eq3A_344 : i1 to i32
      %cond3A_346 = arith.constant 0 : i32
      %cond3A_347 = arith.cmpi ne, %convert_element_type3A_345, %cond3A_346 : i32
      scf.if %cond3A_347 {
        %dma_start3A_473 = arith.constant 0 : i32
        %dma_start3A_474 = tpu.memref_slice %arg11[%add3A_342, %dma_start3A_473] : memref<200x100xi32, #tpu.memory_space<vmem>> -> memref<1x100xi32, #tpu.memory_space<vmem>>
        %dma_start3A_475 = tpu.memref_squeeze %dma_start3A_474 : memref<1x100xi32, #tpu.memory_space<vmem>> -> memref<100xi32, #tpu.memory_space<vmem>>
        %dma_start3A_476 = arith.constant 0 : i32
        %dma_start3A_477 = arith.constant 0 : i32
        %dma_start3A_478 = tpu.memref_slice %arg2[%dma_start3A_476, %dma_start3A_477] : memref<10000x64xf32, #tpu.memory_space<hbm>> -> memref<10000x64xf32, #tpu.memory_space<hbm>>
        tpu.enqueue_indirect_dma source(%dma_start3A_478 : memref<10000x64xf32, #tpu.memory_space<hbm>>) target(%arg15 : memref<100x64xf32, #tpu.memory_space<vmem>>) offsets(%dma_start3A_475 : memref<100xi32, #tpu.memory_space<vmem>>) semaphore(%arg22 : memref<!tpu.dma_semaphore, #tpu.memory_space<semaphore_mem>>)
      } else {
      }
      %ne3A_348 = arith.constant 0 : i32
      %ne3A_349 = arith.cmpi ne, %arg0, %ne3A_348 : i32
      %convert_element_type3A_350 = arith.extui %ne3A_349 : i1 to i32
      %cond3A_351 = arith.constant 0 : i32
      %cond3A_352 = arith.cmpi ne, %convert_element_type3A_350, %cond3A_351 : i32
      scf.if %cond3A_352 {
        %dma_start3A_473 = arith.constant 0 : i32
        %dma_start3A_474 = tpu.memref_slice %arg11[%add3A_342, %dma_start3A_473] : memref<200x100xi32, #tpu.memory_space<vmem>> -> memref<1x100xi32, #tpu.memory_space<vmem>>
        %dma_start3A_475 = tpu.memref_squeeze %dma_start3A_474 : memref<1x100xi32, #tpu.memory_space<vmem>> -> memref<100xi32, #tpu.memory_space<vmem>>
        %dma_start3A_476 = arith.constant 0 : i32
        %dma_start3A_477 = arith.constant 0 : i32
        %dma_start3A_478 = tpu.memref_slice %arg3[%dma_start3A_476, %dma_start3A_477] : memref<10000x64xf32, #tpu.memory_space<hbm>> -> memref<10000x64xf32, #tpu.memory_space<hbm>>
        tpu.enqueue_indirect_dma source(%dma_start3A_478 : memref<10000x64xf32, #tpu.memory_space<hbm>>) target(%arg15 : memref<100x64xf32, #tpu.memory_space<vmem>>) offsets(%dma_start3A_475 : memref<100xi32, #tpu.memory_space<vmem>>) semaphore(%arg22 : memref<!tpu.dma_semaphore, #tpu.memory_space<semaphore_mem>>)
      } else {
      }
      %mul3A_353 = arith.constant 4 : i32
      %mul3A_354 = arith.muli %scan3A_313, %mul3A_353 : i32
      %add3A_355 = arith.constant 1 : i32
      %add3A_356 = arith.addi %mul3A_354, %add3A_355 : i32
      %sub3A_357 = arith.constant 2 : i32
      %sub3A_358 = arith.subi %add3A_356, %sub3A_357 : i32
      %dma_wait3A_359 = arith.constant 0 : i32
      %dma_wait3A_360 = tpu.memref_slice %arg12[%sub3A_358, %dma_wait3A_359] : memref<200x100xi32, #tpu.memory_space<vmem>> -> memref<1x100xi32, #tpu.memory_space<vmem>>
      %dma_wait3A_361 = tpu.memref_squeeze %dma_wait3A_360 : memref<1x100xi32, #tpu.memory_space<vmem>> -> memref<100xi32, #tpu.memory_space<vmem>>
      %dma_wait3A_362 = arith.constant 0 : i32
      %dma_wait3A_363 = arith.constant 0 : i32
      %dma_wait3A_364 = tpu.memref_slice %arg29[%dma_wait3A_362, %dma_wait3A_363] : memref<10000x64xf32, #tpu.memory_space<vmem_shared>> -> memref<10000x64xf32, #tpu.memory_space<vmem_shared>>
      tpu.wait_indirect_dma semaphore(%arg27 : memref<!tpu.dma_semaphore, #tpu.memory_space<semaphore_mem>>) src(%arg16 : memref<100x64xf32, #tpu.memory_space<vmem>>) dst(%dma_wait3A_364 : memref<10000x64xf32, #tpu.memory_space<vmem_shared>>)
      %eq3A_365 = arith.constant 0 : i32
      %eq3A_366 = arith.cmpi eq, %arg0, %eq3A_365 : i32
      %convert_element_type3A_367 = arith.extui %eq3A_366 : i1 to i32
      %cond3A_368 = arith.constant 0 : i32
      %cond3A_369 = arith.cmpi ne, %convert_element_type3A_367, %cond3A_368 : i32
      scf.if %cond3A_369 {
        %dma_wait3A_473 = arith.constant 0 : i32
        %dma_wait3A_474 = tpu.memref_slice %arg11[%add3A_356, %dma_wait3A_473] : memref<200x100xi32, #tpu.memory_space<vmem>> -> memref<1x100xi32, #tpu.memory_space<vmem>>
        %dma_wait3A_475 = tpu.memref_squeeze %dma_wait3A_474 : memref<1x100xi32, #tpu.memory_space<vmem>> -> memref<100xi32, #tpu.memory_space<vmem>>
        %dma_wait3A_476 = arith.constant 0 : i32
        %dma_wait3A_477 = arith.constant 0 : i32
        %dma_wait3A_478 = tpu.memref_slice %arg2[%dma_wait3A_476, %dma_wait3A_477] : memref<10000x64xf32, #tpu.memory_space<hbm>> -> memref<10000x64xf32, #tpu.memory_space<hbm>>
        tpu.wait_indirect_dma semaphore(%arg21 : memref<!tpu.dma_semaphore, #tpu.memory_space<semaphore_mem>>) src(%dma_wait3A_478 : memref<10000x64xf32, #tpu.memory_space<hbm>>) dst(%arg14 : memref<100x64xf32, #tpu.memory_space<vmem>>)
      } else {
      }
      %ne3A_370 = arith.constant 0 : i32
      %ne3A_371 = arith.cmpi ne, %arg0, %ne3A_370 : i32
      %convert_element_type3A_372 = arith.extui %ne3A_371 : i1 to i32
      %cond3A_373 = arith.constant 0 : i32
      %cond3A_374 = arith.cmpi ne, %convert_element_type3A_372, %cond3A_373 : i32
      scf.if %cond3A_374 {
        %dma_wait3A_473 = arith.constant 0 : i32
        %dma_wait3A_474 = tpu.memref_slice %arg11[%add3A_356, %dma_wait3A_473] : memref<200x100xi32, #tpu.memory_space<vmem>> -> memref<1x100xi32, #tpu.memory_space<vmem>>
        %dma_wait3A_475 = tpu.memref_squeeze %dma_wait3A_474 : memref<1x100xi32, #tpu.memory_space<vmem>> -> memref<100xi32, #tpu.memory_space<vmem>>
        %dma_wait3A_476 = arith.constant 0 : i32
        %dma_wait3A_477 = arith.constant 0 : i32
        %dma_wait3A_478 = tpu.memref_slice %arg3[%dma_wait3A_476, %dma_wait3A_477] : memref<10000x64xf32, #tpu.memory_space<hbm>> -> memref<10000x64xf32, #tpu.memory_space<hbm>>
        tpu.wait_indirect_dma semaphore(%arg21 : memref<!tpu.dma_semaphore, #tpu.memory_space<semaphore_mem>>) src(%dma_wait3A_478 : memref<10000x64xf32, #tpu.memory_space<hbm>>) dst(%arg14 : memref<100x64xf32, #tpu.memory_space<vmem>>)
      } else {
      }
      %dma_start3A_375 = arith.constant 0 : i32
      %dma_start3A_376 = tpu.memref_slice %arg12[%add3A_356, %dma_start3A_375] : memref<200x100xi32, #tpu.memory_space<vmem>> -> memref<1x100xi32, #tpu.memory_space<vmem>>
      %dma_start3A_377 = tpu.memref_squeeze %dma_start3A_376 : memref<1x100xi32, #tpu.memory_space<vmem>> -> memref<100xi32, #tpu.memory_space<vmem>>
      %dma_start3A_378 = arith.constant 0 : i32
      %dma_start3A_379 = arith.constant 0 : i32
      %dma_start3A_380 = tpu.memref_slice %arg29[%dma_start3A_378, %dma_start3A_379] : memref<10000x64xf32, #tpu.memory_space<vmem_shared>> -> memref<10000x64xf32, #tpu.memory_space<vmem_shared>>
      tpu.enqueue_indirect_dma source(%arg14 : memref<100x64xf32, #tpu.memory_space<vmem>>) target(%dma_start3A_380 : memref<10000x64xf32, #tpu.memory_space<vmem_shared>>) offsets(%dma_start3A_377 : memref<100xi32, #tpu.memory_space<vmem>>) semaphore(%arg25 : memref<!tpu.dma_semaphore, #tpu.memory_space<semaphore_mem>>) {add = true}
      %add3A_381 = arith.constant 2 : i32
      %add3A_382 = arith.addi %add3A_356, %add3A_381 : i32
      %eq3A_383 = arith.constant 0 : i32
      %eq3A_384 = arith.cmpi eq, %arg0, %eq3A_383 : i32
      %convert_element_type3A_385 = arith.extui %eq3A_384 : i1 to i32
      %cond3A_386 = arith.constant 0 : i32
      %cond3A_387 = arith.cmpi ne, %convert_element_type3A_385, %cond3A_386 : i32
      scf.if %cond3A_387 {
        %dma_start3A_473 = arith.constant 0 : i32
        %dma_start3A_474 = tpu.memref_slice %arg11[%add3A_382, %dma_start3A_473] : memref<200x100xi32, #tpu.memory_space<vmem>> -> memref<1x100xi32, #tpu.memory_space<vmem>>
        %dma_start3A_475 = tpu.memref_squeeze %dma_start3A_474 : memref<1x100xi32, #tpu.memory_space<vmem>> -> memref<100xi32, #tpu.memory_space<vmem>>
        %dma_start3A_476 = arith.constant 0 : i32
        %dma_start3A_477 = arith.constant 0 : i32
        %dma_start3A_478 = tpu.memref_slice %arg2[%dma_start3A_476, %dma_start3A_477] : memref<10000x64xf32, #tpu.memory_space<hbm>> -> memref<10000x64xf32, #tpu.memory_space<hbm>>
        tpu.enqueue_indirect_dma source(%dma_start3A_478 : memref<10000x64xf32, #tpu.memory_space<hbm>>) target(%arg16 : memref<100x64xf32, #tpu.memory_space<vmem>>) offsets(%dma_start3A_475 : memref<100xi32, #tpu.memory_space<vmem>>) semaphore(%arg23 : memref<!tpu.dma_semaphore, #tpu.memory_space<semaphore_mem>>)
      } else {
      }
      %ne3A_388 = arith.constant 0 : i32
      %ne3A_389 = arith.cmpi ne, %arg0, %ne3A_388 : i32
      %convert_element_type3A_390 = arith.extui %ne3A_389 : i1 to i32
      %cond3A_391 = arith.constant 0 : i32
      %cond3A_392 = arith.cmpi ne, %convert_element_type3A_390, %cond3A_391 : i32
      scf.if %cond3A_392 {
        %dma_start3A_473 = arith.constant 0 : i32
        %dma_start3A_474 = tpu.memref_slice %arg11[%add3A_382, %dma_start3A_473] : memref<200x100xi32, #tpu.memory_space<vmem>> -> memref<1x100xi32, #tpu.memory_space<vmem>>
        %dma_start3A_475 = tpu.memref_squeeze %dma_start3A_474 : memref<1x100xi32, #tpu.memory_space<vmem>> -> memref<100xi32, #tpu.memory_space<vmem>>
        %dma_start3A_476 = arith.constant 0 : i32
        %dma_start3A_477 = arith.constant 0 : i32
        %dma_start3A_478 = tpu.memref_slice %arg3[%dma_start3A_476, %dma_start3A_477] : memref<10000x64xf32, #tpu.memory_space<hbm>> -> memref<10000x64xf32, #tpu.memory_space<hbm>>
        tpu.enqueue_indirect_dma source(%dma_start3A_478 : memref<10000x64xf32, #tpu.memory_space<hbm>>) target(%arg16 : memref<100x64xf32, #tpu.memory_space<vmem>>) offsets(%dma_start3A_475 : memref<100xi32, #tpu.memory_space<vmem>>) semaphore(%arg23 : memref<!tpu.dma_semaphore, #tpu.memory_space<semaphore_mem>>)
      } else {
      }
      %mul3A_393 = arith.constant 4 : i32
      %mul3A_394 = arith.muli %scan3A_313, %mul3A_393 : i32
      %add3A_395 = arith.constant 2 : i32
      %add3A_396 = arith.addi %mul3A_394, %add3A_395 : i32
      %sub3A_397 = arith.constant 2 : i32
      %sub3A_398 = arith.subi %add3A_396, %sub3A_397 : i32
      %dma_wait3A_399 = arith.constant 0 : i32
      %dma_wait3A_400 = tpu.memref_slice %arg12[%sub3A_398, %dma_wait3A_399] : memref<200x100xi32, #tpu.memory_space<vmem>> -> memref<1x100xi32, #tpu.memory_space<vmem>>
      %dma_wait3A_401 = tpu.memref_squeeze %dma_wait3A_400 : memref<1x100xi32, #tpu.memory_space<vmem>> -> memref<100xi32, #tpu.memory_space<vmem>>
      %dma_wait3A_402 = arith.constant 0 : i32
      %dma_wait3A_403 = arith.constant 0 : i32
      %dma_wait3A_404 = tpu.memref_slice %arg29[%dma_wait3A_402, %dma_wait3A_403] : memref<10000x64xf32, #tpu.memory_space<vmem_shared>> -> memref<10000x64xf32, #tpu.memory_space<vmem_shared>>
      tpu.wait_indirect_dma semaphore(%arg24 : memref<!tpu.dma_semaphore, #tpu.memory_space<semaphore_mem>>) src(%arg13 : memref<100x64xf32, #tpu.memory_space<vmem>>) dst(%dma_wait3A_404 : memref<10000x64xf32, #tpu.memory_space<vmem_shared>>)
      %eq3A_405 = arith.constant 0 : i32
      %eq3A_406 = arith.cmpi eq, %arg0, %eq3A_405 : i32
      %convert_element_type3A_407 = arith.extui %eq3A_406 : i1 to i32
      %cond3A_408 = arith.constant 0 : i32
      %cond3A_409 = arith.cmpi ne, %convert_element_type3A_407, %cond3A_408 : i32
      scf.if %cond3A_409 {
        %dma_wait3A_473 = arith.constant 0 : i32
        %dma_wait3A_474 = tpu.memref_slice %arg11[%add3A_396, %dma_wait3A_473] : memref<200x100xi32, #tpu.memory_space<vmem>> -> memref<1x100xi32, #tpu.memory_space<vmem>>
        %dma_wait3A_475 = tpu.memref_squeeze %dma_wait3A_474 : memref<1x100xi32, #tpu.memory_space<vmem>> -> memref<100xi32, #tpu.memory_space<vmem>>
        %dma_wait3A_476 = arith.constant 0 : i32
        %dma_wait3A_477 = arith.constant 0 : i32
        %dma_wait3A_478 = tpu.memref_slice %arg2[%dma_wait3A_476, %dma_wait3A_477] : memref<10000x64xf32, #tpu.memory_space<hbm>> -> memref<10000x64xf32, #tpu.memory_space<hbm>>
        tpu.wait_indirect_dma semaphore(%arg22 : memref<!tpu.dma_semaphore, #tpu.memory_space<semaphore_mem>>) src(%dma_wait3A_478 : memref<10000x64xf32, #tpu.memory_space<hbm>>) dst(%arg15 : memref<100x64xf32, #tpu.memory_space<vmem>>)
      } else {
      }
      %ne3A_410 = arith.constant 0 : i32
      %ne3A_411 = arith.cmpi ne, %arg0, %ne3A_410 : i32
      %convert_element_type3A_412 = arith.extui %ne3A_411 : i1 to i32
      %cond3A_413 = arith.constant 0 : i32
      %cond3A_414 = arith.cmpi ne, %convert_element_type3A_412, %cond3A_413 : i32
      scf.if %cond3A_414 {
        %dma_wait3A_473 = arith.constant 0 : i32
        %dma_wait3A_474 = tpu.memref_slice %arg11[%add3A_396, %dma_wait3A_473] : memref<200x100xi32, #tpu.memory_space<vmem>> -> memref<1x100xi32, #tpu.memory_space<vmem>>
        %dma_wait3A_475 = tpu.memref_squeeze %dma_wait3A_474 : memref<1x100xi32, #tpu.memory_space<vmem>> -> memref<100xi32, #tpu.memory_space<vmem>>
        %dma_wait3A_476 = arith.constant 0 : i32
        %dma_wait3A_477 = arith.constant 0 : i32
        %dma_wait3A_478 = tpu.memref_slice %arg3[%dma_wait3A_476, %dma_wait3A_477] : memref<10000x64xf32, #tpu.memory_space<hbm>> -> memref<10000x64xf32, #tpu.memory_space<hbm>>
        tpu.wait_indirect_dma semaphore(%arg22 : memref<!tpu.dma_semaphore, #tpu.memory_space<semaphore_mem>>) src(%dma_wait3A_478 : memref<10000x64xf32, #tpu.memory_space<hbm>>) dst(%arg15 : memref<100x64xf32, #tpu.memory_space<vmem>>)
      } else {
      }
      %dma_start3A_415 = arith.constant 0 : i32
      %dma_start3A_416 = tpu.memref_slice %arg12[%add3A_396, %dma_start3A_415] : memref<200x100xi32, #tpu.memory_space<vmem>> -> memref<1x100xi32, #tpu.memory_space<vmem>>
      %dma_start3A_417 = tpu.memref_squeeze %dma_start3A_416 : memref<1x100xi32, #tpu.memory_space<vmem>> -> memref<100xi32, #tpu.memory_space<vmem>>
      %dma_start3A_418 = arith.constant 0 : i32
      %dma_start3A_419 = arith.constant 0 : i32
      %dma_start3A_420 = tpu.memref_slice %arg29[%dma_start3A_418, %dma_start3A_419] : memref<10000x64xf32, #tpu.memory_space<vmem_shared>> -> memref<10000x64xf32, #tpu.memory_space<vmem_shared>>
      tpu.enqueue_indirect_dma source(%arg15 : memref<100x64xf32, #tpu.memory_space<vmem>>) target(%dma_start3A_420 : memref<10000x64xf32, #tpu.memory_space<vmem_shared>>) offsets(%dma_start3A_417 : memref<100xi32, #tpu.memory_space<vmem>>) semaphore(%arg26 : memref<!tpu.dma_semaphore, #tpu.memory_space<semaphore_mem>>) {add = true}
      %add3A_421 = arith.constant 2 : i32
      %add3A_422 = arith.addi %add3A_396, %add3A_421 : i32
      %eq3A_423 = arith.constant 0 : i32
      %eq3A_424 = arith.cmpi eq, %arg0, %eq3A_423 : i32
      %convert_element_type3A_425 = arith.extui %eq3A_424 : i1 to i32
      %cond3A_426 = arith.constant 0 : i32
      %cond3A_427 = arith.cmpi ne, %convert_element_type3A_425, %cond3A_426 : i32
      scf.if %cond3A_427 {
        %dma_start3A_473 = arith.constant 0 : i32
        %dma_start3A_474 = tpu.memref_slice %arg11[%add3A_422, %dma_start3A_473] : memref<200x100xi32, #tpu.memory_space<vmem>> -> memref<1x100xi32, #tpu.memory_space<vmem>>
        %dma_start3A_475 = tpu.memref_squeeze %dma_start3A_474 : memref<1x100xi32, #tpu.memory_space<vmem>> -> memref<100xi32, #tpu.memory_space<vmem>>
        %dma_start3A_476 = arith.constant 0 : i32
        %dma_start3A_477 = arith.constant 0 : i32
        %dma_start3A_478 = tpu.memref_slice %arg2[%dma_start3A_476, %dma_start3A_477] : memref<10000x64xf32, #tpu.memory_space<hbm>> -> memref<10000x64xf32, #tpu.memory_space<hbm>>
        tpu.enqueue_indirect_dma source(%dma_start3A_478 : memref<10000x64xf32, #tpu.memory_space<hbm>>) target(%arg13 : memref<100x64xf32, #tpu.memory_space<vmem>>) offsets(%dma_start3A_475 : memref<100xi32, #tpu.memory_space<vmem>>) semaphore(%arg20 : memref<!tpu.dma_semaphore, #tpu.memory_space<semaphore_mem>>)
      } else {
      }
      %ne3A_428 = arith.constant 0 : i32
      %ne3A_429 = arith.cmpi ne, %arg0, %ne3A_428 : i32
      %convert_element_type3A_430 = arith.extui %ne3A_429 : i1 to i32
      %cond3A_431 = arith.constant 0 : i32
      %cond3A_432 = arith.cmpi ne, %convert_element_type3A_430, %cond3A_431 : i32
      scf.if %cond3A_432 {
        %dma_start3A_473 = arith.constant 0 : i32
        %dma_start3A_474 = tpu.memref_slice %arg11[%add3A_422, %dma_start3A_473] : memref<200x100xi32, #tpu.memory_space<vmem>> -> memref<1x100xi32, #tpu.memory_space<vmem>>
        %dma_start3A_475 = tpu.memref_squeeze %dma_start3A_474 : memref<1x100xi32, #tpu.memory_space<vmem>> -> memref<100xi32, #tpu.memory_space<vmem>>
        %dma_start3A_476 = arith.constant 0 : i32
        %dma_start3A_477 = arith.constant 0 : i32
        %dma_start3A_478 = tpu.memref_slice %arg3[%dma_start3A_476, %dma_start3A_477] : memref<10000x64xf32, #tpu.memory_space<hbm>> -> memref<10000x64xf32, #tpu.memory_space<hbm>>
        tpu.enqueue_indirect_dma source(%dma_start3A_478 : memref<10000x64xf32, #tpu.memory_space<hbm>>) target(%arg13 : memref<100x64xf32, #tpu.memory_space<vmem>>) offsets(%dma_start3A_475 : memref<100xi32, #tpu.memory_space<vmem>>) semaphore(%arg20 : memref<!tpu.dma_semaphore, #tpu.memory_space<semaphore_mem>>)
      } else {
      }
      %mul3A_433 = arith.constant 4 : i32
      %mul3A_434 = arith.muli %scan3A_313, %mul3A_433 : i32
      %add3A_435 = arith.constant 3 : i32
      %add3A_436 = arith.addi %mul3A_434, %add3A_435 : i32
      %sub3A_437 = arith.constant 2 : i32
      %sub3A_438 = arith.subi %add3A_436, %sub3A_437 : i32
      %dma_wait3A_439 = arith.constant 0 : i32
      %dma_wait3A_440 = tpu.memref_slice %arg12[%sub3A_438, %dma_wait3A_439] : memref<200x100xi32, #tpu.memory_space<vmem>> -> memref<1x100xi32, #tpu.memory_space<vmem>>
      %dma_wait3A_441 = tpu.memref_squeeze %dma_wait3A_440 : memref<1x100xi32, #tpu.memory_space<vmem>> -> memref<100xi32, #tpu.memory_space<vmem>>
      %dma_wait3A_442 = arith.constant 0 : i32
      %dma_wait3A_443 = arith.constant 0 : i32
      %dma_wait3A_444 = tpu.memref_slice %arg29[%dma_wait3A_442, %dma_wait3A_443] : memref<10000x64xf32, #tpu.memory_space<vmem_shared>> -> memref<10000x64xf32, #tpu.memory_space<vmem_shared>>
      tpu.wait_indirect_dma semaphore(%arg25 : memref<!tpu.dma_semaphore, #tpu.memory_space<semaphore_mem>>) src(%arg14 : memref<100x64xf32, #tpu.memory_space<vmem>>) dst(%dma_wait3A_444 : memref<10000x64xf32, #tpu.memory_space<vmem_shared>>)
      %eq3A_445 = arith.constant 0 : i32
      %eq3A_446 = arith.cmpi eq, %arg0, %eq3A_445 : i32
      %convert_element_type3A_447 = arith.extui %eq3A_446 : i1 to i32
      %cond3A_448 = arith.constant 0 : i32
      %cond3A_449 = arith.cmpi ne, %convert_element_type3A_447, %cond3A_448 : i32
      scf.if %cond3A_449 {
        %dma_wait3A_473 = arith.constant 0 : i32
        %dma_wait3A_474 = tpu.memref_slice %arg11[%add3A_436, %dma_wait3A_473] : memref<200x100xi32, #tpu.memory_space<vmem>> -> memref<1x100xi32, #tpu.memory_space<vmem>>
        %dma_wait3A_475 = tpu.memref_squeeze %dma_wait3A_474 : memref<1x100xi32, #tpu.memory_space<vmem>> -> memref<100xi32, #tpu.memory_space<vmem>>
        %dma_wait3A_476 = arith.constant 0 : i32
        %dma_wait3A_477 = arith.constant 0 : i32
        %dma_wait3A_478 = tpu.memref_slice %arg2[%dma_wait3A_476, %dma_wait3A_477] : memref<10000x64xf32, #tpu.memory_space<hbm>> -> memref<10000x64xf32, #tpu.memory_space<hbm>>
        tpu.wait_indirect_dma semaphore(%arg23 : memref<!tpu.dma_semaphore, #tpu.memory_space<semaphore_mem>>) src(%dma_wait3A_478 : memref<10000x64xf32, #tpu.memory_space<hbm>>) dst(%arg16 : memref<100x64xf32, #tpu.memory_space<vmem>>)
      } else {
      }
      %ne3A_450 = arith.constant 0 : i32
      %ne3A_451 = arith.cmpi ne, %arg0, %ne3A_450 : i32
      %convert_element_type3A_452 = arith.extui %ne3A_451 : i1 to i32
      %cond3A_453 = arith.constant 0 : i32
      %cond3A_454 = arith.cmpi ne, %convert_element_type3A_452, %cond3A_453 : i32
      scf.if %cond3A_454 {
        %dma_wait3A_473 = arith.constant 0 : i32
        %dma_wait3A_474 = tpu.memref_slice %arg11[%add3A_436, %dma_wait3A_473] : memref<200x100xi32, #tpu.memory_space<vmem>> -> memref<1x100xi32, #tpu.memory_space<vmem>>
        %dma_wait3A_475 = tpu.memref_squeeze %dma_wait3A_474 : memref<1x100xi32, #tpu.memory_space<vmem>> -> memref<100xi32, #tpu.memory_space<vmem>>
        %dma_wait3A_476 = arith.constant 0 : i32
        %dma_wait3A_477 = arith.constant 0 : i32
        %dma_wait3A_478 = tpu.memref_slice %arg3[%dma_wait3A_476, %dma_wait3A_477] : memref<10000x64xf32, #tpu.memory_space<hbm>> -> memref<10000x64xf32, #tpu.memory_space<hbm>>
        tpu.wait_indirect_dma semaphore(%arg23 : memref<!tpu.dma_semaphore, #tpu.memory_space<semaphore_mem>>) src(%dma_wait3A_478 : memref<10000x64xf32, #tpu.memory_space<hbm>>) dst(%arg16 : memref<100x64xf32, #tpu.memory_space<vmem>>)
      } else {
      }
      %dma_start3A_455 = arith.constant 0 : i32
      %dma_start3A_456 = tpu.memref_slice %arg12[%add3A_436, %dma_start3A_455] : memref<200x100xi32, #tpu.memory_space<vmem>> -> memref<1x100xi32, #tpu.memory_space<vmem>>
      %dma_start3A_457 = tpu.memref_squeeze %dma_start3A_456 : memref<1x100xi32, #tpu.memory_space<vmem>> -> memref<100xi32, #tpu.memory_space<vmem>>
      %dma_start3A_458 = arith.constant 0 : i32
      %dma_start3A_459 = arith.constant 0 : i32
      %dma_start3A_460 = tpu.memref_slice %arg29[%dma_start3A_458, %dma_start3A_459] : memref<10000x64xf32, #tpu.memory_space<vmem_shared>> -> memref<10000x64xf32, #tpu.memory_space<vmem_shared>>
      tpu.enqueue_indirect_dma source(%arg16 : memref<100x64xf32, #tpu.memory_space<vmem>>) target(%dma_start3A_460 : memref<10000x64xf32, #tpu.memory_space<vmem_shared>>) offsets(%dma_start3A_457 : memref<100xi32, #tpu.memory_space<vmem>>) semaphore(%arg27 : memref<!tpu.dma_semaphore, #tpu.memory_space<semaphore_mem>>) {add = true}
      %add3A_461 = arith.constant 2 : i32
      %add3A_462 = arith.addi %add3A_436, %add3A_461 : i32
      %eq3A_463 = arith.constant 0 : i32
      %eq3A_464 = arith.cmpi eq, %arg0, %eq3A_463 : i32
      %convert_element_type3A_465 = arith.extui %eq3A_464 : i1 to i32
      %cond3A_466 = arith.constant 0 : i32
      %cond3A_467 = arith.cmpi ne, %convert_element_type3A_465, %cond3A_466 : i32
      scf.if %cond3A_467 {
        %dma_start3A_473 = arith.constant 0 : i32
        %dma_start3A_474 = tpu.memref_slice %arg11[%add3A_462, %dma_start3A_473] : memref<200x100xi32, #tpu.memory_space<vmem>> -> memref<1x100xi32, #tpu.memory_space<vmem>>
        %dma_start3A_475 = tpu.memref_squeeze %dma_start3A_474 : memref<1x100xi32, #tpu.memory_space<vmem>> -> memref<100xi32, #tpu.memory_space<vmem>>
        %dma_start3A_476 = arith.constant 0 : i32
        %dma_start3A_477 = arith.constant 0 : i32
        %dma_start3A_478 = tpu.memref_slice %arg2[%dma_start3A_476, %dma_start3A_477] : memref<10000x64xf32, #tpu.memory_space<hbm>> -> memref<10000x64xf32, #tpu.memory_space<hbm>>
        tpu.enqueue_indirect_dma source(%dma_start3A_478 : memref<10000x64xf32, #tpu.memory_space<hbm>>) target(%arg14 : memref<100x64xf32, #tpu.memory_space<vmem>>) offsets(%dma_start3A_475 : memref<100xi32, #tpu.memory_space<vmem>>) semaphore(%arg21 : memref<!tpu.dma_semaphore, #tpu.memory_space<semaphore_mem>>)
      } else {
      }
      %ne3A_468 = arith.constant 0 : i32
      %ne3A_469 = arith.cmpi ne, %arg0, %ne3A_468 : i32
      %convert_element_type3A_470 = arith.extui %ne3A_469 : i1 to i32
      %cond3A_471 = arith.constant 0 : i32
      %cond3A_472 = arith.cmpi ne, %convert_element_type3A_470, %cond3A_471 : i32
      scf.if %cond3A_472 {
        %dma_start3A_473 = arith.constant 0 : i32
        %dma_start3A_474 = tpu.memref_slice %arg11[%add3A_462, %dma_start3A_473] : memref<200x100xi32, #tpu.memory_space<vmem>> -> memref<1x100xi32, #tpu.memory_space<vmem>>
        %dma_start3A_475 = tpu.memref_squeeze %dma_start3A_474 : memref<1x100xi32, #tpu.memory_space<vmem>> -> memref<100xi32, #tpu.memory_space<vmem>>
        %dma_start3A_476 = arith.constant 0 : i32
        %dma_start3A_477 = arith.constant 0 : i32
        %dma_start3A_478 = tpu.memref_slice %arg3[%dma_start3A_476, %dma_start3A_477] : memref<10000x64xf32, #tpu.memory_space<hbm>> -> memref<10000x64xf32, #tpu.memory_space<hbm>>
        tpu.enqueue_indirect_dma source(%dma_start3A_478 : memref<10000x64xf32, #tpu.memory_space<hbm>>) target(%arg14 : memref<100x64xf32, #tpu.memory_space<vmem>>) offsets(%dma_start3A_475 : memref<100xi32, #tpu.memory_space<vmem>>) semaphore(%arg21 : memref<!tpu.dma_semaphore, #tpu.memory_space<semaphore_mem>>)
      } else {
      }
    }
    %scan3A_171 = arith.constant 48 : i32
    %dma_wait3A_172 = arith.constant 194 : i32
    %dma_wait3A_173 = arith.constant 0 : i32
    %dma_wait3A_174 = tpu.memref_slice %arg12[%dma_wait3A_172, %dma_wait3A_173] : memref<200x100xi32, #tpu.memory_space<vmem>> -> memref<1x100xi32, #tpu.memory_space<vmem>>
    %dma_wait3A_175 = tpu.memref_squeeze %dma_wait3A_174 : memref<1x100xi32, #tpu.memory_space<vmem>> -> memref<100xi32, #tpu.memory_space<vmem>>
    %dma_wait3A_176 = arith.constant 0 : i32
    %dma_wait3A_177 = arith.constant 0 : i32
    %dma_wait3A_178 = tpu.memref_slice %arg29[%dma_wait3A_176, %dma_wait3A_177] : memref<10000x64xf32, #tpu.memory_space<vmem_shared>> -> memref<10000x64xf32, #tpu.memory_space<vmem_shared>>
    tpu.wait_indirect_dma semaphore(%arg26 : memref<!tpu.dma_semaphore, #tpu.memory_space<semaphore_mem>>) src(%arg15 : memref<100x64xf32, #tpu.memory_space<vmem>>) dst(%dma_wait3A_178 : memref<10000x64xf32, #tpu.memory_space<vmem_shared>>)
    %eq3A_179 = arith.constant 0 : i32
    %eq3A_180 = arith.cmpi eq, %arg0, %eq3A_179 : i32
    %convert_element_type3A_181 = arith.extui %eq3A_180 : i1 to i32
    %cond3A_182 = arith.constant 0 : i32
    %cond3A_183 = arith.cmpi ne, %convert_element_type3A_181, %cond3A_182 : i32
    scf.if %cond3A_183 {
      %dma_wait3A_313 = arith.constant 196 : i32
      %dma_wait3A_314 = arith.constant 0 : i32
      %dma_wait3A_315 = tpu.memref_slice %arg11[%dma_wait3A_313, %dma_wait3A_314] : memref<200x100xi32, #tpu.memory_space<vmem>> -> memref<1x100xi32, #tpu.memory_space<vmem>>
      %dma_wait3A_316 = tpu.memref_squeeze %dma_wait3A_315 : memref<1x100xi32, #tpu.memory_space<vmem>> -> memref<100xi32, #tpu.memory_space<vmem>>
      %dma_wait3A_317 = arith.constant 0 : i32
      %dma_wait3A_318 = arith.constant 0 : i32
      %dma_wait3A_319 = tpu.memref_slice %arg2[%dma_wait3A_317, %dma_wait3A_318] : memref<10000x64xf32, #tpu.memory_space<hbm>> -> memref<10000x64xf32, #tpu.memory_space<hbm>>
      tpu.wait_indirect_dma semaphore(%arg20 : memref<!tpu.dma_semaphore, #tpu.memory_space<semaphore_mem>>) src(%dma_wait3A_319 : memref<10000x64xf32, #tpu.memory_space<hbm>>) dst(%arg13 : memref<100x64xf32, #tpu.memory_space<vmem>>)
    } else {
    }
    %ne3A_184 = arith.constant 0 : i32
    %ne3A_185 = arith.cmpi ne, %arg0, %ne3A_184 : i32
    %convert_element_type3A_186 = arith.extui %ne3A_185 : i1 to i32
    %cond3A_187 = arith.constant 0 : i32
    %cond3A_188 = arith.cmpi ne, %convert_element_type3A_186, %cond3A_187 : i32
    scf.if %cond3A_188 {
      %dma_wait3A_313 = arith.constant 196 : i32
      %dma_wait3A_314 = arith.constant 0 : i32
      %dma_wait3A_315 = tpu.memref_slice %arg11[%dma_wait3A_313, %dma_wait3A_314] : memref<200x100xi32, #tpu.memory_space<vmem>> -> memref<1x100xi32, #tpu.memory_space<vmem>>
      %dma_wait3A_316 = tpu.memref_squeeze %dma_wait3A_315 : memref<1x100xi32, #tpu.memory_space<vmem>> -> memref<100xi32, #tpu.memory_space<vmem>>
      %dma_wait3A_317 = arith.constant 0 : i32
      %dma_wait3A_318 = arith.constant 0 : i32
      %dma_wait3A_319 = tpu.memref_slice %arg3[%dma_wait3A_317, %dma_wait3A_318] : memref<10000x64xf32, #tpu.memory_space<hbm>> -> memref<10000x64xf32, #tpu.memory_space<hbm>>
      tpu.wait_indirect_dma semaphore(%arg20 : memref<!tpu.dma_semaphore, #tpu.memory_space<semaphore_mem>>) src(%dma_wait3A_319 : memref<10000x64xf32, #tpu.memory_space<hbm>>) dst(%arg13 : memref<100x64xf32, #tpu.memory_space<vmem>>)
    } else {
    }
    %dma_start3A_189 = arith.constant 196 : i32
    %dma_start3A_190 = arith.constant 0 : i32
    %dma_start3A_191 = tpu.memref_slice %arg12[%dma_start3A_189, %dma_start3A_190] : memref<200x100xi32, #tpu.memory_space<vmem>> -> memref<1x100xi32, #tpu.memory_space<vmem>>
    %dma_start3A_192 = tpu.memref_squeeze %dma_start3A_191 : memref<1x100xi32, #tpu.memory_space<vmem>> -> memref<100xi32, #tpu.memory_space<vmem>>
    %dma_start3A_193 = arith.constant 0 : i32
    %dma_start3A_194 = arith.constant 0 : i32
    %dma_start3A_195 = tpu.memref_slice %arg29[%dma_start3A_193, %dma_start3A_194] : memref<10000x64xf32, #tpu.memory_space<vmem_shared>> -> memref<10000x64xf32, #tpu.memory_space<vmem_shared>>
    tpu.enqueue_indirect_dma source(%arg13 : memref<100x64xf32, #tpu.memory_space<vmem>>) target(%dma_start3A_195 : memref<10000x64xf32, #tpu.memory_space<vmem_shared>>) offsets(%dma_start3A_192 : memref<100xi32, #tpu.memory_space<vmem>>) semaphore(%arg24 : memref<!tpu.dma_semaphore, #tpu.memory_space<semaphore_mem>>) {add = true}
    %eq3A_196 = arith.constant 0 : i32
    %eq3A_197 = arith.cmpi eq, %arg0, %eq3A_196 : i32
    %convert_element_type3A_198 = arith.extui %eq3A_197 : i1 to i32
    %cond3A_199 = arith.constant 0 : i32
    %cond3A_200 = arith.cmpi ne, %convert_element_type3A_198, %cond3A_199 : i32
    scf.if %cond3A_200 {
      %dma_start3A_313 = arith.constant 198 : i32
      %dma_start3A_314 = arith.constant 0 : i32
      %dma_start3A_315 = tpu.memref_slice %arg11[%dma_start3A_313, %dma_start3A_314] : memref<200x100xi32, #tpu.memory_space<vmem>> -> memref<1x100xi32, #tpu.memory_space<vmem>>
      %dma_start3A_316 = tpu.memref_squeeze %dma_start3A_315 : memref<1x100xi32, #tpu.memory_space<vmem>> -> memref<100xi32, #tpu.memory_space<vmem>>
      %dma_start3A_317 = arith.constant 0 : i32
      %dma_start3A_318 = arith.constant 0 : i32
      %dma_start3A_319 = tpu.memref_slice %arg2[%dma_start3A_317, %dma_start3A_318] : memref<10000x64xf32, #tpu.memory_space<hbm>> -> memref<10000x64xf32, #tpu.memory_space<hbm>>
      tpu.enqueue_indirect_dma source(%dma_start3A_319 : memref<10000x64xf32, #tpu.memory_space<hbm>>) target(%arg15 : memref<100x64xf32, #tpu.memory_space<vmem>>) offsets(%dma_start3A_316 : memref<100xi32, #tpu.memory_space<vmem>>) semaphore(%arg22 : memref<!tpu.dma_semaphore, #tpu.memory_space<semaphore_mem>>)
    } else {
    }
    %ne3A_201 = arith.constant 0 : i32
    %ne3A_202 = arith.cmpi ne, %arg0, %ne3A_201 : i32
    %convert_element_type3A_203 = arith.extui %ne3A_202 : i1 to i32
    %cond3A_204 = arith.constant 0 : i32
    %cond3A_205 = arith.cmpi ne, %convert_element_type3A_203, %cond3A_204 : i32
    scf.if %cond3A_205 {
      %dma_start3A_313 = arith.constant 198 : i32
      %dma_start3A_314 = arith.constant 0 : i32
      %dma_start3A_315 = tpu.memref_slice %arg11[%dma_start3A_313, %dma_start3A_314] : memref<200x100xi32, #tpu.memory_space<vmem>> -> memref<1x100xi32, #tpu.memory_space<vmem>>
      %dma_start3A_316 = tpu.memref_squeeze %dma_start3A_315 : memref<1x100xi32, #tpu.memory_space<vmem>> -> memref<100xi32, #tpu.memory_space<vmem>>
      %dma_start3A_317 = arith.constant 0 : i32
      %dma_start3A_318 = arith.constant 0 : i32
      %dma_start3A_319 = tpu.memref_slice %arg3[%dma_start3A_317, %dma_start3A_318] : memref<10000x64xf32, #tpu.memory_space<hbm>> -> memref<10000x64xf32, #tpu.memory_space<hbm>>
      tpu.enqueue_indirect_dma source(%dma_start3A_319 : memref<10000x64xf32, #tpu.memory_space<hbm>>) target(%arg15 : memref<100x64xf32, #tpu.memory_space<vmem>>) offsets(%dma_start3A_316 : memref<100xi32, #tpu.memory_space<vmem>>) semaphore(%arg22 : memref<!tpu.dma_semaphore, #tpu.memory_space<semaphore_mem>>)
    } else {
    }
    %dma_wait3A_206 = arith.constant 195 : i32
    %dma_wait3A_207 = arith.constant 0 : i32
    %dma_wait3A_208 = tpu.memref_slice %arg12[%dma_wait3A_206, %dma_wait3A_207] : memref<200x100xi32, #tpu.memory_space<vmem>> -> memref<1x100xi32, #tpu.memory_space<vmem>>
    %dma_wait3A_209 = tpu.memref_squeeze %dma_wait3A_208 : memref<1x100xi32, #tpu.memory_space<vmem>> -> memref<100xi32, #tpu.memory_space<vmem>>
    %dma_wait3A_210 = arith.constant 0 : i32
    %dma_wait3A_211 = arith.constant 0 : i32
    %dma_wait3A_212 = tpu.memref_slice %arg29[%dma_wait3A_210, %dma_wait3A_211] : memref<10000x64xf32, #tpu.memory_space<vmem_shared>> -> memref<10000x64xf32, #tpu.memory_space<vmem_shared>>
    tpu.wait_indirect_dma semaphore(%arg27 : memref<!tpu.dma_semaphore, #tpu.memory_space<semaphore_mem>>) src(%arg16 : memref<100x64xf32, #tpu.memory_space<vmem>>) dst(%dma_wait3A_212 : memref<10000x64xf32, #tpu.memory_space<vmem_shared>>)
    %eq3A_213 = arith.constant 0 : i32
    %eq3A_214 = arith.cmpi eq, %arg0, %eq3A_213 : i32
    %convert_element_type3A_215 = arith.extui %eq3A_214 : i1 to i32
    %cond3A_216 = arith.constant 0 : i32
    %cond3A_217 = arith.cmpi ne, %convert_element_type3A_215, %cond3A_216 : i32
    scf.if %cond3A_217 {
      %dma_wait3A_313 = arith.constant 197 : i32
      %dma_wait3A_314 = arith.constant 0 : i32
      %dma_wait3A_315 = tpu.memref_slice %arg11[%dma_wait3A_313, %dma_wait3A_314] : memref<200x100xi32, #tpu.memory_space<vmem>> -> memref<1x100xi32, #tpu.memory_space<vmem>>
      %dma_wait3A_316 = tpu.memref_squeeze %dma_wait3A_315 : memref<1x100xi32, #tpu.memory_space<vmem>> -> memref<100xi32, #tpu.memory_space<vmem>>
      %dma_wait3A_317 = arith.constant 0 : i32
      %dma_wait3A_318 = arith.constant 0 : i32
      %dma_wait3A_319 = tpu.memref_slice %arg2[%dma_wait3A_317, %dma_wait3A_318] : memref<10000x64xf32, #tpu.memory_space<hbm>> -> memref<10000x64xf32, #tpu.memory_space<hbm>>
      tpu.wait_indirect_dma semaphore(%arg21 : memref<!tpu.dma_semaphore, #tpu.memory_space<semaphore_mem>>) src(%dma_wait3A_319 : memref<10000x64xf32, #tpu.memory_space<hbm>>) dst(%arg14 : memref<100x64xf32, #tpu.memory_space<vmem>>)
    } else {
    }
    %ne3A_218 = arith.constant 0 : i32
    %ne3A_219 = arith.cmpi ne, %arg0, %ne3A_218 : i32
    %convert_element_type3A_220 = arith.extui %ne3A_219 : i1 to i32
    %cond3A_221 = arith.constant 0 : i32
    %cond3A_222 = arith.cmpi ne, %convert_element_type3A_220, %cond3A_221 : i32
    scf.if %cond3A_222 {
      %dma_wait3A_313 = arith.constant 197 : i32
      %dma_wait3A_314 = arith.constant 0 : i32
      %dma_wait3A_315 = tpu.memref_slice %arg11[%dma_wait3A_313, %dma_wait3A_314] : memref<200x100xi32, #tpu.memory_space<vmem>> -> memref<1x100xi32, #tpu.memory_space<vmem>>
      %dma_wait3A_316 = tpu.memref_squeeze %dma_wait3A_315 : memref<1x100xi32, #tpu.memory_space<vmem>> -> memref<100xi32, #tpu.memory_space<vmem>>
      %dma_wait3A_317 = arith.constant 0 : i32
      %dma_wait3A_318 = arith.constant 0 : i32
      %dma_wait3A_319 = tpu.memref_slice %arg3[%dma_wait3A_317, %dma_wait3A_318] : memref<10000x64xf32, #tpu.memory_space<hbm>> -> memref<10000x64xf32, #tpu.memory_space<hbm>>
      tpu.wait_indirect_dma semaphore(%arg21 : memref<!tpu.dma_semaphore, #tpu.memory_space<semaphore_mem>>) src(%dma_wait3A_319 : memref<10000x64xf32, #tpu.memory_space<hbm>>) dst(%arg14 : memref<100x64xf32, #tpu.memory_space<vmem>>)
    } else {
    }
    %dma_start3A_223 = arith.constant 197 : i32
    %dma_start3A_224 = arith.constant 0 : i32
    %dma_start3A_225 = tpu.memref_slice %arg12[%dma_start3A_223, %dma_start3A_224] : memref<200x100xi32, #tpu.memory_space<vmem>> -> memref<1x100xi32, #tpu.memory_space<vmem>>
    %dma_start3A_226 = tpu.memref_squeeze %dma_start3A_225 : memref<1x100xi32, #tpu.memory_space<vmem>> -> memref<100xi32, #tpu.memory_space<vmem>>
    %dma_start3A_227 = arith.constant 0 : i32
    %dma_start3A_228 = arith.constant 0 : i32
    %dma_start3A_229 = tpu.memref_slice %arg29[%dma_start3A_227, %dma_start3A_228] : memref<10000x64xf32, #tpu.memory_space<vmem_shared>> -> memref<10000x64xf32, #tpu.memory_space<vmem_shared>>
    tpu.enqueue_indirect_dma source(%arg14 : memref<100x64xf32, #tpu.memory_space<vmem>>) target(%dma_start3A_229 : memref<10000x64xf32, #tpu.memory_space<vmem_shared>>) offsets(%dma_start3A_226 : memref<100xi32, #tpu.memory_space<vmem>>) semaphore(%arg25 : memref<!tpu.dma_semaphore, #tpu.memory_space<semaphore_mem>>) {add = true}
    %eq3A_230 = arith.constant 0 : i32
    %eq3A_231 = arith.cmpi eq, %arg0, %eq3A_230 : i32
    %convert_element_type3A_232 = arith.extui %eq3A_231 : i1 to i32
    %cond3A_233 = arith.constant 0 : i32
    %cond3A_234 = arith.cmpi ne, %convert_element_type3A_232, %cond3A_233 : i32
    scf.if %cond3A_234 {
      %dma_start3A_313 = arith.constant 199 : i32
      %dma_start3A_314 = arith.constant 0 : i32
      %dma_start3A_315 = tpu.memref_slice %arg11[%dma_start3A_313, %dma_start3A_314] : memref<200x100xi32, #tpu.memory_space<vmem>> -> memref<1x100xi32, #tpu.memory_space<vmem>>
      %dma_start3A_316 = tpu.memref_squeeze %dma_start3A_315 : memref<1x100xi32, #tpu.memory_space<vmem>> -> memref<100xi32, #tpu.memory_space<vmem>>
      %dma_start3A_317 = arith.constant 0 : i32
      %dma_start3A_318 = arith.constant 0 : i32
      %dma_start3A_319 = tpu.memref_slice %arg2[%dma_start3A_317, %dma_start3A_318] : memref<10000x64xf32, #tpu.memory_space<hbm>> -> memref<10000x64xf32, #tpu.memory_space<hbm>>
      tpu.enqueue_indirect_dma source(%dma_start3A_319 : memref<10000x64xf32, #tpu.memory_space<hbm>>) target(%arg16 : memref<100x64xf32, #tpu.memory_space<vmem>>) offsets(%dma_start3A_316 : memref<100xi32, #tpu.memory_space<vmem>>) semaphore(%arg23 : memref<!tpu.dma_semaphore, #tpu.memory_space<semaphore_mem>>)
    } else {
    }
    %ne3A_235 = arith.constant 0 : i32
    %ne3A_236 = arith.cmpi ne, %arg0, %ne3A_235 : i32
    %convert_element_type3A_237 = arith.extui %ne3A_236 : i1 to i32
    %cond3A_238 = arith.constant 0 : i32
    %cond3A_239 = arith.cmpi ne, %convert_element_type3A_237, %cond3A_238 : i32
    scf.if %cond3A_239 {
      %dma_start3A_313 = arith.constant 199 : i32
      %dma_start3A_314 = arith.constant 0 : i32
      %dma_start3A_315 = tpu.memref_slice %arg11[%dma_start3A_313, %dma_start3A_314] : memref<200x100xi32, #tpu.memory_space<vmem>> -> memref<1x100xi32, #tpu.memory_space<vmem>>
      %dma_start3A_316 = tpu.memref_squeeze %dma_start3A_315 : memref<1x100xi32, #tpu.memory_space<vmem>> -> memref<100xi32, #tpu.memory_space<vmem>>
      %dma_start3A_317 = arith.constant 0 : i32
      %dma_start3A_318 = arith.constant 0 : i32
      %dma_start3A_319 = tpu.memref_slice %arg3[%dma_start3A_317, %dma_start3A_318] : memref<10000x64xf32, #tpu.memory_space<hbm>> -> memref<10000x64xf32, #tpu.memory_space<hbm>>
      tpu.enqueue_indirect_dma source(%dma_start3A_319 : memref<10000x64xf32, #tpu.memory_space<hbm>>) target(%arg16 : memref<100x64xf32, #tpu.memory_space<vmem>>) offsets(%dma_start3A_316 : memref<100xi32, #tpu.memory_space<vmem>>) semaphore(%arg23 : memref<!tpu.dma_semaphore, #tpu.memory_space<semaphore_mem>>)
    } else {
    }
    %dma_wait3A_240 = arith.constant 196 : i32
    %dma_wait3A_241 = arith.constant 0 : i32
    %dma_wait3A_242 = tpu.memref_slice %arg12[%dma_wait3A_240, %dma_wait3A_241] : memref<200x100xi32, #tpu.memory_space<vmem>> -> memref<1x100xi32, #tpu.memory_space<vmem>>
    %dma_wait3A_243 = tpu.memref_squeeze %dma_wait3A_242 : memref<1x100xi32, #tpu.memory_space<vmem>> -> memref<100xi32, #tpu.memory_space<vmem>>
    %dma_wait3A_244 = arith.constant 0 : i32
    %dma_wait3A_245 = arith.constant 0 : i32
    %dma_wait3A_246 = tpu.memref_slice %arg29[%dma_wait3A_244, %dma_wait3A_245] : memref<10000x64xf32, #tpu.memory_space<vmem_shared>> -> memref<10000x64xf32, #tpu.memory_space<vmem_shared>>
    tpu.wait_indirect_dma semaphore(%arg24 : memref<!tpu.dma_semaphore, #tpu.memory_space<semaphore_mem>>) src(%arg13 : memref<100x64xf32, #tpu.memory_space<vmem>>) dst(%dma_wait3A_246 : memref<10000x64xf32, #tpu.memory_space<vmem_shared>>)
    %eq3A_247 = arith.constant 0 : i32
    %eq3A_248 = arith.cmpi eq, %arg0, %eq3A_247 : i32
    %convert_element_type3A_249 = arith.extui %eq3A_248 : i1 to i32
    %cond3A_250 = arith.constant 0 : i32
    %cond3A_251 = arith.cmpi ne, %convert_element_type3A_249, %cond3A_250 : i32
    scf.if %cond3A_251 {
      %dma_wait3A_313 = arith.constant 198 : i32
      %dma_wait3A_314 = arith.constant 0 : i32
      %dma_wait3A_315 = tpu.memref_slice %arg11[%dma_wait3A_313, %dma_wait3A_314] : memref<200x100xi32, #tpu.memory_space<vmem>> -> memref<1x100xi32, #tpu.memory_space<vmem>>
      %dma_wait3A_316 = tpu.memref_squeeze %dma_wait3A_315 : memref<1x100xi32, #tpu.memory_space<vmem>> -> memref<100xi32, #tpu.memory_space<vmem>>
      %dma_wait3A_317 = arith.constant 0 : i32
      %dma_wait3A_318 = arith.constant 0 : i32
      %dma_wait3A_319 = tpu.memref_slice %arg2[%dma_wait3A_317, %dma_wait3A_318] : memref<10000x64xf32, #tpu.memory_space<hbm>> -> memref<10000x64xf32, #tpu.memory_space<hbm>>
      tpu.wait_indirect_dma semaphore(%arg22 : memref<!tpu.dma_semaphore, #tpu.memory_space<semaphore_mem>>) src(%dma_wait3A_319 : memref<10000x64xf32, #tpu.memory_space<hbm>>) dst(%arg15 : memref<100x64xf32, #tpu.memory_space<vmem>>)
    } else {
    }
    %ne3A_252 = arith.constant 0 : i32
    %ne3A_253 = arith.cmpi ne, %arg0, %ne3A_252 : i32
    %convert_element_type3A_254 = arith.extui %ne3A_253 : i1 to i32
    %cond3A_255 = arith.constant 0 : i32
    %cond3A_256 = arith.cmpi ne, %convert_element_type3A_254, %cond3A_255 : i32
    scf.if %cond3A_256 {
      %dma_wait3A_313 = arith.constant 198 : i32
      %dma_wait3A_314 = arith.constant 0 : i32
      %dma_wait3A_315 = tpu.memref_slice %arg11[%dma_wait3A_313, %dma_wait3A_314] : memref<200x100xi32, #tpu.memory_space<vmem>> -> memref<1x100xi32, #tpu.memory_space<vmem>>
      %dma_wait3A_316 = tpu.memref_squeeze %dma_wait3A_315 : memref<1x100xi32, #tpu.memory_space<vmem>> -> memref<100xi32, #tpu.memory_space<vmem>>
      %dma_wait3A_317 = arith.constant 0 : i32
      %dma_wait3A_318 = arith.constant 0 : i32
      %dma_wait3A_319 = tpu.memref_slice %arg3[%dma_wait3A_317, %dma_wait3A_318] : memref<10000x64xf32, #tpu.memory_space<hbm>> -> memref<10000x64xf32, #tpu.memory_space<hbm>>
      tpu.wait_indirect_dma semaphore(%arg22 : memref<!tpu.dma_semaphore, #tpu.memory_space<semaphore_mem>>) src(%dma_wait3A_319 : memref<10000x64xf32, #tpu.memory_space<hbm>>) dst(%arg15 : memref<100x64xf32, #tpu.memory_space<vmem>>)
    } else {
    }
    %dma_start3A_257 = arith.constant 198 : i32
    %dma_start3A_258 = arith.constant 0 : i32
    %dma_start3A_259 = tpu.memref_slice %arg12[%dma_start3A_257, %dma_start3A_258] : memref<200x100xi32, #tpu.memory_space<vmem>> -> memref<1x100xi32, #tpu.memory_space<vmem>>
    %dma_start3A_260 = tpu.memref_squeeze %dma_start3A_259 : memref<1x100xi32, #tpu.memory_space<vmem>> -> memref<100xi32, #tpu.memory_space<vmem>>
    %dma_start3A_261 = arith.constant 0 : i32
    %dma_start3A_262 = arith.constant 0 : i32
    %dma_start3A_263 = tpu.memref_slice %arg29[%dma_start3A_261, %dma_start3A_262] : memref<10000x64xf32, #tpu.memory_space<vmem_shared>> -> memref<10000x64xf32, #tpu.memory_space<vmem_shared>>
    tpu.enqueue_indirect_dma source(%arg15 : memref<100x64xf32, #tpu.memory_space<vmem>>) target(%dma_start3A_263 : memref<10000x64xf32, #tpu.memory_space<vmem_shared>>) offsets(%dma_start3A_260 : memref<100xi32, #tpu.memory_space<vmem>>) semaphore(%arg26 : memref<!tpu.dma_semaphore, #tpu.memory_space<semaphore_mem>>) {add = true}
    %dma_wait3A_264 = arith.constant 197 : i32
    %dma_wait3A_265 = arith.constant 0 : i32
    %dma_wait3A_266 = tpu.memref_slice %arg12[%dma_wait3A_264, %dma_wait3A_265] : memref<200x100xi32, #tpu.memory_space<vmem>> -> memref<1x100xi32, #tpu.memory_space<vmem>>
    %dma_wait3A_267 = tpu.memref_squeeze %dma_wait3A_266 : memref<1x100xi32, #tpu.memory_space<vmem>> -> memref<100xi32, #tpu.memory_space<vmem>>
    %dma_wait3A_268 = arith.constant 0 : i32
    %dma_wait3A_269 = arith.constant 0 : i32
    %dma_wait3A_270 = tpu.memref_slice %arg29[%dma_wait3A_268, %dma_wait3A_269] : memref<10000x64xf32, #tpu.memory_space<vmem_shared>> -> memref<10000x64xf32, #tpu.memory_space<vmem_shared>>
    tpu.wait_indirect_dma semaphore(%arg25 : memref<!tpu.dma_semaphore, #tpu.memory_space<semaphore_mem>>) src(%arg14 : memref<100x64xf32, #tpu.memory_space<vmem>>) dst(%dma_wait3A_270 : memref<10000x64xf32, #tpu.memory_space<vmem_shared>>)
    %eq3A_271 = arith.constant 0 : i32
    %eq3A_272 = arith.cmpi eq, %arg0, %eq3A_271 : i32
    %convert_element_type3A_273 = arith.extui %eq3A_272 : i1 to i32
    %cond3A_274 = arith.constant 0 : i32
    %cond3A_275 = arith.cmpi ne, %convert_element_type3A_273, %cond3A_274 : i32
    scf.if %cond3A_275 {
      %dma_wait3A_313 = arith.constant 199 : i32
      %dma_wait3A_314 = arith.constant 0 : i32
      %dma_wait3A_315 = tpu.memref_slice %arg11[%dma_wait3A_313, %dma_wait3A_314] : memref<200x100xi32, #tpu.memory_space<vmem>> -> memref<1x100xi32, #tpu.memory_space<vmem>>
      %dma_wait3A_316 = tpu.memref_squeeze %dma_wait3A_315 : memref<1x100xi32, #tpu.memory_space<vmem>> -> memref<100xi32, #tpu.memory_space<vmem>>
      %dma_wait3A_317 = arith.constant 0 : i32
      %dma_wait3A_318 = arith.constant 0 : i32
      %dma_wait3A_319 = tpu.memref_slice %arg2[%dma_wait3A_317, %dma_wait3A_318] : memref<10000x64xf32, #tpu.memory_space<hbm>> -> memref<10000x64xf32, #tpu.memory_space<hbm>>
      tpu.wait_indirect_dma semaphore(%arg23 : memref<!tpu.dma_semaphore, #tpu.memory_space<semaphore_mem>>) src(%dma_wait3A_319 : memref<10000x64xf32, #tpu.memory_space<hbm>>) dst(%arg16 : memref<100x64xf32, #tpu.memory_space<vmem>>)
    } else {
    }
    %ne3A_276 = arith.constant 0 : i32
    %ne3A_277 = arith.cmpi ne, %arg0, %ne3A_276 : i32
    %convert_element_type3A_278 = arith.extui %ne3A_277 : i1 to i32
    %cond3A_279 = arith.constant 0 : i32
    %cond3A_280 = arith.cmpi ne, %convert_element_type3A_278, %cond3A_279 : i32
    scf.if %cond3A_280 {
      %dma_wait3A_313 = arith.constant 199 : i32
      %dma_wait3A_314 = arith.constant 0 : i32
      %dma_wait3A_315 = tpu.memref_slice %arg11[%dma_wait3A_313, %dma_wait3A_314] : memref<200x100xi32, #tpu.memory_space<vmem>> -> memref<1x100xi32, #tpu.memory_space<vmem>>
      %dma_wait3A_316 = tpu.memref_squeeze %dma_wait3A_315 : memref<1x100xi32, #tpu.memory_space<vmem>> -> memref<100xi32, #tpu.memory_space<vmem>>
      %dma_wait3A_317 = arith.constant 0 : i32
      %dma_wait3A_318 = arith.constant 0 : i32
      %dma_wait3A_319 = tpu.memref_slice %arg3[%dma_wait3A_317, %dma_wait3A_318] : memref<10000x64xf32, #tpu.memory_space<hbm>> -> memref<10000x64xf32, #tpu.memory_space<hbm>>
      tpu.wait_indirect_dma semaphore(%arg23 : memref<!tpu.dma_semaphore, #tpu.memory_space<semaphore_mem>>) src(%dma_wait3A_319 : memref<10000x64xf32, #tpu.memory_space<hbm>>) dst(%arg16 : memref<100x64xf32, #tpu.memory_space<vmem>>)
    } else {
    }
    %dma_start3A_281 = arith.constant 199 : i32
    %dma_start3A_282 = arith.constant 0 : i32
    %dma_start3A_283 = tpu.memref_slice %arg12[%dma_start3A_281, %dma_start3A_282] : memref<200x100xi32, #tpu.memory_space<vmem>> -> memref<1x100xi32, #tpu.memory_space<vmem>>
    %dma_start3A_284 = tpu.memref_squeeze %dma_start3A_283 : memref<1x100xi32, #tpu.memory_space<vmem>> -> memref<100xi32, #tpu.memory_space<vmem>>
    %dma_start3A_285 = arith.constant 0 : i32
    %dma_start3A_286 = arith.constant 0 : i32
    %dma_start3A_287 = tpu.memref_slice %arg29[%dma_start3A_285, %dma_start3A_286] : memref<10000x64xf32, #tpu.memory_space<vmem_shared>> -> memref<10000x64xf32, #tpu.memory_space<vmem_shared>>
    tpu.enqueue_indirect_dma source(%arg16 : memref<100x64xf32, #tpu.memory_space<vmem>>) target(%dma_start3A_287 : memref<10000x64xf32, #tpu.memory_space<vmem_shared>>) offsets(%dma_start3A_284 : memref<100xi32, #tpu.memory_space<vmem>>) semaphore(%arg27 : memref<!tpu.dma_semaphore, #tpu.memory_space<semaphore_mem>>) {add = true}
    %dma_wait3A_288 = arith.constant 198 : i32
    %dma_wait3A_289 = arith.constant 0 : i32
    %dma_wait3A_290 = tpu.memref_slice %arg12[%dma_wait3A_288, %dma_wait3A_289] : memref<200x100xi32, #tpu.memory_space<vmem>> -> memref<1x100xi32, #tpu.memory_space<vmem>>
    %dma_wait3A_291 = tpu.memref_squeeze %dma_wait3A_290 : memref<1x100xi32, #tpu.memory_space<vmem>> -> memref<100xi32, #tpu.memory_space<vmem>>
    %dma_wait3A_292 = arith.constant 0 : i32
    %dma_wait3A_293 = arith.constant 0 : i32
    %dma_wait3A_294 = tpu.memref_slice %arg29[%dma_wait3A_292, %dma_wait3A_293] : memref<10000x64xf32, #tpu.memory_space<vmem_shared>> -> memref<10000x64xf32, #tpu.memory_space<vmem_shared>>
    tpu.wait_indirect_dma semaphore(%arg26 : memref<!tpu.dma_semaphore, #tpu.memory_space<semaphore_mem>>) src(%arg15 : memref<100x64xf32, #tpu.memory_space<vmem>>) dst(%dma_wait3A_294 : memref<10000x64xf32, #tpu.memory_space<vmem_shared>>)
    %dma_wait3A_295 = arith.constant 199 : i32
    %dma_wait3A_296 = arith.constant 0 : i32
    %dma_wait3A_297 = tpu.memref_slice %arg12[%dma_wait3A_295, %dma_wait3A_296] : memref<200x100xi32, #tpu.memory_space<vmem>> -> memref<1x100xi32, #tpu.memory_space<vmem>>
    %dma_wait3A_298 = tpu.memref_squeeze %dma_wait3A_297 : memref<1x100xi32, #tpu.memory_space<vmem>> -> memref<100xi32, #tpu.memory_space<vmem>>
    %dma_wait3A_299 = arith.constant 0 : i32
    %dma_wait3A_300 = arith.constant 0 : i32
    %dma_wait3A_301 = tpu.memref_slice %arg29[%dma_wait3A_299, %dma_wait3A_300] : memref<10000x64xf32, #tpu.memory_space<vmem_shared>> -> memref<10000x64xf32, #tpu.memory_space<vmem_shared>>
    tpu.wait_indirect_dma semaphore(%arg27 : memref<!tpu.dma_semaphore, #tpu.memory_space<semaphore_mem>>) src(%arg16 : memref<100x64xf32, #tpu.memory_space<vmem>>) dst(%dma_wait3A_301 : memref<10000x64xf32, #tpu.memory_space<vmem_shared>>)
    %barrier3A_302 = arith.constant 0 : index
    tpu.barrier barrier_id(%barrier3A_302)
    %eq3A_303 = arith.constant 0 : i32
    %eq3A_304 = arith.cmpi eq, %arg0, %eq3A_303 : i32
    %convert_element_type3A_305 = arith.extui %eq3A_304 : i1 to i32
    %cond3A_306 = arith.constant 0 : i32
    %cond3A_307 = arith.cmpi ne, %convert_element_type3A_305, %cond3A_306 : i32
    scf.if %cond3A_307 {
      %mul3A_313 = arith.constant 624 : i32
      %mul3A_314 = arith.muli %arg1, %mul3A_313 : i32
      %add3A_315 = arith.constant 0 : i32
      %add3A_316 = arith.addi %mul3A_314, %add3A_315 : i32
      "tpu.region"() ({
        %run_scoped3A = tpu.sem_alloc : memref<!tpu.dma_semaphore, #tpu.memory_space<semaphore_mem>>
        %dma_start3A_366 = arith.constant 0 : i32
        %dma_start3A_367 = tpu.memref_slice %arg29[%add3A_316, %dma_start3A_366] : memref<10000x64xf32, #tpu.memory_space<vmem_shared>> -> memref<104x64xf32, #tpu.memory_space<vmem_shared>>
        %dma_start3A_368 = arith.constant 0 : i32
        %dma_start3A_369 = tpu.memref_slice %arg29[%add3A_316, %dma_start3A_368] : memref<10000x64xf32, #tpu.memory_space<vmem_shared>> -> memref<104x64xf32, #tpu.memory_space<vmem_shared>>
        tpu.enqueue_dma source(%dma_start3A_369 : memref<104x64xf32, #tpu.memory_space<vmem_shared>>) target(%arg18 : memref<104x64xf32, #tpu.memory_space<vmem>>) target_semaphore(%run_scoped3A : memref<!tpu.dma_semaphore, #tpu.memory_space<semaphore_mem>>)
        %dma_wait3A_370 = arith.constant 0 : i32
        %dma_wait3A_371 = tpu.memref_slice %arg29[%add3A_316, %dma_wait3A_370] : memref<10000x64xf32, #tpu.memory_space<vmem_shared>> -> memref<104x64xf32, #tpu.memory_space<vmem_shared>>
        %dma_wait3A_372 = arith.constant 0 : i32
        %dma_wait3A_373 = tpu.memref_slice %arg29[%add3A_316, %dma_wait3A_372] : memref<10000x64xf32, #tpu.memory_space<vmem_shared>> -> memref<104x64xf32, #tpu.memory_space<vmem_shared>>
        tpu.wait_dma2 semaphore(%run_scoped3A : memref<!tpu.dma_semaphore, #tpu.memory_space<semaphore_mem>>) src(%dma_wait3A_373 : memref<104x64xf32, #tpu.memory_space<vmem_shared>>) dst(%arg18 : memref<104x64xf32, #tpu.memory_space<vmem>>)
        tpu.yield
      }) : () -> ()
      %mul3A_317 = arith.constant 624 : i32
      %mul3A_318 = arith.muli %arg1, %mul3A_317 : i32
      %add3A_319 = arith.constant 0 : i32
      %add3A_320 = arith.addi %mul3A_318, %add3A_319 : i32
      "tpu.region"() ({
        %run_scoped3A = tpu.sem_alloc : memref<!tpu.dma_semaphore, #tpu.memory_space<semaphore_mem>>
        %dma_start3A_366 = arith.constant 0 : i32
        %dma_start3A_367 = tpu.memref_slice %arg9[%add3A_320, %dma_start3A_366] : memref<10000x64xf32, #tpu.memory_space<hbm>> -> memref<104x64xf32, #tpu.memory_space<hbm>>
        %dma_start3A_368 = arith.constant 0 : i32
        %dma_start3A_369 = tpu.memref_slice %arg9[%add3A_320, %dma_start3A_368] : memref<10000x64xf32, #tpu.memory_space<hbm>> -> memref<104x64xf32, #tpu.memory_space<hbm>>
        tpu.enqueue_dma source(%arg18 : memref<104x64xf32, #tpu.memory_space<vmem>>) target(%dma_start3A_369 : memref<104x64xf32, #tpu.memory_space<hbm>>) target_semaphore(%run_scoped3A : memref<!tpu.dma_semaphore, #tpu.memory_space<semaphore_mem>>)
        %dma_wait3A_370 = arith.constant 0 : i32
        %dma_wait3A_371 = tpu.memref_slice %arg9[%add3A_320, %dma_wait3A_370] : memref<10000x64xf32, #tpu.memory_space<hbm>> -> memref<104x64xf32, #tpu.memory_space<hbm>>
        %dma_wait3A_372 = arith.constant 0 : i32
        %dma_wait3A_373 = tpu.memref_slice %arg9[%add3A_320, %dma_wait3A_372] : memref<10000x64xf32, #tpu.memory_space<hbm>> -> memref<104x64xf32, #tpu.memory_space<hbm>>
        tpu.wait_dma2 semaphore(%run_scoped3A : memref<!tpu.dma_semaphore, #tpu.memory_space<semaphore_mem>>) src(%arg18 : memref<104x64xf32, #tpu.memory_space<vmem>>) dst(%dma_wait3A_373 : memref<104x64xf32, #tpu.memory_space<hbm>>)
        tpu.yield
      }) : () -> ()
      %mul3A_321 = arith.constant 624 : i32
      %mul3A_322 = arith.muli %arg1, %mul3A_321 : i32
      %add3A_323 = arith.constant 104 : i32
      %add3A_324 = arith.addi %mul3A_322, %add3A_323 : i32
      "tpu.region"() ({
        %run_scoped3A = tpu.sem_alloc : memref<!tpu.dma_semaphore, #tpu.memory_space<semaphore_mem>>
        %dma_start3A_366 = arith.constant 0 : i32
        %dma_start3A_367 = tpu.memref_slice %arg29[%add3A_324, %dma_start3A_366] : memref<10000x64xf32, #tpu.memory_space<vmem_shared>> -> memref<104x64xf32, #tpu.memory_space<vmem_shared>>
        %dma_start3A_368 = arith.constant 0 : i32
        %dma_start3A_369 = tpu.memref_slice %arg29[%add3A_324, %dma_start3A_368] : memref<10000x64xf32, #tpu.memory_space<vmem_shared>> -> memref<104x64xf32, #tpu.memory_space<vmem_shared>>
        tpu.enqueue_dma source(%dma_start3A_369 : memref<104x64xf32, #tpu.memory_space<vmem_shared>>) target(%arg18 : memref<104x64xf32, #tpu.memory_space<vmem>>) target_semaphore(%run_scoped3A : memref<!tpu.dma_semaphore, #tpu.memory_space<semaphore_mem>>)
        %dma_wait3A_370 = arith.constant 0 : i32
        %dma_wait3A_371 = tpu.memref_slice %arg29[%add3A_324, %dma_wait3A_370] : memref<10000x64xf32, #tpu.memory_space<vmem_shared>> -> memref<104x64xf32, #tpu.memory_space<vmem_shared>>
        %dma_wait3A_372 = arith.constant 0 : i32
        %dma_wait3A_373 = tpu.memref_slice %arg29[%add3A_324, %dma_wait3A_372] : memref<10000x64xf32, #tpu.memory_space<vmem_shared>> -> memref<104x64xf32, #tpu.memory_space<vmem_shared>>
        tpu.wait_dma2 semaphore(%run_scoped3A : memref<!tpu.dma_semaphore, #tpu.memory_space<semaphore_mem>>) src(%dma_wait3A_373 : memref<104x64xf32, #tpu.memory_space<vmem_shared>>) dst(%arg18 : memref<104x64xf32, #tpu.memory_space<vmem>>)
        tpu.yield
      }) : () -> ()
      %mul3A_325 = arith.constant 624 : i32
      %mul3A_326 = arith.muli %arg1, %mul3A_325 : i32
      %add3A_327 = arith.constant 104 : i32
      %add3A_328 = arith.addi %mul3A_326, %add3A_327 : i32
      "tpu.region"() ({
        %run_scoped3A = tpu.sem_alloc : memref<!tpu.dma_semaphore, #tpu.memory_space<semaphore_mem>>
        %dma_start3A_366 = arith.constant 0 : i32
        %dma_start3A_367 = tpu.memref_slice %arg9[%add3A_328, %dma_start3A_366] : memref<10000x64xf32, #tpu.memory_space<hbm>> -> memref<104x64xf32, #tpu.memory_space<hbm>>
        %dma_start3A_368 = arith.constant 0 : i32
        %dma_start3A_369 = tpu.memref_slice %arg9[%add3A_328, %dma_start3A_368] : memref<10000x64xf32, #tpu.memory_space<hbm>> -> memref<104x64xf32, #tpu.memory_space<hbm>>
        tpu.enqueue_dma source(%arg18 : memref<104x64xf32, #tpu.memory_space<vmem>>) target(%dma_start3A_369 : memref<104x64xf32, #tpu.memory_space<hbm>>) target_semaphore(%run_scoped3A : memref<!tpu.dma_semaphore, #tpu.memory_space<semaphore_mem>>)
        %dma_wait3A_370 = arith.constant 0 : i32
        %dma_wait3A_371 = tpu.memref_slice %arg9[%add3A_328, %dma_wait3A_370] : memref<10000x64xf32, #tpu.memory_space<hbm>> -> memref<104x64xf32, #tpu.memory_space<hbm>>
        %dma_wait3A_372 = arith.constant 0 : i32
        %dma_wait3A_373 = tpu.memref_slice %arg9[%add3A_328, %dma_wait3A_372] : memref<10000x64xf32, #tpu.memory_space<hbm>> -> memref<104x64xf32, #tpu.memory_space<hbm>>
        tpu.wait_dma2 semaphore(%run_scoped3A : memref<!tpu.dma_semaphore, #tpu.memory_space<semaphore_mem>>) src(%arg18 : memref<104x64xf32, #tpu.memory_space<vmem>>) dst(%dma_wait3A_373 : memref<104x64xf32, #tpu.memory_space<hbm>>)
        tpu.yield
      }) : () -> ()
      %mul3A_329 = arith.constant 624 : i32
      %mul3A_330 = arith.muli %arg1, %mul3A_329 : i32
      %add3A_331 = arith.constant 208 : i32
      %add3A_332 = arith.addi %mul3A_330, %add3A_331 : i32
      "tpu.region"() ({
        %run_scoped3A = tpu.sem_alloc : memref<!tpu.dma_semaphore, #tpu.memory_space<semaphore_mem>>
        %dma_start3A_366 = arith.constant 0 : i32
        %dma_start3A_367 = tpu.memref_slice %arg29[%add3A_332, %dma_start3A_366] : memref<10000x64xf32, #tpu.memory_space<vmem_shared>> -> memref<104x64xf32, #tpu.memory_space<vmem_shared>>
        %dma_start3A_368 = arith.constant 0 : i32
        %dma_start3A_369 = tpu.memref_slice %arg29[%add3A_332, %dma_start3A_368] : memref<10000x64xf32, #tpu.memory_space<vmem_shared>> -> memref<104x64xf32, #tpu.memory_space<vmem_shared>>
        tpu.enqueue_dma source(%dma_start3A_369 : memref<104x64xf32, #tpu.memory_space<vmem_shared>>) target(%arg18 : memref<104x64xf32, #tpu.memory_space<vmem>>) target_semaphore(%run_scoped3A : memref<!tpu.dma_semaphore, #tpu.memory_space<semaphore_mem>>)
        %dma_wait3A_370 = arith.constant 0 : i32
        %dma_wait3A_371 = tpu.memref_slice %arg29[%add3A_332, %dma_wait3A_370] : memref<10000x64xf32, #tpu.memory_space<vmem_shared>> -> memref<104x64xf32, #tpu.memory_space<vmem_shared>>
        %dma_wait3A_372 = arith.constant 0 : i32
        %dma_wait3A_373 = tpu.memref_slice %arg29[%add3A_332, %dma_wait3A_372] : memref<10000x64xf32, #tpu.memory_space<vmem_shared>> -> memref<104x64xf32, #tpu.memory_space<vmem_shared>>
        tpu.wait_dma2 semaphore(%run_scoped3A : memref<!tpu.dma_semaphore, #tpu.memory_space<semaphore_mem>>) src(%dma_wait3A_373 : memref<104x64xf32, #tpu.memory_space<vmem_shared>>) dst(%arg18 : memref<104x64xf32, #tpu.memory_space<vmem>>)
        tpu.yield
      }) : () -> ()
      %mul3A_333 = arith.constant 624 : i32
      %mul3A_334 = arith.muli %arg1, %mul3A_333 : i32
      %add3A_335 = arith.constant 208 : i32
      %add3A_336 = arith.addi %mul3A_334, %add3A_335 : i32
      "tpu.region"() ({
        %run_scoped3A = tpu.sem_alloc : memref<!tpu.dma_semaphore, #tpu.memory_space<semaphore_mem>>
        %dma_start3A_366 = arith.constant 0 : i32
        %dma_start3A_367 = tpu.memref_slice %arg9[%add3A_336, %dma_start3A_366] : memref<10000x64xf32, #tpu.memory_space<hbm>> -> memref<104x64xf32, #tpu.memory_space<hbm>>
        %dma_start3A_368 = arith.constant 0 : i32
        %dma_start3A_369 = tpu.memref_slice %arg9[%add3A_336, %dma_start3A_368] : memref<10000x64xf32, #tpu.memory_space<hbm>> -> memref<104x64xf32, #tpu.memory_space<hbm>>
        tpu.enqueue_dma source(%arg18 : memref<104x64xf32, #tpu.memory_space<vmem>>) target(%dma_start3A_369 : memref<104x64xf32, #tpu.memory_space<hbm>>) target_semaphore(%run_scoped3A : memref<!tpu.dma_semaphore, #tpu.memory_space<semaphore_mem>>)
        %dma_wait3A_370 = arith.constant 0 : i32
        %dma_wait3A_371 = tpu.memref_slice %arg9[%add3A_336, %dma_wait3A_370] : memref<10000x64xf32, #tpu.memory_space<hbm>> -> memref<104x64xf32, #tpu.memory_space<hbm>>
        %dma_wait3A_372 = arith.constant 0 : i32
        %dma_wait3A_373 = tpu.memref_slice %arg9[%add3A_336, %dma_wait3A_372] : memref<10000x64xf32, #tpu.memory_space<hbm>> -> memref<104x64xf32, #tpu.memory_space<hbm>>
        tpu.wait_dma2 semaphore(%run_scoped3A : memref<!tpu.dma_semaphore, #tpu.memory_space<semaphore_mem>>) src(%arg18 : memref<104x64xf32, #tpu.memory_space<vmem>>) dst(%dma_wait3A_373 : memref<104x64xf32, #tpu.memory_space<hbm>>)
        tpu.yield
      }) : () -> ()
      %mul3A_337 = arith.constant 624 : i32
      %mul3A_338 = arith.muli %arg1, %mul3A_337 : i32
      %add3A_339 = arith.constant 312 : i32
      %add3A_340 = arith.addi %mul3A_338, %add3A_339 : i32
      "tpu.region"() ({
        %run_scoped3A = tpu.sem_alloc : memref<!tpu.dma_semaphore, #tpu.memory_space<semaphore_mem>>
        %dma_start3A_366 = arith.constant 0 : i32
        %dma_start3A_367 = tpu.memref_slice %arg29[%add3A_340, %dma_start3A_366] : memref<10000x64xf32, #tpu.memory_space<vmem_shared>> -> memref<104x64xf32, #tpu.memory_space<vmem_shared>>
        %dma_start3A_368 = arith.constant 0 : i32
        %dma_start3A_369 = tpu.memref_slice %arg29[%add3A_340, %dma_start3A_368] : memref<10000x64xf32, #tpu.memory_space<vmem_shared>> -> memref<104x64xf32, #tpu.memory_space<vmem_shared>>
        tpu.enqueue_dma source(%dma_start3A_369 : memref<104x64xf32, #tpu.memory_space<vmem_shared>>) target(%arg18 : memref<104x64xf32, #tpu.memory_space<vmem>>) target_semaphore(%run_scoped3A : memref<!tpu.dma_semaphore, #tpu.memory_space<semaphore_mem>>)
        %dma_wait3A_370 = arith.constant 0 : i32
        %dma_wait3A_371 = tpu.memref_slice %arg29[%add3A_340, %dma_wait3A_370] : memref<10000x64xf32, #tpu.memory_space<vmem_shared>> -> memref<104x64xf32, #tpu.memory_space<vmem_shared>>
        %dma_wait3A_372 = arith.constant 0 : i32
        %dma_wait3A_373 = tpu.memref_slice %arg29[%add3A_340, %dma_wait3A_372] : memref<10000x64xf32, #tpu.memory_space<vmem_shared>> -> memref<104x64xf32, #tpu.memory_space<vmem_shared>>
        tpu.wait_dma2 semaphore(%run_scoped3A : memref<!tpu.dma_semaphore, #tpu.memory_space<semaphore_mem>>) src(%dma_wait3A_373 : memref<104x64xf32, #tpu.memory_space<vmem_shared>>) dst(%arg18 : memref<104x64xf32, #tpu.memory_space<vmem>>)
        tpu.yield
      }) : () -> ()
      %mul3A_341 = arith.constant 624 : i32
      %mul3A_342 = arith.muli %arg1, %mul3A_341 : i32
      %add3A_343 = arith.constant 312 : i32
      %add3A_344 = arith.addi %mul3A_342, %add3A_343 : i32
      "tpu.region"() ({
        %run_scoped3A = tpu.sem_alloc : memref<!tpu.dma_semaphore, #tpu.memory_space<semaphore_mem>>
        %dma_start3A_366 = arith.constant 0 : i32
        %dma_start3A_367 = tpu.memref_slice %arg9[%add3A_344, %dma_start3A_366] : memref<10000x64xf32, #tpu.memory_space<hbm>> -> memref<104x64xf32, #tpu.memory_space<hbm>>
        %dma_start3A_368 = arith.constant 0 : i32
        %dma_start3A_369 = tpu.memref_slice %arg9[%add3A_344, %dma_start3A_368] : memref<10000x64xf32, #tpu.memory_space<hbm>> -> memref<104x64xf32, #tpu.memory_space<hbm>>
        tpu.enqueue_dma source(%arg18 : memref<104x64xf32, #tpu.memory_space<vmem>>) target(%dma_start3A_369 : memref<104x64xf32, #tpu.memory_space<hbm>>) target_semaphore(%run_scoped3A : memref<!tpu.dma_semaphore, #tpu.memory_space<semaphore_mem>>)
        %dma_wait3A_370 = arith.constant 0 : i32
        %dma_wait3A_371 = tpu.memref_slice %arg9[%add3A_344, %dma_wait3A_370] : memref<10000x64xf32, #tpu.memory_space<hbm>> -> memref<104x64xf32, #tpu.memory_space<hbm>>
        %dma_wait3A_372 = arith.constant 0 : i32
        %dma_wait3A_373 = tpu.memref_slice %arg9[%add3A_344, %dma_wait3A_372] : memref<10000x64xf32, #tpu.memory_space<hbm>> -> memref<104x64xf32, #tpu.memory_space<hbm>>
        tpu.wait_dma2 semaphore(%run_scoped3A : memref<!tpu.dma_semaphore, #tpu.memory_space<semaphore_mem>>) src(%arg18 : memref<104x64xf32, #tpu.memory_space<vmem>>) dst(%dma_wait3A_373 : memref<104x64xf32, #tpu.memory_space<hbm>>)
        tpu.yield
      }) : () -> ()
      %mul3A_345 = arith.constant 624 : i32
      %mul3A_346 = arith.muli %arg1, %mul3A_345 : i32
      %add3A_347 = arith.constant 416 : i32
      %add3A_348 = arith.addi %mul3A_346, %add3A_347 : i32
      "tpu.region"() ({
        %run_scoped3A = tpu.sem_alloc : memref<!tpu.dma_semaphore, #tpu.memory_space<semaphore_mem>>
        %dma_start3A_366 = arith.constant 0 : i32
        %dma_start3A_367 = tpu.memref_slice %arg29[%add3A_348, %dma_start3A_366] : memref<10000x64xf32, #tpu.memory_space<vmem_shared>> -> memref<104x64xf32, #tpu.memory_space<vmem_shared>>
        %dma_start3A_368 = arith.constant 0 : i32
        %dma_start3A_369 = tpu.memref_slice %arg29[%add3A_348, %dma_start3A_368] : memref<10000x64xf32, #tpu.memory_space<vmem_shared>> -> memref<104x64xf32, #tpu.memory_space<vmem_shared>>
        tpu.enqueue_dma source(%dma_start3A_369 : memref<104x64xf32, #tpu.memory_space<vmem_shared>>) target(%arg18 : memref<104x64xf32, #tpu.memory_space<vmem>>) target_semaphore(%run_scoped3A : memref<!tpu.dma_semaphore, #tpu.memory_space<semaphore_mem>>)
        %dma_wait3A_370 = arith.constant 0 : i32
        %dma_wait3A_371 = tpu.memref_slice %arg29[%add3A_348, %dma_wait3A_370] : memref<10000x64xf32, #tpu.memory_space<vmem_shared>> -> memref<104x64xf32, #tpu.memory_space<vmem_shared>>
        %dma_wait3A_372 = arith.constant 0 : i32
        %dma_wait3A_373 = tpu.memref_slice %arg29[%add3A_348, %dma_wait3A_372] : memref<10000x64xf32, #tpu.memory_space<vmem_shared>> -> memref<104x64xf32, #tpu.memory_space<vmem_shared>>
        tpu.wait_dma2 semaphore(%run_scoped3A : memref<!tpu.dma_semaphore, #tpu.memory_space<semaphore_mem>>) src(%dma_wait3A_373 : memref<104x64xf32, #tpu.memory_space<vmem_shared>>) dst(%arg18 : memref<104x64xf32, #tpu.memory_space<vmem>>)
        tpu.yield
      }) : () -> ()
      %mul3A_349 = arith.constant 624 : i32
      %mul3A_350 = arith.muli %arg1, %mul3A_349 : i32
      %add3A_351 = arith.constant 416 : i32
      %add3A_352 = arith.addi %mul3A_350, %add3A_351 : i32
      "tpu.region"() ({
        %run_scoped3A = tpu.sem_alloc : memref<!tpu.dma_semaphore, #tpu.memory_space<semaphore_mem>>
        %dma_start3A_366 = arith.constant 0 : i32
        %dma_start3A_367 = tpu.memref_slice %arg9[%add3A_352, %dma_start3A_366] : memref<10000x64xf32, #tpu.memory_space<hbm>> -> memref<104x64xf32, #tpu.memory_space<hbm>>
        %dma_start3A_368 = arith.constant 0 : i32
        %dma_start3A_369 = tpu.memref_slice %arg9[%add3A_352, %dma_start3A_368] : memref<10000x64xf32, #tpu.memory_space<hbm>> -> memref<104x64xf32, #tpu.memory_space<hbm>>
        tpu.enqueue_dma source(%arg18 : memref<104x64xf32, #tpu.memory_space<vmem>>) target(%dma_start3A_369 : memref<104x64xf32, #tpu.memory_space<hbm>>) target_semaphore(%run_scoped3A : memref<!tpu.dma_semaphore, #tpu.memory_space<semaphore_mem>>)
        %dma_wait3A_370 = arith.constant 0 : i32
        %dma_wait3A_371 = tpu.memref_slice %arg9[%add3A_352, %dma_wait3A_370] : memref<10000x64xf32, #tpu.memory_space<hbm>> -> memref<104x64xf32, #tpu.memory_space<hbm>>
        %dma_wait3A_372 = arith.constant 0 : i32
        %dma_wait3A_373 = tpu.memref_slice %arg9[%add3A_352, %dma_wait3A_372] : memref<10000x64xf32, #tpu.memory_space<hbm>> -> memref<104x64xf32, #tpu.memory_space<hbm>>
        tpu.wait_dma2 semaphore(%run_scoped3A : memref<!tpu.dma_semaphore, #tpu.memory_space<semaphore_mem>>) src(%arg18 : memref<104x64xf32, #tpu.memory_space<vmem>>) dst(%dma_wait3A_373 : memref<104x64xf32, #tpu.memory_space<hbm>>)
        tpu.yield
      }) : () -> ()
      %mul3A_353 = arith.constant 624 : i32
      %mul3A_354 = arith.muli %arg1, %mul3A_353 : i32
      %add3A_355 = arith.constant 520 : i32
      %add3A_356 = arith.addi %mul3A_354, %add3A_355 : i32
      "tpu.region"() ({
        %run_scoped3A = tpu.sem_alloc : memref<!tpu.dma_semaphore, #tpu.memory_space<semaphore_mem>>
        %dma_start3A_366 = arith.constant 0 : i32
        %dma_start3A_367 = tpu.memref_slice %arg29[%add3A_356, %dma_start3A_366] : memref<10000x64xf32, #tpu.memory_space<vmem_shared>> -> memref<104x64xf32, #tpu.memory_space<vmem_shared>>
        %dma_start3A_368 = arith.constant 0 : i32
        %dma_start3A_369 = tpu.memref_slice %arg29[%add3A_356, %dma_start3A_368] : memref<10000x64xf32, #tpu.memory_space<vmem_shared>> -> memref<104x64xf32, #tpu.memory_space<vmem_shared>>
        tpu.enqueue_dma source(%dma_start3A_369 : memref<104x64xf32, #tpu.memory_space<vmem_shared>>) target(%arg18 : memref<104x64xf32, #tpu.memory_space<vmem>>) target_semaphore(%run_scoped3A : memref<!tpu.dma_semaphore, #tpu.memory_space<semaphore_mem>>)
        %dma_wait3A_370 = arith.constant 0 : i32
        %dma_wait3A_371 = tpu.memref_slice %arg29[%add3A_356, %dma_wait3A_370] : memref<10000x64xf32, #tpu.memory_space<vmem_shared>> -> memref<104x64xf32, #tpu.memory_space<vmem_shared>>
        %dma_wait3A_372 = arith.constant 0 : i32
        %dma_wait3A_373 = tpu.memref_slice %arg29[%add3A_356, %dma_wait3A_372] : memref<10000x64xf32, #tpu.memory_space<vmem_shared>> -> memref<104x64xf32, #tpu.memory_space<vmem_shared>>
        tpu.wait_dma2 semaphore(%run_scoped3A : memref<!tpu.dma_semaphore, #tpu.memory_space<semaphore_mem>>) src(%dma_wait3A_373 : memref<104x64xf32, #tpu.memory_space<vmem_shared>>) dst(%arg18 : memref<104x64xf32, #tpu.memory_space<vmem>>)
        tpu.yield
      }) : () -> ()
      %mul3A_357 = arith.constant 624 : i32
      %mul3A_358 = arith.muli %arg1, %mul3A_357 : i32
      %add3A_359 = arith.constant 520 : i32
      %add3A_360 = arith.addi %mul3A_358, %add3A_359 : i32
      "tpu.region"() ({
        %run_scoped3A = tpu.sem_alloc : memref<!tpu.dma_semaphore, #tpu.memory_space<semaphore_mem>>
        %dma_start3A_366 = arith.constant 0 : i32
        %dma_start3A_367 = tpu.memref_slice %arg9[%add3A_360, %dma_start3A_366] : memref<10000x64xf32, #tpu.memory_space<hbm>> -> memref<104x64xf32, #tpu.memory_space<hbm>>
        %dma_start3A_368 = arith.constant 0 : i32
        %dma_start3A_369 = tpu.memref_slice %arg9[%add3A_360, %dma_start3A_368] : memref<10000x64xf32, #tpu.memory_space<hbm>> -> memref<104x64xf32, #tpu.memory_space<hbm>>
        tpu.enqueue_dma source(%arg18 : memref<104x64xf32, #tpu.memory_space<vmem>>) target(%dma_start3A_369 : memref<104x64xf32, #tpu.memory_space<hbm>>) target_semaphore(%run_scoped3A : memref<!tpu.dma_semaphore, #tpu.memory_space<semaphore_mem>>)
        %dma_wait3A_370 = arith.constant 0 : i32
        %dma_wait3A_371 = tpu.memref_slice %arg9[%add3A_360, %dma_wait3A_370] : memref<10000x64xf32, #tpu.memory_space<hbm>> -> memref<104x64xf32, #tpu.memory_space<hbm>>
        %dma_wait3A_372 = arith.constant 0 : i32
        %dma_wait3A_373 = tpu.memref_slice %arg9[%add3A_360, %dma_wait3A_372] : memref<10000x64xf32, #tpu.memory_space<hbm>> -> memref<104x64xf32, #tpu.memory_space<hbm>>
        tpu.wait_dma2 semaphore(%run_scoped3A : memref<!tpu.dma_semaphore, #tpu.memory_space<semaphore_mem>>) src(%arg18 : memref<104x64xf32, #tpu.memory_space<vmem>>) dst(%dma_wait3A_373 : memref<104x64xf32, #tpu.memory_space<hbm>>)
        tpu.yield
      }) : () -> ()
      %eq3A_361 = arith.constant 0 : i32
      %eq3A_362 = arith.cmpi eq, %arg1, %eq3A_361 : i32
      %convert_element_type3A_363 = arith.extui %eq3A_362 : i1 to i32
      %cond3A_364 = arith.constant 0 : i32
      %cond3A_365 = arith.cmpi ne, %convert_element_type3A_363, %cond3A_364 : i32
      scf.if %cond3A_365 {
        "tpu.region"() ({
          %run_scoped3A = tpu.sem_alloc : memref<!tpu.dma_semaphore, #tpu.memory_space<semaphore_mem>>
          %dma_start3A_366 = arith.constant 0 : i32
          %dma_start3A_367 = arith.constant 0 : i32
          %dma_start3A_368 = tpu.memref_slice %arg18[%dma_start3A_366, %dma_start3A_367] : memref<104x64xf32, #tpu.memory_space<vmem>> -> memref<16x64xf32, #tpu.memory_space<vmem>>
          %dma_start3A_369 = arith.constant 9984 : i32
          %dma_start3A_370 = arith.constant 0 : i32
          %dma_start3A_371 = tpu.memref_slice %arg29[%dma_start3A_369, %dma_start3A_370] : memref<10000x64xf32, #tpu.memory_space<vmem_shared>> -> memref<16x64xf32, #tpu.memory_space<vmem_shared>>
          %dma_start3A_372 = arith.constant 0 : i32
          %dma_start3A_373 = arith.constant 0 : i32
          %dma_start3A_374 = tpu.memref_slice %arg18[%dma_start3A_372, %dma_start3A_373] : memref<104x64xf32, #tpu.memory_space<vmem>> -> memref<16x64xf32, #tpu.memory_space<vmem>>
          %dma_start3A_375 = arith.constant 9984 : i32
          %dma_start3A_376 = arith.constant 0 : i32
          %dma_start3A_377 = tpu.memref_slice %arg29[%dma_start3A_375, %dma_start3A_376] : memref<10000x64xf32, #tpu.memory_space<vmem_shared>> -> memref<16x64xf32, #tpu.memory_space<vmem_shared>>
          tpu.enqueue_dma source(%dma_start3A_377 : memref<16x64xf32, #tpu.memory_space<vmem_shared>>) target(%dma_start3A_374 : memref<16x64xf32, #tpu.memory_space<vmem>>) target_semaphore(%run_scoped3A : memref<!tpu.dma_semaphore, #tpu.memory_space<semaphore_mem>>)
          %dma_wait3A_378 = arith.constant 0 : i32
          %dma_wait3A_379 = arith.constant 0 : i32
          %dma_wait3A_380 = tpu.memref_slice %arg18[%dma_wait3A_378, %dma_wait3A_379] : memref<104x64xf32, #tpu.memory_space<vmem>> -> memref<16x64xf32, #tpu.memory_space<vmem>>
          %dma_wait3A_381 = arith.constant 9984 : i32
          %dma_wait3A_382 = arith.constant 0 : i32
          %dma_wait3A_383 = tpu.memref_slice %arg29[%dma_wait3A_381, %dma_wait3A_382] : memref<10000x64xf32, #tpu.memory_space<vmem_shared>> -> memref<16x64xf32, #tpu.memory_space<vmem_shared>>
          %dma_wait3A_384 = arith.constant 0 : i32
          %dma_wait3A_385 = arith.constant 0 : i32
          %dma_wait3A_386 = tpu.memref_slice %arg18[%dma_wait3A_384, %dma_wait3A_385] : memref<104x64xf32, #tpu.memory_space<vmem>> -> memref<16x64xf32, #tpu.memory_space<vmem>>
          %dma_wait3A_387 = arith.constant 9984 : i32
          %dma_wait3A_388 = arith.constant 0 : i32
          %dma_wait3A_389 = tpu.memref_slice %arg29[%dma_wait3A_387, %dma_wait3A_388] : memref<10000x64xf32, #tpu.memory_space<vmem_shared>> -> memref<16x64xf32, #tpu.memory_space<vmem_shared>>
          tpu.wait_dma2 semaphore(%run_scoped3A : memref<!tpu.dma_semaphore, #tpu.memory_space<semaphore_mem>>) src(%dma_wait3A_389 : memref<16x64xf32, #tpu.memory_space<vmem_shared>>) dst(%dma_wait3A_386 : memref<16x64xf32, #tpu.memory_space<vmem>>)
          tpu.yield
        }) : () -> ()
        "tpu.region"() ({
          %run_scoped3A = tpu.sem_alloc : memref<!tpu.dma_semaphore, #tpu.memory_space<semaphore_mem>>
          %dma_start3A_366 = arith.constant 0 : i32
          %dma_start3A_367 = arith.constant 0 : i32
          %dma_start3A_368 = tpu.memref_slice %arg18[%dma_start3A_366, %dma_start3A_367] : memref<104x64xf32, #tpu.memory_space<vmem>> -> memref<16x64xf32, #tpu.memory_space<vmem>>
          %dma_start3A_369 = arith.constant 9984 : i32
          %dma_start3A_370 = arith.constant 0 : i32
          %dma_start3A_371 = tpu.memref_slice %arg9[%dma_start3A_369, %dma_start3A_370] : memref<10000x64xf32, #tpu.memory_space<hbm>> -> memref<16x64xf32, #tpu.memory_space<hbm>>
          %dma_start3A_372 = arith.constant 9984 : i32
          %dma_start3A_373 = arith.constant 0 : i32
          %dma_start3A_374 = tpu.memref_slice %arg9[%dma_start3A_372, %dma_start3A_373] : memref<10000x64xf32, #tpu.memory_space<hbm>> -> memref<16x64xf32, #tpu.memory_space<hbm>>
          %dma_start3A_375 = arith.constant 0 : i32
          %dma_start3A_376 = arith.constant 0 : i32
          %dma_start3A_377 = tpu.memref_slice %arg18[%dma_start3A_375, %dma_start3A_376] : memref<104x64xf32, #tpu.memory_space<vmem>> -> memref<16x64xf32, #tpu.memory_space<vmem>>
          tpu.enqueue_dma source(%dma_start3A_377 : memref<16x64xf32, #tpu.memory_space<vmem>>) target(%dma_start3A_374 : memref<16x64xf32, #tpu.memory_space<hbm>>) target_semaphore(%run_scoped3A : memref<!tpu.dma_semaphore, #tpu.memory_space<semaphore_mem>>)
          %dma_wait3A_378 = arith.constant 0 : i32
          %dma_wait3A_379 = arith.constant 0 : i32
          %dma_wait3A_380 = tpu.memref_slice %arg18[%dma_wait3A_378, %dma_wait3A_379] : memref<104x64xf32, #tpu.memory_space<vmem>> -> memref<16x64xf32, #tpu.memory_space<vmem>>
          %dma_wait3A_381 = arith.constant 9984 : i32
          %dma_wait3A_382 = arith.constant 0 : i32
          %dma_wait3A_383 = tpu.memref_slice %arg9[%dma_wait3A_381, %dma_wait3A_382] : memref<10000x64xf32, #tpu.memory_space<hbm>> -> memref<16x64xf32, #tpu.memory_space<hbm>>
          %dma_wait3A_384 = arith.constant 9984 : i32
          %dma_wait3A_385 = arith.constant 0 : i32
          %dma_wait3A_386 = tpu.memref_slice %arg9[%dma_wait3A_384, %dma_wait3A_385] : memref<10000x64xf32, #tpu.memory_space<hbm>> -> memref<16x64xf32, #tpu.memory_space<hbm>>
          %dma_wait3A_387 = arith.constant 0 : i32
          %dma_wait3A_388 = arith.constant 0 : i32
          %dma_wait3A_389 = tpu.memref_slice %arg18[%dma_wait3A_387, %dma_wait3A_388] : memref<104x64xf32, #tpu.memory_space<vmem>> -> memref<16x64xf32, #tpu.memory_space<vmem>>
          tpu.wait_dma2 semaphore(%run_scoped3A : memref<!tpu.dma_semaphore, #tpu.memory_space<semaphore_mem>>) src(%dma_wait3A_389 : memref<16x64xf32, #tpu.memory_space<vmem>>) dst(%dma_wait3A_386 : memref<16x64xf32, #tpu.memory_space<hbm>>)
          tpu.yield
        }) : () -> ()
      } else {
      }
    } else {
    }
    %eq3A_308 = arith.constant 1 : i32
    %eq3A_309 = arith.cmpi eq, %arg0, %eq3A_308 : i32
    %convert_element_type3A_310 = arith.extui %eq3A_309 : i1 to i32
    %cond3A_311 = arith.constant 0 : i32
    %cond3A_312 = arith.cmpi ne, %convert_element_type3A_310, %cond3A_311 : i32
    scf.if %cond3A_312 {
      %mul3A_313 = arith.constant 624 : i32
      %mul3A_314 = arith.muli %arg1, %mul3A_313 : i32
      %add3A_315 = arith.constant 0 : i32
      %add3A_316 = arith.addi %mul3A_314, %add3A_315 : i32
      "tpu.region"() ({
        %run_scoped3A = tpu.sem_alloc : memref<!tpu.dma_semaphore, #tpu.memory_space<semaphore_mem>>
        %dma_start3A_366 = arith.constant 0 : i32
        %dma_start3A_367 = tpu.memref_slice %arg29[%add3A_316, %dma_start3A_366] : memref<10000x64xf32, #tpu.memory_space<vmem_shared>> -> memref<104x64xf32, #tpu.memory_space<vmem_shared>>
        %dma_start3A_368 = arith.constant 0 : i32
        %dma_start3A_369 = tpu.memref_slice %arg29[%add3A_316, %dma_start3A_368] : memref<10000x64xf32, #tpu.memory_space<vmem_shared>> -> memref<104x64xf32, #tpu.memory_space<vmem_shared>>
        tpu.enqueue_dma source(%dma_start3A_369 : memref<104x64xf32, #tpu.memory_space<vmem_shared>>) target(%arg18 : memref<104x64xf32, #tpu.memory_space<vmem>>) target_semaphore(%run_scoped3A : memref<!tpu.dma_semaphore, #tpu.memory_space<semaphore_mem>>)
        %dma_wait3A_370 = arith.constant 0 : i32
        %dma_wait3A_371 = tpu.memref_slice %arg29[%add3A_316, %dma_wait3A_370] : memref<10000x64xf32, #tpu.memory_space<vmem_shared>> -> memref<104x64xf32, #tpu.memory_space<vmem_shared>>
        %dma_wait3A_372 = arith.constant 0 : i32
        %dma_wait3A_373 = tpu.memref_slice %arg29[%add3A_316, %dma_wait3A_372] : memref<10000x64xf32, #tpu.memory_space<vmem_shared>> -> memref<104x64xf32, #tpu.memory_space<vmem_shared>>
        tpu.wait_dma2 semaphore(%run_scoped3A : memref<!tpu.dma_semaphore, #tpu.memory_space<semaphore_mem>>) src(%dma_wait3A_373 : memref<104x64xf32, #tpu.memory_space<vmem_shared>>) dst(%arg18 : memref<104x64xf32, #tpu.memory_space<vmem>>)
        tpu.yield
      }) : () -> ()
      %mul3A_317 = arith.constant 624 : i32
      %mul3A_318 = arith.muli %arg1, %mul3A_317 : i32
      %add3A_319 = arith.constant 0 : i32
      %add3A_320 = arith.addi %mul3A_318, %add3A_319 : i32
      "tpu.region"() ({
        %run_scoped3A = tpu.sem_alloc : memref<!tpu.dma_semaphore, #tpu.memory_space<semaphore_mem>>
        %dma_start3A_366 = arith.constant 0 : i32
        %dma_start3A_367 = tpu.memref_slice %arg10[%add3A_320, %dma_start3A_366] : memref<10000x64xf32, #tpu.memory_space<hbm>> -> memref<104x64xf32, #tpu.memory_space<hbm>>
        %dma_start3A_368 = arith.constant 0 : i32
        %dma_start3A_369 = tpu.memref_slice %arg10[%add3A_320, %dma_start3A_368] : memref<10000x64xf32, #tpu.memory_space<hbm>> -> memref<104x64xf32, #tpu.memory_space<hbm>>
        tpu.enqueue_dma source(%arg18 : memref<104x64xf32, #tpu.memory_space<vmem>>) target(%dma_start3A_369 : memref<104x64xf32, #tpu.memory_space<hbm>>) target_semaphore(%run_scoped3A : memref<!tpu.dma_semaphore, #tpu.memory_space<semaphore_mem>>)
        %dma_wait3A_370 = arith.constant 0 : i32
        %dma_wait3A_371 = tpu.memref_slice %arg10[%add3A_320, %dma_wait3A_370] : memref<10000x64xf32, #tpu.memory_space<hbm>> -> memref<104x64xf32, #tpu.memory_space<hbm>>
        %dma_wait3A_372 = arith.constant 0 : i32
        %dma_wait3A_373 = tpu.memref_slice %arg10[%add3A_320, %dma_wait3A_372] : memref<10000x64xf32, #tpu.memory_space<hbm>> -> memref<104x64xf32, #tpu.memory_space<hbm>>
        tpu.wait_dma2 semaphore(%run_scoped3A : memref<!tpu.dma_semaphore, #tpu.memory_space<semaphore_mem>>) src(%arg18 : memref<104x64xf32, #tpu.memory_space<vmem>>) dst(%dma_wait3A_373 : memref<104x64xf32, #tpu.memory_space<hbm>>)
        tpu.yield
      }) : () -> ()
      %mul3A_321 = arith.constant 624 : i32
      %mul3A_322 = arith.muli %arg1, %mul3A_321 : i32
      %add3A_323 = arith.constant 104 : i32
      %add3A_324 = arith.addi %mul3A_322, %add3A_323 : i32
      "tpu.region"() ({
        %run_scoped3A = tpu.sem_alloc : memref<!tpu.dma_semaphore, #tpu.memory_space<semaphore_mem>>
        %dma_start3A_366 = arith.constant 0 : i32
        %dma_start3A_367 = tpu.memref_slice %arg29[%add3A_324, %dma_start3A_366] : memref<10000x64xf32, #tpu.memory_space<vmem_shared>> -> memref<104x64xf32, #tpu.memory_space<vmem_shared>>
        %dma_start3A_368 = arith.constant 0 : i32
        %dma_start3A_369 = tpu.memref_slice %arg29[%add3A_324, %dma_start3A_368] : memref<10000x64xf32, #tpu.memory_space<vmem_shared>> -> memref<104x64xf32, #tpu.memory_space<vmem_shared>>
        tpu.enqueue_dma source(%dma_start3A_369 : memref<104x64xf32, #tpu.memory_space<vmem_shared>>) target(%arg18 : memref<104x64xf32, #tpu.memory_space<vmem>>) target_semaphore(%run_scoped3A : memref<!tpu.dma_semaphore, #tpu.memory_space<semaphore_mem>>)
        %dma_wait3A_370 = arith.constant 0 : i32
        %dma_wait3A_371 = tpu.memref_slice %arg29[%add3A_324, %dma_wait3A_370] : memref<10000x64xf32, #tpu.memory_space<vmem_shared>> -> memref<104x64xf32, #tpu.memory_space<vmem_shared>>
        %dma_wait3A_372 = arith.constant 0 : i32
        %dma_wait3A_373 = tpu.memref_slice %arg29[%add3A_324, %dma_wait3A_372] : memref<10000x64xf32, #tpu.memory_space<vmem_shared>> -> memref<104x64xf32, #tpu.memory_space<vmem_shared>>
        tpu.wait_dma2 semaphore(%run_scoped3A : memref<!tpu.dma_semaphore, #tpu.memory_space<semaphore_mem>>) src(%dma_wait3A_373 : memref<104x64xf32, #tpu.memory_space<vmem_shared>>) dst(%arg18 : memref<104x64xf32, #tpu.memory_space<vmem>>)
        tpu.yield
      }) : () -> ()
      %mul3A_325 = arith.constant 624 : i32
      %mul3A_326 = arith.muli %arg1, %mul3A_325 : i32
      %add3A_327 = arith.constant 104 : i32
      %add3A_328 = arith.addi %mul3A_326, %add3A_327 : i32
      "tpu.region"() ({
        %run_scoped3A = tpu.sem_alloc : memref<!tpu.dma_semaphore, #tpu.memory_space<semaphore_mem>>
        %dma_start3A_366 = arith.constant 0 : i32
        %dma_start3A_367 = tpu.memref_slice %arg10[%add3A_328, %dma_start3A_366] : memref<10000x64xf32, #tpu.memory_space<hbm>> -> memref<104x64xf32, #tpu.memory_space<hbm>>
        %dma_start3A_368 = arith.constant 0 : i32
        %dma_start3A_369 = tpu.memref_slice %arg10[%add3A_328, %dma_start3A_368] : memref<10000x64xf32, #tpu.memory_space<hbm>> -> memref<104x64xf32, #tpu.memory_space<hbm>>
        tpu.enqueue_dma source(%arg18 : memref<104x64xf32, #tpu.memory_space<vmem>>) target(%dma_start3A_369 : memref<104x64xf32, #tpu.memory_space<hbm>>) target_semaphore(%run_scoped3A : memref<!tpu.dma_semaphore, #tpu.memory_space<semaphore_mem>>)
        %dma_wait3A_370 = arith.constant 0 : i32
        %dma_wait3A_371 = tpu.memref_slice %arg10[%add3A_328, %dma_wait3A_370] : memref<10000x64xf32, #tpu.memory_space<hbm>> -> memref<104x64xf32, #tpu.memory_space<hbm>>
        %dma_wait3A_372 = arith.constant 0 : i32
        %dma_wait3A_373 = tpu.memref_slice %arg10[%add3A_328, %dma_wait3A_372] : memref<10000x64xf32, #tpu.memory_space<hbm>> -> memref<104x64xf32, #tpu.memory_space<hbm>>
        tpu.wait_dma2 semaphore(%run_scoped3A : memref<!tpu.dma_semaphore, #tpu.memory_space<semaphore_mem>>) src(%arg18 : memref<104x64xf32, #tpu.memory_space<vmem>>) dst(%dma_wait3A_373 : memref<104x64xf32, #tpu.memory_space<hbm>>)
        tpu.yield
      }) : () -> ()
      %mul3A_329 = arith.constant 624 : i32
      %mul3A_330 = arith.muli %arg1, %mul3A_329 : i32
      %add3A_331 = arith.constant 208 : i32
      %add3A_332 = arith.addi %mul3A_330, %add3A_331 : i32
      "tpu.region"() ({
        %run_scoped3A = tpu.sem_alloc : memref<!tpu.dma_semaphore, #tpu.memory_space<semaphore_mem>>
        %dma_start3A_366 = arith.constant 0 : i32
        %dma_start3A_367 = tpu.memref_slice %arg29[%add3A_332, %dma_start3A_366] : memref<10000x64xf32, #tpu.memory_space<vmem_shared>> -> memref<104x64xf32, #tpu.memory_space<vmem_shared>>
        %dma_start3A_368 = arith.constant 0 : i32
        %dma_start3A_369 = tpu.memref_slice %arg29[%add3A_332, %dma_start3A_368] : memref<10000x64xf32, #tpu.memory_space<vmem_shared>> -> memref<104x64xf32, #tpu.memory_space<vmem_shared>>
        tpu.enqueue_dma source(%dma_start3A_369 : memref<104x64xf32, #tpu.memory_space<vmem_shared>>) target(%arg18 : memref<104x64xf32, #tpu.memory_space<vmem>>) target_semaphore(%run_scoped3A : memref<!tpu.dma_semaphore, #tpu.memory_space<semaphore_mem>>)
        %dma_wait3A_370 = arith.constant 0 : i32
        %dma_wait3A_371 = tpu.memref_slice %arg29[%add3A_332, %dma_wait3A_370] : memref<10000x64xf32, #tpu.memory_space<vmem_shared>> -> memref<104x64xf32, #tpu.memory_space<vmem_shared>>
        %dma_wait3A_372 = arith.constant 0 : i32
        %dma_wait3A_373 = tpu.memref_slice %arg29[%add3A_332, %dma_wait3A_372] : memref<10000x64xf32, #tpu.memory_space<vmem_shared>> -> memref<104x64xf32, #tpu.memory_space<vmem_shared>>
        tpu.wait_dma2 semaphore(%run_scoped3A : memref<!tpu.dma_semaphore, #tpu.memory_space<semaphore_mem>>) src(%dma_wait3A_373 : memref<104x64xf32, #tpu.memory_space<vmem_shared>>) dst(%arg18 : memref<104x64xf32, #tpu.memory_space<vmem>>)
        tpu.yield
      }) : () -> ()
      %mul3A_333 = arith.constant 624 : i32
      %mul3A_334 = arith.muli %arg1, %mul3A_333 : i32
      %add3A_335 = arith.constant 208 : i32
      %add3A_336 = arith.addi %mul3A_334, %add3A_335 : i32
      "tpu.region"() ({
        %run_scoped3A = tpu.sem_alloc : memref<!tpu.dma_semaphore, #tpu.memory_space<semaphore_mem>>
        %dma_start3A_366 = arith.constant 0 : i32
        %dma_start3A_367 = tpu.memref_slice %arg10[%add3A_336, %dma_start3A_366] : memref<10000x64xf32, #tpu.memory_space<hbm>> -> memref<104x64xf32, #tpu.memory_space<hbm>>
        %dma_start3A_368 = arith.constant 0 : i32
        %dma_start3A_369 = tpu.memref_slice %arg10[%add3A_336, %dma_start3A_368] : memref<10000x64xf32, #tpu.memory_space<hbm>> -> memref<104x64xf32, #tpu.memory_space<hbm>>
        tpu.enqueue_dma source(%arg18 : memref<104x64xf32, #tpu.memory_space<vmem>>) target(%dma_start3A_369 : memref<104x64xf32, #tpu.memory_space<hbm>>) target_semaphore(%run_scoped3A : memref<!tpu.dma_semaphore, #tpu.memory_space<semaphore_mem>>)
        %dma_wait3A_370 = arith.constant 0 : i32
        %dma_wait3A_371 = tpu.memref_slice %arg10[%add3A_336, %dma_wait3A_370] : memref<10000x64xf32, #tpu.memory_space<hbm>> -> memref<104x64xf32, #tpu.memory_space<hbm>>
        %dma_wait3A_372 = arith.constant 0 : i32
        %dma_wait3A_373 = tpu.memref_slice %arg10[%add3A_336, %dma_wait3A_372] : memref<10000x64xf32, #tpu.memory_space<hbm>> -> memref<104x64xf32, #tpu.memory_space<hbm>>
        tpu.wait_dma2 semaphore(%run_scoped3A : memref<!tpu.dma_semaphore, #tpu.memory_space<semaphore_mem>>) src(%arg18 : memref<104x64xf32, #tpu.memory_space<vmem>>) dst(%dma_wait3A_373 : memref<104x64xf32, #tpu.memory_space<hbm>>)
        tpu.yield
      }) : () -> ()
      %mul3A_337 = arith.constant 624 : i32
      %mul3A_338 = arith.muli %arg1, %mul3A_337 : i32
      %add3A_339 = arith.constant 312 : i32
      %add3A_340 = arith.addi %mul3A_338, %add3A_339 : i32
      "tpu.region"() ({
        %run_scoped3A = tpu.sem_alloc : memref<!tpu.dma_semaphore, #tpu.memory_space<semaphore_mem>>
        %dma_start3A_366 = arith.constant 0 : i32
        %dma_start3A_367 = tpu.memref_slice %arg29[%add3A_340, %dma_start3A_366] : memref<10000x64xf32, #tpu.memory_space<vmem_shared>> -> memref<104x64xf32, #tpu.memory_space<vmem_shared>>
        %dma_start3A_368 = arith.constant 0 : i32
        %dma_start3A_369 = tpu.memref_slice %arg29[%add3A_340, %dma_start3A_368] : memref<10000x64xf32, #tpu.memory_space<vmem_shared>> -> memref<104x64xf32, #tpu.memory_space<vmem_shared>>
        tpu.enqueue_dma source(%dma_start3A_369 : memref<104x64xf32, #tpu.memory_space<vmem_shared>>) target(%arg18 : memref<104x64xf32, #tpu.memory_space<vmem>>) target_semaphore(%run_scoped3A : memref<!tpu.dma_semaphore, #tpu.memory_space<semaphore_mem>>)
        %dma_wait3A_370 = arith.constant 0 : i32
        %dma_wait3A_371 = tpu.memref_slice %arg29[%add3A_340, %dma_wait3A_370] : memref<10000x64xf32, #tpu.memory_space<vmem_shared>> -> memref<104x64xf32, #tpu.memory_space<vmem_shared>>
        %dma_wait3A_372 = arith.constant 0 : i32
        %dma_wait3A_373 = tpu.memref_slice %arg29[%add3A_340, %dma_wait3A_372] : memref<10000x64xf32, #tpu.memory_space<vmem_shared>> -> memref<104x64xf32, #tpu.memory_space<vmem_shared>>
        tpu.wait_dma2 semaphore(%run_scoped3A : memref<!tpu.dma_semaphore, #tpu.memory_space<semaphore_mem>>) src(%dma_wait3A_373 : memref<104x64xf32, #tpu.memory_space<vmem_shared>>) dst(%arg18 : memref<104x64xf32, #tpu.memory_space<vmem>>)
        tpu.yield
      }) : () -> ()
      %mul3A_341 = arith.constant 624 : i32
      %mul3A_342 = arith.muli %arg1, %mul3A_341 : i32
      %add3A_343 = arith.constant 312 : i32
      %add3A_344 = arith.addi %mul3A_342, %add3A_343 : i32
      "tpu.region"() ({
        %run_scoped3A = tpu.sem_alloc : memref<!tpu.dma_semaphore, #tpu.memory_space<semaphore_mem>>
        %dma_start3A_366 = arith.constant 0 : i32
        %dma_start3A_367 = tpu.memref_slice %arg10[%add3A_344, %dma_start3A_366] : memref<10000x64xf32, #tpu.memory_space<hbm>> -> memref<104x64xf32, #tpu.memory_space<hbm>>
        %dma_start3A_368 = arith.constant 0 : i32
        %dma_start3A_369 = tpu.memref_slice %arg10[%add3A_344, %dma_start3A_368] : memref<10000x64xf32, #tpu.memory_space<hbm>> -> memref<104x64xf32, #tpu.memory_space<hbm>>
        tpu.enqueue_dma source(%arg18 : memref<104x64xf32, #tpu.memory_space<vmem>>) target(%dma_start3A_369 : memref<104x64xf32, #tpu.memory_space<hbm>>) target_semaphore(%run_scoped3A : memref<!tpu.dma_semaphore, #tpu.memory_space<semaphore_mem>>)
        %dma_wait3A_370 = arith.constant 0 : i32
        %dma_wait3A_371 = tpu.memref_slice %arg10[%add3A_344, %dma_wait3A_370] : memref<10000x64xf32, #tpu.memory_space<hbm>> -> memref<104x64xf32, #tpu.memory_space<hbm>>
        %dma_wait3A_372 = arith.constant 0 : i32
        %dma_wait3A_373 = tpu.memref_slice %arg10[%add3A_344, %dma_wait3A_372] : memref<10000x64xf32, #tpu.memory_space<hbm>> -> memref<104x64xf32, #tpu.memory_space<hbm>>
        tpu.wait_dma2 semaphore(%run_scoped3A : memref<!tpu.dma_semaphore, #tpu.memory_space<semaphore_mem>>) src(%arg18 : memref<104x64xf32, #tpu.memory_space<vmem>>) dst(%dma_wait3A_373 : memref<104x64xf32, #tpu.memory_space<hbm>>)
        tpu.yield
      }) : () -> ()
      %mul3A_345 = arith.constant 624 : i32
      %mul3A_346 = arith.muli %arg1, %mul3A_345 : i32
      %add3A_347 = arith.constant 416 : i32
      %add3A_348 = arith.addi %mul3A_346, %add3A_347 : i32
      "tpu.region"() ({
        %run_scoped3A = tpu.sem_alloc : memref<!tpu.dma_semaphore, #tpu.memory_space<semaphore_mem>>
        %dma_start3A_366 = arith.constant 0 : i32
        %dma_start3A_367 = tpu.memref_slice %arg29[%add3A_348, %dma_start3A_366] : memref<10000x64xf32, #tpu.memory_space<vmem_shared>> -> memref<104x64xf32, #tpu.memory_space<vmem_shared>>
        %dma_start3A_368 = arith.constant 0 : i32
        %dma_start3A_369 = tpu.memref_slice %arg29[%add3A_348, %dma_start3A_368] : memref<10000x64xf32, #tpu.memory_space<vmem_shared>> -> memref<104x64xf32, #tpu.memory_space<vmem_shared>>
        tpu.enqueue_dma source(%dma_start3A_369 : memref<104x64xf32, #tpu.memory_space<vmem_shared>>) target(%arg18 : memref<104x64xf32, #tpu.memory_space<vmem>>) target_semaphore(%run_scoped3A : memref<!tpu.dma_semaphore, #tpu.memory_space<semaphore_mem>>)
        %dma_wait3A_370 = arith.constant 0 : i32
        %dma_wait3A_371 = tpu.memref_slice %arg29[%add3A_348, %dma_wait3A_370] : memref<10000x64xf32, #tpu.memory_space<vmem_shared>> -> memref<104x64xf32, #tpu.memory_space<vmem_shared>>
        %dma_wait3A_372 = arith.constant 0 : i32
        %dma_wait3A_373 = tpu.memref_slice %arg29[%add3A_348, %dma_wait3A_372] : memref<10000x64xf32, #tpu.memory_space<vmem_shared>> -> memref<104x64xf32, #tpu.memory_space<vmem_shared>>
        tpu.wait_dma2 semaphore(%run_scoped3A : memref<!tpu.dma_semaphore, #tpu.memory_space<semaphore_mem>>) src(%dma_wait3A_373 : memref<104x64xf32, #tpu.memory_space<vmem_shared>>) dst(%arg18 : memref<104x64xf32, #tpu.memory_space<vmem>>)
        tpu.yield
      }) : () -> ()
      %mul3A_349 = arith.constant 624 : i32
      %mul3A_350 = arith.muli %arg1, %mul3A_349 : i32
      %add3A_351 = arith.constant 416 : i32
      %add3A_352 = arith.addi %mul3A_350, %add3A_351 : i32
      "tpu.region"() ({
        %run_scoped3A = tpu.sem_alloc : memref<!tpu.dma_semaphore, #tpu.memory_space<semaphore_mem>>
        %dma_start3A_366 = arith.constant 0 : i32
        %dma_start3A_367 = tpu.memref_slice %arg10[%add3A_352, %dma_start3A_366] : memref<10000x64xf32, #tpu.memory_space<hbm>> -> memref<104x64xf32, #tpu.memory_space<hbm>>
        %dma_start3A_368 = arith.constant 0 : i32
        %dma_start3A_369 = tpu.memref_slice %arg10[%add3A_352, %dma_start3A_368] : memref<10000x64xf32, #tpu.memory_space<hbm>> -> memref<104x64xf32, #tpu.memory_space<hbm>>
        tpu.enqueue_dma source(%arg18 : memref<104x64xf32, #tpu.memory_space<vmem>>) target(%dma_start3A_369 : memref<104x64xf32, #tpu.memory_space<hbm>>) target_semaphore(%run_scoped3A : memref<!tpu.dma_semaphore, #tpu.memory_space<semaphore_mem>>)
        %dma_wait3A_370 = arith.constant 0 : i32
        %dma_wait3A_371 = tpu.memref_slice %arg10[%add3A_352, %dma_wait3A_370] : memref<10000x64xf32, #tpu.memory_space<hbm>> -> memref<104x64xf32, #tpu.memory_space<hbm>>
        %dma_wait3A_372 = arith.constant 0 : i32
        %dma_wait3A_373 = tpu.memref_slice %arg10[%add3A_352, %dma_wait3A_372] : memref<10000x64xf32, #tpu.memory_space<hbm>> -> memref<104x64xf32, #tpu.memory_space<hbm>>
        tpu.wait_dma2 semaphore(%run_scoped3A : memref<!tpu.dma_semaphore, #tpu.memory_space<semaphore_mem>>) src(%arg18 : memref<104x64xf32, #tpu.memory_space<vmem>>) dst(%dma_wait3A_373 : memref<104x64xf32, #tpu.memory_space<hbm>>)
        tpu.yield
      }) : () -> ()
      %mul3A_353 = arith.constant 624 : i32
      %mul3A_354 = arith.muli %arg1, %mul3A_353 : i32
      %add3A_355 = arith.constant 520 : i32
      %add3A_356 = arith.addi %mul3A_354, %add3A_355 : i32
      "tpu.region"() ({
        %run_scoped3A = tpu.sem_alloc : memref<!tpu.dma_semaphore, #tpu.memory_space<semaphore_mem>>
        %dma_start3A_366 = arith.constant 0 : i32
        %dma_start3A_367 = tpu.memref_slice %arg29[%add3A_356, %dma_start3A_366] : memref<10000x64xf32, #tpu.memory_space<vmem_shared>> -> memref<104x64xf32, #tpu.memory_space<vmem_shared>>
        %dma_start3A_368 = arith.constant 0 : i32
        %dma_start3A_369 = tpu.memref_slice %arg29[%add3A_356, %dma_start3A_368] : memref<10000x64xf32, #tpu.memory_space<vmem_shared>> -> memref<104x64xf32, #tpu.memory_space<vmem_shared>>
        tpu.enqueue_dma source(%dma_start3A_369 : memref<104x64xf32, #tpu.memory_space<vmem_shared>>) target(%arg18 : memref<104x64xf32, #tpu.memory_space<vmem>>) target_semaphore(%run_scoped3A : memref<!tpu.dma_semaphore, #tpu.memory_space<semaphore_mem>>)
        %dma_wait3A_370 = arith.constant 0 : i32
        %dma_wait3A_371 = tpu.memref_slice %arg29[%add3A_356, %dma_wait3A_370] : memref<10000x64xf32, #tpu.memory_space<vmem_shared>> -> memref<104x64xf32, #tpu.memory_space<vmem_shared>>
        %dma_wait3A_372 = arith.constant 0 : i32
        %dma_wait3A_373 = tpu.memref_slice %arg29[%add3A_356, %dma_wait3A_372] : memref<10000x64xf32, #tpu.memory_space<vmem_shared>> -> memref<104x64xf32, #tpu.memory_space<vmem_shared>>
        tpu.wait_dma2 semaphore(%run_scoped3A : memref<!tpu.dma_semaphore, #tpu.memory_space<semaphore_mem>>) src(%dma_wait3A_373 : memref<104x64xf32, #tpu.memory_space<vmem_shared>>) dst(%arg18 : memref<104x64xf32, #tpu.memory_space<vmem>>)
        tpu.yield
      }) : () -> ()
      %mul3A_357 = arith.constant 624 : i32
      %mul3A_358 = arith.muli %arg1, %mul3A_357 : i32
      %add3A_359 = arith.constant 520 : i32
      %add3A_360 = arith.addi %mul3A_358, %add3A_359 : i32
      "tpu.region"() ({
        %run_scoped3A = tpu.sem_alloc : memref<!tpu.dma_semaphore, #tpu.memory_space<semaphore_mem>>
        %dma_start3A_366 = arith.constant 0 : i32
        %dma_start3A_367 = tpu.memref_slice %arg10[%add3A_360, %dma_start3A_366] : memref<10000x64xf32, #tpu.memory_space<hbm>> -> memref<104x64xf32, #tpu.memory_space<hbm>>
        %dma_start3A_368 = arith.constant 0 : i32
        %dma_start3A_369 = tpu.memref_slice %arg10[%add3A_360, %dma_start3A_368] : memref<10000x64xf32, #tpu.memory_space<hbm>> -> memref<104x64xf32, #tpu.memory_space<hbm>>
        tpu.enqueue_dma source(%arg18 : memref<104x64xf32, #tpu.memory_space<vmem>>) target(%dma_start3A_369 : memref<104x64xf32, #tpu.memory_space<hbm>>) target_semaphore(%run_scoped3A : memref<!tpu.dma_semaphore, #tpu.memory_space<semaphore_mem>>)
        %dma_wait3A_370 = arith.constant 0 : i32
        %dma_wait3A_371 = tpu.memref_slice %arg10[%add3A_360, %dma_wait3A_370] : memref<10000x64xf32, #tpu.memory_space<hbm>> -> memref<104x64xf32, #tpu.memory_space<hbm>>
        %dma_wait3A_372 = arith.constant 0 : i32
        %dma_wait3A_373 = tpu.memref_slice %arg10[%add3A_360, %dma_wait3A_372] : memref<10000x64xf32, #tpu.memory_space<hbm>> -> memref<104x64xf32, #tpu.memory_space<hbm>>
        tpu.wait_dma2 semaphore(%run_scoped3A : memref<!tpu.dma_semaphore, #tpu.memory_space<semaphore_mem>>) src(%arg18 : memref<104x64xf32, #tpu.memory_space<vmem>>) dst(%dma_wait3A_373 : memref<104x64xf32, #tpu.memory_space<hbm>>)
        tpu.yield
      }) : () -> ()
      %eq3A_361 = arith.constant 0 : i32
      %eq3A_362 = arith.cmpi eq, %arg1, %eq3A_361 : i32
      %convert_element_type3A_363 = arith.extui %eq3A_362 : i1 to i32
      %cond3A_364 = arith.constant 0 : i32
      %cond3A_365 = arith.cmpi ne, %convert_element_type3A_363, %cond3A_364 : i32
      scf.if %cond3A_365 {
        "tpu.region"() ({
          %run_scoped3A = tpu.sem_alloc : memref<!tpu.dma_semaphore, #tpu.memory_space<semaphore_mem>>
          %dma_start3A_366 = arith.constant 0 : i32
          %dma_start3A_367 = arith.constant 0 : i32
          %dma_start3A_368 = tpu.memref_slice %arg18[%dma_start3A_366, %dma_start3A_367] : memref<104x64xf32, #tpu.memory_space<vmem>> -> memref<16x64xf32, #tpu.memory_space<vmem>>
          %dma_start3A_369 = arith.constant 9984 : i32
          %dma_start3A_370 = arith.constant 0 : i32
          %dma_start3A_371 = tpu.memref_slice %arg29[%dma_start3A_369, %dma_start3A_370] : memref<10000x64xf32, #tpu.memory_space<vmem_shared>> -> memref<16x64xf32, #tpu.memory_space<vmem_shared>>
          %dma_start3A_372 = arith.constant 0 : i32
          %dma_start3A_373 = arith.constant 0 : i32
          %dma_start3A_374 = tpu.memref_slice %arg18[%dma_start3A_372, %dma_start3A_373] : memref<104x64xf32, #tpu.memory_space<vmem>> -> memref<16x64xf32, #tpu.memory_space<vmem>>
          %dma_start3A_375 = arith.constant 9984 : i32
          %dma_start3A_376 = arith.constant 0 : i32
          %dma_start3A_377 = tpu.memref_slice %arg29[%dma_start3A_375, %dma_start3A_376] : memref<10000x64xf32, #tpu.memory_space<vmem_shared>> -> memref<16x64xf32, #tpu.memory_space<vmem_shared>>
          tpu.enqueue_dma source(%dma_start3A_377 : memref<16x64xf32, #tpu.memory_space<vmem_shared>>) target(%dma_start3A_374 : memref<16x64xf32, #tpu.memory_space<vmem>>) target_semaphore(%run_scoped3A : memref<!tpu.dma_semaphore, #tpu.memory_space<semaphore_mem>>)
          %dma_wait3A_378 = arith.constant 0 : i32
          %dma_wait3A_379 = arith.constant 0 : i32
          %dma_wait3A_380 = tpu.memref_slice %arg18[%dma_wait3A_378, %dma_wait3A_379] : memref<104x64xf32, #tpu.memory_space<vmem>> -> memref<16x64xf32, #tpu.memory_space<vmem>>
          %dma_wait3A_381 = arith.constant 9984 : i32
          %dma_wait3A_382 = arith.constant 0 : i32
          %dma_wait3A_383 = tpu.memref_slice %arg29[%dma_wait3A_381, %dma_wait3A_382] : memref<10000x64xf32, #tpu.memory_space<vmem_shared>> -> memref<16x64xf32, #tpu.memory_space<vmem_shared>>
          %dma_wait3A_384 = arith.constant 0 : i32
          %dma_wait3A_385 = arith.constant 0 : i32
          %dma_wait3A_386 = tpu.memref_slice %arg18[%dma_wait3A_384, %dma_wait3A_385] : memref<104x64xf32, #tpu.memory_space<vmem>> -> memref<16x64xf32, #tpu.memory_space<vmem>>
          %dma_wait3A_387 = arith.constant 9984 : i32
          %dma_wait3A_388 = arith.constant 0 : i32
          %dma_wait3A_389 = tpu.memref_slice %arg29[%dma_wait3A_387, %dma_wait3A_388] : memref<10000x64xf32, #tpu.memory_space<vmem_shared>> -> memref<16x64xf32, #tpu.memory_space<vmem_shared>>
          tpu.wait_dma2 semaphore(%run_scoped3A : memref<!tpu.dma_semaphore, #tpu.memory_space<semaphore_mem>>) src(%dma_wait3A_389 : memref<16x64xf32, #tpu.memory_space<vmem_shared>>) dst(%dma_wait3A_386 : memref<16x64xf32, #tpu.memory_space<vmem>>)
          tpu.yield
        }) : () -> ()
        "tpu.region"() ({
          %run_scoped3A = tpu.sem_alloc : memref<!tpu.dma_semaphore, #tpu.memory_space<semaphore_mem>>
          %dma_start3A_366 = arith.constant 0 : i32
          %dma_start3A_367 = arith.constant 0 : i32
          %dma_start3A_368 = tpu.memref_slice %arg18[%dma_start3A_366, %dma_start3A_367] : memref<104x64xf32, #tpu.memory_space<vmem>> -> memref<16x64xf32, #tpu.memory_space<vmem>>
          %dma_start3A_369 = arith.constant 9984 : i32
          %dma_start3A_370 = arith.constant 0 : i32
          %dma_start3A_371 = tpu.memref_slice %arg10[%dma_start3A_369, %dma_start3A_370] : memref<10000x64xf32, #tpu.memory_space<hbm>> -> memref<16x64xf32, #tpu.memory_space<hbm>>
          %dma_start3A_372 = arith.constant 9984 : i32
          %dma_start3A_373 = arith.constant 0 : i32
          %dma_start3A_374 = tpu.memref_slice %arg10[%dma_start3A_372, %dma_start3A_373] : memref<10000x64xf32, #tpu.memory_space<hbm>> -> memref<16x64xf32, #tpu.memory_space<hbm>>
          %dma_start3A_375 = arith.constant 0 : i32
          %dma_start3A_376 = arith.constant 0 : i32
          %dma_start3A_377 = tpu.memref_slice %arg18[%dma_start3A_375, %dma_start3A_376] : memref<104x64xf32, #tpu.memory_space<vmem>> -> memref<16x64xf32, #tpu.memory_space<vmem>>
          tpu.enqueue_dma source(%dma_start3A_377 : memref<16x64xf32, #tpu.memory_space<vmem>>) target(%dma_start3A_374 : memref<16x64xf32, #tpu.memory_space<hbm>>) target_semaphore(%run_scoped3A : memref<!tpu.dma_semaphore, #tpu.memory_space<semaphore_mem>>)
          %dma_wait3A_378 = arith.constant 0 : i32
          %dma_wait3A_379 = arith.constant 0 : i32
          %dma_wait3A_380 = tpu.memref_slice %arg18[%dma_wait3A_378, %dma_wait3A_379] : memref<104x64xf32, #tpu.memory_space<vmem>> -> memref<16x64xf32, #tpu.memory_space<vmem>>
          %dma_wait3A_381 = arith.constant 9984 : i32
          %dma_wait3A_382 = arith.constant 0 : i32
          %dma_wait3A_383 = tpu.memref_slice %arg10[%dma_wait3A_381, %dma_wait3A_382] : memref<10000x64xf32, #tpu.memory_space<hbm>> -> memref<16x64xf32, #tpu.memory_space<hbm>>
          %dma_wait3A_384 = arith.constant 9984 : i32
          %dma_wait3A_385 = arith.constant 0 : i32
          %dma_wait3A_386 = tpu.memref_slice %arg10[%dma_wait3A_384, %dma_wait3A_385] : memref<10000x64xf32, #tpu.memory_space<hbm>> -> memref<16x64xf32, #tpu.memory_space<hbm>>
          %dma_wait3A_387 = arith.constant 0 : i32
          %dma_wait3A_388 = arith.constant 0 : i32
          %dma_wait3A_389 = tpu.memref_slice %arg18[%dma_wait3A_387, %dma_wait3A_388] : memref<104x64xf32, #tpu.memory_space<vmem>> -> memref<16x64xf32, #tpu.memory_space<vmem>>
          tpu.wait_dma2 semaphore(%run_scoped3A : memref<!tpu.dma_semaphore, #tpu.memory_space<semaphore_mem>>) src(%dma_wait3A_389 : memref<16x64xf32, #tpu.memory_space<vmem>>) dst(%dma_wait3A_386 : memref<16x64xf32, #tpu.memory_space<hbm>>)
          tpu.yield
        }) : () -> ()
      } else {
      }
    } else {
    }
    return
  }
}

module attributes {stable_mosaic.version = 14 : i64} {
  func.func @_tc_layer_body(%arg0: i32, %arg1: memref<2000x64xf32, #tpu.memory_space<vmem>>, %arg2: memref<2000x64xf32, #tpu.memory_space<vmem>>, %arg3: memref<2000x64xf32, #tpu.memory_space<vmem>>, %arg4: memref<2000x64xf32, #tpu.memory_space<vmem>>, %arg5: memref<2000x8xf32, #tpu.memory_space<vmem>>, %arg6: memref<128x128xf32, #tpu.memory_space<vmem>>, %arg7: memref<128x128xf32, #tpu.memory_space<vmem>>, %arg8: memref<1x128xf32, #tpu.memory_space<vmem>>, %arg9: memref<2000x64xf32, #tpu.memory_space<vmem>>, %arg10: memref<2000x64xf32, #tpu.memory_space<vmem>>) attributes {dimension_semantics = [#tpu.dimension_semantics<arbitrary>], iteration_bounds = array<i64: 5>, scalar_prefetch = 0 : i64, scratch_operands = 0 : i64, tpu.core_type = #tpu.core_type<tc>, window_params = [{transform_indices = @transform_0, window_bounds = array<i64: 2000, 64>}, {transform_indices = @transform_1, window_bounds = array<i64: 2000, 64>}, {transform_indices = @transform_2, window_bounds = array<i64: 2000, 64>}, {transform_indices = @transform_3, window_bounds = array<i64: 2000, 64>}, {transform_indices = @transform_4, window_bounds = array<i64: 2000, 8>}, {pipeline_mode = #tpu.pipeline_mode<synchronous>, transform_indices = @transform_5, window_bounds = array<i64: 128, 128>}, {pipeline_mode = #tpu.pipeline_mode<synchronous>, transform_indices = @transform_6, window_bounds = array<i64: 128, 128>}, {pipeline_mode = #tpu.pipeline_mode<synchronous>, transform_indices = @transform_7, window_bounds = array<i64: 1, 128>}, {transform_indices = @transform_8, window_bounds = array<i64: 2000, 64>}, {transform_indices = @transform_9, window_bounds = array<i64: 2000, 64>}]} {
    %get3A = arith.constant 0 : index
    %get3A_0 = arith.constant 0 : index
    %get3A_1 = vector.load %arg1[%get3A, %get3A_0] : memref<2000x64xf32, #tpu.memory_space<vmem>>, vector<2000x64xf32>
    %get3A_2 = arith.constant 0 : index
    %get3A_3 = arith.constant 0 : index
    %get3A_4 = vector.load %arg2[%get3A_2, %get3A_3] : memref<2000x64xf32, #tpu.memory_space<vmem>>, vector<2000x64xf32>
    %concatenate3A = tpu.concatenate %get3A_1, %get3A_4 in 1 : vector<2000x64xf32>, vector<2000x64xf32> -> vector<2000x128xf32>
    %get3A_5 = arith.constant 0 : index
    %get3A_6 = arith.constant 0 : index
    %get3A_7 = vector.load %arg3[%get3A_5, %get3A_6] : memref<2000x64xf32, #tpu.memory_space<vmem>>, vector<2000x64xf32>
    %get3A_8 = arith.constant 0 : index
    %get3A_9 = arith.constant 0 : index
    %get3A_10 = vector.load %arg4[%get3A_8, %get3A_9] : memref<2000x64xf32, #tpu.memory_space<vmem>>, vector<2000x64xf32>
    %concatenate3A_11 = tpu.concatenate %get3A_7, %get3A_10 in 1 : vector<2000x64xf32>, vector<2000x64xf32> -> vector<2000x128xf32>
    %get3A_12 = arith.constant 0 : index
    %get3A_13 = arith.constant 0 : index
    %get3A_14 = vector.load %arg5[%get3A_12, %get3A_13] : memref<2000x8xf32, #tpu.memory_space<vmem>>, vector<2000x1xf32>
    %max3A = arith.constant 1.000000e+00 : f32
    %max3A_15 = vector.broadcast %max3A : f32 to vector<2000x1xf32>
    %max3A_16 = arith.maximumf %get3A_14, %max3A_15 : vector<2000x1xf32>
    %div3A = vector.broadcast %max3A_16 : vector<2000x1xf32> to vector<2000x128xf32>
    %div3A_17 = arith.divf %concatenate3A_11, %div3A : vector<2000x128xf32>
    %get3A_18 = arith.constant 0 : index
    %get3A_19 = arith.constant 0 : index
    %get3A_20 = vector.load %arg6[%get3A_18, %get3A_19] : memref<128x128xf32, #tpu.memory_space<vmem>>, vector<128x128xf32>
    %dot_general3A = arith.constant dense<0.000000e+00> : vector<2000x128xf32>
    %dot_general3A_21 = tpu.matmul %concatenate3A, %get3A_20, %dot_general3A {dimension_numbers = #tpu.dot_dimension_numbers<[1], [0], [0], [1], [0, 0, 1, 1], [], []>, transpose_lhs_hint = false} : vector<2000x128xf32>, vector<128x128xf32>, vector<2000x128xf32> -> vector<2000x128xf32>
    %get3A_22 = arith.constant 0 : index
    %get3A_23 = arith.constant 0 : index
    %get3A_24 = vector.load %arg7[%get3A_22, %get3A_23] : memref<128x128xf32, #tpu.memory_space<vmem>>, vector<128x128xf32>
    %dot_general3A_25 = arith.constant dense<0.000000e+00> : vector<2000x128xf32>
    %dot_general3A_26 = tpu.matmul %div3A_17, %get3A_24, %dot_general3A_25 {dimension_numbers = #tpu.dot_dimension_numbers<[1], [0], [0], [1], [0, 0, 1, 1], [], []>, transpose_lhs_hint = false} : vector<2000x128xf32>, vector<128x128xf32>, vector<2000x128xf32> -> vector<2000x128xf32>
    %add3A = arith.addf %dot_general3A_21, %dot_general3A_26 : vector<2000x128xf32>
    %get3A_27 = arith.constant 0 : index
    %get3A_28 = arith.constant 0 : index
    %get3A_29 = vector.load %arg8[%get3A_27, %get3A_28] : memref<1x128xf32, #tpu.memory_space<vmem>>, vector<1x128xf32>
    %add3A_30 = vector.broadcast %get3A_29 : vector<1x128xf32> to vector<2000x128xf32>
    %add3A_31 = arith.addf %add3A, %add3A_30 : vector<2000x128xf32>
    %max3A_32 = arith.constant 0.000000e+00 : f32
    %max3A_33 = vector.broadcast %max3A_32 : f32 to vector<2000x128xf32>
    %max3A_34 = arith.maximumf %add3A_31, %max3A_33 : vector<2000x128xf32>
    %slice3A = vector.extract_strided_slice %max3A_34 {offsets = [0, 0], sizes = [2000, 64], strides = [1, 1]} : vector<2000x128xf32> to vector<2000x64xf32>
    %swap3A = arith.constant 0 : index
    %swap3A_35 = arith.constant 0 : index
    %swap3A_36 = vector.load %arg9[%swap3A, %swap3A_35] : memref<2000x64xf32, #tpu.memory_space<vmem>>, vector<2000x64xf32>
    tpu.vector_store %arg9[%swap3A, %swap3A_35], %slice3A {strides = array<i32>} : memref<2000x64xf32, #tpu.memory_space<vmem>>, vector<2000x64xf32>,
    %slice3A_37 = vector.extract_strided_slice %max3A_34 {offsets = [0, 64], sizes = [2000, 64], strides = [1, 1]} : vector<2000x128xf32> to vector<2000x64xf32>
    %swap3A_38 = arith.constant 0 : index
    %swap3A_39 = arith.constant 0 : index
    %swap3A_40 = vector.load %arg10[%swap3A_38, %swap3A_39] : memref<2000x64xf32, #tpu.memory_space<vmem>>, vector<2000x64xf32>
    tpu.vector_store %arg10[%swap3A_38, %swap3A_39], %slice3A_37 {strides = array<i32>} : memref<2000x64xf32, #tpu.memory_space<vmem>>, vector<2000x64xf32>,
    return
  }
  func.func @transform_0(%arg0: i32) -> (i32, i32) {
    %c0_i32 = arith.constant 0 : i32
    %c0_i32_0 = arith.constant 0 : i32
    return %arg0, %c0_i32 : i32, i32
  }
  func.func @transform_1(%arg0: i32) -> (i32, i32) {
    %c0_i32 = arith.constant 0 : i32
    %c0_i32_0 = arith.constant 0 : i32
    return %arg0, %c0_i32 : i32, i32
  }
  func.func @transform_2(%arg0: i32) -> (i32, i32) {
    %c0_i32 = arith.constant 0 : i32
    %c0_i32_0 = arith.constant 0 : i32
    return %arg0, %c0_i32 : i32, i32
  }
  func.func @transform_3(%arg0: i32) -> (i32, i32) {
    %c0_i32 = arith.constant 0 : i32
    %c0_i32_0 = arith.constant 0 : i32
    return %arg0, %c0_i32 : i32, i32
  }
  func.func @transform_4(%arg0: i32) -> (i32, i32) {
    %c0_i32 = arith.constant 0 : i32
    %c0_i32_0 = arith.constant 0 : i32
    return %arg0, %c0_i32 : i32, i32
  }
  func.func @transform_5(%arg0: i32) -> (i32, i32) {
    %c0_i32 = arith.constant 0 : i32
    %c0_i32_0 = arith.constant 0 : i32
    %c0_i32_1 = arith.constant 0 : i32
    return %c0_i32, %c0_i32_0 : i32, i32
  }
  func.func @transform_6(%arg0: i32) -> (i32, i32) {
    %c0_i32 = arith.constant 0 : i32
    %c0_i32_0 = arith.constant 0 : i32
    %c0_i32_1 = arith.constant 0 : i32
    return %c0_i32, %c0_i32_0 : i32, i32
  }
  func.func @transform_7(%arg0: i32) -> (i32, i32) {
    %c0_i32 = arith.constant 0 : i32
    %c0_i32_0 = arith.constant 0 : i32
    %c0_i32_1 = arith.constant 0 : i32
    return %c0_i32, %c0_i32_0 : i32, i32
  }
  func.func @transform_8(%arg0: i32) -> (i32, i32) {
    %c0_i32 = arith.constant 0 : i32
    %c0_i32_0 = arith.constant 0 : i32
    return %arg0, %c0_i32 : i32, i32
  }
  func.func @transform_9(%arg0: i32) -> (i32, i32) {
    %c0_i32 = arith.constant 0 : i32
    %c0_i32_0 = arith.constant 0 : i32
    return %arg0, %c0_i32 : i32, i32
  }
}

module attributes {stable_mosaic.version = 14 : i64} {
  func.func @_tc_final_body(%arg0: i32, %arg1: memref<2000x64xf32, #tpu.memory_space<vmem>>, %arg2: memref<2000x64xf32, #tpu.memory_space<vmem>>, %arg3: memref<2000x64xf32, #tpu.memory_space<vmem>>, %arg4: memref<2000x64xf32, #tpu.memory_space<vmem>>, %arg5: memref<2000x8xf32, #tpu.memory_space<vmem>>, %arg6: memref<1x1x2000xi32, #tpu.memory_space<vmem>>, %arg7: memref<128x128xf32, #tpu.memory_space<vmem>>, %arg8: memref<128x128xf32, #tpu.memory_space<vmem>>, %arg9: memref<1x128xf32, #tpu.memory_space<vmem>>, %arg10: memref<128x64xf32, #tpu.memory_space<vmem>>, %arg11: memref<1x64xf32, #tpu.memory_space<vmem>>, %arg12: memref<64x1xf32, #tpu.memory_space<vmem>>, %arg13: memref<1x1xf32, #tpu.memory_space<vmem>>, %arg14: memref<64x1xf32, #tpu.memory_space<vmem>>, %arg15: memref<64x128xf32, #tpu.memory_space<vmem>>, %arg16: memref<64x1xf32, #tpu.memory_space<vmem>>) attributes {dimension_semantics = [#tpu.dimension_semantics<arbitrary>], iteration_bounds = array<i64: 5>, scalar_prefetch = 0 : i64, scratch_operands = 2 : i64, tpu.core_type = #tpu.core_type<tc>, window_params = [{transform_indices = @transform_0, window_bounds = array<i64: 2000, 64>}, {transform_indices = @transform_1, window_bounds = array<i64: 2000, 64>}, {transform_indices = @transform_2, window_bounds = array<i64: 2000, 64>}, {transform_indices = @transform_3, window_bounds = array<i64: 2000, 64>}, {transform_indices = @transform_4, window_bounds = array<i64: 2000, 8>}, {transform_indices = @transform_5, window_bounds = array<i64: 1, 1, 2000>}, {pipeline_mode = #tpu.pipeline_mode<synchronous>, transform_indices = @transform_6, window_bounds = array<i64: 128, 128>}, {pipeline_mode = #tpu.pipeline_mode<synchronous>, transform_indices = @transform_7, window_bounds = array<i64: 128, 128>}, {pipeline_mode = #tpu.pipeline_mode<synchronous>, transform_indices = @transform_8, window_bounds = array<i64: 1, 128>}, {pipeline_mode = #tpu.pipeline_mode<synchronous>, transform_indices = @transform_9, window_bounds = array<i64: 128, 64>}, {pipeline_mode = #tpu.pipeline_mode<synchronous>, transform_indices = @transform_10, window_bounds = array<i64: 1, 64>}, {pipeline_mode = #tpu.pipeline_mode<synchronous>, transform_indices = @transform_11, window_bounds = array<i64: 64, 1>}, {pipeline_mode = #tpu.pipeline_mode<synchronous>, transform_indices = @transform_12, window_bounds = array<i64: 1, 1>}, {pipeline_mode = #tpu.pipeline_mode<synchronous>, transform_indices = @transform_13, window_bounds = array<i64: 64, 1>}]} {
    %eq3A = arith.constant 0 : i32
    %eq3A_0 = arith.cmpi eq, %arg0, %eq3A : i32
    %convert_element_type3A = arith.extui %eq3A_0 : i1 to i32
    %cond3A = arith.constant 0 : i32
    %cond3A_1 = arith.cmpi ne, %convert_element_type3A, %cond3A : i32
    scf.if %cond3A_1 {
      %broadcast_in_dim3A_67 = arith.constant 0.000000e+00 : f32
      %broadcast_in_dim3A_68 = vector.broadcast %broadcast_in_dim3A_67 : f32 to vector<64x128xf32>
      %swap3A_69 = arith.constant 0 : index
      %swap3A_70 = arith.constant 0 : index
      %swap3A_71 = vector.load %arg15[%swap3A_69, %swap3A_70] : memref<64x128xf32, #tpu.memory_space<vmem>>, vector<64x128xf32>
      tpu.vector_store %arg15[%swap3A_69, %swap3A_70], %broadcast_in_dim3A_68 {strides = array<i32>} : memref<64x128xf32, #tpu.memory_space<vmem>>, vector<64x128xf32>,
      %broadcast_in_dim3A_72 = arith.constant 0.000000e+00 : f32
      %broadcast_in_dim3A_73 = vector.broadcast %broadcast_in_dim3A_72 : f32 to vector<64x1xf32>
      %swap3A_74 = arith.constant 0 : index
      %swap3A_75 = arith.constant 0 : index
      %swap3A_76 = vector.load %arg16[%swap3A_74, %swap3A_75] : memref<64x1xf32, #tpu.memory_space<vmem>>, vector<64x1xf32>
      tpu.vector_store %arg16[%swap3A_74, %swap3A_75], %broadcast_in_dim3A_73 {strides = array<i32>} : memref<64x1xf32, #tpu.memory_space<vmem>>, vector<64x1xf32>,
    } else {
    }
    %get3A = arith.constant 0 : index
    %get3A_2 = arith.constant 0 : index
    %get3A_3 = vector.load %arg1[%get3A, %get3A_2] : memref<2000x64xf32, #tpu.memory_space<vmem>>, vector<2000x64xf32>
    %get3A_4 = arith.constant 0 : index
    %get3A_5 = arith.constant 0 : index
    %get3A_6 = vector.load %arg2[%get3A_4, %get3A_5] : memref<2000x64xf32, #tpu.memory_space<vmem>>, vector<2000x64xf32>
    %concatenate3A = tpu.concatenate %get3A_3, %get3A_6 in 1 : vector<2000x64xf32>, vector<2000x64xf32> -> vector<2000x128xf32>
    %get3A_7 = arith.constant 0 : index
    %get3A_8 = arith.constant 0 : index
    %get3A_9 = vector.load %arg3[%get3A_7, %get3A_8] : memref<2000x64xf32, #tpu.memory_space<vmem>>, vector<2000x64xf32>
    %get3A_10 = arith.constant 0 : index
    %get3A_11 = arith.constant 0 : index
    %get3A_12 = vector.load %arg4[%get3A_10, %get3A_11] : memref<2000x64xf32, #tpu.memory_space<vmem>>, vector<2000x64xf32>
    %concatenate3A_13 = tpu.concatenate %get3A_9, %get3A_12 in 1 : vector<2000x64xf32>, vector<2000x64xf32> -> vector<2000x128xf32>
    %get3A_14 = arith.constant 0 : index
    %get3A_15 = arith.constant 0 : index
    %get3A_16 = vector.load %arg5[%get3A_14, %get3A_15] : memref<2000x8xf32, #tpu.memory_space<vmem>>, vector<2000x1xf32>
    %max3A = arith.constant 1.000000e+00 : f32
    %max3A_17 = vector.broadcast %max3A : f32 to vector<2000x1xf32>
    %max3A_18 = arith.maximumf %get3A_16, %max3A_17 : vector<2000x1xf32>
    %div3A = vector.broadcast %max3A_18 : vector<2000x1xf32> to vector<2000x128xf32>
    %div3A_19 = arith.divf %concatenate3A_13, %div3A : vector<2000x128xf32>
    %get3A_20 = arith.constant 0 : index
    %get3A_21 = arith.constant 0 : index
    %get3A_22 = vector.load %arg7[%get3A_20, %get3A_21] : memref<128x128xf32, #tpu.memory_space<vmem>>, vector<128x128xf32>
    %dot_general3A = arith.constant dense<0.000000e+00> : vector<2000x128xf32>
    %dot_general3A_23 = tpu.matmul %concatenate3A, %get3A_22, %dot_general3A {dimension_numbers = #tpu.dot_dimension_numbers<[1], [0], [0], [1], [0, 0, 1, 1], [], []>, transpose_lhs_hint = false} : vector<2000x128xf32>, vector<128x128xf32>, vector<2000x128xf32> -> vector<2000x128xf32>
    %get3A_24 = arith.constant 0 : index
    %get3A_25 = arith.constant 0 : index
    %get3A_26 = vector.load %arg8[%get3A_24, %get3A_25] : memref<128x128xf32, #tpu.memory_space<vmem>>, vector<128x128xf32>
    %dot_general3A_27 = arith.constant dense<0.000000e+00> : vector<2000x128xf32>
    %dot_general3A_28 = tpu.matmul %div3A_19, %get3A_26, %dot_general3A_27 {dimension_numbers = #tpu.dot_dimension_numbers<[1], [0], [0], [1], [0, 0, 1, 1], [], []>, transpose_lhs_hint = false} : vector<2000x128xf32>, vector<128x128xf32>, vector<2000x128xf32> -> vector<2000x128xf32>
    %add3A = arith.addf %dot_general3A_23, %dot_general3A_28 : vector<2000x128xf32>
    %get3A_29 = arith.constant 0 : index
    %get3A_30 = arith.constant 0 : index
    %get3A_31 = vector.load %arg9[%get3A_29, %get3A_30] : memref<1x128xf32, #tpu.memory_space<vmem>>, vector<1x128xf32>
    %add3A_32 = vector.broadcast %get3A_31 : vector<1x128xf32> to vector<2000x128xf32>
    %add3A_33 = arith.addf %add3A, %add3A_32 : vector<2000x128xf32>
    %max3A_34 = arith.constant 0.000000e+00 : f32
    %max3A_35 = vector.broadcast %max3A_34 : f32 to vector<2000x128xf32>
    %max3A_36 = arith.maximumf %add3A_33, %max3A_35 : vector<2000x128xf32>
    %get3A_37 = arith.constant 0 : index
    %get3A_38 = arith.constant 0 : index
    %get3A_39 = arith.constant 0 : index
    %get3A_40 = vector.load %arg6[%get3A_37, %get3A_38, %get3A_39] : memref<1x1x2000xi32, #tpu.memory_space<vmem>>, vector<1x1x2000xi32>
    %get3A_41 = vector.shape_cast %get3A_40 : vector<1x1x2000xi32> to vector<1x2000xi32>
    %iota3A = tpu.iota {dimensions = array<i32: 0>} : vector<64x2000xi32>
    %eq3A_42 = vector.broadcast %get3A_41 : vector<1x2000xi32> to vector<64x2000xi32>
    %eq3A_43 = arith.cmpi eq, %eq3A_42, %iota3A : vector<64x2000xi32>
    %convert_element_type3A_44 = arith.extui %eq3A_43 : vector<64x2000xi1> to vector<64x2000xi32>
    %convert_element_type3A_45 = arith.sitofp %convert_element_type3A_44 : vector<64x2000xi32> to vector<64x2000xf32>
    %get3A_46 = arith.constant 0 : index
    %get3A_47 = arith.constant 0 : index
    %get3A_48 = vector.load %arg15[%get3A_46, %get3A_47] : memref<64x128xf32, #tpu.memory_space<vmem>>, vector<64x128xf32>
    %dot_general3A_49 = arith.constant dense<0.000000e+00> : vector<64x128xf32>
    %dot_general3A_50 = tpu.matmul %convert_element_type3A_45, %max3A_36, %dot_general3A_49 {dimension_numbers = #tpu.dot_dimension_numbers<[1], [0], [0], [1], [0, 0, 1, 1], [], []>, precision = #tpu.contract_precision<fp32>, transpose_lhs_hint = false} : vector<64x2000xf32>, vector<2000x128xf32>, vector<64x128xf32> -> vector<64x128xf32>
    %add3A_51 = arith.addf %get3A_48, %dot_general3A_50 : vector<64x128xf32>
    %swap3A = arith.constant 0 : index
    %swap3A_52 = arith.constant 0 : index
    %swap3A_53 = vector.load %arg15[%swap3A, %swap3A_52] : memref<64x128xf32, #tpu.memory_space<vmem>>, vector<64x128xf32>
    tpu.vector_store %arg15[%swap3A, %swap3A_52], %add3A_51 {strides = array<i32>} : memref<64x128xf32, #tpu.memory_space<vmem>>, vector<64x128xf32>,
    %get3A_54 = arith.constant 0 : index
    %get3A_55 = arith.constant 0 : index
    %get3A_56 = vector.load %arg16[%get3A_54, %get3A_55] : memref<64x1xf32, #tpu.memory_space<vmem>>, vector<64x1xf32>
    %reduce_sum3A = arith.constant dense<0.000000e+00> : vector<64xf32>
    %reduce_sum3A_57 = vector.multi_reduction <add>, %convert_element_type3A_45, %reduce_sum3A [1] : vector<64x2000xf32> to vector<64xf32>
    %broadcast_in_dim3A = vector.shape_cast %reduce_sum3A_57 : vector<64xf32> to vector<64x1xf32>
    %add3A_58 = arith.addf %get3A_56, %broadcast_in_dim3A : vector<64x1xf32>
    %swap3A_59 = arith.constant 0 : index
    %swap3A_60 = arith.constant 0 : index
    %swap3A_61 = vector.load %arg16[%swap3A_59, %swap3A_60] : memref<64x1xf32, #tpu.memory_space<vmem>>, vector<64x1xf32>
    tpu.vector_store %arg16[%swap3A_59, %swap3A_60], %add3A_58 {strides = array<i32>} : memref<64x1xf32, #tpu.memory_space<vmem>>, vector<64x1xf32>,
    %eq3A_62 = arith.constant 4 : i32
    %eq3A_63 = arith.cmpi eq, %arg0, %eq3A_62 : i32
    %convert_element_type3A_64 = arith.extui %eq3A_63 : i1 to i32
    %cond3A_65 = arith.constant 0 : i32
    %cond3A_66 = arith.cmpi ne, %convert_element_type3A_64, %cond3A_65 : i32
    scf.if %cond3A_66 {
      %get3A_67 = arith.constant 0 : index
      %get3A_68 = arith.constant 0 : index
      %get3A_69 = vector.load %arg15[%get3A_67, %get3A_68] : memref<64x128xf32, #tpu.memory_space<vmem>>, vector<64x128xf32>
      %get3A_70 = arith.constant 0 : index
      %get3A_71 = arith.constant 0 : index
      %get3A_72 = vector.load %arg16[%get3A_70, %get3A_71] : memref<64x1xf32, #tpu.memory_space<vmem>>, vector<64x1xf32>
      %max3A_73 = arith.constant 1.000000e+00 : f32
      %max3A_74 = vector.broadcast %max3A_73 : f32 to vector<64x1xf32>
      %max3A_75 = arith.maximumf %get3A_72, %max3A_74 : vector<64x1xf32>
      %div3A_76 = vector.broadcast %max3A_75 : vector<64x1xf32> to vector<64x128xf32>
      %div3A_77 = arith.divf %get3A_69, %div3A_76 : vector<64x128xf32>
      %get3A_78 = arith.constant 0 : index
      %get3A_79 = arith.constant 0 : index
      %get3A_80 = vector.load %arg10[%get3A_78, %get3A_79] : memref<128x64xf32, #tpu.memory_space<vmem>>, vector<128x64xf32>
      %dot_general3A_81 = arith.constant dense<0.000000e+00> : vector<64x64xf32>
      %dot_general3A_82 = tpu.matmul %div3A_77, %get3A_80, %dot_general3A_81 {dimension_numbers = #tpu.dot_dimension_numbers<[1], [0], [0], [1], [0, 0, 1, 1], [], []>, transpose_lhs_hint = false} : vector<64x128xf32>, vector<128x64xf32>, vector<64x64xf32> -> vector<64x64xf32>
      %get3A_83 = arith.constant 0 : index
      %get3A_84 = arith.constant 0 : index
      %get3A_85 = vector.load %arg11[%get3A_83, %get3A_84] : memref<1x64xf32, #tpu.memory_space<vmem>>, vector<1x64xf32>
      %add3A_86 = vector.broadcast %get3A_85 : vector<1x64xf32> to vector<64x64xf32>
      %add3A_87 = arith.addf %dot_general3A_82, %add3A_86 : vector<64x64xf32>
      %max3A_88 = arith.constant 0.000000e+00 : f32
      %max3A_89 = vector.broadcast %max3A_88 : f32 to vector<64x64xf32>
      %max3A_90 = arith.maximumf %add3A_87, %max3A_89 : vector<64x64xf32>
      %get3A_91 = arith.constant 0 : index
      %get3A_92 = arith.constant 0 : index
      %get3A_93 = vector.load %arg12[%get3A_91, %get3A_92] : memref<64x1xf32, #tpu.memory_space<vmem>>, vector<64x1xf32>
      %dot_general3A_94 = arith.constant dense<0.000000e+00> : vector<64x1xf32>
      %dot_general3A_95 = tpu.matmul %max3A_90, %get3A_93, %dot_general3A_94 {dimension_numbers = #tpu.dot_dimension_numbers<[1], [0], [0], [1], [0, 0, 1, 1], [], []>, transpose_lhs_hint = false} : vector<64x64xf32>, vector<64x1xf32>, vector<64x1xf32> -> vector<64x1xf32>
      %get3A_96 = arith.constant 0 : index
      %get3A_97 = arith.constant 0 : index
      %get3A_98 = vector.load %arg13[%get3A_96, %get3A_97] : memref<1x1xf32, #tpu.memory_space<vmem>>, vector<1x1xf32>
      %add3A_99 = vector.broadcast %get3A_98 : vector<1x1xf32> to vector<64x1xf32>
      %add3A_100 = arith.addf %dot_general3A_95, %add3A_99 : vector<64x1xf32>
      %swap3A_101 = arith.constant 0 : index
      %swap3A_102 = arith.constant 0 : index
      %swap3A_103 = vector.load %arg14[%swap3A_101, %swap3A_102] : memref<64x1xf32, #tpu.memory_space<vmem>>, vector<64x1xf32>
      tpu.vector_store %arg14[%swap3A_101, %swap3A_102], %add3A_100 {strides = array<i32>} : memref<64x1xf32, #tpu.memory_space<vmem>>, vector<64x1xf32>,
    } else {
    }
    return
  }
  func.func @transform_0(%arg0: i32) -> (i32, i32) {
    %c0_i32 = arith.constant 0 : i32
    %c0_i32_0 = arith.constant 0 : i32
    return %arg0, %c0_i32 : i32, i32
  }
  func.func @transform_1(%arg0: i32) -> (i32, i32) {
    %c0_i32 = arith.constant 0 : i32
    %c0_i32_0 = arith.constant 0 : i32
    return %arg0, %c0_i32 : i32, i32
  }
  func.func @transform_2(%arg0: i32) -> (i32, i32) {
    %c0_i32 = arith.constant 0 : i32
    %c0_i32_0 = arith.constant 0 : i32
    return %arg0, %c0_i32 : i32, i32
  }
  func.func @transform_3(%arg0: i32) -> (i32, i32) {
    %c0_i32 = arith.constant 0 : i32
    %c0_i32_0 = arith.constant 0 : i32
    return %arg0, %c0_i32 : i32, i32
  }
  func.func @transform_4(%arg0: i32) -> (i32, i32) {
    %c0_i32 = arith.constant 0 : i32
    %c0_i32_0 = arith.constant 0 : i32
    return %arg0, %c0_i32 : i32, i32
  }
  func.func @transform_5(%arg0: i32) -> (i32, i32, i32) {
    %c0_i32 = arith.constant 0 : i32
    %c0_i32_0 = arith.constant 0 : i32
    %c0_i32_1 = arith.constant 0 : i32
    return %arg0, %c0_i32, %c0_i32_0 : i32, i32, i32
  }
  func.func @transform_6(%arg0: i32) -> (i32, i32) {
    %c0_i32 = arith.constant 0 : i32
    %c0_i32_0 = arith.constant 0 : i32
    %c0_i32_1 = arith.constant 0 : i32
    return %c0_i32, %c0_i32_0 : i32, i32
  }
  func.func @transform_7(%arg0: i32) -> (i32, i32) {
    %c0_i32 = arith.constant 0 : i32
    %c0_i32_0 = arith.constant 0 : i32
    %c0_i32_1 = arith.constant 0 : i32
    return %c0_i32, %c0_i32_0 : i32, i32
  }
  func.func @transform_8(%arg0: i32) -> (i32, i32) {
    %c0_i32 = arith.constant 0 : i32
    %c0_i32_0 = arith.constant 0 : i32
    %c0_i32_1 = arith.constant 0 : i32
    return %c0_i32, %c0_i32_0 : i32, i32
  }
  func.func @transform_9(%arg0: i32) -> (i32, i32) {
    %c0_i32 = arith.constant 0 : i32
    %c0_i32_0 = arith.constant 0 : i32
    %c0_i32_1 = arith.constant 0 : i32
    return %c0_i32, %c0_i32_0 : i32, i32
  }
  func.func @transform_10(%arg0: i32) -> (i32, i32) {
    %c0_i32 = arith.constant 0 : i32
    %c0_i32_0 = arith.constant 0 : i32
    %c0_i32_1 = arith.constant 0 : i32
    return %c0_i32, %c0_i32_0 : i32, i32
  }
  func.func @transform_11(%arg0: i32) -> (i32, i32) {
    %c0_i32 = arith.constant 0 : i32
    %c0_i32_0 = arith.constant 0 : i32
    %c0_i32_1 = arith.constant 0 : i32
    return %c0_i32, %c0_i32_0 : i32, i32
  }
  func.func @transform_12(%arg0: i32) -> (i32, i32) {
    %c0_i32 = arith.constant 0 : i32
    %c0_i32_0 = arith.constant 0 : i32
    %c0_i32_1 = arith.constant 0 : i32
    return %c0_i32, %c0_i32_0 : i32, i32
  }
  func.func @transform_13(%arg0: i32) -> (i32, i32) {
    %c0_i32 = arith.constant 0 : i32
    %c0_i32_0 = arith.constant 0 : i32
    %c0_i32_1 = arith.constant 0 : i32
    return %c0_i32, %c0_i32_0 : i32, i32
  }
}

</mosaic_0001>

<sc_bundles>
// kernel: sc_edge_agg.3.cloned.1.call-start
scs
__scs_entry_jumppad:
0x0: {  	(pc) =	sbr.rel $0x88, $3  }
0x1: {  	(tag) =	ssettag $0x0;
	lr =	simm.s32 $0x1  }
0x2: {  	[smem:$0x3F94] =	sst lr;
	_ =	strace $0xD0000000  }
0x3: {  	_ = 	snop  }
0x4: {  	_ = 	snop  }
0x5: {  	_ = 	snop  }
0x6: {  	_ = 	snop  }
0x7: {  	_ = 	snop  }
__scs_overlays_trampoline_lowered:
0x8: {  	[smem:$0x3FA3] =	sst s0  }
0x9: {  	[smem:$0x3FA4] =	sst s1  }
0xa: {  	[smem:$0x3FA5] =	sst s2  }
0xb: {  	[smem:$0x3FA6] =	sst s3  }
0xc: {  	[smem:$0x3FA7] =	sst s4  }
0xd: {  	[smem:$0x3FA8] =	sst s5  }
0xe: {  	[smem:$0x3FA9] =	sst s6  }
0xf: {  	[smem:$0x3FAA] =	sst s7  }
0x10: {  	[smem:$0x3FAB] =	sst s8  }
0x11: {  	[smem:$0x3FAC] =	sst s9;
	s0 =	simm.s32 @!p0 $0x0  }
0x12: {  	s1 =	sld [smem:$0x3F92];
	s0 =	simm.s32 @p0 $0x1  }
0x13: {  	[smem:$0x3FAD] =	sst s0;
	s0 =	simm.s32 @!p1 $0x0  }
0x14: {  	s2 =	sld [smem:$0x3F91];
	s0 =	simm.s32 @p1 $0x1  }
0x15: {  	[smem:$0x3FAE] =	sst s0;
	s0 =	simm.s32 @!p2 $0x0  }
0x16: {  	s3 =	sld [smem:$0x3FDB];
	s0 =	simm.s32 @p2 $0x1  }
0x17: {  	s4 =	simm.s32 $0x1BF5;
	[smem:$0x3FB0] =	sst s0  }
0x18: {  	s0 =	sld [smem:$0x3F93];
	_ =	swait.ge [sflag:s4], $0x0  }
0x19: {  	s7 =	sld [smem:$0x3F94]  }
0x1a: {  	s8 =	sadd.s32 $0xFFFFE003, lr  }
0x1b: {  	s9 =	sadd.s32 $0xFFFFFEF7, lr;
	s5 =	simm.s32 $0xFFFFFFFF;
	p2 =	slt.u32 s8, $0xFFFFF086  }
0x1c: {  	p1 =	slt.u32 s9, $0xF7A;
	s5 =	simm.s32 @!p2 $0x0  }
0x1d: {  	s5 =	simm.s32 @p1 $0x1;
	p0 =	seq.s32 s7, s2  }
0x1e: {  	s7 =	smul.u32 @!p0 $0xF7A, s2;
	p2 =	seq.s32 @!p0 s5, $0x0  }
0x1f: {  	s9 =	smul.u32 $0xF7A, s1;
	s8 =	simm.s32 @!p0 $0x1BF5;
	p2 =	por !p2, p0  }
0x20: {  	[sflag:s8] =	ssyncset.s32 @!p0 $0xFFFFF086;
	s6 =	sadd.s32 @!p0 s3, s7;
	s7 =	simm.s32 @!p0 $0x108  }
0x21: {  	s3 =	sadd.s32 s3, s9;
	s6 =	sadd.s32 @!p0 $0x88, s6;
	s7 =	simm.s32 @p2 $0x1082  }
0x22: {  	[simem:s7], [sflag:s8] =	dma.local @!p0 [hbm:s6], $0xF7A  }
0x23: {  	s9 =	sor.u32 $0xD0000000, s2;
	s6 =	simm.s32 $0x108;
	_ =	swait.ge @!p0 [sflag:s8], $0x0  }
0x24: {  	s3 =	sadd.s32 $0x88, s3;
	s6 =	simm.s32 @!p1 $0x1082;
	[sflag:s4] =	ssyncset.s32 $0xFFFFF086  }
0x25: {  	[simem:s6], [sflag:s4] =	dma.local [hbm:s3], $0xF7A  }
0x26: {  	[smem:$0x3F94] =	sst s1;
	(tag) =	ssettag s2;
	_ =	strace s9  }
0x27: {  	s1 =	sld [smem:$0x3FA4]  }
0x28: {  	s2 =	sld [smem:$0x3FA5]  }
0x29: {  	s4 =	sld [smem:$0x3FA7]  }
0x2a: {  	p0 =	seq.s32 s5, $0x0;
	s5 =	sld [smem:$0x3FA8]  }
0x2b: {  	s6 =	sld [smem:$0x3FA9]  }
0x2c: {  	s7 =	sld [smem:$0x3FAA]  }
0x2d: {  	s3 =	simm.s32 $0x108;
	s8 =	sld [smem:$0x3FAB]  }
0x2e: {  	s3 =	simm.s32 @!p0 $0x1082;
	s9 =	sld [smem:$0x3FAC]  }
0x2f: {  	lr =	sadd.s32 s0, s3;
	s0 =	sld [smem:$0x3FA3]  }
0x30: {  	s3 =	sld [smem:$0x3FA6]  }
0x31: {  	[smem:$0x3FAF] =	sst s10  }
0x32: {  	s10 =	sld [smem:$0x3FAD];
	_ =	sdelay $0x3  }
0x33: {  	p0 =	seq.s32 s10, $0x1;
	s10 =	sld [smem:$0x3FAF];
	_ =	sdelay $0x3  }
0x34: {  	[smem:$0x3FAF] =	sst s10  }
0x35: {  	s10 =	sld [smem:$0x3FAE];
	_ =	sdelay $0x3  }
0x36: {  	p1 =	seq.s32 s10, $0x1;
	s10 =	sld [smem:$0x3FAF];
	_ =	sdelay $0x3  }
0x37: {  	[smem:$0x3FAF] =	sst s10  }
0x38: {  	s10 =	sld [smem:$0x3FB0]  }
0x39: {  	_ = 	snop;
	(pc) =	sbr.ind lr, $3  }
0x3a: {  	_ = 	snop  }
0x3b: {  	_ = 	snop  }
0x3c: {  	p2 =	seq.s32 s10, $0x1;
	s10 =	sld [smem:$0x3FAF]  }
0x3d: {  	_ =	shalt  }
0x3e: {  	_ =	shalt  }
0x3f: {  	_ =	shalt  }
0x40: {  	_ =	shalt  }
0x41: {  	_ =	shalt  }
0x42: {  	_ =	shalt  }
0x43: {  	_ =	shalt  }
0x44: {  	_ =	shalt  }
0x45: {  	_ =	shalt  }
0x46: {  	_ =	shalt  }
0x47: {  	_ =	shalt  }
0x48: {  	_ =	shalt  }
0x49: {  	_ =	shalt  }
0x4a: {  	_ =	shalt  }
0x4b: {  	_ =	shalt  }
0x4c: {  	_ =	shalt  }
0x4d: {  	_ =	shalt  }
0x4e: {  	_ =	shalt  }
0x4f: {  	_ =	shalt  }
0x50: {  	_ =	shalt  }
0x51: {  	_ =	shalt  }
0x52: {  	_ =	shalt  }
0x53: {  	_ =	shalt  }
0x54: {  	_ =	shalt  }
0x55: {  	_ =	shalt  }
0x56: {  	_ =	shalt  }
0x57: {  	_ =	shalt  }
0x58: {  	_ =	shalt  }
0x59: {  	_ =	shalt  }
0x5a: {  	_ =	shalt  }
0x5b: {  	_ =	shalt  }
0x5c: {  	_ =	shalt  }
0x5d: {  	_ =	shalt  }
0x5e: {  	_ =	shalt  }
0x5f: {  	_ =	shalt  }
0x60: {  	_ =	shalt  }
0x61: {  	_ =	shalt  }
0x62: {  	_ =	shalt  }
0x63: {  	_ =	shalt  }
0x64: {  	_ =	shalt  }
0x65: {  	_ =	shalt  }
0x66: {  	_ =	shalt  }
0x67: {  	_ =	shalt  }
0x68: {  	_ =	shalt  }
0x69: {  	_ =	shalt  }
0x6a: {  	_ =	shalt  }
0x6b: {  	_ =	shalt  }
0x6c: {  	_ =	shalt  }
0x6d: {  	_ =	shalt  }
0x6e: {  	_ =	shalt  }
0x6f: {  	_ =	shalt  }
0x70: {  	_ =	shalt  }
0x71: {  	_ =	shalt  }
0x72: {  	_ =	shalt  }
0x73: {  	_ =	shalt  }
0x74: {  	_ =	shalt  }
0x75: {  	_ =	shalt  }
0x76: {  	_ =	shalt  }
0x77: {  	_ =	shalt  }
0x78: {  	_ =	shalt  }
0x79: {  	_ =	shalt  }
0x7a: {  	_ =	shalt  }
0x7b: {  	_ =	shalt  }
0x7c: {  	_ =	shalt  }
0x7d: {  	_ =	shalt  }
0x7e: {  	_ =	shalt  }
0x7f: {  	_ =	shalt  }
0x80: {  	_ =	shalt  }
0x81: {  	_ =	shalt  }
0x82: {  	_ =	shalt  }
0x83: {  	_ =	shalt  }
0x84: {  	_ =	shalt  }
0x85: {  	_ =	shalt  }
0x86: {  	_ =	shalt  }
0x87: {  	_ =	shalt  }
.Lfunc_end0:
.L_simem_size_0:
called_computation.1_lowered:
.L_overlay_start_0:
0x88: {  	s2 =	sld [smem:$0x3FD9]  }
0x89: {  	s3 =	sld [smem:$0x3FFE];
	_ =	sdelay $0x1  }
0x8a: {  	s1 =	srdreg.scid  }
0x8b: {  	s0 =	sand.u32 $0x1, s1  }
0x8c: {  	s16 =	sshll.u32 s0, $0xA;
	s2 =	sadd.s32 s3, s2  }
0x8d: {  	s2 =	sadd.s32 s2, s16  }
0x8e: {  	[smem:$0x3FBB] =	sst s2  }
0x8f: {  	_ = 	snop  }
0x90: {  	(tm) =	ssettm $0x1  }
0x91: {  	s17 =	sld [smem:$0x3FFB];
	_ =	sdelay $0x3  }
0x92: {  	_ =	strace s17  }
0x93: {  	s2 =	sld [smem:$0x3FFC];
	_ =	sdelay $0x3  }
0x94: {  	_ =	strace s2  }
0x95: {  	s2 =	sld [smem:$0x3FFD];
	_ =	sdelay $0x3  }
0x96: {  	_ =	strace s2  }
0x97: {  	_ =	strace $0x8FFFFFFF  }
0x98: {  	s18 =	sld [smem:$0x3FDB];
	_ =	sdelay $0x1  }
0x99: {  	s19 =	simm.s32 $_scs_section_size  }
0x9a: {  	s4 =	simm.s32 $_size__tile_overlayer_lowered;
	s5 =	simm.s32 $_tile_overlayer_lowered  }
0x9b: {  	s22 =	simm.s32 $0x1BFF;
	s21 =	sshll.u32 s5, $0x1;
	s2 =	sadd.s32 s19, s18  }
0x9c: {  	s6 =	simm.s32 $0x0;
	s20 =	sshll.u32 s4, $0x1;
	s4 =	sadd.s32 s21, s2  }
0x9d: {  	[timem:s6], [sflag:s22] =	dma.local [hbm:s4], s20  }
0x9e: {  	_ =	swait.ge [sflag:s22], s20  }
0x9f: {  	s3 =	ssub.s32 $0x0, s20;
	[sflag:s22] =	ssyncset.done $0x0  }
0xa0: {  	[sflag:s22] =	ssyncadd.s32 s3;
	_ =	sdelay $0x1  }
0xa1: {  	s23 =	simm.s32 $0x1B8B  }
0xa2: {  	_ =	swait.ge [sflag:s23], $0x1  }
0xa3: {  	[sflag:s23] =	ssyncset.done $0x0  }
0xa4: {  	s25 =	simm.s32 $0x1B8E;
	s24 =	sld [smem:$0x3FFE];
	[sflag:s23] =	ssyncadd.s32 $0xFFFFFFFF  }
0xa5: {  	s26 =	simm.s32 $execute0_lowered;
	[smem:$0x3FD2] =	sst s25  }
0xa6: {  	s4 =	sshll.u32 s26, $0x1;
	_ =	strace $0x80000049;
	[dreg:$0x1] =	wrdreg $0xFFFFFFFF  }
0xa7: {  	s28 =	simm.s32 $_size_execute0_lowered;
	s2 =	sadd.s32 s2, s4;
	[dreg:$0x0] =	wrdreg $0x0  }
0xa8: {  	s4 =	sshll.u32 s28, $0x1;
	[dreg:$0x2] =	wrdreg s2  }
0xa9: {  	[dreg:$0x3] =	wrdreg s4  }
0xaa: {  	[dreg:$0x4] =	wrdreg $0xC0  }
0xab: {  	_ =	task [dreg:s6], $0x5FFFF  }
0xac: {  	[dreg:$0x1] =	wrdreg $0xFFFFFFFF  }
0xad: {  	[dreg:$0x0] =	wrdreg $0x60  }
0xae: {  	[dreg:$0x2] =	wrdreg s24  }
0xaf: {  	[dreg:$0x3] =	wrdreg $0x120800  }
0xb0: {  	[dreg:$0x4] =	wrdreg $0x9  }
0xb1: {  	_ =	task.clear_ibuf [dreg:s6], $0x5FFFF;
	_ =	strace $0x90000049  }
0xb2: {  	s29 =	simm.s32 $0x9;
	_ =	strace $0x8000004B  }
0xb3: {  	_ =	swait.ge [sflag:s29], $0x1  }
0xb4: {  	[sflag:s29] =	ssyncadd.s32 $0xFFFFFFFF  }
0xb5: {  	_ =	strace $0x9000004B  }
0xb6: {  	_ =	sfence  }
0xb7: {  	s30 =	sld [smem:$0x0];
	_ =	sdelay $0x2  }
0xb8: {  	s31 =	sshll.u32 s1, $0xD;
	s1 =	sshrl.u32 s1, $0x2  }
0xb9: {  	s3 =	sand.u32 $0x4000, s31;
	s1 =	sadd.s32 s1, s30  }
0xba: {  	s0 =	sor.u32 s3, s0;
	s1 =	sshll.u32 s1, $0x11  }
0xbb: {  	s0 =	sor.u32 s1, s0  }
0xbc: {  	s0 =	sadd.s32 $0x8F2B, s0  }
0xbd: {  	[sflag:s0] =	ssyncadd.remote.s32 $0x1  }
0xbe: {  	_ =	sfence.sel $0xFFFF  }
0xbf: {  	[dreg:$0x0] =	wrdreg $0xFFFFFFFF;
	(pc) =	sbr.abs _section_cstart, $3  }
0xc0: {  	[dreg:$0x1] =	wrdreg $0xFFFFFFFF  }
0xc1: {  	_ =	task.clear_ibuf [dreg:s6], $0x2FFFF;
	_ =	strace $0x9FFFFFFF  }
0xc2: {  	(tm) =	ssettm $0x7FFFFFFF  }
0xc3: {  	_ =	shalt  }
tec
execute0_lowered:
.L_overlay_start_1:
0x0: {  	(tag) =	ssettag $0x1  }
0x1: {  	s0 =	rddreg [dreg:$0x0]  }
0x2: {  	s1 =	rddreg [dreg:$0x1]  }
0x3: {  	s3 =	stileid.u32;
	s2 =	simm.s32 $0x0;
	s5 =	srdreg.scid  }
0x4: {  	s30 =	simm.s32 $0x10680;
	s31 =	simm.s32 $0x9;
	s4 =	smul.u32 $0xA28, s3  }
0x5: {  	[smem:$0x7FF] =	sst s2;
	s5 =	sand.u32 $0x1, s5;
	s6 =	sadd.s32 $0x3E400, s0  }
0x6: {  	s12 =	smul.u32 $0x9C00, s3;
	s13 =	sadd.s32 $0x79C00, s0;
	s21 =	sadd.s32 $0x66200, s0  }
0x7: {  	p2 =	seq.s32 s3, $0x0;
	_ =	strace $0x8000004A;
	[dreg:$0x3] =	wrdreg s6  }
0x8: {  	s29 =	sadd.s32 $0x9C000, s1;
	s20 =	ssub.s32 $0x2, s5;
	[dreg:$0x5] =	wrdreg s21  }
0x9: {  	p0 =	seq.s32 s5, $0x0;
	p1 =	sne.s32 s5, $0x0;
	[dreg:$0x4] =	wrdreg s13  }
0xa: {  	s5 =	simm.s32 $0x0;
	s4 =	sadd.s32 s4, s0;
	s7 =	sshrl.u32 s20, $0x1  }
0xb: {  	s15 =	sadd.s32 $0x1A00, s12;
	s16 =	sadd.s32 $0x3400, s12;
	s6 =	sadd.s32 s12, s1  }
0xc: {  	s17 =	sadd.s32 $0x4E00, s12;
	s18 =	sadd.s32 $0x6800, s12;
	s19 =	sadd.s32 $0x8200, s12  }
0xd: {  	s22 =	sshrl.u32 s12, $0x3;
	s14 =	ssub.s32 s20, s7;
	s7 =	sadd.s32 s15, s1  }
0xe: {  	s8 =	sadd.s32 s16, s1;
	s9 =	sadd.s32 s17, s1;
	s10 =	sadd.s32 s18, s1  }
0xf: {  	s11 =	sadd.s32 s19, s1;
	s20 =	sadd.s32 $0x34000, s4;
	s4 =	sadd.s32 $0x29C00, s4  }
0x10: {  	s12 =	sadd.s32 s21, s22;
	s23 =	sshrl.u32 s15, $0x3;
	s25 =	sshrl.u32 s16, $0x3  }
0x11: {  	s16 =	sshrl.u32 s17, $0x3;
	s18 =	sshrl.u32 s18, $0x3;
	[dreg:$0x6] =	wrdreg s20  }
0x12: {  	s19 =	sshrl.u32 s19, $0x3;
	s20 =	simm.s32 $0x52800;
	[dreg:$0x7] =	wrdreg s4  }
0x13: {  	[dreg:$0x8] =	wrdreg s12;
	s24 =	sadd.s32 s21, s23;
	s26 =	sadd.s32 s21, s25  }
0x14: {  	s17 =	sadd.s32 s21, s16;
	s4 =	sadd.s32 s13, s22;
	[dreg:$0x9] =	wrdreg s24  }
0x15: {  	s22 =	sadd.s32 s13, s16;
	s28 =	smax.u32 s14, $0x1;
	[dreg:$0xa] =	wrdreg s26  }
0x16: {  	s14 =	simm.s32 $0x64;
	s16 =	simm.s32 $0xA280;
	[dreg:$0xb] =	wrdreg s17  }
0x17: {  	s20 =	simm.s32 @!p0 $0x3EE00;
	p0 =	sne.s32 s3, $0x0;
	[dreg:$0xc] =	wrdreg s4  }
0x18: {  	[dreg:$0xf] =	wrdreg s22;
	s24 =	sadd.s32 s13, s18;
	s26 =	sadd.s32 s13, s19  }
0x19: {  	s17 =	simm.s32 $0x2;
	s22 =	simm.s32 $0x7;
	s4 =	simm.s32 $0x8  }
0x1a: {  	s15 =	sadd.s32 s20, s0;
	s20 =	sadd.s32 s13, s23;
	[dreg:$0x11] =	wrdreg s24  }
0x1b: {  	s0 =	sadd.s32 s13, s25;
	s23 =	sadd.s32 s21, s18;
	[dreg:$0x13] =	wrdreg s26  }
.Ltmp0:
0x1c: {  	s25 =	sadd.s32 s21, s19;
	[dreg:$0xd] =	wrdreg s20;
	(pc) =	sbr.rel .LBB2_1-.Ltmp0, $4  }
0x1d: {  	s18 =	simm.s32 $0xBB80;
	s19 =	simm.s32 $0x1;
	[dreg:$0xe] =	wrdreg s0  }
0x1e: {  	s21 =	simm.s32 $0xD480;
	s24 =	simm.s32 $0xED80;
	[dreg:$0x10] =	wrdreg s23  }
0x1f: {  	s26 =	simm.s32 $0x4;
	[dreg:$0x12] =	wrdreg s25;
	s0 =	simm.s32 $0x5140  }
0x20: {  	s20 =	simm.s32 $0x5;
	s25 =	simm.s32 $0x3;
	s23 =	simm.s32 $0x6  }
.LBB2_6:
0x21: {  	[tilespmem:s30], [sflag:$0x9] =	stream.linear.gather [spmem:s29], $0x400, $0x38;
	[tilespmem:$0x1BCC0] =	vst v63  }
0x22: {  	_ =	swait.ge [sflag:s31], $0x400  }
0x23: {  	[sflag:s31] =	ssyncset.done $0x0  }
0x24: {  	s3 =	sadd.s32 $0x13800, s3;
	[sflag:s31] =	ssyncadd.s32 $0xFFFFFC00  }
0x25: {  	[hbm4b:s3+s2] =	stream.linear.scatter [tilespmem:s30], [sflag:$0x9], $0x400, $0x38;
	[tilespmem:$0x1BCC0] =	vst v63  }
0x26: {  	_ =	swait.ge [sflag:s31], $0x400  }
0x27: {  	[sflag:s31] =	ssyncset.done $0x0  }
0x28: {  	[sflag:s31] =	ssyncadd.s32 $0xFFFFFC00  }
.LBB2_7:
0x29: {  	s5 =	sadd.s32 $0x1, s5  }
0x2a: {  	p3 =	sne.s32 s5, s28  }
.Ltmp1:
0x2b: {  	_ = 	snop;
	(pc) =	sbr.rel @!p3 .LBB2_8-.Ltmp1, $1  }
0x2c: {  	_ =	sdelay $0x3  }
.LBB2_1:
0x2d: {  	s3 =	rddreg [dreg:$0x3]  }
0x2e: {  	[tilespmem:s30], [sflag:$0x9] =	stream.linear.gather [hbm4b:s3+s2], $0x1A00, $0x38;
	[tilespmem:$0x1BCC0] =	vst v63  }
0x2f: {  	_ =	swait.ge [sflag:s31], $0x1A00  }
0x30: {  	[sflag:s31] =	ssyncset.done $0x0  }
0x31: {  	[sflag:s31] =	ssyncadd.s32 $0xFFFFE600  }
0x32: {  	[spmem:s6] =	stream.linear.scatter [tilespmem:s30], [sflag:$0x9], $0x1A00, $0x38;
	[tilespmem:$0x1BCC0] =	vst v63  }
0x33: {  	_ =	swait.ge [sflag:s31], $0x1A00  }
0x34: {  	[sflag:s31] =	ssyncset.done $0x0  }
0x35: {  	[sflag:s31] =	ssyncadd.s32 $0xFFFFE600  }
0x36: {  	[spmem:s7] =	stream.linear.scatter [tilespmem:s30], [sflag:$0x9], $0x1A00, $0x38;
	[tilespmem:$0x1BCC0] =	vst v63  }
0x37: {  	_ =	swait.ge [sflag:s31], $0x1A00  }
0x38: {  	[sflag:s31] =	ssyncset.done $0x0  }
0x39: {  	[sflag:s31] =	ssyncadd.s32 $0xFFFFE600  }
0x3a: {  	[spmem:s8] =	stream.linear.scatter [tilespmem:s30], [sflag:$0x9], $0x1A00, $0x38;
	[tilespmem:$0x1BCC0] =	vst v63  }
0x3b: {  	_ =	swait.ge [sflag:s31], $0x1A00  }
0x3c: {  	[sflag:s31] =	ssyncset.done $0x0  }
0x3d: {  	[sflag:s31] =	ssyncadd.s32 $0xFFFFE600  }
0x3e: {  	[spmem:s9] =	stream.linear.scatter [tilespmem:s30], [sflag:$0x9], $0x1A00, $0x38;
	[tilespmem:$0x1BCC0] =	vst v63  }
0x3f: {  	_ =	swait.ge [sflag:s31], $0x1A00  }
0x40: {  	[sflag:s31] =	ssyncset.done $0x0  }
0x41: {  	[sflag:s31] =	ssyncadd.s32 $0xFFFFE600  }
0x42: {  	[spmem:s10] =	stream.linear.scatter [tilespmem:s30], [sflag:$0x9], $0x1A00, $0x38;
	[tilespmem:$0x1BCC0] =	vst v63  }
0x43: {  	_ =	swait.ge [sflag:s31], $0x1A00  }
0x44: {  	[sflag:s31] =	ssyncset.done $0x0  }
0x45: {  	[sflag:s31] =	ssyncadd.s32 $0xFFFFE600  }
0x46: {  	[spmem:s11] =	stream.linear.scatter [tilespmem:s30], [sflag:$0x9], $0x1A00, $0x38;
	[tilespmem:$0x1BCC0] =	vst v63  }
0x47: {  	_ =	swait.ge [sflag:s31], $0x1A00  }
0x48: {  	[sflag:s31] =	ssyncset.done $0x0  }
0x49: {  	s3 =	simm.s32 @!p0 $0x10680;
	[sflag:s31] =	ssyncadd.s32 $0xFFFFE600  }
0x4a: {  	[spmem:s29] =	stream.linear.scatter @!p0 [tilespmem:s3], [sflag:$0x9], $0x400, $0x38;
	[tilespmem:$0x1BCC0] =	vst v63  }
0x4b: {  	s3 =	simm.s32 @!p0 $0x9  }
0x4c: {  	_ =	swait.ge @!p0 [sflag:s3], $0x400  }
0x4d: {  	[sflag:s3] =	ssyncset.done @!p0 $0x0  }
0x4e: {  	s13 =	rddreg [dreg:$0x6];
	[sflag:s3] =	ssyncadd.s32 @!p0 $0xFFFFFC00  }
0x4f: {  	[tilespmem:s2], [sflag:$0x9] =	stream.linear.gather [hbm4b:s13+s2], $0x5140, $0x38;
	[tilespmem:$0x1BCC0] =	vst v63  }
0x50: {  	_ =	swait.ge [sflag:s31], $0x5140  }
0x51: {  	[sflag:s31] =	ssyncset.done $0x0  }
0x52: {  	s12 =	rddreg [dreg:$0x7];
	[sflag:s31] =	ssyncadd.s32 $0xFFFFAEC0  }
0x53: {  	[tilespmem:s0], [sflag:$0x9] =	stream.linear.gather [hbm4b:s12+s2], $0x5140, $0x38;
	[tilespmem:$0x1BCC0] =	vst v63  }
0x54: {  	_ =	swait.ge [sflag:s31], $0x5140  }
0x55: {  	[sflag:s31] =	ssyncset.done $0x0  }
0x56: {  	[sflag:s31] =	ssyncadd.s32 $0xFFFFAEC0  }
0x57: {  	[bflag:$0x0] =	sbarrier.arrive $0xFFFF  }
0x58: {  	[tilespmem:s16], [sflag:$0x1] =	stream.indirect.gather [hbm4b:s15+s14], $0x40, s2, s14, $0xb8;
	[tilespmem:$0x1BCC0] =	vst v63  }
0x59: {  	s13 =	simm.s32 $0x68  }
0x5a: {  	[tilespmem:s18], [sflag:$0x2] =	stream.indirect.gather [hbm4b:s15+s14], $0x40, s13, s14, $0xb8;
	[tilespmem:$0x1BCC0] =	vst v63  }
0x5b: {  	_ =	swait.ge [sflag:s19], $0x1900  }
0x5c: {  	[sflag:s19] =	ssyncset.done $0x0  }
0x5d: {  	[sflag:s19] =	ssyncadd.s32 $0xFFFFE700  }
0x5e: {  	[spmem:s1] =	stream.indirect.scatter.add.f32 [tilespmem:s16], [sflag:$0x5], $0x40, s0, s14, $0xb8;
	[tilespmem:$0x1BCC0] =	vst v63  }
0x5f: {  	s12 =	simm.s32 $0xD0  }
0x60: {  	[tilespmem:s21], [sflag:$0x3] =	stream.indirect.gather [hbm4b:s15+s14], $0x40, s12, s14, $0xb8;
	[tilespmem:$0x1BCC0] =	vst v63  }
0x61: {  	_ =	swait.ge [sflag:s17], $0x1900  }
0x62: {  	[sflag:s17] =	ssyncset.done $0x0  }
0x63: {  	s13 =	simm.s32 $0x51A8;
	[sflag:s17] =	ssyncadd.s32 $0xFFFFE700  }
0x64: {  	[spmem:s1] =	stream.indirect.scatter.add.f32 [tilespmem:s18], [sflag:$0x6], $0x40, s13, s14, $0xb8;
	[tilespmem:$0x1BCC0] =	vst v63  }
0x65: {  	s12 =	simm.s32 $0x138  }
0x66: {  	[tilespmem:s24], [sflag:$0x4] =	stream.indirect.gather [hbm4b:s15+s14], $0x40, s12, s14, $0xb8;
	[tilespmem:$0x1BCC0] =	vst v63  }
0x67: {  	_ =	swait.ge [sflag:s20], $0x1900  }
0x68: {  	[sflag:s20] =	ssyncset.done $0x0  }
0x69: {  	[sflag:s20] =	ssyncadd.s32 $0xFFFFE700  }
0x6a: {  	_ =	swait.ge [sflag:s25], $0x1900  }
0x6b: {  	[sflag:s25] =	ssyncset.done $0x0  }
0x6c: {  	s13 =	simm.s32 $0x5210;
	[sflag:s25] =	ssyncadd.s32 $0xFFFFE700  }
0x6d: {  	[spmem:s1] =	stream.indirect.scatter.add.f32 [tilespmem:s21], [sflag:$0x7], $0x40, s13, s14, $0xb8;
	[tilespmem:$0x1BCC0] =	vst v63  }
0x6e: {  	s12 =	simm.s32 $0x1A0  }
0x6f: {  	[tilespmem:s16], [sflag:$0x1] =	stream.indirect.gather [hbm4b:s15+s14], $0x40, s12, s14, $0xb8;
	[tilespmem:$0x1BCC0] =	vst v63  }
0x70: {  	_ =	swait.ge [sflag:s23], $0x1900  }
0x71: {  	[sflag:s23] =	ssyncset.done $0x0  }
0x72: {  	[sflag:s23] =	ssyncadd.s32 $0xFFFFE700  }
0x73: {  	_ =	swait.ge [sflag:s26], $0x1900  }
0x74: {  	[sflag:s26] =	ssyncset.done $0x0  }
0x75: {  	s13 =	simm.s32 $0x5278;
	[sflag:s26] =	ssyncadd.s32 $0xFFFFE700  }
0x76: {  	[spmem:s1] =	stream.indirect.scatter.add.f32 [tilespmem:s24], [sflag:$0x8], $0x40, s13, s14, $0xb8;
	[tilespmem:$0x1BCC0] =	vst v63  }
0x77: {  	s12 =	simm.s32 $0x208  }
0x78: {  	[tilespmem:s18], [sflag:$0x2] =	stream.indirect.gather [hbm4b:s15+s14], $0x40, s12, s14, $0xb8;
	[tilespmem:$0x1BCC0] =	vst v63  }
0x79: {  	_ =	swait.ge [sflag:s22], $0x1900  }
0x7a: {  	[sflag:s22] =	ssyncset.done $0x0  }
0x7b: {  	[sflag:s22] =	ssyncadd.s32 $0xFFFFE700  }
0x7c: {  	_ =	swait.ge [sflag:s19], $0x1900  }
0x7d: {  	[sflag:s19] =	ssyncset.done $0x0  }
0x7e: {  	s13 =	simm.s32 $0x52E0;
	[sflag:s19] =	ssyncadd.s32 $0xFFFFE700  }
0x7f: {  	[spmem:s1] =	stream.indirect.scatter.add.f32 [tilespmem:s16], [sflag:$0x5], $0x40, s13, s14, $0xb8;
	[tilespmem:$0x1BCC0] =	vst v63  }
0x80: {  	s12 =	simm.s32 $0x270  }
0x81: {  	[tilespmem:s21], [sflag:$0x3] =	stream.indirect.gather [hbm4b:s15+s14], $0x40, s12, s14, $0xb8;
	[tilespmem:$0x1BCC0] =	vst v63  }
0x82: {  	_ =	swait.ge [sflag:s4], $0x1900  }
0x83: {  	[sflag:s4] =	ssyncset.done $0x0  }
0x84: {  	[sflag:s4] =	ssyncadd.s32 $0xFFFFE700  }
0x85: {  	_ =	swait.ge [sflag:s17], $0x1900  }
0x86: {  	[sflag:s17] =	ssyncset.done $0x0  }
0x87: {  	s13 =	simm.s32 $0x5348;
	[sflag:s17] =	ssyncadd.s32 $0xFFFFE700  }
0x88: {  	[spmem:s1] =	stream.indirect.scatter.add.f32 [tilespmem:s18], [sflag:$0x6], $0x40, s13, s14, $0xb8;
	[tilespmem:$0x1BCC0] =	vst v63  }
0x89: {  	s12 =	simm.s32 $0x2D8  }
0x8a: {  	[tilespmem:s24], [sflag:$0x4] =	stream.indirect.gather [hbm4b:s15+s14], $0x40, s12, s14, $0xb8;
	[tilespmem:$0x1BCC0] =	vst v63  }
0x8b: {  	_ =	swait.ge [sflag:s20], $0x1900  }
0x8c: {  	[sflag:s20] =	ssyncset.done $0x0  }
0x8d: {  	[sflag:s20] =	ssyncadd.s32 $0xFFFFE700  }
0x8e: {  	_ =	swait.ge [sflag:s25], $0x1900  }
0x8f: {  	[sflag:s25] =	ssyncset.done $0x0  }
0x90: {  	s13 =	simm.s32 $0x53B0;
	[sflag:s25] =	ssyncadd.s32 $0xFFFFE700  }
0x91: {  	[spmem:s1] =	stream.indirect.scatter.add.f32 [tilespmem:s21], [sflag:$0x7], $0x40, s13, s14, $0xb8;
	[tilespmem:$0x1BCC0] =	vst v63  }
0x92: {  	s12 =	simm.s32 $0x340  }
0x93: {  	[tilespmem:s16], [sflag:$0x1] =	stream.indirect.gather [hbm4b:s15+s14], $0x40, s12, s14, $0xb8;
	[tilespmem:$0x1BCC0] =	vst v63  }
0x94: {  	_ =	swait.ge [sflag:s23], $0x1900  }
0x95: {  	[sflag:s23] =	ssyncset.done $0x0  }
0x96: {  	[sflag:s23] =	ssyncadd.s32 $0xFFFFE700  }
0x97: {  	_ =	swait.ge [sflag:s26], $0x1900  }
0x98: {  	s3 =	simm.s32 $0x680;
	[sflag:s26] =	ssyncset.done $0x0  }
0x99: {  	s13 =	simm.s32 $0x5418;
	s12 =	simm.s32 $0x3A8;
	[sflag:s26] =	ssyncadd.s32 $0xFFFFE700  }
0x9a: {  	[spmem:s1] =	stream.indirect.scatter.add.f32 [tilespmem:s24], [sflag:$0x8], $0x40, s13, s14, $0xb8;
	[tilespmem:$0x1BCC0] =	vst v63  }
.LBB2_2:
0x9b: {  	[tilespmem:s18], [sflag:$0x2] =	stream.indirect.gather [hbm4b:s15+s14], $0x40, s12, s14, $0xb8;
	[tilespmem:$0x1BCC0] =	vst v63  }
0x9c: {  	s12 =	smov.u32 s3  }
0x9d: {  	p3 =	sne.s32 s3, $0x13180;
	s3 =	sadd.s32 $0x680, s3;
	_ =	swait.ge [sflag:s22], $0x1900  }
0x9e: {  	[sflag:s22] =	ssyncset.done $0x0  }
0x9f: {  	[sflag:s22] =	ssyncadd.s32 $0xFFFFE700  }
0xa0: {  	_ =	swait.ge [sflag:s19], $0x1900  }
0xa1: {  	s12 =	sshra.s32 s12, $0x2;
	[sflag:s19] =	ssyncset.done $0x0  }
0xa2: {  	s13 =	sadd.s32 $0x52E0, s12;
	[sflag:s19] =	ssyncadd.s32 $0xFFFFE700  }
0xa3: {  	[spmem:s1] =	stream.indirect.scatter.add.f32 [tilespmem:s16], [sflag:$0x5], $0x40, s13, s14, $0xb8;
	[tilespmem:$0x1BCC0] =	vst v63  }
0xa4: {  	s13 =	sadd.s32 $0x270, s12  }
0xa5: {  	[tilespmem:s21], [sflag:$0x3] =	stream.indirect.gather [hbm4b:s15+s14], $0x40, s13, s14, $0xb8;
	[tilespmem:$0x1BCC0] =	vst v63  }
0xa6: {  	_ =	swait.ge [sflag:s4], $0x1900  }
0xa7: {  	[sflag:s4] =	ssyncset.done $0x0  }
0xa8: {  	[sflag:s4] =	ssyncadd.s32 $0xFFFFE700  }
0xa9: {  	_ =	swait.ge [sflag:s17], $0x1900  }
0xaa: {  	[sflag:s17] =	ssyncset.done $0x0  }
0xab: {  	s13 =	sadd.s32 $0x5348, s12;
	[sflag:s17] =	ssyncadd.s32 $0xFFFFE700  }
0xac: {  	[spmem:s1] =	stream.indirect.scatter.add.f32 [tilespmem:s18], [sflag:$0x6], $0x40, s13, s14, $0xb8;
	[tilespmem:$0x1BCC0] =	vst v63  }
0xad: {  	s13 =	sadd.s32 $0x2D8, s12  }
0xae: {  	[tilespmem:s24], [sflag:$0x4] =	stream.indirect.gather [hbm4b:s15+s14], $0x40, s13, s14, $0xb8;
	[tilespmem:$0x1BCC0] =	vst v63  }
0xaf: {  	_ =	swait.ge [sflag:s20], $0x1900  }
0xb0: {  	[sflag:s20] =	ssyncset.done $0x0  }
0xb1: {  	[sflag:s20] =	ssyncadd.s32 $0xFFFFE700  }
0xb2: {  	_ =	swait.ge [sflag:s25], $0x1900  }
0xb3: {  	[sflag:s25] =	ssyncset.done $0x0  }
0xb4: {  	s13 =	sadd.s32 $0x53B0, s12;
	[sflag:s25] =	ssyncadd.s32 $0xFFFFE700  }
0xb5: {  	[spmem:s1] =	stream.indirect.scatter.add.f32 [tilespmem:s21], [sflag:$0x7], $0x40, s13, s14, $0xb8;
	[tilespmem:$0x1BCC0] =	vst v63  }
0xb6: {  	s13 =	sadd.s32 $0x340, s12  }
0xb7: {  	[tilespmem:s16], [sflag:$0x1] =	stream.indirect.gather [hbm4b:s15+s14], $0x40, s13, s14, $0xb8;
	[tilespmem:$0x1BCC0] =	vst v63  }
0xb8: {  	_ =	swait.ge [sflag:s23], $0x1900  }
0xb9: {  	[sflag:s23] =	ssyncset.done $0x0  }
0xba: {  	[sflag:s23] =	ssyncadd.s32 $0xFFFFE700  }
.Ltmp2:
0xbb: {  	_ =	swait.ge [sflag:s26], $0x1900;
	(pc) =	sbr.rel @p3 .LBB2_2-.Ltmp2, $4  }
0xbc: {  	[sflag:s26] =	ssyncset.done $0x0  }
0xbd: {  	s13 =	sadd.s32 $0x5418, s12;
	[sflag:s26] =	ssyncadd.s32 $0xFFFFE700  }
0xbe: {  	[spmem:s1] =	stream.indirect.scatter.add.f32 [tilespmem:s24], [sflag:$0x8], $0x40, s13, s14, $0xb8;
	[tilespmem:$0x1BCC0] =	vst v63  }
0xbf: {  	s12 =	sadd.s32 $0x3A8, s12  }
0xc0: {  	[tilespmem:s18], [sflag:$0x2] =	stream.indirect.gather [hbm4b:s15+s14], $0x40, s12, s14, $0xb8;
	[tilespmem:$0x1BCC0] =	vst v63  }
0xc1: {  	_ =	swait.ge [sflag:s22], $0x1900  }
0xc2: {  	[sflag:s22] =	ssyncset.done $0x0  }
0xc3: {  	[sflag:s22] =	ssyncadd.s32 $0xFFFFE700  }
0xc4: {  	_ =	swait.ge [sflag:s19], $0x1900  }
0xc5: {  	[sflag:s19] =	ssyncset.done $0x0  }
0xc6: {  	s3 =	simm.s32 $0xA0E0;
	[sflag:s19] =	ssyncadd.s32 $0xFFFFE700  }
0xc7: {  	[spmem:s1] =	stream.indirect.scatter.add.f32 [tilespmem:s16], [sflag:$0x5], $0x40, s3, s14, $0xb8;
	[tilespmem:$0x1BCC0] =	vst v63  }
0xc8: {  	s13 =	simm.s32 $0x5070  }
0xc9: {  	[tilespmem:s21], [sflag:$0x3] =	stream.indirect.gather [hbm4b:s15+s14], $0x40, s13, s14, $0xb8;
	[tilespmem:$0x1BCC0] =	vst v63  }
0xca: {  	_ =	swait.ge [sflag:s4], $0x1900  }
0xcb: {  	[sflag:s4] =	ssyncset.done $0x0  }
0xcc: {  	[sflag:s4] =	ssyncadd.s32 $0xFFFFE700  }
0xcd: {  	_ =	swait.ge [sflag:s17], $0x1900  }
0xce: {  	[sflag:s17] =	ssyncset.done $0x0  }
0xcf: {  	s12 =	simm.s32 $0xA148;
	[sflag:s17] =	ssyncadd.s32 $0xFFFFE700  }
0xd0: {  	[spmem:s1] =	stream.indirect.scatter.add.f32 [tilespmem:s18], [sflag:$0x6], $0x40, s12, s14, $0xb8;
	[tilespmem:$0x1BCC0] =	vst v63  }
0xd1: {  	s13 =	simm.s32 $0x50D8  }
0xd2: {  	[tilespmem:s24], [sflag:$0x4] =	stream.indirect.gather [hbm4b:s15+s14], $0x40, s13, s14, $0xb8;
	[tilespmem:$0x1BCC0] =	vst v63  }
0xd3: {  	_ =	swait.ge [sflag:s20], $0x1900  }
0xd4: {  	[sflag:s20] =	ssyncset.done $0x0  }
0xd5: {  	[sflag:s20] =	ssyncadd.s32 $0xFFFFE700  }
0xd6: {  	_ =	swait.ge [sflag:s25], $0x1900  }
0xd7: {  	[sflag:s25] =	ssyncset.done $0x0  }
0xd8: {  	s12 =	simm.s32 $0xA1B0;
	[sflag:s25] =	ssyncadd.s32 $0xFFFFE700  }
0xd9: {  	[spmem:s1] =	stream.indirect.scatter.add.f32 [tilespmem:s21], [sflag:$0x7], $0x40, s12, s14, $0xb8;
	[tilespmem:$0x1BCC0] =	vst v63  }
0xda: {  	_ =	swait.ge [sflag:s23], $0x1900  }
0xdb: {  	[sflag:s23] =	ssyncset.done $0x0  }
0xdc: {  	[sflag:s23] =	ssyncadd.s32 $0xFFFFE700  }
0xdd: {  	_ =	swait.ge [sflag:s26], $0x1900  }
0xde: {  	[sflag:s26] =	ssyncset.done $0x0  }
0xdf: {  	s13 =	simm.s32 $0xA218;
	[sflag:s26] =	ssyncadd.s32 $0xFFFFE700  }
0xe0: {  	[spmem:s1] =	stream.indirect.scatter.add.f32 [tilespmem:s24], [sflag:$0x8], $0x40, s13, s14, $0xb8;
	[tilespmem:$0x1BCC0] =	vst v63  }
0xe1: {  	_ =	swait.ge [sflag:s22], $0x1900  }
0xe2: {  	[sflag:s22] =	ssyncset.done $0x0  }
0xe3: {  	[sflag:s22] =	ssyncadd.s32 $0xFFFFE700  }
0xe4: {  	_ =	swait.ge [sflag:s4], $0x1900  }
0xe5: {  	[sflag:s4] =	ssyncset.done $0x0  }
0xe6: {  	[sflag:s4] =	ssyncadd.s32 $0xFFFFE700  }
.Ltmp3:
0xe7: {  	[bflag:$0x0] =	sbarrier.arrive $0xFFFF;
	(pc) =	sbr.rel @p1 .LBB2_5-.Ltmp3, $4  }
0xe8: {  	[tilespmem:s30], [sflag:$0x9] =	stream.linear.gather [spmem:s6], $0x1A00, $0x38;
	[tilespmem:$0x1BCC0] =	vst v63  }
0xe9: {  	_ =	swait.ge [sflag:s31], $0x1A00  }
0xea: {  	[sflag:s31] =	ssyncset.done $0x0  }
0xeb: {  	[sflag:s31] =	ssyncadd.s32 $0xFFFFE600  }
0xec: {  	s3 =	rddreg [dreg:$0xc]  }
0xed: {  	[hbm4b:s3+s2] =	stream.linear.scatter [tilespmem:s30], [sflag:$0x9], $0x1A00, $0x38;
	[tilespmem:$0x1BCC0] =	vst v63  }
0xee: {  	_ =	swait.ge [sflag:s31], $0x1A00  }
0xef: {  	[sflag:s31] =	ssyncset.done $0x0  }
0xf0: {  	[sflag:s31] =	ssyncadd.s32 $0xFFFFE600  }
0xf1: {  	[tilespmem:s30], [sflag:$0x9] =	stream.linear.gather [spmem:s7], $0x1A00, $0x38;
	[tilespmem:$0x1BCC0] =	vst v63  }
0xf2: {  	_ =	swait.ge [sflag:s31], $0x1A00  }
0xf3: {  	[sflag:s31] =	ssyncset.done $0x0  }
0xf4: {  	s13 =	rddreg [dreg:$0xd];
	[sflag:s31] =	ssyncadd.s32 $0xFFFFE600  }
0xf5: {  	[hbm4b:s13+s2] =	stream.linear.scatter [tilespmem:s30], [sflag:$0x9], $0x1A00, $0x38;
	[tilespmem:$0x1BCC0] =	vst v63  }
0xf6: {  	_ =	swait.ge [sflag:s31], $0x1A00  }
0xf7: {  	[sflag:s31] =	ssyncset.done $0x0  }
0xf8: {  	[sflag:s31] =	ssyncadd.s32 $0xFFFFE600  }
0xf9: {  	[tilespmem:s30], [sflag:$0x9] =	stream.linear.gather [spmem:s8], $0x1A00, $0x38;
	[tilespmem:$0x1BCC0] =	vst v63  }
0xfa: {  	_ =	swait.ge [sflag:s31], $0x1A00  }
0xfb: {  	[sflag:s31] =	ssyncset.done $0x0  }
0xfc: {  	s12 =	rddreg [dreg:$0xe];
	[sflag:s31] =	ssyncadd.s32 $0xFFFFE600  }
0xfd: {  	[hbm4b:s12+s2] =	stream.linear.scatter [tilespmem:s30], [sflag:$0x9], $0x1A00, $0x38;
	[tilespmem:$0x1BCC0] =	vst v63  }
0xfe: {  	_ =	swait.ge [sflag:s31], $0x1A00  }
0xff: {  	[sflag:s31] =	ssyncset.done $0x0  }
0x100: {  	[sflag:s31] =	ssyncadd.s32 $0xFFFFE600  }
0x101: {  	[tilespmem:s30], [sflag:$0x9] =	stream.linear.gather [spmem:s9], $0x1A00, $0x38;
	[tilespmem:$0x1BCC0] =	vst v63  }
0x102: {  	_ =	swait.ge [sflag:s31], $0x1A00  }
0x103: {  	[sflag:s31] =	ssyncset.done $0x0  }
0x104: {  	s13 =	rddreg [dreg:$0xf];
	[sflag:s31] =	ssyncadd.s32 $0xFFFFE600  }
0x105: {  	[hbm4b:s13+s2] =	stream.linear.scatter [tilespmem:s30], [sflag:$0x9], $0x1A00, $0x38;
	[tilespmem:$0x1BCC0] =	vst v63  }
0x106: {  	_ =	swait.ge [sflag:s31], $0x1A00  }
0x107: {  	[sflag:s31] =	ssyncset.done $0x0  }
0x108: {  	[sflag:s31] =	ssyncadd.s32 $0xFFFFE600  }
0x109: {  	[tilespmem:s30], [sflag:$0x9] =	stream.linear.gather [spmem:s10], $0x1A00, $0x38;
	[tilespmem:$0x1BCC0] =	vst v63  }
0x10a: {  	_ =	swait.ge [sflag:s31], $0x1A00  }
0x10b: {  	[sflag:s31] =	ssyncset.done $0x0  }
0x10c: {  	s12 =	rddreg [dreg:$0x11];
	[sflag:s31] =	ssyncadd.s32 $0xFFFFE600  }
0x10d: {  	[hbm4b:s12+s2] =	stream.linear.scatter [tilespmem:s30], [sflag:$0x9], $0x1A00, $0x38;
	[tilespmem:$0x1BCC0] =	vst v63  }
0x10e: {  	_ =	swait.ge [sflag:s31], $0x1A00  }
0x10f: {  	[sflag:s31] =	ssyncset.done $0x0  }
0x110: {  	[sflag:s31] =	ssyncadd.s32 $0xFFFFE600  }
0x111: {  	[tilespmem:s30], [sflag:$0x9] =	stream.linear.gather [spmem:s11], $0x1A00, $0x38;
	[tilespmem:$0x1BCC0] =	vst v63  }
0x112: {  	_ =	swait.ge [sflag:s31], $0x1A00  }
0x113: {  	[sflag:s31] =	ssyncset.done $0x0  }
0x114: {  	s13 =	rddreg [dreg:$0x13];
	[sflag:s31] =	ssyncadd.s32 $0xFFFFE600  }
0x115: {  	[hbm4b:s13+s2] =	stream.linear.scatter [tilespmem:s30], [sflag:$0x9], $0x1A00, $0x38;
	[tilespmem:$0x1BCC0] =	vst v63  }
.Ltmp4:
0x116: {  	_ = 	snop;
	(pc) =	sbr.rel @!p2 .LBB2_7-.Ltmp4, $4  }
.Ltmp5:
0x117: {  	_ = 	snop;
	(pc) =	sbr.rel @p2 .LBB2_6-.Ltmp5, $4  }
0x118: {  	_ =	swait.ge [sflag:s31], $0x1A00  }
0x119: {  	[sflag:s31] =	ssyncset.done $0x0  }
0x11a: {  	s3 =	rddreg [dreg:$0x4];
	[sflag:s31] =	ssyncadd.s32 $0xFFFFE600  }
0x11b: {  	_ = 	snop  }
.LBB2_5:
0x11c: {  	s3 =	rddreg [dreg:$0x8]  }
0x11d: {  	[hbm4b:s3+s2] =	stream.linear.scatter [tilespmem:s30], [sflag:$0x9], $0x1A00, $0x38;
	[tilespmem:$0x1BCC0] =	vst v63  }
0x11e: {  	_ =	swait.ge [sflag:s31], $0x1A00  }
0x11f: {  	[sflag:s31] =	ssyncset.done $0x0  }
0x120: {  	[sflag:s31] =	ssyncadd.s32 $0xFFFFE600  }
0x121: {  	[tilespmem:s30], [sflag:$0x9] =	stream.linear.gather [spmem:s7], $0x1A00, $0x38;
	[tilespmem:$0x1BCC0] =	vst v63  }
0x122: {  	_ =	swait.ge [sflag:s31], $0x1A00  }
0x123: {  	[sflag:s31] =	ssyncset.done $0x0  }
0x124: {  	s13 =	rddreg [dreg:$0x9];
	[sflag:s31] =	ssyncadd.s32 $0xFFFFE600  }
0x125: {  	[hbm4b:s13+s2] =	stream.linear.scatter [tilespmem:s30], [sflag:$0x9], $0x1A00, $0x38;
	[tilespmem:$0x1BCC0] =	vst v63  }
0x126: {  	_ =	swait.ge [sflag:s31], $0x1A00  }
0x127: {  	[sflag:s31] =	ssyncset.done $0x0  }
0x128: {  	[sflag:s31] =	ssyncadd.s32 $0xFFFFE600  }
0x129: {  	[tilespmem:s30], [sflag:$0x9] =	stream.linear.gather [spmem:s8], $0x1A00, $0x38;
	[tilespmem:$0x1BCC0] =	vst v63  }
0x12a: {  	_ =	swait.ge [sflag:s31], $0x1A00  }
0x12b: {  	[sflag:s31] =	ssyncset.done $0x0  }
0x12c: {  	s12 =	rddreg [dreg:$0xa];
	[sflag:s31] =	ssyncadd.s32 $0xFFFFE600  }
0x12d: {  	[hbm4b:s12+s2] =	stream.linear.scatter [tilespmem:s30], [sflag:$0x9], $0x1A00, $0x38;
	[tilespmem:$0x1BCC0] =	vst v63  }
0x12e: {  	_ =	swait.ge [sflag:s31], $0x1A00  }
0x12f: {  	[sflag:s31] =	ssyncset.done $0x0  }
0x130: {  	[sflag:s31] =	ssyncadd.s32 $0xFFFFE600  }
0x131: {  	[tilespmem:s30], [sflag:$0x9] =	stream.linear.gather [spmem:s9], $0x1A00, $0x38;
	[tilespmem:$0x1BCC0] =	vst v63  }
0x132: {  	_ =	swait.ge [sflag:s31], $0x1A00  }
0x133: {  	[sflag:s31] =	ssyncset.done $0x0  }
0x134: {  	s13 =	rddreg [dreg:$0xb];
	[sflag:s31] =	ssyncadd.s32 $0xFFFFE600  }
0x135: {  	[hbm4b:s13+s2] =	stream.linear.scatter [tilespmem:s30], [sflag:$0x9], $0x1A00, $0x38;
	[tilespmem:$0x1BCC0] =	vst v63  }
0x136: {  	_ =	swait.ge [sflag:s31], $0x1A00  }
0x137: {  	[sflag:s31] =	ssyncset.done $0x0  }
0x138: {  	[sflag:s31] =	ssyncadd.s32 $0xFFFFE600  }
0x139: {  	[tilespmem:s30], [sflag:$0x9] =	stream.linear.gather [spmem:s10], $0x1A00, $0x38;
	[tilespmem:$0x1BCC0] =	vst v63  }
0x13a: {  	_ =	swait.ge [sflag:s31], $0x1A00  }
0x13b: {  	[sflag:s31] =	ssyncset.done $0x0  }
0x13c: {  	s12 =	rddreg [dreg:$0x10];
	[sflag:s31] =	ssyncadd.s32 $0xFFFFE600  }
0x13d: {  	[hbm4b:s12+s2] =	stream.linear.scatter [tilespmem:s30], [sflag:$0x9], $0x1A00, $0x38;
	[tilespmem:$0x1BCC0] =	vst v63  }
0x13e: {  	_ =	swait.ge [sflag:s31], $0x1A00  }
0x13f: {  	[sflag:s31] =	ssyncset.done $0x0  }
0x140: {  	[sflag:s31] =	ssyncadd.s32 $0xFFFFE600  }
0x141: {  	[tilespmem:s30], [sflag:$0x9] =	stream.linear.gather [spmem:s11], $0x1A00, $0x38;
	[tilespmem:$0x1BCC0] =	vst v63  }
0x142: {  	_ =	swait.ge [sflag:s31], $0x1A00  }
0x143: {  	[sflag:s31] =	ssyncset.done $0x0  }
0x144: {  	s13 =	rddreg [dreg:$0x12];
	[sflag:s31] =	ssyncadd.s32 $0xFFFFE600  }
0x145: {  	[hbm4b:s13+s2] =	stream.linear.scatter [tilespmem:s30], [sflag:$0x9], $0x1A00, $0x38;
	[tilespmem:$0x1BCC0] =	vst v63  }
.Ltmp6:
0x146: {  	_ = 	snop;
	(pc) =	sbr.rel @p0 .LBB2_7-.Ltmp6, $4  }
.Ltmp7:
0x147: {  	_ = 	snop;
	(pc) =	sbr.rel @!p0 .LBB2_6-.Ltmp7, $4  }
0x148: {  	_ =	swait.ge [sflag:s31], $0x1A00  }
0x149: {  	[sflag:s31] =	ssyncset.done $0x0  }
0x14a: {  	s3 =	rddreg [dreg:$0x5];
	[sflag:s31] =	ssyncadd.s32 $0xFFFFE600  }
0x14b: {  	_ = 	snop  }
.LBB2_8:
0x14c: {  	_ =	sfence.sel $0x180000  }
0x14d: {  	[bflag:$0x0] =	sbarrier.arrive $0xFFFF  }
0x14e: {  	_ =	strace $0x9000004A  }
0x14f: {  	[bflag:$0x2] =	sbarrier.arrive $0xFFFF  }
0x150: {  	s0 =	rddreg [dreg:$0x2]  }
0x151: {  	s0 =	sadd.s32 @!p0 $0x100000, s0  }
0x152: {  	[sflag:s0] =	ssyncadd.tile.s32 @!p0 $0x1;
	_ =	shalt  }
.Lfunc_end2:
_tile_overlayer_lowered:
.L_overlay_start_2:
0x153: {  	(tag) =	ssettag $0x2  }
0x154: {  	s0 =	rddreg [dreg:$0x0];
	s2 =	stileid.u32  }
0x155: {  	s1 =	rddreg [dreg:$0x1];
	p0 =	sne.s32 s2, $0x0  }
0x156: {  	s3 =	rddreg [dreg:$0x2];
	[bflag:$0x3] =	sbarrier.arrive $0xFFFF;
	s2 =	simm.s32 @!p0 $0x1C09  }
0x157: {  	[timem:s3], [sflag:s2] =	dma.local @!p0 [hbm:s0], s1  }
0x158: {  	s0 =	simm.s32 @!p0 $0x9  }
0x159: {  	_ =	swait.ge @!p0 [sflag:s0], s1  }
0x15a: {  	s1 =	ssub.s32 @!p0 $0x0, s1;
	[sflag:s0] =	ssyncset.done @!p0 $0x0  }
0x15b: {  	[sflag:s0] =	ssyncadd.s32 @!p0 s1  }
0x15c: {  	[bflag:$0x3] =	sbarrier.arrive $0xFFFF  }
0x15d: {  	_ =	shalt  }

// kernel: sc_edge_agg_deg.3.cloned.1.call-start
scs
__scs_entry_jumppad:
0x0: {  	(pc) =	sbr.rel $0x88, $3  }
0x1: {  	(tag) =	ssettag $0x0;
	lr =	simm.s32 $0x1  }
0x2: {  	[smem:$0x3F94] =	sst lr;
	_ =	strace $0xD0000000  }
0x3: {  	_ = 	snop  }
0x4: {  	_ = 	snop  }
0x5: {  	_ = 	snop  }
0x6: {  	_ = 	snop  }
0x7: {  	_ = 	snop  }
__scs_overlays_trampoline_lowered:
0x8: {  	[smem:$0x3FA3] =	sst s0  }
0x9: {  	[smem:$0x3FA4] =	sst s1  }
0xa: {  	[smem:$0x3FA5] =	sst s2  }
0xb: {  	[smem:$0x3FA6] =	sst s3  }
0xc: {  	[smem:$0x3FA7] =	sst s4  }
0xd: {  	[smem:$0x3FA8] =	sst s5  }
0xe: {  	[smem:$0x3FA9] =	sst s6  }
0xf: {  	[smem:$0x3FAA] =	sst s7  }
0x10: {  	[smem:$0x3FAB] =	sst s8  }
0x11: {  	[smem:$0x3FAC] =	sst s9;
	s0 =	simm.s32 @!p0 $0x0  }
0x12: {  	s1 =	sld [smem:$0x3F92];
	s0 =	simm.s32 @p0 $0x1  }
0x13: {  	[smem:$0x3FAD] =	sst s0;
	s0 =	simm.s32 @!p1 $0x0  }
0x14: {  	s2 =	sld [smem:$0x3F91];
	s0 =	simm.s32 @p1 $0x1  }
0x15: {  	[smem:$0x3FAE] =	sst s0;
	s0 =	simm.s32 @!p2 $0x0  }
0x16: {  	s3 =	sld [smem:$0x3FDB];
	s0 =	simm.s32 @p2 $0x1  }
0x17: {  	s4 =	simm.s32 $0x1BF5;
	[smem:$0x3FB0] =	sst s0  }
0x18: {  	s0 =	sld [smem:$0x3F93];
	_ =	swait.ge [sflag:s4], $0x0  }
0x19: {  	s7 =	sld [smem:$0x3F94]  }
0x1a: {  	s8 =	sadd.s32 $0xFFFFE003, lr  }
0x1b: {  	s9 =	sadd.s32 $0xFFFFFEF7, lr;
	s5 =	simm.s32 $0xFFFFFFFF;
	p2 =	slt.u32 s8, $0xFFFFF086  }
0x1c: {  	p1 =	slt.u32 s9, $0xF7A;
	s5 =	simm.s32 @!p2 $0x0  }
0x1d: {  	s5 =	simm.s32 @p1 $0x1;
	p0 =	seq.s32 s7, s2  }
0x1e: {  	s7 =	smul.u32 @!p0 $0xF7A, s2;
	p2 =	seq.s32 @!p0 s5, $0x0  }
0x1f: {  	s9 =	smul.u32 $0xF7A, s1;
	s8 =	simm.s32 @!p0 $0x1BF5;
	p2 =	por !p2, p0  }
0x20: {  	[sflag:s8] =	ssyncset.s32 @!p0 $0xFFFFF086;
	s6 =	sadd.s32 @!p0 s3, s7;
	s7 =	simm.s32 @!p0 $0x108  }
0x21: {  	s3 =	sadd.s32 s3, s9;
	s6 =	sadd.s32 @!p0 $0x88, s6;
	s7 =	simm.s32 @p2 $0x1082  }
0x22: {  	[simem:s7], [sflag:s8] =	dma.local @!p0 [hbm:s6], $0xF7A  }
0x23: {  	s9 =	sor.u32 $0xD0000000, s2;
	s6 =	simm.s32 $0x108;
	_ =	swait.ge @!p0 [sflag:s8], $0x0  }
0x24: {  	s3 =	sadd.s32 $0x88, s3;
	s6 =	simm.s32 @!p1 $0x1082;
	[sflag:s4] =	ssyncset.s32 $0xFFFFF086  }
0x25: {  	[simem:s6], [sflag:s4] =	dma.local [hbm:s3], $0xF7A  }
0x26: {  	[smem:$0x3F94] =	sst s1;
	(tag) =	ssettag s2;
	_ =	strace s9  }
0x27: {  	s1 =	sld [smem:$0x3FA4]  }
0x28: {  	s2 =	sld [smem:$0x3FA5]  }
0x29: {  	s4 =	sld [smem:$0x3FA7]  }
0x2a: {  	p0 =	seq.s32 s5, $0x0;
	s5 =	sld [smem:$0x3FA8]  }
0x2b: {  	s6 =	sld [smem:$0x3FA9]  }
0x2c: {  	s7 =	sld [smem:$0x3FAA]  }
0x2d: {  	s3 =	simm.s32 $0x108;
	s8 =	sld [smem:$0x3FAB]  }
0x2e: {  	s3 =	simm.s32 @!p0 $0x1082;
	s9 =	sld [smem:$0x3FAC]  }
0x2f: {  	lr =	sadd.s32 s0, s3;
	s0 =	sld [smem:$0x3FA3]  }
0x30: {  	s3 =	sld [smem:$0x3FA6]  }
0x31: {  	[smem:$0x3FAF] =	sst s10  }
0x32: {  	s10 =	sld [smem:$0x3FAD];
	_ =	sdelay $0x3  }
0x33: {  	p0 =	seq.s32 s10, $0x1;
	s10 =	sld [smem:$0x3FAF];
	_ =	sdelay $0x3  }
0x34: {  	[smem:$0x3FAF] =	sst s10  }
0x35: {  	s10 =	sld [smem:$0x3FAE];
	_ =	sdelay $0x3  }
0x36: {  	p1 =	seq.s32 s10, $0x1;
	s10 =	sld [smem:$0x3FAF];
	_ =	sdelay $0x3  }
0x37: {  	[smem:$0x3FAF] =	sst s10  }
0x38: {  	s10 =	sld [smem:$0x3FB0]  }
0x39: {  	_ = 	snop;
	(pc) =	sbr.ind lr, $3  }
0x3a: {  	_ = 	snop  }
0x3b: {  	_ = 	snop  }
0x3c: {  	p2 =	seq.s32 s10, $0x1;
	s10 =	sld [smem:$0x3FAF]  }
0x3d: {  	_ =	shalt  }
0x3e: {  	_ =	shalt  }
0x3f: {  	_ =	shalt  }
0x40: {  	_ =	shalt  }
0x41: {  	_ =	shalt  }
0x42: {  	_ =	shalt  }
0x43: {  	_ =	shalt  }
0x44: {  	_ =	shalt  }
0x45: {  	_ =	shalt  }
0x46: {  	_ =	shalt  }
0x47: {  	_ =	shalt  }
0x48: {  	_ =	shalt  }
0x49: {  	_ =	shalt  }
0x4a: {  	_ =	shalt  }
0x4b: {  	_ =	shalt  }
0x4c: {  	_ =	shalt  }
0x4d: {  	_ =	shalt  }
0x4e: {  	_ =	shalt  }
0x4f: {  	_ =	shalt  }
0x50: {  	_ =	shalt  }
0x51: {  	_ =	shalt  }
0x52: {  	_ =	shalt  }
0x53: {  	_ =	shalt  }
0x54: {  	_ =	shalt  }
0x55: {  	_ =	shalt  }
0x56: {  	_ =	shalt  }
0x57: {  	_ =	shalt  }
0x58: {  	_ =	shalt  }
0x59: {  	_ =	shalt  }
0x5a: {  	_ =	shalt  }
0x5b: {  	_ =	shalt  }
0x5c: {  	_ =	shalt  }
0x5d: {  	_ =	shalt  }
0x5e: {  	_ =	shalt  }
0x5f: {  	_ =	shalt  }
0x60: {  	_ =	shalt  }
0x61: {  	_ =	shalt  }
0x62: {  	_ =	shalt  }
0x63: {  	_ =	shalt  }
0x64: {  	_ =	shalt  }
0x65: {  	_ =	shalt  }
0x66: {  	_ =	shalt  }
0x67: {  	_ =	shalt  }
0x68: {  	_ =	shalt  }
0x69: {  	_ =	shalt  }
0x6a: {  	_ =	shalt  }
0x6b: {  	_ =	shalt  }
0x6c: {  	_ =	shalt  }
0x6d: {  	_ =	shalt  }
0x6e: {  	_ =	shalt  }
0x6f: {  	_ =	shalt  }
0x70: {  	_ =	shalt  }
0x71: {  	_ =	shalt  }
0x72: {  	_ =	shalt  }
0x73: {  	_ =	shalt  }
0x74: {  	_ =	shalt  }
0x75: {  	_ =	shalt  }
0x76: {  	_ =	shalt  }
0x77: {  	_ =	shalt  }
0x78: {  	_ =	shalt  }
0x79: {  	_ =	shalt  }
0x7a: {  	_ =	shalt  }
0x7b: {  	_ =	shalt  }
0x7c: {  	_ =	shalt  }
0x7d: {  	_ =	shalt  }
0x7e: {  	_ =	shalt  }
0x7f: {  	_ =	shalt  }
0x80: {  	_ =	shalt  }
0x81: {  	_ =	shalt  }
0x82: {  	_ =	shalt  }
0x83: {  	_ =	shalt  }
0x84: {  	_ =	shalt  }
0x85: {  	_ =	shalt  }
0x86: {  	_ =	shalt  }
0x87: {  	_ =	shalt  }
.Lfunc_end0:
.L_simem_size_0:
called_computation_lowered:
.L_overlay_start_0:
0x88: {  	s2 =	sld [smem:$0x3FD9]  }
0x89: {  	s3 =	sld [smem:$0x3FFE];
	_ =	sdelay $0x1  }
0x8a: {  	s1 =	srdreg.scid  }
0x8b: {  	s0 =	sand.u32 $0x1, s1  }
0x8c: {  	s16 =	sshll.u32 s0, $0xA;
	s2 =	sadd.s32 s3, s2  }
0x8d: {  	s2 =	sadd.s32 s2, s16  }
0x8e: {  	[smem:$0x3FBB] =	sst s2  }
0x8f: {  	_ = 	snop  }
0x90: {  	(tm) =	ssettm $0x1  }
0x91: {  	s17 =	sld [smem:$0x3FFB];
	_ =	sdelay $0x3  }
0x92: {  	_ =	strace s17  }
0x93: {  	s2 =	sld [smem:$0x3FFC];
	_ =	sdelay $0x3  }
0x94: {  	_ =	strace s2  }
0x95: {  	s2 =	sld [smem:$0x3FFD];
	_ =	sdelay $0x3  }
0x96: {  	_ =	strace s2  }
0x97: {  	_ =	strace $0x8FFFFFFF  }
0x98: {  	s18 =	sld [smem:$0x3FDB];
	_ =	sdelay $0x1  }
0x99: {  	s19 =	simm.s32 $_scs_section_size  }
0x9a: {  	s4 =	simm.s32 $_size__tile_overlayer_lowered;
	s5 =	simm.s32 $_tile_overlayer_lowered  }
0x9b: {  	s22 =	simm.s32 $0x1BFF;
	s21 =	sshll.u32 s5, $0x1;
	s2 =	sadd.s32 s19, s18  }
0x9c: {  	s6 =	simm.s32 $0x0;
	s20 =	sshll.u32 s4, $0x1;
	s4 =	sadd.s32 s21, s2  }
0x9d: {  	[timem:s6], [sflag:s22] =	dma.local [hbm:s4], s20  }
0x9e: {  	_ =	swait.ge [sflag:s22], s20  }
0x9f: {  	s3 =	ssub.s32 $0x0, s20;
	[sflag:s22] =	ssyncset.done $0x0  }
0xa0: {  	[sflag:s22] =	ssyncadd.s32 s3;
	_ =	sdelay $0x1  }
0xa1: {  	s23 =	simm.s32 $0x1B8B  }
0xa2: {  	_ =	swait.ge [sflag:s23], $0x1  }
0xa3: {  	[sflag:s23] =	ssyncset.done $0x0  }
0xa4: {  	s25 =	simm.s32 $0x1B8E;
	s24 =	sld [smem:$0x3FFE];
	[sflag:s23] =	ssyncadd.s32 $0xFFFFFFFF  }
0xa5: {  	s26 =	simm.s32 $execute0_lowered;
	[smem:$0x3FD2] =	sst s25  }
0xa6: {  	s4 =	sshll.u32 s26, $0x1;
	_ =	strace $0x80000046;
	[dreg:$0x1] =	wrdreg $0xFFFFFFFF  }
0xa7: {  	s28 =	simm.s32 $_size_execute0_lowered;
	s2 =	sadd.s32 s2, s4;
	[dreg:$0x0] =	wrdreg $0x0  }
0xa8: {  	s4 =	sshll.u32 s28, $0x1;
	[dreg:$0x2] =	wrdreg s2  }
0xa9: {  	[dreg:$0x3] =	wrdreg s4  }
0xaa: {  	[dreg:$0x4] =	wrdreg $0xC0  }
0xab: {  	_ =	task [dreg:s6], $0x5FFFF  }
0xac: {  	[dreg:$0x1] =	wrdreg $0xFFFFFFFF  }
0xad: {  	[dreg:$0x0] =	wrdreg $0x60  }
0xae: {  	[dreg:$0x2] =	wrdreg s24  }
0xaf: {  	[dreg:$0x3] =	wrdreg $0x137200  }
0xb0: {  	[dreg:$0x4] =	wrdreg $0x1D3600  }
0xb1: {  	[dreg:$0x5] =	wrdreg $0x9  }
0xb2: {  	_ =	task.clear_ibuf [dreg:s6], $0x6FFFF;
	_ =	strace $0x90000046  }
0xb3: {  	s29 =	simm.s32 $0x9;
	_ =	strace $0x80000048  }
0xb4: {  	_ =	swait.ge [sflag:s29], $0x1  }
0xb5: {  	[sflag:s29] =	ssyncadd.s32 $0xFFFFFFFF  }
0xb6: {  	_ =	strace $0x90000048  }
0xb7: {  	_ =	sfence  }
0xb8: {  	s30 =	sld [smem:$0x0];
	_ =	sdelay $0x2  }
0xb9: {  	s31 =	sshll.u32 s1, $0xD;
	s1 =	sshrl.u32 s1, $0x2  }
0xba: {  	s3 =	sand.u32 $0x4000, s31;
	s1 =	sadd.s32 s1, s30  }
0xbb: {  	s0 =	sor.u32 s3, s0;
	s1 =	sshll.u32 s1, $0x11  }
0xbc: {  	s0 =	sor.u32 s1, s0  }
0xbd: {  	s0 =	sadd.s32 $0x8F2B, s0  }
0xbe: {  	[sflag:s0] =	ssyncadd.remote.s32 $0x1  }
0xbf: {  	_ =	sfence.sel $0xFFFF  }
0xc0: {  	[dreg:$0x0] =	wrdreg $0xFFFFFFFF;
	(pc) =	sbr.abs _section_cstart, $3  }
0xc1: {  	[dreg:$0x1] =	wrdreg $0xFFFFFFFF  }
0xc2: {  	_ =	task.clear_ibuf [dreg:s6], $0x2FFFF;
	_ =	strace $0x9FFFFFFF  }
0xc3: {  	(tm) =	ssettm $0x7FFFFFFF  }
tec
execute0_lowered:
.L_overlay_start_1:
0x0: {  	(tag) =	ssettag $0x1  }
0x1: {  	s2 =	rddreg [dreg:$0x0]  }
0x2: {  	s0 =	rddreg [dreg:$0x1]  }
0x3: {  	s1 =	rddreg [dreg:$0x2]  }
0x4: {  	s3 =	srdreg.scid;
	s20 =	simm.s32 $0x0;
	s4 =	stileid.u32  }
0x5: {  	s3 =	sand.u32 $0x1, s3;
	[smem:$0x7FF] =	sst s20;
	s6 =	smul.u32 $0x9C00, s4  }
0x6: {  	s7 =	sadd.s32 $0x55000, s2;
	s8 =	sadd.s32 $0x41600, s2;
	s5 =	ssub.s32 $0x2, s3  }
0x7: {  	s9 =	sshrl.u32 s5, $0x1;
	s10 =	sadd.s32 $0x3400, s6;
	s14 =	sshrl.u32 s6, $0x3  }
0x8: {  	s11 =	sadd.s32 $0x4E00, s6;
	s12 =	sadd.s32 $0x6800, s6;
	s17 =	sadd.s32 s8, s14  }
0x9: {  	s16 =	sshrl.u32 s10, $0x3;
	s25 =	sadd.s32 s7, s14;
	[dreg:$0x5] =	wrdreg s17  }
0xa: {  	s18 =	sshrl.u32 s12, $0x3;
	s22 =	sadd.s32 s8, s16;
	[dreg:$0xb] =	wrdreg s25  }
0xb: {  	s5 =	ssub.s32 s5, s9;
	s24 =	sadd.s32 s8, s18;
	[dreg:$0x7] =	wrdreg s22  }
0xc: {  	s23 =	sshrl.u32 s11, $0x3;
	s30 =	sadd.s32 s7, s16;
	[dreg:$0x9] =	wrdreg s24  }
0xd: {  	s9 =	sadd.s32 $0x1A00, s6;
	s31 =	sadd.s32 s7, s23;
	[dreg:$0xd] =	wrdreg s30  }
0xe: {  	s15 =	sshrl.u32 s9, $0x3;
	s14 =	sadd.s32 s7, s18;
	[dreg:$0xe] =	wrdreg s31  }
0xf: {  	s13 =	sadd.s32 $0x8200, s6;
	s21 =	sadd.s32 s8, s15;
	[dreg:$0xf] =	wrdreg s14  }
0x10: {  	s19 =	sshrl.u32 s13, $0x3;
	s26 =	sadd.s32 s7, s15;
	[dreg:$0x6] =	wrdreg s21  }
0x11: {  	s16 =	smul.u32 $0xA28, s4;
	s7 =	sadd.s32 s7, s19;
	[dreg:$0xc] =	wrdreg s26  }
0x12: {  	s21 =	sadd.s32 s8, s23;
	[dreg:$0x10] =	wrdreg s7  }
0x13: {  	s8 =	sadd.s32 s8, s19;
	s7 =	sadd.s32 s16, s2;
	[dreg:$0x8] =	wrdreg s21  }
0x14: {  	s15 =	smul.u32 $0x1380, s4;
	[dreg:$0xa] =	wrdreg s8;
	s18 =	sadd.s32 $0x34000, s7  }
0x15: {  	s19 =	sadd.s32 $0x29C00, s7;
	_ =	strace $0x80000047;
	[dreg:$0x18] =	wrdreg s18  }
0x16: {  	s21 =	sadd.s32 s15, s1;
	[dreg:$0x19] =	wrdreg s19  }
0x17: {  	s22 =	sadd.s32 $0x3EC00, s2;
	[dreg:$0x1a] =	wrdreg s21  }
0x18: {  	s23 =	sadd.s32 $0x3E400, s2;
	[dreg:$0x1c] =	wrdreg s22  }
0x19: {  	s24 =	sadd.s32 $0x3E800, s2;
	[dreg:$0x1d] =	wrdreg s23  }
0x1a: {  	p0 =	sne.s32 s4, $0x0;
	s25 =	sadd.s32 $0x54E00, s2;
	[dreg:$0x1e] =	wrdreg s24  }
0x1b: {  	p2 =	seq.s32 s4, $0x0;
	s26 =	sadd.s32 $0x68800, s2;
	[dreg:$0x1f] =	wrdreg s25  }
0x1c: {  	s28 =	sadd.s32 $0x16200, s2;
	s30 =	smax.u32 s5, $0x1;
	[smem:$0x7F9] =	sst s26  }
0x1d: {  	s29 =	sadd.s32 $0x2800, s2;
	s31 =	sadd.s32 $0x13800, s1;
	[smem:$0x7FB] =	sst s30  }
0x1e: {  	p1 =	sne.s32 s3, $0x0;
	s6 =	sadd.s32 s6, s0;
	[smem:$0x7FC] =	sst s31  }
0x1f: {  	p3 =	sne.s32 @!p1 s4, $0x0;
	s9 =	sadd.s32 s9, s0;
	[dreg:$0x11] =	wrdreg s6  }
0x20: {  	s10 =	sadd.s32 s10, s0;
	s11 =	sadd.s32 s11, s0;
	[dreg:$0x12] =	wrdreg s9  }
0x21: {  	s12 =	sadd.s32 s12, s0;
	s4 =	smul.u32 $0x4E00, s4;
	[dreg:$0x13] =	wrdreg s10  }
0x22: {  	s13 =	sadd.s32 s13, s0;
	p3 =	por p3, p1;
	[dreg:$0x14] =	wrdreg s11  }
0x23: {  	s17 =	sshrl.u32 s15, $0x3;
	s4 =	sshrl.u32 s4, $0x2;
	[dreg:$0x15] =	wrdreg s12  }
.Ltmp0:
0x24: {  	s7 =	sadd.s32 $0x9C000, s0;
	[dreg:$0x16] =	wrdreg s13;
	(pc) =	sbr.rel .LBB2_1-.Ltmp0, $4  }
0x25: {  	s8 =	simm.s32 $0x109A0;
	s4 =	sadd.s32 s4, s1;
	[smem:$0x7FD] =	sst s7  }
0x26: {  	s3 =	sadd.s32 s17, s2;
	s2 =	sadd.s32 $0x41500, s2;
	[dreg:$0x17] =	wrdreg s4  }
0x27: {  	s15 =	simm.s32 $0xA;
	s3 =	sadd.s32 $0x3EE00, s3;
	[smem:$0x7FA] =	sst s2  }
0x28: {  	s19 =	simm.s32 $0x64;
	[dreg:$0x1b] =	wrdreg s3;
	s3 =	simm.s32 $0x0  }
.LBB2_9:
0x29: {  	s2 =	simm.s32 $0x5070;
	s3 =	simm.s32 $0xD480;
	s13 =	simm.s32 $0x8  }
0x2a: {  	[tilespmem:s3], [sflag:$0x3] =	stream.indirect.gather [hbm4b:s29+s19], $0x40, s2, s19, $0xb8;
	[tilespmem:$0x1E6E8] =	vst v63  }
0x2b: {  	_ =	swait.ge [sflag:s13], $0x1900  }
0x2c: {  	[sflag:s13] =	ssyncset.done $0x0  }
0x2d: {  	s4 =	simm.s32 $0x2;
	[sflag:s13] =	ssyncadd.s32 $0xFFFFE700  }
0x2e: {  	_ =	swait.ge [sflag:s4], $0x1900  }
0x2f: {  	[sflag:s4] =	ssyncset.done $0x0  }
0x30: {  	s14 =	simm.s32 $0xA148;
	[sflag:s4] =	ssyncadd.s32 $0xFFFFE700  }
0x31: {  	[spmem:s0] =	stream.indirect.scatter.add.f32 [tilespmem:s6], [sflag:$0x6], $0x40, s14, s19, $0xb8;
	[tilespmem:$0x1E6E8] =	vst v63  }
0x32: {  	s15 =	simm.s32 $0x50D8;
	s5 =	simm.s32 $0xED80;
	s16 =	simm.s32 $0x5  }
0x33: {  	[tilespmem:s5], [sflag:$0x4] =	stream.indirect.gather [hbm4b:s29+s19], $0x40, s15, s19, $0xb8;
	[tilespmem:$0x1E6E8] =	vst v63  }
0x34: {  	_ =	swait.ge [sflag:s16], $0x1900  }
0x35: {  	[sflag:s16] =	ssyncset.done $0x0  }
0x36: {  	s17 =	simm.s32 $0x3;
	[sflag:s16] =	ssyncadd.s32 $0xFFFFE700  }
0x37: {  	_ =	swait.ge [sflag:s17], $0x1900  }
0x38: {  	[sflag:s17] =	ssyncset.done $0x0  }
0x39: {  	s18 =	simm.s32 $0xA1B0;
	s20 =	simm.s32 $0x6;
	[sflag:s17] =	ssyncadd.s32 $0xFFFFE700  }
0x3a: {  	[spmem:s0] =	stream.indirect.scatter.add.f32 [tilespmem:s3], [sflag:$0x7], $0x40, s18, s19, $0xb8;
	[tilespmem:$0x1E6E8] =	vst v63  }
0x3b: {  	_ =	swait.ge [sflag:s20], $0x1900  }
0x3c: {  	[sflag:s20] =	ssyncset.done $0x0  }
0x3d: {  	s21 =	simm.s32 $0x4;
	[sflag:s20] =	ssyncadd.s32 $0xFFFFE700  }
0x3e: {  	_ =	swait.ge [sflag:s21], $0x1900  }
0x3f: {  	[sflag:s21] =	ssyncset.done $0x0  }
0x40: {  	s22 =	simm.s32 $0xA218;
	[sflag:s21] =	ssyncadd.s32 $0xFFFFE700  }
0x41: {  	[spmem:s0] =	stream.indirect.scatter.add.f32 [tilespmem:s5], [sflag:$0x8], $0x40, s22, s19, $0xb8;
	[tilespmem:$0x1E6E8] =	vst v63  }
0x42: {  	_ =	swait.ge [sflag:s7], $0x1900  }
0x43: {  	[sflag:s7] =	ssyncset.done $0x0  }
0x44: {  	[sflag:s7] =	ssyncadd.s32 $0xFFFFE700  }
0x45: {  	_ =	swait.ge [sflag:s13], $0x1900  }
0x46: {  	[sflag:s13] =	ssyncset.done $0x0  }
0x47: {  	[sflag:s13] =	ssyncadd.s32 $0xFFFFE700  }
0x48: {  	[bflag:$0x0] =	sbarrier.arrive $0xFFFF  }
0x49: {  	s8 =	simm.s32 $0x109A0;
	s15 =	simm.s32 $0xA;
	s6 =	rddreg [dreg:$0x11]  }
0x4a: {  	[tilespmem:s8], [sflag:$0xA] =	stream.linear.gather [spmem:s6], $0x1A00, $0x38;
	[tilespmem:$0x1E6E8] =	vst v63  }
0x4b: {  	_ =	swait.ge [sflag:s15], $0x1A00  }
0x4c: {  	[sflag:s15] =	ssyncset.done $0x0  }
0x4d: {  	s20 =	simm.s32 $0x0;
	s23 =	rddreg [dreg:$0x5];
	[sflag:s15] =	ssyncadd.s32 $0xFFFFE600  }
0x4e: {  	[hbm4b:s23+s20] =	stream.linear.scatter [tilespmem:s8], [sflag:$0xA], $0x1A00, $0x38;
	[tilespmem:$0x1E6E8] =	vst v63  }
0x4f: {  	_ =	swait.ge [sflag:s15], $0x1A00  }
0x50: {  	[sflag:s15] =	ssyncset.done $0x0  }
0x51: {  	s9 =	rddreg [dreg:$0x12];
	[sflag:s15] =	ssyncadd.s32 $0xFFFFE600  }
0x52: {  	[tilespmem:s8], [sflag:$0xA] =	stream.linear.gather [spmem:s9], $0x1A00, $0x38;
	[tilespmem:$0x1E6E8] =	vst v63  }
0x53: {  	_ =	swait.ge [sflag:s15], $0x1A00  }
0x54: {  	[sflag:s15] =	ssyncset.done $0x0  }
0x55: {  	s24 =	rddreg [dreg:$0x6];
	[sflag:s15] =	ssyncadd.s32 $0xFFFFE600  }
0x56: {  	[hbm4b:s24+s20] =	stream.linear.scatter [tilespmem:s8], [sflag:$0xA], $0x1A00, $0x38;
	[tilespmem:$0x1E6E8] =	vst v63  }
0x57: {  	_ =	swait.ge [sflag:s15], $0x1A00  }
0x58: {  	[sflag:s15] =	ssyncset.done $0x0  }
0x59: {  	s10 =	rddreg [dreg:$0x13];
	[sflag:s15] =	ssyncadd.s32 $0xFFFFE600  }
0x5a: {  	[tilespmem:s8], [sflag:$0xA] =	stream.linear.gather [spmem:s10], $0x1A00, $0x38;
	[tilespmem:$0x1E6E8] =	vst v63  }
0x5b: {  	_ =	swait.ge [sflag:s15], $0x1A00  }
0x5c: {  	[sflag:s15] =	ssyncset.done $0x0  }
0x5d: {  	s25 =	rddreg [dreg:$0x7];
	[sflag:s15] =	ssyncadd.s32 $0xFFFFE600  }
0x5e: {  	[hbm4b:s25+s20] =	stream.linear.scatter [tilespmem:s8], [sflag:$0xA], $0x1A00, $0x38;
	[tilespmem:$0x1E6E8] =	vst v63  }
0x5f: {  	_ =	swait.ge [sflag:s15], $0x1A00  }
0x60: {  	[sflag:s15] =	ssyncset.done $0x0  }
0x61: {  	s11 =	rddreg [dreg:$0x14];
	[sflag:s15] =	ssyncadd.s32 $0xFFFFE600  }
0x62: {  	[tilespmem:s8], [sflag:$0xA] =	stream.linear.gather [spmem:s11], $0x1A00, $0x38;
	[tilespmem:$0x1E6E8] =	vst v63  }
0x63: {  	_ =	swait.ge [sflag:s15], $0x1A00  }
0x64: {  	[sflag:s15] =	ssyncset.done $0x0  }
0x65: {  	s26 =	rddreg [dreg:$0x8];
	[sflag:s15] =	ssyncadd.s32 $0xFFFFE600  }
0x66: {  	[hbm4b:s26+s20] =	stream.linear.scatter [tilespmem:s8], [sflag:$0xA], $0x1A00, $0x38;
	[tilespmem:$0x1E6E8] =	vst v63  }
0x67: {  	_ =	swait.ge [sflag:s15], $0x1A00  }
0x68: {  	[sflag:s15] =	ssyncset.done $0x0  }
0x69: {  	s12 =	rddreg [dreg:$0x15];
	[sflag:s15] =	ssyncadd.s32 $0xFFFFE600  }
0x6a: {  	[tilespmem:s8], [sflag:$0xA] =	stream.linear.gather [spmem:s12], $0x1A00, $0x38;
	[tilespmem:$0x1E6E8] =	vst v63  }
0x6b: {  	_ =	swait.ge [sflag:s15], $0x1A00  }
0x6c: {  	[sflag:s15] =	ssyncset.done $0x0  }
0x6d: {  	s30 =	rddreg [dreg:$0x9];
	[sflag:s15] =	ssyncadd.s32 $0xFFFFE600  }
0x6e: {  	[hbm4b:s30+s20] =	stream.linear.scatter [tilespmem:s8], [sflag:$0xA], $0x1A00, $0x38;
	[tilespmem:$0x1E6E8] =	vst v63  }
0x6f: {  	_ =	swait.ge [sflag:s15], $0x1A00  }
0x70: {  	[sflag:s15] =	ssyncset.done $0x0  }
0x71: {  	s13 =	rddreg [dreg:$0x16];
	[sflag:s15] =	ssyncadd.s32 $0xFFFFE600  }
0x72: {  	[tilespmem:s8], [sflag:$0xA] =	stream.linear.gather [spmem:s13], $0x1A00, $0x38;
	[tilespmem:$0x1E6E8] =	vst v63  }
0x73: {  	_ =	swait.ge [sflag:s15], $0x1A00  }
0x74: {  	[sflag:s15] =	ssyncset.done $0x0  }
0x75: {  	s31 =	rddreg [dreg:$0xa];
	[sflag:s15] =	ssyncadd.s32 $0xFFFFE600  }
0x76: {  	[hbm4b:s31+s20] =	stream.linear.scatter [tilespmem:s8], [sflag:$0xA], $0x1A00, $0x38;
	[tilespmem:$0x1E6E8] =	vst v63  }
0x77: {  	_ =	swait.ge [sflag:s15], $0x1A00  }
0x78: {  	s7 =	sld [smem:$0x7FD]  }
0x79: {  	[sflag:s15] =	ssyncset.done $0x0  }
0x7a: {  	s2 =	simm.s32 @p2 $0x109A0;
	s3 =	simm.s32 @p2 $0xA;
	[sflag:s15] =	ssyncadd.s32 $0xFFFFE600  }
0x7b: {  	[tilespmem:s2], [sflag:$0xA] =	stream.linear.gather @p2 [spmem:s7], $0x400, $0x38;
	[tilespmem:$0x1E6E8] =	vst v63  }
0x7c: {  	_ =	swait.ge @p2 [sflag:s3], $0x400  }
0x7d: {  	[sflag:s3] =	ssyncset.done @p2 $0x0  }
0x7e: {  	s4 =	simm.s32 @p2 $0x0;
	s5 =	rddreg [dreg:$0x1f];
	[sflag:s3] =	ssyncadd.s32 @p2 $0xFFFFFC00  }
0x7f: {  	[hbm4b:s5+s4] =	stream.linear.scatter @p2 [tilespmem:s2], [sflag:$0xA], $0x400, $0x38;
	[tilespmem:$0x1E6E8] =	vst v63  }
0x80: {  	_ =	swait.ge @p2 [sflag:s3], $0x400  }
0x81: {  	[sflag:s3] =	ssyncset.done @p2 $0x0  }
0x82: {  	[sflag:s3] =	ssyncadd.s32 @p2 $0xFFFFFC00;
	s3 =	sld [smem:$0x7F8]  }
.LBB2_7:
0x83: {  	s2 =	sld [smem:$0x7FB];
	_ =	sdelay $0x1  }
0x84: {  	s3 =	sadd.s32 $0x1, s3  }
0x85: {  	p4 =	sne.s32 s3, s2  }
.Ltmp1:
0x86: {  	_ = 	snop;
	(pc) =	sbr.rel @!p4 .LBB2_8-.Ltmp1, $1  }
0x87: {  	_ =	sdelay $0x3  }
.LBB2_1:
0x88: {  	[smem:$0x7F8] =	sst s3  }
0x89: {  	s2 =	rddreg [dreg:$0x1d]  }
0x8a: {  	[tilespmem:s8], [sflag:$0xA] =	stream.linear.gather [hbm4b:s2+s20], $0x1A00, $0x38;
	[tilespmem:$0x1E6E8] =	vst v63  }
0x8b: {  	_ =	swait.ge [sflag:s15], $0x1A00  }
0x8c: {  	[sflag:s15] =	ssyncset.done $0x0  }
0x8d: {  	[sflag:s15] =	ssyncadd.s32 $0xFFFFE600  }
0x8e: {  	[spmem:s6] =	stream.linear.scatter [tilespmem:s8], [sflag:$0xA], $0x1A00, $0x38;
	[tilespmem:$0x1E6E8] =	vst v63  }
0x8f: {  	_ =	swait.ge [sflag:s15], $0x1A00  }
0x90: {  	[sflag:s15] =	ssyncset.done $0x0  }
0x91: {  	[sflag:s15] =	ssyncadd.s32 $0xFFFFE600  }
0x92: {  	[spmem:s9] =	stream.linear.scatter [tilespmem:s8], [sflag:$0xA], $0x1A00, $0x38;
	[tilespmem:$0x1E6E8] =	vst v63  }
0x93: {  	_ =	swait.ge [sflag:s15], $0x1A00  }
0x94: {  	[sflag:s15] =	ssyncset.done $0x0  }
0x95: {  	[sflag:s15] =	ssyncadd.s32 $0xFFFFE600  }
0x96: {  	[spmem:s10] =	stream.linear.scatter [tilespmem:s8], [sflag:$0xA], $0x1A00, $0x38;
	[tilespmem:$0x1E6E8] =	vst v63  }
0x97: {  	_ =	swait.ge [sflag:s15], $0x1A00  }
0x98: {  	[sflag:s15] =	ssyncset.done $0x0  }
0x99: {  	[sflag:s15] =	ssyncadd.s32 $0xFFFFE600  }
0x9a: {  	[spmem:s11] =	stream.linear.scatter [tilespmem:s8], [sflag:$0xA], $0x1A00, $0x38;
	[tilespmem:$0x1E6E8] =	vst v63  }
0x9b: {  	_ =	swait.ge [sflag:s15], $0x1A00  }
0x9c: {  	[sflag:s15] =	ssyncset.done $0x0  }
0x9d: {  	[sflag:s15] =	ssyncadd.s32 $0xFFFFE600  }
0x9e: {  	[spmem:s12] =	stream.linear.scatter [tilespmem:s8], [sflag:$0xA], $0x1A00, $0x38;
	[tilespmem:$0x1E6E8] =	vst v63  }
0x9f: {  	_ =	swait.ge [sflag:s15], $0x1A00  }
0xa0: {  	[sflag:s15] =	ssyncset.done $0x0  }
0xa1: {  	[sflag:s15] =	ssyncadd.s32 $0xFFFFE600  }
0xa2: {  	[spmem:s13] =	stream.linear.scatter [tilespmem:s8], [sflag:$0xA], $0x1A00, $0x38;
	[tilespmem:$0x1E6E8] =	vst v63  }
0xa3: {  	_ =	swait.ge [sflag:s15], $0x1A00  }
0xa4: {  	[sflag:s15] =	ssyncset.done $0x0  }
0xa5: {  	s2 =	simm.s32 @!p0 $0x109A0;
	[sflag:s15] =	ssyncadd.s32 $0xFFFFE600  }
0xa6: {  	[spmem:s7] =	stream.linear.scatter @!p0 [tilespmem:s2], [sflag:$0xA], $0x400, $0x38;
	[tilespmem:$0x1E6E8] =	vst v63  }
0xa7: {  	s2 =	simm.s32 @!p0 $0xA  }
0xa8: {  	_ =	swait.ge @!p0 [sflag:s2], $0x400  }
0xa9: {  	s3 =	simm.s32 @!p1 $0x123A0;
	[sflag:s2] =	ssyncset.done @!p0 $0x0  }
0xaa: {  	s4 =	rddreg [dreg:$0x1e];
	[sflag:s2] =	ssyncadd.s32 @!p0 $0xFFFFFC00;
	s2 =	simm.s32 @!p1 $0x0  }
0xab: {  	[tilespmem:s3], [sflag:$0xA] =	stream.linear.gather @!p1 [hbm4b:s4+s2], $0x1380, $0x38;
	[tilespmem:$0x1E6E8] =	vst v63  }
0xac: {  	s4 =	simm.s32 @!p1 $0xA  }
0xad: {  	_ =	swait.ge @!p1 [sflag:s4], $0x1380  }
0xae: {  	[sflag:s4] =	ssyncset.done @!p1 $0x0  }
0xaf: {  	s5 =	rddreg [dreg:$0x17];
	[sflag:s4] =	ssyncadd.s32 @!p1 $0xFFFFEC80  }
0xb0: {  	[spmem:s5] =	stream.linear.scatter @!p1 [tilespmem:s3], [sflag:$0xA], $0x1380, $0x38;
	[tilespmem:$0x1E6E8] =	vst v63  }
0xb1: {  	_ =	swait.ge @!p1 [sflag:s4], $0x1380  }
0xb2: {  	[sflag:s4] =	ssyncset.done @!p1 $0x0  }
0xb3: {  	s3 =	simm.s32 @!p1 $0x10680;
	s5 =	rddreg [dreg:$0x1c];
	[sflag:s4] =	ssyncadd.s32 @!p1 $0xFFFFEC80  }
0xb4: {  	[tilespmem:s3], [sflag:$0xA] =	stream.linear.gather @!p1 [hbm4b:s5+s2], $0x320, $0x38;
	[tilespmem:$0x1E6E8] =	vst v63  }
0xb5: {  	_ =	swait.ge @!p1 [sflag:s4], $0x320  }
0xb6: {  	s5 =	sld [smem:$0x7FC]  }
0xb7: {  	[sflag:s4] =	ssyncset.done @!p1 $0x0  }
0xb8: {  	[sflag:s4] =	ssyncadd.s32 @!p1 $0xFFFFFCE0;
	s4 =	simm.s32 @!p3 $0x123A0  }
0xb9: {  	[spmem:s5] =	stream.linear.scatter @!p3 [tilespmem:s4], [sflag:$0xA], $0x80, $0x38;
	[tilespmem:$0x1E6E8] =	vst v63  }
0xba: {  	s4 =	simm.s32 @!p3 $0xA  }
0xbb: {  	_ =	swait.ge @!p3 [sflag:s4], $0x80  }
0xbc: {  	[sflag:s4] =	ssyncset.done @!p3 $0x0  }
0xbd: {  	s22 =	rddreg [dreg:$0x18];
	[sflag:s4] =	ssyncadd.s32 @!p3 $0xFFFFFF80  }
0xbe: {  	[tilespmem:s20], [sflag:$0xA] =	stream.linear.gather [hbm4b:s22+s20], $0x5140, $0x38;
	[tilespmem:$0x1E6E8] =	vst v63  }
0xbf: {  	_ =	swait.ge [sflag:s15], $0x5140  }
0xc0: {  	[sflag:s15] =	ssyncset.done $0x0  }
0xc1: {  	s24 =	simm.s32 $0x5140;
	s23 =	rddreg [dreg:$0x19];
	[sflag:s15] =	ssyncadd.s32 $0xFFFFAEC0  }
0xc2: {  	[tilespmem:s24], [sflag:$0xA] =	stream.linear.gather [hbm4b:s23+s20], $0x5140, $0x38;
	[tilespmem:$0x1E6E8] =	vst v63  }
0xc3: {  	_ =	swait.ge [sflag:s15], $0x5140  }
0xc4: {  	[sflag:s15] =	ssyncset.done $0x0  }
0xc5: {  	s12 =	simm.s32 @p1 $0xA280;
	[sflag:s15] =	ssyncadd.s32 $0xFFFFAEC0  }
0xc6: {  	s5 =	simm.s32 @p1 $0x0;
	s4 =	simm.s32 @p1 $0x64;
	[bflag:$0x0] =	sbarrier.arrive $0xFFFF  }
0xc7: {  	[tilespmem:s12], [sflag:$0x1] =	stream.indirect.gather @p1 [hbm4b:s29+s4], $0x40, s5, s4, $0xb8;
	[tilespmem:$0x1E6E8] =	vst v63  }
0xc8: {  	s13 =	simm.s32 @p1 $0xBB80;
	s5 =	simm.s32 @p1 $0x68  }
0xc9: {  	[tilespmem:s13], [sflag:$0x2] =	stream.indirect.gather @p1 [hbm4b:s29+s4], $0x40, s5, s4, $0xb8;
	[tilespmem:$0x1E6E8] =	vst v63  }
0xca: {  	s5 =	simm.s32 @p1 $0x1  }
0xcb: {  	_ =	swait.ge @p1 [sflag:s5], $0x1900  }
0xcc: {  	[sflag:s5] =	ssyncset.done @p1 $0x0  }
0xcd: {  	[sflag:s5] =	ssyncadd.s32 @p1 $0xFFFFE700;
	s5 =	simm.s32 @p1 $0x5140  }
0xce: {  	[spmem:s0] =	stream.indirect.scatter.add.f32 @p1 [tilespmem:s12], [sflag:$0x5], $0x40, s5, s4, $0xb8;
	[tilespmem:$0x1E6E8] =	vst v63  }
0xcf: {  	s20 =	simm.s32 @p1 $0xD480;
	s23 =	simm.s32 @p1 $0x2;
	s5 =	simm.s32 @p1 $0xD0  }
0xd0: {  	[tilespmem:s20], [sflag:$0x3] =	stream.indirect.gather @p1 [hbm4b:s29+s4], $0x40, s5, s4, $0xb8;
	[tilespmem:$0x1E6E8] =	vst v63  }
0xd1: {  	_ =	swait.ge @p1 [sflag:s23], $0x1900  }
0xd2: {  	[sflag:s23] =	ssyncset.done @p1 $0x0  }
0xd3: {  	s5 =	simm.s32 @p1 $0x51A8;
	[sflag:s23] =	ssyncadd.s32 @p1 $0xFFFFE700  }
0xd4: {  	[spmem:s0] =	stream.indirect.scatter.add.f32 @p1 [tilespmem:s13], [sflag:$0x6], $0x40, s5, s4, $0xb8;
	[tilespmem:$0x1E6E8] =	vst v63  }
0xd5: {  	s21 =	simm.s32 @p1 $0xED80;
	s30 =	simm.s32 @p1 $0x5;
	s5 =	simm.s32 @p1 $0x138  }
0xd6: {  	[tilespmem:s21], [sflag:$0x4] =	stream.indirect.gather @p1 [hbm4b:s29+s4], $0x40, s5, s4, $0xb8;
	[tilespmem:$0x1E6E8] =	vst v63  }
0xd7: {  	_ =	swait.ge @p1 [sflag:s30], $0x1900  }
0xd8: {  	[sflag:s30] =	ssyncset.done @p1 $0x0  }
0xd9: {  	s31 =	simm.s32 @p1 $0x3;
	[sflag:s30] =	ssyncadd.s32 @p1 $0xFFFFE700  }
0xda: {  	_ =	swait.ge @p1 [sflag:s31], $0x1900  }
0xdb: {  	[sflag:s31] =	ssyncset.done @p1 $0x0  }
0xdc: {  	s5 =	simm.s32 @p1 $0x5210;
	[sflag:s31] =	ssyncadd.s32 @p1 $0xFFFFE700  }
0xdd: {  	[spmem:s0] =	stream.indirect.scatter.add.f32 @p1 [tilespmem:s20], [sflag:$0x7], $0x40, s5, s4, $0xb8;
	[tilespmem:$0x1E6E8] =	vst v63  }
0xde: {  	s16 =	simm.s32 @p1 $0x6;
	s5 =	simm.s32 @p1 $0x1A0  }
0xdf: {  	[tilespmem:s12], [sflag:$0x1] =	stream.indirect.gather @p1 [hbm4b:s29+s4], $0x40, s5, s4, $0xb8;
	[tilespmem:$0x1E6E8] =	vst v63  }
0xe0: {  	_ =	swait.ge @p1 [sflag:s16], $0x1900  }
0xe1: {  	[sflag:s16] =	ssyncset.done @p1 $0x0  }
0xe2: {  	s17 =	simm.s32 @p1 $0x4;
	[sflag:s16] =	ssyncadd.s32 @p1 $0xFFFFE700  }
0xe3: {  	_ =	swait.ge @p1 [sflag:s17], $0x1900  }
0xe4: {  	[sflag:s17] =	ssyncset.done @p1 $0x0  }
0xe5: {  	s5 =	simm.s32 @p1 $0x5278;
	[sflag:s17] =	ssyncadd.s32 @p1 $0xFFFFE700  }
0xe6: {  	[spmem:s0] =	stream.indirect.scatter.add.f32 @p1 [tilespmem:s21], [sflag:$0x8], $0x40, s5, s4, $0xb8;
	[tilespmem:$0x1E6E8] =	vst v63  }
0xe7: {  	s18 =	simm.s32 @!p1 $0x64;
	s5 =	simm.s32 @!p1 $0xA280  }
0xe8: {  	[tilespmem:s5], [sflag:$0x1] =	stream.indirect.gather @!p1 [hbm4b:s28+s18], $0x40, s2, s18, $0xb8;
	[tilespmem:$0x1E6E8] =	vst v63  }
0xe9: {  	s15 =	simm.s32 @!p1 $0xBB80;
	s2 =	simm.s32 @!p1 $0x68  }
0xea: {  	[tilespmem:s15], [sflag:$0x2] =	stream.indirect.gather @!p1 [hbm4b:s28+s18], $0x40, s2, s18, $0xb8;
	[tilespmem:$0x1E6E8] =	vst v63  }
0xeb: {  	s2 =	simm.s32 @!p1 $0x1  }
0xec: {  	_ =	swait.ge @!p1 [sflag:s2], $0x1900  }
0xed: {  	[sflag:s2] =	ssyncset.done @!p1 $0x0  }
0xee: {  	[sflag:s2] =	ssyncadd.s32 @!p1 $0xFFFFE700;
	s2 =	simm.s32 @!p1 $0x5140  }
0xef: {  	[spmem:s0] =	stream.indirect.scatter.add.f32 @!p1 [tilespmem:s5], [sflag:$0x5], $0x40, s2, s18, $0xb8;
	[tilespmem:$0x1E6E8] =	vst v63  }
0xf0: {  	_ = 	snop  }
0xf1: {  	[spmem:s1] =	stream.indirect.scatter.add.f32 @!p1 [tilespmem:s3], [sflag:$0x9], $0x8, s2, s18, $0xb8;
	[tilespmem:$0x1E6E8] =	vst v63  }
0xf2: {  	s26 =	simm.s32 @!p1 $0xD480;
	s7 =	simm.s32 @!p1 $0x2;
	s2 =	simm.s32 @!p1 $0xD0  }
0xf3: {  	[tilespmem:s26], [sflag:$0x3] =	stream.indirect.gather @!p1 [hbm4b:s28+s18], $0x40, s2, s18, $0xb8;
	[tilespmem:$0x1E6E8] =	vst v63  }
0xf4: {  	_ =	swait.ge @!p1 [sflag:s7], $0x1900  }
0xf5: {  	[sflag:s7] =	ssyncset.done @!p1 $0x0  }
0xf6: {  	s2 =	simm.s32 @!p1 $0x51A8;
	[sflag:s7] =	ssyncadd.s32 @!p1 $0xFFFFE700  }
0xf7: {  	[spmem:s0] =	stream.indirect.scatter.add.f32 @!p1 [tilespmem:s15], [sflag:$0x6], $0x40, s2, s18, $0xb8;
	[tilespmem:$0x1E6E8] =	vst v63  }
0xf8: {  	_ = 	snop  }
0xf9: {  	[spmem:s1] =	stream.indirect.scatter.add.f32 @!p1 [tilespmem:s3], [sflag:$0x9], $0x8, s2, s18, $0xb8;
	[tilespmem:$0x1E6E8] =	vst v63  }
0xfa: {  	s14 =	simm.s32 @!p1 $0xED80;
	s2 =	simm.s32 @!p1 $0x138  }
0xfb: {  	[tilespmem:s14], [sflag:$0x4] =	stream.indirect.gather @!p1 [hbm4b:s28+s18], $0x40, s2, s18, $0xb8;
	[tilespmem:$0x1E6E8] =	vst v63  }
0xfc: {  	s2 =	simm.s32 @!p1 $0x5  }
0xfd: {  	_ =	swait.ge @!p1 [sflag:s2], $0x1900  }
0xfe: {  	[sflag:s2] =	ssyncset.done @!p1 $0x0  }
0xff: {  	s6 =	simm.s32 @!p1 $0x3;
	[sflag:s2] =	ssyncadd.s32 @!p1 $0xFFFFE700  }
0x100: {  	_ =	swait.ge @!p1 [sflag:s6], $0x1900  }
0x101: {  	[sflag:s6] =	ssyncset.done @!p1 $0x0  }
0x102: {  	s8 =	simm.s32 @!p1 $0x5210;
	[sflag:s6] =	ssyncadd.s32 @!p1 $0xFFFFE700  }
0x103: {  	[spmem:s0] =	stream.indirect.scatter.add.f32 @!p1 [tilespmem:s26], [sflag:$0x7], $0x40, s8, s18, $0xb8;
	[tilespmem:$0x1E6E8] =	vst v63  }
0x104: {  	_ = 	snop  }
0x105: {  	[spmem:s1] =	stream.indirect.scatter.add.f32 @!p1 [tilespmem:s3], [sflag:$0x9], $0x8, s8, s18, $0xb8;
	[tilespmem:$0x1E6E8] =	vst v63  }
0x106: {  	s9 =	simm.s32 @!p1 $0x6;
	s8 =	simm.s32 @!p1 $0x1A0  }
0x107: {  	[tilespmem:s5], [sflag:$0x1] =	stream.indirect.gather @!p1 [hbm4b:s28+s18], $0x40, s8, s18, $0xb8;
	[tilespmem:$0x1E6E8] =	vst v63  }
0x108: {  	_ =	swait.ge @!p1 [sflag:s9], $0x1900  }
0x109: {  	[sflag:s9] =	ssyncset.done @!p1 $0x0  }
0x10a: {  	s10 =	simm.s32 @!p1 $0x4;
	[sflag:s9] =	ssyncadd.s32 @!p1 $0xFFFFE700  }
0x10b: {  	_ =	swait.ge @!p1 [sflag:s10], $0x1900  }
0x10c: {  	[sflag:s10] =	ssyncset.done @!p1 $0x0  }
0x10d: {  	s8 =	simm.s32 @!p1 $0x5278;
	[sflag:s10] =	ssyncadd.s32 @!p1 $0xFFFFE700  }
0x10e: {  	[spmem:s0] =	stream.indirect.scatter.add.f32 @!p1 [tilespmem:s14], [sflag:$0x8], $0x40, s8, s18, $0xb8;
	[tilespmem:$0x1E6E8] =	vst v63  }
0x10f: {  	s24 =	smov.u32 s28  }
0x110: {  	[spmem:s1] =	stream.indirect.scatter.add.f32 @!p1 [tilespmem:s3], [sflag:$0x9], $0x8, s8, s18, $0xb8;
	[tilespmem:$0x1E6E8] =	vst v63  }
0x111: {  	s25 =	simm.s32 $0xBB80;
	s24 =	smov.u32 @p1 s29;
	s8 =	simm.s32 $0x208  }
0x112: {  	[tilespmem:s25], [sflag:$0x2] =	stream.indirect.gather [hbm4b:s24+s19], $0x40, s8, s19, $0xb8;
	[tilespmem:$0x1E6E8] =	vst v63  }
0x113: {  	[dreg:$0x4] =	wrdreg s24;
	s25 =	simm.s32 $0x7  }
0x114: {  	_ =	swait.ge [sflag:s25], $0x1900  }
0x115: {  	[sflag:s25] =	ssyncset.done $0x0  }
0x116: {  	s22 =	simm.s32 $0x1;
	[sflag:s25] =	ssyncadd.s32 $0xFFFFE700  }
0x117: {  	_ =	swait.ge [sflag:s22], $0x1900  }
0x118: {  	[sflag:s22] =	ssyncset.done $0x0  }
0x119: {  	s11 =	simm.s32 $0xA280;
	s8 =	simm.s32 $0x52E0;
	[sflag:s22] =	ssyncadd.s32 $0xFFFFE700  }
0x11a: {  	[spmem:s0] =	stream.indirect.scatter.add.f32 [tilespmem:s11], [sflag:$0x5], $0x40, s8, s19, $0xb8;
	[tilespmem:$0x1E6E8] =	vst v63  }
0x11b: {  	s25 =	simm.s32 @p1 $0x8;
	s11 =	simm.s32 @p1 $0x270  }
0x11c: {  	[tilespmem:s20], [sflag:$0x3] =	stream.indirect.gather @p1 [hbm4b:s29+s4], $0x40, s11, s4, $0xb8;
	[tilespmem:$0x1E6E8] =	vst v63  }
0x11d: {  	_ =	swait.ge @p1 [sflag:s25], $0x1900  }
0x11e: {  	[sflag:s25] =	ssyncset.done @p1 $0x0  }
0x11f: {  	[sflag:s25] =	ssyncadd.s32 @p1 $0xFFFFE700  }
0x120: {  	_ =	swait.ge @p1 [sflag:s23], $0x1900  }
0x121: {  	[sflag:s23] =	ssyncset.done @p1 $0x0  }
0x122: {  	s11 =	simm.s32 @p1 $0x5348;
	[sflag:s23] =	ssyncadd.s32 @p1 $0xFFFFE700  }
0x123: {  	[spmem:s0] =	stream.indirect.scatter.add.f32 @p1 [tilespmem:s13], [sflag:$0x6], $0x40, s11, s4, $0xb8;
	[tilespmem:$0x1E6E8] =	vst v63  }
0x124: {  	s11 =	simm.s32 @p1 $0x2D8  }
0x125: {  	[tilespmem:s21], [sflag:$0x4] =	stream.indirect.gather @p1 [hbm4b:s29+s4], $0x40, s11, s4, $0xb8;
	[tilespmem:$0x1E6E8] =	vst v63  }
0x126: {  	_ =	swait.ge @p1 [sflag:s30], $0x1900  }
0x127: {  	[sflag:s30] =	ssyncset.done @p1 $0x0  }
0x128: {  	[sflag:s30] =	ssyncadd.s32 @p1 $0xFFFFE700  }
0x129: {  	_ =	swait.ge @p1 [sflag:s31], $0x1900  }
0x12a: {  	[sflag:s31] =	ssyncset.done @p1 $0x0  }
0x12b: {  	s11 =	simm.s32 @p1 $0x53B0;
	[sflag:s31] =	ssyncadd.s32 @p1 $0xFFFFE700  }
0x12c: {  	[spmem:s0] =	stream.indirect.scatter.add.f32 @p1 [tilespmem:s20], [sflag:$0x7], $0x40, s11, s4, $0xb8;
	[tilespmem:$0x1E6E8] =	vst v63  }
0x12d: {  	s11 =	simm.s32 @p1 $0x340  }
0x12e: {  	[tilespmem:s12], [sflag:$0x1] =	stream.indirect.gather @p1 [hbm4b:s29+s4], $0x40, s11, s4, $0xb8;
	[tilespmem:$0x1E6E8] =	vst v63  }
0x12f: {  	_ =	swait.ge @p1 [sflag:s16], $0x1900  }
0x130: {  	[sflag:s16] =	ssyncset.done @p1 $0x0  }
0x131: {  	[sflag:s16] =	ssyncadd.s32 @p1 $0xFFFFE700  }
0x132: {  	_ =	swait.ge @p1 [sflag:s17], $0x1900  }
0x133: {  	[sflag:s17] =	ssyncset.done @p1 $0x0  }
0x134: {  	s11 =	simm.s32 @p1 $0x5418;
	[sflag:s17] =	ssyncadd.s32 @p1 $0xFFFFE700  }
0x135: {  	[spmem:s0] =	stream.indirect.scatter.add.f32 @p1 [tilespmem:s21], [sflag:$0x8], $0x40, s11, s4, $0xb8;
	[tilespmem:$0x1E6E8] =	vst v63  }
0x136: {  	_ = 	snop  }
0x137: {  	[spmem:s1] =	stream.indirect.scatter.add.f32 @!p1 [tilespmem:s3], [sflag:$0x9], $0x8, s8, s18, $0xb8;
	[tilespmem:$0x1E6E8] =	vst v63  }
0x138: {  	s11 =	simm.s32 @!p1 $0x8;
	s8 =	simm.s32 @!p1 $0x270  }
0x139: {  	[tilespmem:s26], [sflag:$0x3] =	stream.indirect.gather @!p1 [hbm4b:s28+s18], $0x40, s8, s18, $0xb8;
	[tilespmem:$0x1E6E8] =	vst v63  }
0x13a: {  	_ =	swait.ge @!p1 [sflag:s11], $0x1900  }
0x13b: {  	[sflag:s11] =	ssyncset.done @!p1 $0x0  }
0x13c: {  	[sflag:s11] =	ssyncadd.s32 @!p1 $0xFFFFE700  }
0x13d: {  	_ =	swait.ge @!p1 [sflag:s7], $0x1900  }
0x13e: {  	[sflag:s7] =	ssyncset.done @!p1 $0x0  }
0x13f: {  	s8 =	simm.s32 @!p1 $0x5348;
	[sflag:s7] =	ssyncadd.s32 @!p1 $0xFFFFE700  }
0x140: {  	[spmem:s0] =	stream.indirect.scatter.add.f32 @!p1 [tilespmem:s15], [sflag:$0x6], $0x40, s8, s18, $0xb8;
	[tilespmem:$0x1E6E8] =	vst v63  }
0x141: {  	_ = 	snop  }
0x142: {  	[spmem:s1] =	stream.indirect.scatter.add.f32 @!p1 [tilespmem:s3], [sflag:$0x9], $0x8, s8, s18, $0xb8;
	[tilespmem:$0x1E6E8] =	vst v63  }
0x143: {  	s8 =	simm.s32 @!p1 $0x2D8  }
0x144: {  	[tilespmem:s14], [sflag:$0x4] =	stream.indirect.gather @!p1 [hbm4b:s28+s18], $0x40, s8, s18, $0xb8;
	[tilespmem:$0x1E6E8] =	vst v63  }
0x145: {  	_ =	swait.ge @!p1 [sflag:s2], $0x1900  }
0x146: {  	[sflag:s2] =	ssyncset.done @!p1 $0x0  }
0x147: {  	[sflag:s2] =	ssyncadd.s32 @!p1 $0xFFFFE700  }
0x148: {  	_ =	swait.ge @!p1 [sflag:s6], $0x1900  }
0x149: {  	[sflag:s6] =	ssyncset.done @!p1 $0x0  }
0x14a: {  	s8 =	simm.s32 @!p1 $0x53B0;
	[sflag:s6] =	ssyncadd.s32 @!p1 $0xFFFFE700  }
0x14b: {  	[spmem:s0] =	stream.indirect.scatter.add.f32 @!p1 [tilespmem:s26], [sflag:$0x7], $0x40, s8, s18, $0xb8;
	[tilespmem:$0x1E6E8] =	vst v63  }
0x14c: {  	_ = 	snop  }
0x14d: {  	[spmem:s1] =	stream.indirect.scatter.add.f32 @!p1 [tilespmem:s3], [sflag:$0x9], $0x8, s8, s18, $0xb8;
	[tilespmem:$0x1E6E8] =	vst v63  }
0x14e: {  	s8 =	simm.s32 @!p1 $0x340  }
0x14f: {  	[tilespmem:s5], [sflag:$0x1] =	stream.indirect.gather @!p1 [hbm4b:s28+s18], $0x40, s8, s18, $0xb8;
	[tilespmem:$0x1E6E8] =	vst v63  }
0x150: {  	_ =	swait.ge @!p1 [sflag:s9], $0x1900  }
0x151: {  	[sflag:s9] =	ssyncset.done @!p1 $0x0  }
0x152: {  	[sflag:s9] =	ssyncadd.s32 @!p1 $0xFFFFE700  }
0x153: {  	_ =	swait.ge @!p1 [sflag:s10], $0x1900  }
0x154: {  	[sflag:s10] =	ssyncset.done @!p1 $0x0  }
0x155: {  	s8 =	simm.s32 @!p1 $0x5418;
	[sflag:s10] =	ssyncadd.s32 @!p1 $0xFFFFE700  }
0x156: {  	[spmem:s0] =	stream.indirect.scatter.add.f32 @!p1 [tilespmem:s14], [sflag:$0x8], $0x40, s8, s18, $0xb8;
	[tilespmem:$0x1E6E8] =	vst v63  }
0x157: {  	s24 =	simm.s32 $0x1;
	s22 =	simm.s32 $0x680  }
0x158: {  	[spmem:s1] =	stream.indirect.scatter.add.f32 @!p1 [tilespmem:s3], [sflag:$0x9], $0x8, s8, s18, $0xb8;
	[tilespmem:$0x1E6E8] =	vst v63  }
0x159: {  	s26 =	simm.s32 $0x7;
	s14 =	simm.s32 $0x64;
	s8 =	simm.s32 $0x3A8  }
.LBB2_2:
0x15a: {  	s5 =	rddreg [dreg:$0x4];
	s12 =	simm.s32 $0xBB80  }
0x15b: {  	[tilespmem:s12], [sflag:$0x2] =	stream.indirect.gather [hbm4b:s5+s14], $0x40, s8, s14, $0xb8;
	[tilespmem:$0x1E6E8] =	vst v63  }
0x15c: {  	_ =	swait.ge [sflag:s26], $0x1900  }
0x15d: {  	[sflag:s26] =	ssyncset.done $0x0  }
0x15e: {  	[sflag:s26] =	ssyncadd.s32 $0xFFFFE700  }
0x15f: {  	s13 =	smov.u32 s22;
	_ =	swait.ge [sflag:s24], $0x1900  }
0x160: {  	s21 =	simm.s32 $0xA280;
	s8 =	sshra.s32 s13, $0x2;
	[sflag:s24] =	ssyncset.done $0x0  }
0x161: {  	s20 =	sshra.s32 @p1 s13, $0x2;
	s19 =	sadd.s32 $0x52E0, s8;
	[sflag:s24] =	ssyncadd.s32 $0xFFFFE700  }
0x162: {  	[spmem:s0] =	stream.indirect.scatter.add.f32 [tilespmem:s21], [sflag:$0x5], $0x40, s19, s14, $0xb8;
	[tilespmem:$0x1E6E8] =	vst v63  }
0x163: {  	s5 =	simm.s32 @p1 $0xD480;
	s12 =	sadd.s32 @p1 $0x270, s20  }
0x164: {  	[tilespmem:s5], [sflag:$0x3] =	stream.indirect.gather @p1 [hbm4b:s29+s4], $0x40, s12, s4, $0xb8;
	[tilespmem:$0x1E6E8] =	vst v63  }
0x165: {  	_ =	swait.ge @p1 [sflag:s25], $0x1900  }
0x166: {  	[sflag:s25] =	ssyncset.done @p1 $0x0  }
0x167: {  	[sflag:s25] =	ssyncadd.s32 @p1 $0xFFFFE700  }
0x168: {  	_ =	swait.ge @p1 [sflag:s23], $0x1900  }
0x169: {  	[sflag:s23] =	ssyncset.done @p1 $0x0  }
0x16a: {  	s21 =	simm.s32 @p1 $0xBB80;
	s12 =	sadd.s32 @p1 $0x5348, s20;
	[sflag:s23] =	ssyncadd.s32 @p1 $0xFFFFE700  }
0x16b: {  	[spmem:s0] =	stream.indirect.scatter.add.f32 @p1 [tilespmem:s21], [sflag:$0x6], $0x40, s12, s4, $0xb8;
	[tilespmem:$0x1E6E8] =	vst v63  }
0x16c: {  	s15 =	simm.s32 @p1 $0xED80;
	s12 =	sadd.s32 @p1 $0x2D8, s20  }
0x16d: {  	[tilespmem:s15], [sflag:$0x4] =	stream.indirect.gather @p1 [hbm4b:s29+s4], $0x40, s12, s4, $0xb8;
	[tilespmem:$0x1E6E8] =	vst v63  }
0x16e: {  	_ =	swait.ge @p1 [sflag:s30], $0x1900  }
0x16f: {  	[sflag:s30] =	ssyncset.done @p1 $0x0  }
0x170: {  	[sflag:s30] =	ssyncadd.s32 @p1 $0xFFFFE700  }
0x171: {  	_ =	swait.ge @p1 [sflag:s31], $0x1900  }
0x172: {  	[sflag:s31] =	ssyncset.done @p1 $0x0  }
0x173: {  	s12 =	sadd.s32 @p1 $0x53B0, s20;
	[sflag:s31] =	ssyncadd.s32 @p1 $0xFFFFE700  }
0x174: {  	[spmem:s0] =	stream.indirect.scatter.add.f32 @p1 [tilespmem:s5], [sflag:$0x7], $0x40, s12, s4, $0xb8;
	[tilespmem:$0x1E6E8] =	vst v63  }
0x175: {  	s21 =	simm.s32 @p1 $0xA280;
	s12 =	sadd.s32 @p1 $0x340, s20  }
0x176: {  	[tilespmem:s21], [sflag:$0x1] =	stream.indirect.gather @p1 [hbm4b:s29+s4], $0x40, s12, s4, $0xb8;
	[tilespmem:$0x1E6E8] =	vst v63  }
0x177: {  	_ =	swait.ge @p1 [sflag:s16], $0x1900  }
0x178: {  	[sflag:s16] =	ssyncset.done @p1 $0x0  }
0x179: {  	[sflag:s16] =	ssyncadd.s32 @p1 $0xFFFFE700  }
0x17a: {  	_ =	swait.ge @p1 [sflag:s17], $0x1900  }
0x17b: {  	[sflag:s17] =	ssyncset.done @p1 $0x0  }
0x17c: {  	s12 =	sadd.s32 @p1 $0x5418, s20;
	[sflag:s17] =	ssyncadd.s32 @p1 $0xFFFFE700  }
0x17d: {  	[spmem:s0] =	stream.indirect.scatter.add.f32 @p1 [tilespmem:s15], [sflag:$0x8], $0x40, s12, s4, $0xb8;
	[tilespmem:$0x1E6E8] =	vst v63  }
0x17e: {  	s13 =	sshra.s32 @!p1 s13, $0x2  }
0x17f: {  	[spmem:s1] =	stream.indirect.scatter.add.f32 @!p1 [tilespmem:s3], [sflag:$0x9], $0x8, s19, s18, $0xb8;
	[tilespmem:$0x1E6E8] =	vst v63  }
0x180: {  	s12 =	sadd.s32 @!p1 $0x270, s13;
	s15 =	simm.s32 @!p1 $0xD480  }
0x181: {  	[tilespmem:s15], [sflag:$0x3] =	stream.indirect.gather @!p1 [hbm4b:s28+s18], $0x40, s12, s18, $0xb8;
	[tilespmem:$0x1E6E8] =	vst v63  }
0x182: {  	_ =	swait.ge @!p1 [sflag:s11], $0x1900  }
0x183: {  	[sflag:s11] =	ssyncset.done @!p1 $0x0  }
0x184: {  	[sflag:s11] =	ssyncadd.s32 @!p1 $0xFFFFE700  }
0x185: {  	_ =	swait.ge @!p1 [sflag:s7], $0x1900  }
0x186: {  	[sflag:s7] =	ssyncset.done @!p1 $0x0  }
0x187: {  	s5 =	simm.s32 @!p1 $0xBB80;
	s12 =	sadd.s32 @!p1 $0x5348, s13;
	[sflag:s7] =	ssyncadd.s32 @!p1 $0xFFFFE700  }
0x188: {  	[spmem:s0] =	stream.indirect.scatter.add.f32 @!p1 [tilespmem:s5], [sflag:$0x6], $0x40, s12, s18, $0xb8;
	[tilespmem:$0x1E6E8] =	vst v63  }
0x189: {  	_ = 	snop  }
0x18a: {  	[spmem:s1] =	stream.indirect.scatter.add.f32 @!p1 [tilespmem:s3], [sflag:$0x9], $0x8, s12, s18, $0xb8;
	[tilespmem:$0x1E6E8] =	vst v63  }
0x18b: {  	s19 =	simm.s32 @!p1 $0xED80;
	s12 =	sadd.s32 @!p1 $0x2D8, s13  }
0x18c: {  	[tilespmem:s19], [sflag:$0x4] =	stream.indirect.gather @!p1 [hbm4b:s28+s18], $0x40, s12, s18, $0xb8;
	[tilespmem:$0x1E6E8] =	vst v63  }
0x18d: {  	_ =	swait.ge @!p1 [sflag:s2], $0x1900  }
0x18e: {  	[sflag:s2] =	ssyncset.done @!p1 $0x0  }
0x18f: {  	[sflag:s2] =	ssyncadd.s32 @!p1 $0xFFFFE700  }
0x190: {  	_ =	swait.ge @!p1 [sflag:s6], $0x1900  }
0x191: {  	[sflag:s6] =	ssyncset.done @!p1 $0x0  }
0x192: {  	s12 =	sadd.s32 @!p1 $0x53B0, s13;
	[sflag:s6] =	ssyncadd.s32 @!p1 $0xFFFFE700  }
0x193: {  	[spmem:s0] =	stream.indirect.scatter.add.f32 @!p1 [tilespmem:s15], [sflag:$0x7], $0x40, s12, s18, $0xb8;
	[tilespmem:$0x1E6E8] =	vst v63  }
0x194: {  	_ = 	snop  }
0x195: {  	[spmem:s1] =	stream.indirect.scatter.add.f32 @!p1 [tilespmem:s3], [sflag:$0x9], $0x8, s12, s18, $0xb8;
	[tilespmem:$0x1E6E8] =	vst v63  }
0x196: {  	s5 =	simm.s32 @!p1 $0xA280;
	s12 =	sadd.s32 @!p1 $0x340, s13  }
0x197: {  	[tilespmem:s5], [sflag:$0x1] =	stream.indirect.gather @!p1 [hbm4b:s28+s18], $0x40, s12, s18, $0xb8;
	[tilespmem:$0x1E6E8] =	vst v63  }
0x198: {  	_ =	swait.ge @!p1 [sflag:s9], $0x1900  }
0x199: {  	[sflag:s9] =	ssyncset.done @!p1 $0x0  }
0x19a: {  	s22 =	sadd.s32 $0x680, s22;
	[sflag:s9] =	ssyncadd.s32 @!p1 $0xFFFFE700  }
0x19b: {  	p4 =	sne.s32 s22, $0x13800;
	_ =	swait.ge @!p1 [sflag:s10], $0x1900  }
.Ltmp2:
0x19c: {  	[sflag:s10] =	ssyncset.done @!p1 $0x0;
	(pc) =	sbr.rel @p4 .LBB2_2-.Ltmp2, $4  }
0x19d: {  	s12 =	sadd.s32 @!p1 $0x5418, s13;
	[sflag:s10] =	ssyncadd.s32 @!p1 $0xFFFFE700  }
0x19e: {  	[spmem:s0] =	stream.indirect.scatter.add.f32 @!p1 [tilespmem:s19], [sflag:$0x8], $0x40, s12, s18, $0xb8;
	[tilespmem:$0x1E6E8] =	vst v63  }
0x19f: {  	s8 =	sadd.s32 $0x3A8, s8  }
0x1a0: {  	[spmem:s1] =	stream.indirect.scatter.add.f32 @!p1 [tilespmem:s3], [sflag:$0x9], $0x8, s12, s18, $0xb8;
	[tilespmem:$0x1E6E8] =	vst v63  }
0x1a1: {  	s2 =	rddreg [dreg:$0x4];
	s3 =	simm.s32 $0xBB80  }
0x1a2: {  	[tilespmem:s3], [sflag:$0x2] =	stream.indirect.gather [hbm4b:s2+s14], $0x40, s8, s14, $0xb8;
	[tilespmem:$0x1E6E8] =	vst v63  }
0x1a3: {  	_ =	swait.ge [sflag:s26], $0x1900  }
0x1a4: {  	[sflag:s26] =	ssyncset.done $0x0  }
.Ltmp3:
0x1a5: {  	[sflag:s26] =	ssyncadd.s32 $0xFFFFE700;
	(pc) =	sbr.rel @p1 .LBB2_9-.Ltmp3, $4  }
0x1a6: {  	s31 =	simm.s32 $0xA280;
	_ =	swait.ge [sflag:s24], $0x1900  }
0x1a7: {  	s19 =	simm.s32 $0x64;
	s6 =	simm.s32 $0xBB80;
	[sflag:s24] =	ssyncset.done $0x0  }
0x1a8: {  	s7 =	simm.s32 $0x7;
	s2 =	simm.s32 $0xA0E0;
	[sflag:s24] =	ssyncadd.s32 $0xFFFFE700  }
0x1a9: {  	[spmem:s0] =	stream.indirect.scatter.add.f32 [tilespmem:s31], [sflag:$0x5], $0x40, s2, s14, $0xb8;
	[tilespmem:$0x1E6E8] =	vst v63  }
0x1aa: {  	s3 =	simm.s32 $0x10680  }
0x1ab: {  	[spmem:s1] =	stream.indirect.scatter.add.f32 [tilespmem:s3], [sflag:$0x9], $0x8, s2, s19, $0xb8;
	[tilespmem:$0x1E6E8] =	vst v63  }
0x1ac: {  	s17 =	simm.s32 $0x5070;
	s4 =	simm.s32 $0xD480;
	s18 =	simm.s32 $0x8  }
0x1ad: {  	[tilespmem:s4], [sflag:$0x3] =	stream.indirect.gather [hbm4b:s28+s19], $0x40, s17, s19, $0xb8;
	[tilespmem:$0x1E6E8] =	vst v63  }
0x1ae: {  	_ =	swait.ge [sflag:s18], $0x1900  }
0x1af: {  	[sflag:s18] =	ssyncset.done $0x0  }
0x1b0: {  	s5 =	simm.s32 $0x2;
	[sflag:s18] =	ssyncadd.s32 $0xFFFFE700  }
0x1b1: {  	_ =	swait.ge [sflag:s5], $0x1900  }
0x1b2: {  	[sflag:s5] =	ssyncset.done $0x0  }
0x1b3: {  	s20 =	simm.s32 $0xA148;
	[sflag:s5] =	ssyncadd.s32 $0xFFFFE700  }
0x1b4: {  	[spmem:s0] =	stream.indirect.scatter.add.f32 [tilespmem:s6], [sflag:$0x6], $0x40, s20, s19, $0xb8;
	[tilespmem:$0x1E6E8] =	vst v63  }
0x1b5: {  	_ = 	snop  }
0x1b6: {  	[spmem:s1] =	stream.indirect.scatter.add.f32 [tilespmem:s3], [sflag:$0x9], $0x8, s20, s19, $0xb8;
	[tilespmem:$0x1E6E8] =	vst v63  }
0x1b7: {  	s21 =	simm.s32 $0x50D8;
	s22 =	simm.s32 $0xED80;
	s23 =	simm.s32 $0x5  }
0x1b8: {  	[tilespmem:s22], [sflag:$0x4] =	stream.indirect.gather [hbm4b:s28+s19], $0x40, s21, s19, $0xb8;
	[tilespmem:$0x1E6E8] =	vst v63  }
0x1b9: {  	_ =	swait.ge [sflag:s23], $0x1900  }
0x1ba: {  	[sflag:s23] =	ssyncset.done $0x0  }
0x1bb: {  	s24 =	simm.s32 $0x3;
	[sflag:s23] =	ssyncadd.s32 $0xFFFFE700  }
0x1bc: {  	_ =	swait.ge [sflag:s24], $0x1900  }
0x1bd: {  	[sflag:s24] =	ssyncset.done $0x0  }
0x1be: {  	s25 =	simm.s32 $0xA1B0;
	[sflag:s24] =	ssyncadd.s32 $0xFFFFE700  }
0x1bf: {  	[spmem:s0] =	stream.indirect.scatter.add.f32 [tilespmem:s4], [sflag:$0x7], $0x40, s25, s19, $0xb8;
	[tilespmem:$0x1E6E8] =	vst v63  }
0x1c0: {  	s26 =	simm.s32 $0x6  }
0x1c1: {  	[spmem:s1] =	stream.indirect.scatter.add.f32 [tilespmem:s3], [sflag:$0x9], $0x8, s25, s19, $0xb8;
	[tilespmem:$0x1E6E8] =	vst v63  }
0x1c2: {  	_ =	swait.ge [sflag:s26], $0x1900  }
0x1c3: {  	[sflag:s26] =	ssyncset.done $0x0  }
0x1c4: {  	s30 =	simm.s32 $0x4;
	[sflag:s26] =	ssyncadd.s32 $0xFFFFE700  }
0x1c5: {  	_ =	swait.ge [sflag:s30], $0x1900  }
0x1c6: {  	[sflag:s30] =	ssyncset.done $0x0  }
0x1c7: {  	s31 =	simm.s32 $0xA218;
	[sflag:s30] =	ssyncadd.s32 $0xFFFFE700  }
0x1c8: {  	[spmem:s0] =	stream.indirect.scatter.add.f32 [tilespmem:s22], [sflag:$0x8], $0x40, s31, s19, $0xb8;
	[tilespmem:$0x1E6E8] =	vst v63  }
0x1c9: {  	_ = 	snop  }
0x1ca: {  	[spmem:s1] =	stream.indirect.scatter.add.f32 [tilespmem:s3], [sflag:$0x9], $0x8, s31, s19, $0xb8;
	[tilespmem:$0x1E6E8] =	vst v63  }
0x1cb: {  	_ =	swait.ge [sflag:s7], $0x1900  }
0x1cc: {  	[sflag:s7] =	ssyncset.done $0x0  }
0x1cd: {  	[sflag:s7] =	ssyncadd.s32 $0xFFFFE700  }
0x1ce: {  	_ =	swait.ge [sflag:s18], $0x1900  }
0x1cf: {  	[sflag:s18] =	ssyncset.done $0x0  }
0x1d0: {  	s3 =	simm.s32 $0x9;
	[sflag:s18] =	ssyncadd.s32 $0xFFFFE700  }
0x1d1: {  	_ =	swait.ge [sflag:s3], $0x320  }
0x1d2: {  	s6 =	rddreg [dreg:$0x11]  }
0x1d3: {  	s9 =	rddreg [dreg:$0x12]  }
0x1d4: {  	s10 =	rddreg [dreg:$0x13]  }
0x1d5: {  	s11 =	rddreg [dreg:$0x14]  }
0x1d6: {  	s8 =	simm.s32 $0x109A0;
	s12 =	rddreg [dreg:$0x15]  }
0x1d7: {  	s15 =	simm.s32 $0xA;
	s2 =	simm.s32 $0xC7;
	s13 =	rddreg [dreg:$0x16]  }
0x1d8: {  	s20 =	simm.s32 $0x0;
	[sflag:s3] =	ssyncset.done $0x0;
	s7 =	sld [smem:$0x7FD]  }
.LBB2_5:
0x1d9: {  	p4 =	seq.s32 s2, $0x1;
	s2 =	sadd.s32 $0xFFFFFFFF, s2;
	[sflag:s3] =	ssyncadd.s32 $0xFFFFFCE0  }
.Ltmp4:
0x1da: {  	(pc) =	sbr.rel @!p4 .LBB2_5-.Ltmp4, $3  }
0x1db: {  	_ =	sdelay $0x1  }
0x1dc: {  	_ =	swait.ge [sflag:s3], $0x320  }
0x1dd: {  	[sflag:s3] =	ssyncset.done $0x0  }
0x1de: {  	[sflag:s3] =	ssyncadd.s32 $0xFFFFFCE0  }
0x1df: {  	[bflag:$0x0] =	sbarrier.arrive $0xFFFF  }
0x1e0: {  	[tilespmem:s8], [sflag:$0xA] =	stream.linear.gather [spmem:s6], $0x1A00, $0x38;
	[tilespmem:$0x1E6E8] =	vst v63  }
0x1e1: {  	_ =	swait.ge [sflag:s15], $0x1A00  }
0x1e2: {  	[sflag:s15] =	ssyncset.done $0x0  }
0x1e3: {  	s2 =	rddreg [dreg:$0xb];
	[sflag:s15] =	ssyncadd.s32 $0xFFFFE600  }
0x1e4: {  	[hbm4b:s2+s20] =	stream.linear.scatter [tilespmem:s8], [sflag:$0xA], $0x1A00, $0x38;
	[tilespmem:$0x1E6E8] =	vst v63  }
0x1e5: {  	_ =	swait.ge [sflag:s15], $0x1A00  }
0x1e6: {  	[sflag:s15] =	ssyncset.done $0x0  }
0x1e7: {  	[sflag:s15] =	ssyncadd.s32 $0xFFFFE600  }
0x1e8: {  	[tilespmem:s8], [sflag:$0xA] =	stream.linear.gather [spmem:s9], $0x1A00, $0x38;
	[tilespmem:$0x1E6E8] =	vst v63  }
0x1e9: {  	_ =	swait.ge [sflag:s15], $0x1A00  }
0x1ea: {  	[sflag:s15] =	ssyncset.done $0x0  }
0x1eb: {  	s21 =	rddreg [dreg:$0xc];
	[sflag:s15] =	ssyncadd.s32 $0xFFFFE600  }
0x1ec: {  	[hbm4b:s21+s20] =	stream.linear.scatter [tilespmem:s8], [sflag:$0xA], $0x1A00, $0x38;
	[tilespmem:$0x1E6E8] =	vst v63  }
0x1ed: {  	_ =	swait.ge [sflag:s15], $0x1A00  }
0x1ee: {  	[sflag:s15] =	ssyncset.done $0x0  }
0x1ef: {  	[sflag:s15] =	ssyncadd.s32 $0xFFFFE600  }
0x1f0: {  	[tilespmem:s8], [sflag:$0xA] =	stream.linear.gather [spmem:s10], $0x1A00, $0x38;
	[tilespmem:$0x1E6E8] =	vst v63  }
0x1f1: {  	_ =	swait.ge [sflag:s15], $0x1A00  }
0x1f2: {  	[sflag:s15] =	ssyncset.done $0x0  }
0x1f3: {  	s22 =	rddreg [dreg:$0xd];
	[sflag:s15] =	ssyncadd.s32 $0xFFFFE600  }
0x1f4: {  	[hbm4b:s22+s20] =	stream.linear.scatter [tilespmem:s8], [sflag:$0xA], $0x1A00, $0x38;
	[tilespmem:$0x1E6E8] =	vst v63  }
0x1f5: {  	_ =	swait.ge [sflag:s15], $0x1A00  }
0x1f6: {  	[sflag:s15] =	ssyncset.done $0x0  }
0x1f7: {  	[sflag:s15] =	ssyncadd.s32 $0xFFFFE600  }
0x1f8: {  	[tilespmem:s8], [sflag:$0xA] =	stream.linear.gather [spmem:s11], $0x1A00, $0x38;
	[tilespmem:$0x1E6E8] =	vst v63  }
0x1f9: {  	_ =	swait.ge [sflag:s15], $0x1A00  }
0x1fa: {  	[sflag:s15] =	ssyncset.done $0x0  }
0x1fb: {  	s23 =	rddreg [dreg:$0xe];
	[sflag:s15] =	ssyncadd.s32 $0xFFFFE600  }
0x1fc: {  	[hbm4b:s23+s20] =	stream.linear.scatter [tilespmem:s8], [sflag:$0xA], $0x1A00, $0x38;
	[tilespmem:$0x1E6E8] =	vst v63  }
0x1fd: {  	_ =	swait.ge [sflag:s15], $0x1A00  }
0x1fe: {  	[sflag:s15] =	ssyncset.done $0x0  }
0x1ff: {  	[sflag:s15] =	ssyncadd.s32 $0xFFFFE600  }
0x200: {  	[tilespmem:s8], [sflag:$0xA] =	stream.linear.gather [spmem:s12], $0x1A00, $0x38;
	[tilespmem:$0x1E6E8] =	vst v63  }
0x201: {  	_ =	swait.ge [sflag:s15], $0x1A00  }
0x202: {  	[sflag:s15] =	ssyncset.done $0x0  }
0x203: {  	s24 =	rddreg [dreg:$0xf];
	[sflag:s15] =	ssyncadd.s32 $0xFFFFE600  }
0x204: {  	[hbm4b:s24+s20] =	stream.linear.scatter [tilespmem:s8], [sflag:$0xA], $0x1A00, $0x38;
	[tilespmem:$0x1E6E8] =	vst v63  }
0x205: {  	_ =	swait.ge [sflag:s15], $0x1A00  }
0x206: {  	[sflag:s15] =	ssyncset.done $0x0  }
0x207: {  	[sflag:s15] =	ssyncadd.s32 $0xFFFFE600  }
0x208: {  	[tilespmem:s8], [sflag:$0xA] =	stream.linear.gather [spmem:s13], $0x1A00, $0x38;
	[tilespmem:$0x1E6E8] =	vst v63  }
0x209: {  	_ =	swait.ge [sflag:s15], $0x1A00  }
0x20a: {  	[sflag:s15] =	ssyncset.done $0x0  }
0x20b: {  	s25 =	rddreg [dreg:$0x10];
	[sflag:s15] =	ssyncadd.s32 $0xFFFFE600  }
0x20c: {  	[hbm4b:s25+s20] =	stream.linear.scatter [tilespmem:s8], [sflag:$0xA], $0x1A00, $0x38;
	[tilespmem:$0x1E6E8] =	vst v63  }
0x20d: {  	_ =	swait.ge [sflag:s15], $0x1A00  }
0x20e: {  	[sflag:s15] =	ssyncset.done $0x0  }
0x20f: {  	s3 =	simm.s32 @!p0 $0xA;
	s2 =	simm.s32 @!p0 $0x109A0;
	[sflag:s15] =	ssyncadd.s32 $0xFFFFE600  }
0x210: {  	[tilespmem:s2], [sflag:$0xA] =	stream.linear.gather @!p0 [spmem:s7], $0x400, $0x38;
	[tilespmem:$0x1E6E8] =	vst v63  }
0x211: {  	_ =	swait.ge @!p0 [sflag:s3], $0x400  }
0x212: {  	s5 =	sld [smem:$0x7F9]  }
0x213: {  	[sflag:s3] =	ssyncset.done @!p0 $0x0  }
0x214: {  	s4 =	simm.s32 @!p0 $0x0;
	[sflag:s3] =	ssyncadd.s32 @!p0 $0xFFFFFC00  }
0x215: {  	[hbm4b:s5+s4] =	stream.linear.scatter @!p0 [tilespmem:s2], [sflag:$0xA], $0x400, $0x38;
	[tilespmem:$0x1E6E8] =	vst v63  }
0x216: {  	_ =	swait.ge @!p0 [sflag:s3], $0x400  }
0x217: {  	[sflag:s3] =	ssyncset.done @!p0 $0x0  }
0x218: {  	s30 =	simm.s32 $0x123A0;
	s26 =	rddreg [dreg:$0x1a];
	[sflag:s3] =	ssyncadd.s32 @!p0 $0xFFFFFC00  }
0x219: {  	[tilespmem:s30], [sflag:$0xA] =	stream.linear.gather [spmem:s26], $0x1380, $0x38;
	[tilespmem:$0x1E6E8] =	vst v63  }
0x21a: {  	_ =	swait.ge [sflag:s15], $0x1380  }
0x21b: {  	[sflag:s15] =	ssyncset.done $0x0  }
0x21c: {  	s31 =	rddreg [dreg:$0x1b];
	[sflag:s15] =	ssyncadd.s32 $0xFFFFEC80  }
0x21d: {  	[hbm4b:s31+s20] =	stream.linear.scatter [tilespmem:s30], [sflag:$0xA], $0x1380, $0x38;
	[tilespmem:$0x1E6E8] =	vst v63  }
0x21e: {  	_ =	swait.ge [sflag:s15], $0x1380  }
0x21f: {  	s5 =	sld [smem:$0x7FC]  }
0x220: {  	[sflag:s15] =	ssyncset.done $0x0  }
0x221: {  	s2 =	simm.s32 @!p0 $0x123A0;
	[sflag:s15] =	ssyncadd.s32 $0xFFFFEC80  }
0x222: {  	[tilespmem:s2], [sflag:$0xA] =	stream.linear.gather @!p0 [spmem:s5], $0x80, $0x38;
	[tilespmem:$0x1E6E8] =	vst v63  }
0x223: {  	_ =	swait.ge @!p0 [sflag:s3], $0x80  }
0x224: {  	s5 =	sld [smem:$0x7FA]  }
0x225: {  	[sflag:s3] =	ssyncset.done @!p0 $0x0  }
.Ltmp5:
0x226: {  	[sflag:s3] =	ssyncadd.s32 @!p0 $0xFFFFFF80;
	(pc) =	sbr.rel .LBB2_7-.Ltmp5, $4  }
0x227: {  	[hbm4b:s5+s4] =	stream.linear.scatter @!p0 [tilespmem:s2], [sflag:$0xA], $0x80, $0x38;
	[tilespmem:$0x1E6E8] =	vst v63  }
0x228: {  	_ =	swait.ge @!p0 [sflag:s3], $0x80  }
0x229: {  	[sflag:s3] =	ssyncset.done @!p0 $0x0  }
0x22a: {  	[sflag:s3] =	ssyncadd.s32 @!p0 $0xFFFFFF80;
	s3 =	sld [smem:$0x7F8]  }
.LBB2_8:
0x22b: {  	_ =	sfence.sel $0x180000  }
0x22c: {  	[bflag:$0x0] =	sbarrier.arrive $0xFFFF  }
0x22d: {  	_ =	strace $0x90000047  }
0x22e: {  	[bflag:$0x2] =	sbarrier.arrive $0xFFFF  }
0x22f: {  	s0 =	rddreg [dreg:$0x3]  }
0x230: {  	s0 =	sadd.s32 @!p0 $0x100000, s0  }
0x231: {  	[sflag:s0] =	ssyncadd.tile.s32 @!p0 $0x1;
	_ =	shalt  }
.Lfunc_end2:
_tile_overlayer_lowered:
.L_overlay_start_2:
0x232: {  	(tag) =	ssettag $0x2  }
0x233: {  	s0 =	rddreg [dreg:$0x0];
	s2 =	stileid.u32  }
0x234: {  	s1 =	rddreg [dreg:$0x1];
	p0 =	sne.s32 s2, $0x0  }
0x235: {  	s3 =	rddreg [dreg:$0x2];
	[bflag:$0x3] =	sbarrier.arrive $0xFFFF;
	s2 =	simm.s32 @!p0 $0x1C0A  }
0x236: {  	[timem:s3], [sflag:s2] =	dma.local @!p0 [hbm:s0], s1  }
0x237: {  	s0 =	simm.s32 @!p0 $0xA  }
0x238: {  	_ =	swait.ge @!p0 [sflag:s0], s1  }
0x239: {  	s1 =	ssub.s32 @!p0 $0x0, s1;
	[sflag:s0] =	ssyncset.done @!p0 $0x0  }
0x23a: {  	[sflag:s0] =	ssyncadd.s32 @!p0 s1  }
0x23b: {  	[bflag:$0x3] =	sbarrier.arrive $0xFFFF  }
0x23c: {  	_ =	shalt  }

</sc_bundles>
